<compile_context>
chip_gen: v7x
topology: tpu7x:2x2x1
jax: 0.10.2.dev20260603
libtpu: 0.0.44.dev20260713+nightly
codegen_flags: <defaults>
</compile_context>

<pallas_src>
import functools

import jax
import jax.numpy as jnp
from jax import lax
from jax.experimental import pallas as pl
from jax.experimental.pallas import tpu as pltpu
from jax.experimental.pallas import tpu_sc as plsc

G = 128
N = 200000
L = 16
W = 256
WT = N % W
NCH = N // W + 1
TAIL = NCH - 1
GPC = W // L
GPCT = WT // L
NC = 2
NS = 16
NW = NC * NS
KMAX = (NCH + NW - 1) // NW
RB = 8

_MESH = plsc.VectorSubcoreMesh(core_axis_name="c", subcore_axis_name="s")
_PARAMS = pltpu.CompilerParams(use_tc_tiling_on_sc=True,
                               needs_layout_passes=False)


def _widx():
    return lax.axis_index("s") * NC + lax.axis_index("c")


def _splat_f(x):
    return jnp.zeros((L,), jnp.float32) + x


def _splat_i(x):
    return jnp.zeros((L,), jnp.int32) + x


@functools.partial(
    pl.kernel,
    out_type=[
        jax.ShapeDtypeStruct((N,), jnp.float32),
        jax.ShapeDtypeStruct((N,), jnp.int32),
        jax.ShapeDtypeStruct((NW * G * L,), jnp.float32),
    ],
    mesh=_MESH,
    compiler_params=_PARAMS,
    scratch_types=[
        pltpu.VMEM((G, W), jnp.float32),
        pltpu.VMEM((G, W), jnp.float32),
        pltpu.VMEM((G, WT), jnp.float32),
        pltpu.VMEM((G * L,), jnp.float32),
        pltpu.VMEM((KMAX * W,), jnp.float32),
        pltpu.VMEM((KMAX * W,), jnp.int32),
        pltpu.VMEM((W,), jnp.int32),
        pltpu.SemaphoreType.DMA,
        pltpu.SemaphoreType.DMA,
        pltpu.SemaphoreType.DMA,
    ],
)
def _k1(ov_hbm, maxov_hbm, pre_hbm, part_hbm,
        buf0, buf1, buft, racc, cmall, preall, aibuf, sem0, sem1, semo):
    w = _widx()

    def init_racc(r, _):
        racc[pl.ds(r * L, L)] = _splat_f(-1.0)
        return 0
    lax.fori_loop(0, G, init_racc, 0)

    def chunk_of(k):
        return k * NW + w

    def start(k, buf, sem):
        c = chunk_of(k)

        @pl.when(c < TAIL)
        def _():
            pltpu.make_async_copy(
                ov_hbm.at[:, pl.ds(c * W, W)], buf, sem).start()

        @pl.when(c == TAIL)
        def _():
            pltpu.make_async_copy(
                ov_hbm.at[:, pl.ds(TAIL * W, WT)], buft, sem).start()

    def body(k, buf, width, gpc):
        zero = _splat_i(0)

        def init_g(g, _):
            cmall[pl.ds(k * W + g * L, L)] = _splat_f(-1.0)
            aibuf[pl.ds(g * L, L)] = zero
            return 0
        lax.fori_loop(0, gpc, init_g, 0)

        one = _splat_i(1)

        def rb_body(rb, _):
            r0 = rb * RB
            rvec = _splat_i(r0)
            raccs = [racc[pl.ds((r0 + i) * L, L)] for i in range(RB)]

            def g_body(g2, rs):
                rs = list(rs)
                for gu in range(2):
                    g = g2 * 2 + gu
                    gl = g * L
                    cm = cmall[pl.ds(k * W + gl, L)]
                    ai = aibuf[pl.ds(gl, L)]
                    vs = [buf[r0 + i, pl.ds(gl, L)] for i in range(RB)]
                    m01 = vs[1] > vs[0]
                    v01 = jnp.maximum(vs[0], vs[1])
                    i01 = jnp.where(m01, one, zero)
                    m23 = vs[3] > vs[2]
                    v23 = jnp.maximum(vs[2], vs[3])
                    i23 = jnp.where(m23, one, zero)
                    m45 = vs[5] > vs[4]
                    v45 = jnp.maximum(vs[4], vs[5])
                    i45 = jnp.where(m45, one, zero)
                    m67 = vs[7] > vs[6]
                    v67 = jnp.maximum(vs[6], vs[7])
                    i67 = jnp.where(m67, one, zero)
                    ma = v23 > v01
                    va = jnp.maximum(v01, v23)
                    ia = jnp.where(ma, i23 + 2, i01)
                    mb = v67 > v45
                    vb = jnp.maximum(v45, v67)
                    ib = jnp.where(mb, i67 + 2, i45)
                    mt = vb > va
                    vt = jnp.maximum(va, vb)
                    it = jnp.where(mt, ib + 4, ia)
                    mm = vt > cm
                    cmall[pl.ds(k * W + gl, L)] = jnp.maximum(cm, vt)
                    aibuf[pl.ds(gl, L)] = jnp.where(mm, it + rvec, ai)
                    for i in range(RB):
                        rs[i] = jnp.maximum(rs[i], vs[i])
                return tuple(rs)

            fin = lax.fori_loop(0, gpc // 2, g_body, tuple(raccs))
            for i in range(RB):
                racc[pl.ds((r0 + i) * L, L)] = fin[i]
            return 0

        lax.fori_loop(0, G // RB, rb_body, 0)

        def pre_body(g, _):
            gl = g * L
            cm = cmall[pl.ds(k * W + gl, L)]
            ai = aibuf[pl.ds(gl, L)]
            neg = cm < 0.4
            pos = (cm > 0.5) & (cm < 0.8)
            a = jnp.where(neg, zero, _splat_i(-1))
            a = jnp.where(pos, ai + 1, a)
            preall[pl.ds(k * W + gl, L)] = a
            return 0
        lax.fori_loop(0, gpc, pre_body, 0)

    def compute(k, buf, sem):
        c = chunk_of(k)

        @pl.when(c < TAIL)
        def _():
            pltpu.make_async_copy(
                ov_hbm.at[:, pl.ds(c * W, W)], buf, sem).wait()
            body(k, buf, W, GPC)

        @pl.when(c == TAIL)
        def _():
            pltpu.make_async_copy(
                ov_hbm.at[:, pl.ds(TAIL * W, WT)], buft, sem).wait()
            body(k, buft, WT, GPCT)

    start(0, buf0, sem0)

    def outer(kk, _):
        k0 = 2 * kk
        start(k0 + 1, buf1, sem1)
        compute(k0, buf0, sem0)
        start(k0 + 2, buf0, sem0)
        compute(k0 + 1, buf1, sem1)
        return 0
    lax.fori_loop(0, KMAX // 2, outer, 0)
    compute(KMAX - 1, buf0, sem0)

    def flush(k, do):
        c = chunk_of(k)

        @pl.when(c < TAIL)
        def _():
            do(pltpu.make_async_copy(
                cmall.at[pl.ds(k * W, W)],
                maxov_hbm.at[pl.ds(c * W, W)], semo))
            do(pltpu.make_async_copy(
                preall.at[pl.ds(k * W, W)],
                pre_hbm.at[pl.ds(c * W, W)], semo))

        @pl.when(c == TAIL)
        def _():
            do(pltpu.make_async_copy(
                cmall.at[pl.ds(k * W, WT)],
                maxov_hbm.at[pl.ds(TAIL * W, WT)], semo))
            do(pltpu.make_async_copy(
                preall.at[pl.ds(k * W, WT)],
                pre_hbm.at[pl.ds(TAIL * W, WT)], semo))

    def out_start(k, _):
        flush(k, lambda cp: cp.start())
        return 0
    lax.fori_loop(0, KMAX, out_start, 0)

    def out_wait(k, _):
        flush(k, lambda cp: cp.wait())
        return 0
    lax.fori_loop(0, KMAX, out_wait, 0)

    pltpu.sync_copy(racc, part_hbm.at[pl.ds(w * G * L, G * L)])


@functools.partial(
    pl.kernel,
    out_type=jax.ShapeDtypeStruct((N,), jnp.int32),
    mesh=_MESH,
    compiler_params=_PARAMS,
    scratch_types=[
        pltpu.VMEM((4 * G * L,), jnp.float32),
        pltpu.VMEM((G * L,), jnp.float32),
        pltpu.VMEM((G * L,), jnp.float32),
        pltpu.VMEM((KMAX * W,), jnp.int32),
        pltpu.VMEM((KMAX, 8, W), jnp.float32),
        pltpu.VMEM((KMAX, 8, W), jnp.float32),
        pltpu.VMEM((8, WT), jnp.float32),
        pltpu.VMEM((8, WT), jnp.float32),
        pltpu.SMEM((G,), jnp.float32),
        pltpu.SMEM((G,), jnp.int32),
        pltpu.SemaphoreType.DMA,
        pltpu.SemaphoreType.DMA,
        pltpu.SemaphoreType.DMA,
        pltpu.SemaphoreType.DMA,
    ],
)
def _k2(ov_hbm, pre_hbm, part_hbm, asg_hbm,
        slab, mypart, gtb, preall, rowalla, rowallb, bandta, bandtb,
        gts, rows, semp, semra, semrb, semo):
    w = _widx()

    def chunk_of(k):
        return k * NW + w

    def pre_flush(k, do, src, dst):
        c = chunk_of(k)

        @pl.when(c < TAIL)
        def _():
            do(pltpu.make_async_copy(
                src.at[pl.ds(c * W, W)], dst.at[pl.ds(k * W, W)], semp))

        @pl.when(c == TAIL)
        def _():
            do(pltpu.make_async_copy(
                src.at[pl.ds(TAIL * W, WT)], dst.at[pl.ds(k * W, WT)], semp))

    def pre_start(k, _):
        pre_flush(k, lambda cp: cp.start(), pre_hbm, preall)
        return 0
    lax.fori_loop(0, KMAX, pre_start, 0)

    pltpu.sync_copy(part_hbm.at[pl.ds(w * G * L, G * L)], mypart)

    def init_gtb(r, _):
        gtb[pl.ds(r * L, L)] = _splat_f(-1.0)
        return 0
    lax.fori_loop(0, G, init_gtb, 0)

    def slab_body(wb, _):
        pltpu.sync_copy(part_hbm.at[pl.ds(wb * 4 * G * L, 4 * G * L)], slab)

        def r_body(r, _):
            vs = [slab[pl.ds((i * G + r) * L, L)] for i in range(4)]
            a = jnp.maximum(jnp.maximum(vs[0], vs[1]),
                            jnp.maximum(vs[2], vs[3]))
            gl = pl.ds(r * L, L)
            gtb[gl] = jnp.maximum(gtb[gl], a)
            return 0
        lax.fori_loop(0, G, r_body, 0)
        return 0
    lax.fori_loop(0, NW // 4, slab_body, 0)

    def fin_body(r, cnt):
        s = jnp.max(gtb[pl.ds(r * L, L)])
        gtb[pl.ds(r * L, L)] = _splat_f(s)
        gts[r] = s
        tie = jnp.max(mypart[pl.ds(r * L, L)]) == s

        @pl.when(tie)
        def _():
            rows[cnt] = r
        return jnp.where(tie, cnt + 1, cnt)
    ncand = lax.fori_loop(0, G, fin_body, jnp.int32(0))

    def pre_wait(k, _):
        pre_flush(k, lambda cp: cp.wait(), pre_hbm, preall)
        return 0
    lax.fori_loop(0, KMAX, pre_wait, 0)

    def band(k, r8, do, ra, bt, sem):
        c = chunk_of(k)

        @pl.when(c < TAIL)
        def _():
            do(pltpu.make_async_copy(
                ov_hbm.at[pl.ds(r8, 8), pl.ds(c * W, W)],
                ra.at[k], sem))

        @pl.when(c == TAIL)
        def _():
            do(pltpu.make_async_copy(
                ov_hbm.at[pl.ds(r8, 8), pl.ds(TAIL * W, WT)],
                bt, sem))

    def fire_row(b, ra, bt, sem):
        r = rows[b]
        r8 = pl.multiple_of((r // 8) * 8, 8)

        def fire(k, _):
            band(k, r8, lambda cp: cp.start(), ra, bt, sem)
            return 0
        lax.fori_loop(0, KMAX, fire, 0)

    def finish_row(b, ra, bt, sem):
        r = rows[b]
        r8 = pl.multiple_of((r // 8) * 8, 8)
        ri = r - r8
        rp1 = _splat_i(r + 1)
        gv = gtb[pl.ds(r * L, L)]

        def drain(k, _):
            band(k, r8, lambda cp: cp.wait(), ra, bt, sem)
            return 0
        lax.fori_loop(0, KMAX, drain, 0)

        def patch_k(k, _):
            c = chunk_of(k)

            def patch(gpc, src):
                def patch_g(g, _):
                    gl = g * L
                    m = src(gl) == gv
                    sl = pl.ds(k * W + gl, L)
                    preall[sl] = jnp.where(m, rp1, preall[sl])
                    return 0
                lax.fori_loop(0, gpc, patch_g, 0)

            @pl.when(c < TAIL)
            def _():
                patch(GPC, lambda gl: ra[k, ri, pl.ds(gl, L)])

            @pl.when(c == TAIL)
            def _():
                patch(GPCT, lambda gl: bt[ri, pl.ds(gl, L)])
            return 0
        lax.fori_loop(0, KMAX, patch_k, 0)

    @pl.when(ncand > 0)
    def _():
        fire_row(0, rowalla, bandta, semra)

    def pair_body(i, _):
        b0 = 2 * i
        b1 = b0 + 1

        @pl.when(b1 < ncand)
        def _():
            fire_row(b1, rowallb, bandtb, semrb)

        @pl.when(b0 < ncand)
        def _():
            finish_row(b0, rowalla, bandta, semra)

        @pl.when(b1 + 1 < ncand)
        def _():
            fire_row(b1 + 1, rowalla, bandta, semra)

        @pl.when(b1 < ncand)
        def _():
            finish_row(b1, rowallb, bandtb, semrb)
        return 0
    lax.fori_loop(0, (ncand + 1) // 2, pair_body, 0)

    def asg_flush(k, do):
        c = chunk_of(k)

        @pl.when(c < TAIL)
        def _():
            do(pltpu.make_async_copy(
                preall.at[pl.ds(k * W, W)], asg_hbm.at[pl.ds(c * W, W)],
                semo))

        @pl.when(c == TAIL)
        def _():
            do(pltpu.make_async_copy(
                preall.at[pl.ds(k * W, WT)],
                asg_hbm.at[pl.ds(TAIL * W, WT)], semo))

    def asg_start(k, _):
        asg_flush(k, lambda cp: cp.start())
        return 0
    lax.fori_loop(0, KMAX, asg_start, 0)

    def asg_wait(k, _):
        asg_flush(k, lambda cp: cp.wait())
        return 0
    lax.fori_loop(0, KMAX, asg_wait, 0)


def kernel(overlaps):
    maxov, pre, part = _k1(overlaps)
    assigned = _k2(overlaps, pre, part)
    return assigned, maxov

# --- scband reference (transcript-rebuilt; emitter-appended) ---
"""Pipeline reference for scband-anchor-head-7413113553617 (READ-ONLY COPY).

The authoritative reference and input builder live on the scoring server;
editing this copy changes nothing except your own understanding.
"""

import jax, jax.numpy as jnp
import numpy as np


def setup_inputs(seed: int = 0) -> dict:
    key = jax.random.key(seed)
    overlaps = jax.random.uniform(key, (128, 200000), dtype=jnp.float32)
    return {"overlaps": overlaps}


def reference(overlaps):
    # Faithful translation of AnchorHead.assign_wrt_overlaps with
    # pos_iou_thr=0.5, neg_iou_thr=0.4, min_pos_iou=0, gt_max_assign_all=True,
    # pos_iou_low=0.5, pos_iou_high=0.8, gt_labels=None.
    num_gts, num_bboxes = overlaps.shape
    neg_iou_thr = 0.4
    pos_iou_low = 0.5
    pos_iou_high = 0.8
    min_pos_iou = 0.0

    max_overlaps = jnp.max(overlaps, axis=0)
    argmax_overlaps = jnp.argmax(overlaps, axis=0).astype(jnp.int32)
    gt_max_overlaps = jnp.max(overlaps, axis=1)

    assigned_gt_inds = jnp.full((num_bboxes,), -1, dtype=jnp.int32)
    # negatives
    assigned_gt_inds = jnp.where(
        (max_overlaps >= 0) & (max_overlaps < neg_iou_thr),
        jnp.int32(0), assigned_gt_inds)
    # positives in (pos_iou_low, pos_iou_high)
    pos_inds = (max_overlaps < pos_iou_high) & (max_overlaps > pos_iou_low)
    assigned_gt_inds = jnp.where(pos_inds, argmax_overlaps + 1, assigned_gt_inds)

    # gt-max-assign-all loop, vectorized. In torch the loop runs i ascending
    # and later i overwrite earlier ones, so for each bbox the LARGEST
    # qualifying i+1 wins.
    mask = (overlaps == gt_max_overlaps[:, None]) & (gt_max_overlaps >= min_pos_iou)[:, None]
    gt_idx = jnp.arange(1, num_gts + 1, dtype=jnp.int32)[:, None]
    cand = jnp.where(mask, gt_idx, jnp.int32(0))
    best = jnp.max(cand, axis=0)
    assigned_gt_inds = jnp.where(best > 0, best, assigned_gt_inds)

    return assigned_gt_inds, max_overlaps

if __name__ == "__main__":
    import jax
    _d = setup_inputs()
    print(jax.jit(kernel)(*tuple(_d.values())))

</pallas_src>

<mosaic_0001>
#map = affine_map<(d0, d1) -> (0, 0)>
#map1 = affine_map<(d0, d1) -> (0)>
module attributes {stable_mosaic.version = 14 : i64} {
  func.func @_k1(%arg0: i32, %arg1: i32, %arg2: memref<128x200000xf32, #tpu.memory_space<hbm>>, %arg3: memref<200000xf32, #tpu.memory_space<hbm>>, %arg4: memref<200000xi32, #tpu.memory_space<hbm>>, %arg5: memref<65536xf32, #tpu.memory_space<hbm>>, %arg6: memref<128x256xf32, #tpu.memory_space<vmem>>, %arg7: memref<128x256xf32, #tpu.memory_space<vmem>>, %arg8: memref<128x64xf32, #tpu.memory_space<vmem>>, %arg9: memref<2048xf32, #tpu.memory_space<vmem>>, %arg10: memref<6400xf32, #tpu.memory_space<vmem>>, %arg11: memref<6400xi32, #tpu.memory_space<vmem>>, %arg12: memref<256xi32, #tpu.memory_space<vmem>>, %arg13: memref<!tpu.dma_semaphore, #tpu.memory_space<semaphore_mem>>, %arg14: memref<!tpu.dma_semaphore, #tpu.memory_space<semaphore_mem>>, %arg15: memref<!tpu.dma_semaphore, #tpu.memory_space<semaphore_mem>>) attributes {dimension_semantics = [#tpu.dimension_semantics<core_parallel>, #tpu.dimension_semantics<subcore_parallel>], iteration_bounds = array<i64: 2, 16>, scalar_prefetch = 0 : i64, scratch_operands = 10 : i64, tpu.core_type = #tpu.core_type<sc_vector_subcore>, window_params = [{transform_indices = #map}, {transform_indices = #map1}, {transform_indices = #map1}, {transform_indices = #map1}]} {
    %mul3A = arith.constant 2 : i32
    %mul3A_0 = arith.muli %arg1, %mul3A : i32
    %add3A = arith.addi %mul3A_0, %arg0 : i32
    %scan3A = arith.constant 0 : i32
    %scan3A_1 = arith.constant 0 : i32
    %scan3A_2 = arith.constant 128 : i32
    %scan3A_3 = arith.addi %scan3A_1, %scan3A_2 : i32
    %scan3A_4 = arith.constant 1 : i32
    %scan3A_5 = scf.for %scan3A_52 = %scan3A_1 to %scan3A_3 step %scan3A_4 iter_args(%scan3A_53 = %scan3A) -> (i32)  : i32 {
      %broadcast_in_dim3A = arith.constant 0.000000e+00 : f32
      %broadcast_in_dim3A_54 = vector.broadcast %broadcast_in_dim3A : f32 to vector<16xf32>
      %add3A_55 = arith.constant -1.000000e+00 : f32
      %add3A_56 = vector.broadcast %add3A_55 : f32 to vector<16xf32>
      %add3A_57 = arith.addf %broadcast_in_dim3A_54, %add3A_56 : vector<16xf32>
      %mul3A_58 = arith.constant 16 : i32
      %mul3A_59 = arith.muli %scan3A_52, %mul3A_58 : i32
      %swap3A = arith.index_cast %mul3A_59 : i32 to index
      %swap3A_60 = tpu.vector_load %arg9[%swap3A] {strides = array<i32>} : memref<2048xf32, #tpu.memory_space<vmem>>, vector<16xf32>,
      tpu.vector_store %arg9[%swap3A], %add3A_57 {strides = array<i32>} : memref<2048xf32, #tpu.memory_space<vmem>>, vector<16xf32>,
      %scan3A_61 = arith.constant 0 : i32
      scf.yield %scan3A_61 : i32
    }
    %scan3A_6 = arith.constant 128 : i32
    %add3A_7 = arith.constant 0 : i32
    %add3A_8 = arith.addi %add3A_7, %add3A : i32
    %lt3A = arith.constant 781 : i32
    %lt3A_9 = arith.cmpi slt, %add3A_8, %lt3A : i32
    %convert_element_type3A = arith.extui %lt3A_9 : i1 to i32
    %cond3A = arith.constant 0 : i32
    %cond3A_10 = arith.cmpi ne, %convert_element_type3A, %cond3A : i32
    scf.if %cond3A_10 {
      %mul3A_52 = arith.constant 256 : i32
      %mul3A_53 = arith.muli %add3A_8, %mul3A_52 : i32
      %dma_start3A = arith.constant 0 : i32
      %dma_start3A_54 = tpu.memref_slice %arg2[%dma_start3A, %mul3A_53] : memref<128x200000xf32, #tpu.memory_space<hbm>> -> memref<128x256xf32, #tpu.memory_space<hbm>>
      %dma_start3A_55 = arith.constant 0 : i32
      %dma_start3A_56 = tpu.memref_slice %arg2[%dma_start3A_55, %mul3A_53] : memref<128x200000xf32, #tpu.memory_space<hbm>> -> memref<128x256xf32, #tpu.memory_space<hbm>>
      tpu.enqueue_dma source(%dma_start3A_56 : memref<128x256xf32, #tpu.memory_space<hbm>>) target(%arg6 : memref<128x256xf32, #tpu.memory_space<vmem>>) target_semaphore(%arg13 : memref<!tpu.dma_semaphore, #tpu.memory_space<semaphore_mem>>)
    } else {
    }
    %eq3A = arith.constant 781 : i32
    %eq3A_11 = arith.cmpi eq, %add3A_8, %eq3A : i32
    %convert_element_type3A_12 = arith.extui %eq3A_11 : i1 to i32
    %cond3A_13 = arith.constant 0 : i32
    %cond3A_14 = arith.cmpi ne, %convert_element_type3A_12, %cond3A_13 : i32
    scf.if %cond3A_14 {
      %dma_start3A = arith.constant 0 : i32
      %dma_start3A_52 = arith.constant 199936 : i32
      %dma_start3A_53 = tpu.memref_slice %arg2[%dma_start3A, %dma_start3A_52] : memref<128x200000xf32, #tpu.memory_space<hbm>> -> memref<128x64xf32, #tpu.memory_space<hbm>>
      %dma_start3A_54 = arith.constant 0 : i32
      %dma_start3A_55 = arith.constant 199936 : i32
      %dma_start3A_56 = tpu.memref_slice %arg2[%dma_start3A_54, %dma_start3A_55] : memref<128x200000xf32, #tpu.memory_space<hbm>> -> memref<128x64xf32, #tpu.memory_space<hbm>>
      tpu.enqueue_dma source(%dma_start3A_56 : memref<128x64xf32, #tpu.memory_space<hbm>>) target(%arg8 : memref<128x64xf32, #tpu.memory_space<vmem>>) target_semaphore(%arg13 : memref<!tpu.dma_semaphore, #tpu.memory_space<semaphore_mem>>)
    } else {
    }
    %scan3A_15 = arith.constant 0 : i32
    %scan3A_16 = arith.constant 0 : i32
    %scan3A_17 = arith.constant 12 : i32
    %scan3A_18 = arith.addi %scan3A_16, %scan3A_17 : i32
    %scan3A_19 = arith.constant 1 : i32
    %scan3A_20 = scf.for %scan3A_52 = %scan3A_16 to %scan3A_18 step %scan3A_19 iter_args(%scan3A_53 = %scan3A_15) -> (i32)  : i32 {
      %mul3A_54 = arith.constant 2 : i32
      %mul3A_55 = arith.muli %mul3A_54, %scan3A_52 : i32
      %add3A_56 = arith.constant 1 : i32
      %add3A_57 = arith.addi %mul3A_55, %add3A_56 : i32
      %mul3A_58 = arith.constant 32 : i32
      %mul3A_59 = arith.muli %add3A_57, %mul3A_58 : i32
      %add3A_60 = arith.addi %mul3A_59, %add3A : i32
      %lt3A_61 = arith.constant 781 : i32
      %lt3A_62 = arith.cmpi slt, %add3A_60, %lt3A_61 : i32
      %convert_element_type3A_63 = arith.extui %lt3A_62 : i1 to i32
      %cond3A_64 = arith.constant 0 : i32
      %cond3A_65 = arith.cmpi ne, %convert_element_type3A_63, %cond3A_64 : i32
      scf.if %cond3A_65 {
        %mul3A_115 = arith.constant 256 : i32
        %mul3A_116 = arith.muli %add3A_60, %mul3A_115 : i32
        %dma_start3A = arith.constant 0 : i32
        %dma_start3A_117 = tpu.memref_slice %arg2[%dma_start3A, %mul3A_116] : memref<128x200000xf32, #tpu.memory_space<hbm>> -> memref<128x256xf32, #tpu.memory_space<hbm>>
        %dma_start3A_118 = arith.constant 0 : i32
        %dma_start3A_119 = tpu.memref_slice %arg2[%dma_start3A_118, %mul3A_116] : memref<128x200000xf32, #tpu.memory_space<hbm>> -> memref<128x256xf32, #tpu.memory_space<hbm>>
        tpu.enqueue_dma source(%dma_start3A_119 : memref<128x256xf32, #tpu.memory_space<hbm>>) target(%arg7 : memref<128x256xf32, #tpu.memory_space<vmem>>) target_semaphore(%arg14 : memref<!tpu.dma_semaphore, #tpu.memory_space<semaphore_mem>>)
      } else {
      }
      %eq3A_66 = arith.constant 781 : i32
      %eq3A_67 = arith.cmpi eq, %add3A_60, %eq3A_66 : i32
      %convert_element_type3A_68 = arith.extui %eq3A_67 : i1 to i32
      %cond3A_69 = arith.constant 0 : i32
      %cond3A_70 = arith.cmpi ne, %convert_element_type3A_68, %cond3A_69 : i32
      scf.if %cond3A_70 {
        %dma_start3A = arith.constant 0 : i32
        %dma_start3A_115 = arith.constant 199936 : i32
        %dma_start3A_116 = tpu.memref_slice %arg2[%dma_start3A, %dma_start3A_115] : memref<128x200000xf32, #tpu.memory_space<hbm>> -> memref<128x64xf32, #tpu.memory_space<hbm>>
        %dma_start3A_117 = arith.constant 0 : i32
        %dma_start3A_118 = arith.constant 199936 : i32
        %dma_start3A_119 = tpu.memref_slice %arg2[%dma_start3A_117, %dma_start3A_118] : memref<128x200000xf32, #tpu.memory_space<hbm>> -> memref<128x64xf32, #tpu.memory_space<hbm>>
        tpu.enqueue_dma source(%dma_start3A_119 : memref<128x64xf32, #tpu.memory_space<hbm>>) target(%arg8 : memref<128x64xf32, #tpu.memory_space<vmem>>) target_semaphore(%arg14 : memref<!tpu.dma_semaphore, #tpu.memory_space<semaphore_mem>>)
      } else {
      }
      %mul3A_71 = arith.constant 32 : i32
      %mul3A_72 = arith.muli %mul3A_55, %mul3A_71 : i32
      %add3A_73 = arith.addi %mul3A_72, %add3A : i32
      %lt3A_74 = arith.constant 781 : i32
      %lt3A_75 = arith.cmpi slt, %add3A_73, %lt3A_74 : i32
      %convert_element_type3A_76 = arith.extui %lt3A_75 : i1 to i32
      %cond3A_77 = arith.constant 0 : i32
      %cond3A_78 = arith.cmpi ne, %convert_element_type3A_76, %cond3A_77 : i32
      scf.if %cond3A_78 {
        %mul3A_115 = arith.constant 256 : i32
        %mul3A_116 = arith.muli %add3A_73, %mul3A_115 : i32
        %dma_wait3A = arith.constant 0 : i32
        %dma_wait3A_117 = tpu.memref_slice %arg2[%dma_wait3A, %mul3A_116] : memref<128x200000xf32, #tpu.memory_space<hbm>> -> memref<128x256xf32, #tpu.memory_space<hbm>>
        %dma_wait3A_118 = arith.constant 0 : i32
        %dma_wait3A_119 = tpu.memref_slice %arg2[%dma_wait3A_118, %mul3A_116] : memref<128x200000xf32, #tpu.memory_space<hbm>> -> memref<128x256xf32, #tpu.memory_space<hbm>>
        tpu.wait_dma2 semaphore(%arg13 : memref<!tpu.dma_semaphore, #tpu.memory_space<semaphore_mem>>) src(%dma_wait3A_119 : memref<128x256xf32, #tpu.memory_space<hbm>>) dst(%arg6 : memref<128x256xf32, #tpu.memory_space<vmem>>)
        %broadcast_in_dim3A = arith.constant 0 : i32
        %broadcast_in_dim3A_120 = vector.broadcast %broadcast_in_dim3A : i32 to vector<16xi32>
        %add3A_121 = arith.constant 0 : i32
        %add3A_122 = vector.broadcast %add3A_121 : i32 to vector<16xi32>
        %add3A_123 = arith.addi %broadcast_in_dim3A_120, %add3A_122 : vector<16xi32>
        %scan3A_124 = arith.constant 0 : i32
        %scan3A_125 = arith.constant 0 : i32
        %scan3A_126 = arith.constant 16 : i32
        %scan3A_127 = arith.addi %scan3A_125, %scan3A_126 : i32
        %scan3A_128 = arith.constant 1 : i32
        %scan3A_129 = scf.for %scan3A_150 = %scan3A_125 to %scan3A_127 step %scan3A_128 iter_args(%scan3A_151 = %scan3A_124) -> (i32)  : i32 {
          %broadcast_in_dim3A_152 = arith.constant 0.000000e+00 : f32
          %broadcast_in_dim3A_153 = vector.broadcast %broadcast_in_dim3A_152 : f32 to vector<16xf32>
          %add3A_154 = arith.constant -1.000000e+00 : f32
          %add3A_155 = vector.broadcast %add3A_154 : f32 to vector<16xf32>
          %add3A_156 = arith.addf %broadcast_in_dim3A_153, %add3A_155 : vector<16xf32>
          %mul3A_157 = arith.constant 256 : i32
          %mul3A_158 = arith.muli %mul3A_55, %mul3A_157 : i32
          %mul3A_159 = arith.constant 16 : i32
          %mul3A_160 = arith.muli %scan3A_150, %mul3A_159 : i32
          %add3A_161 = arith.addi %mul3A_158, %mul3A_160 : i32
          %swap3A = arith.index_cast %add3A_161 : i32 to index
          %swap3A_162 = tpu.vector_load %arg10[%swap3A] {strides = array<i32>} : memref<6400xf32, #tpu.memory_space<vmem>>, vector<16xf32>,
          tpu.vector_store %arg10[%swap3A], %add3A_156 {strides = array<i32>} : memref<6400xf32, #tpu.memory_space<vmem>>, vector<16xf32>,
          %mul3A_163 = arith.constant 16 : i32
          %mul3A_164 = arith.muli %scan3A_150, %mul3A_163 : i32
          %swap3A_165 = arith.index_cast %mul3A_164 : i32 to index
          %swap3A_166 = tpu.vector_load %arg12[%swap3A_165] {strides = array<i32>} : memref<256xi32, #tpu.memory_space<vmem>>, vector<16xi32>,
          tpu.vector_store %arg12[%swap3A_165], %add3A_123 {strides = array<i32>} : memref<256xi32, #tpu.memory_space<vmem>>, vector<16xi32>,
          %scan3A_167 = arith.constant 0 : i32
          scf.yield %scan3A_167 : i32
        }
        %scan3A_130 = arith.constant 16 : i32
        %broadcast_in_dim3A_131 = arith.constant 0 : i32
        %broadcast_in_dim3A_132 = vector.broadcast %broadcast_in_dim3A_131 : i32 to vector<16xi32>
        %add3A_133 = arith.constant 1 : i32
        %add3A_134 = vector.broadcast %add3A_133 : i32 to vector<16xi32>
        %add3A_135 = arith.addi %broadcast_in_dim3A_132, %add3A_134 : vector<16xi32>
        %scan3A_136 = arith.constant 0 : i32
        %scan3A_137 = arith.constant 0 : i32
        %scan3A_138 = arith.constant 16 : i32
        %scan3A_139 = arith.addi %scan3A_137, %scan3A_138 : i32
        %scan3A_140 = arith.constant 1 : i32
        %scan3A_141 = scf.for %scan3A_150 = %scan3A_137 to %scan3A_139 step %scan3A_140 iter_args(%scan3A_151 = %scan3A_136) -> (i32)  : i32 {
          %mul3A_152 = arith.constant 8 : i32
          %mul3A_153 = arith.muli %scan3A_150, %mul3A_152 : i32
          %broadcast_in_dim3A_154 = arith.constant 0 : i32
          %broadcast_in_dim3A_155 = vector.broadcast %broadcast_in_dim3A_154 : i32 to vector<16xi32>
          %add3A_156 = vector.broadcast %mul3A_153 : i32 to vector<16xi32>
          %add3A_157 = arith.addi %broadcast_in_dim3A_155, %add3A_156 : vector<16xi32>
          %add3A_158 = arith.constant 0 : i32
          %add3A_159 = arith.addi %mul3A_153, %add3A_158 : i32
          %mul3A_160 = arith.constant 16 : i32
          %mul3A_161 = arith.muli %add3A_159, %mul3A_160 : i32
          %get3A = arith.index_cast %mul3A_161 : i32 to index
          %get3A_162 = tpu.vector_load %arg9[%get3A] {strides = array<i32>} : memref<2048xf32, #tpu.memory_space<vmem>>, vector<16xf32>,
          %add3A_163 = arith.constant 1 : i32
          %add3A_164 = arith.addi %mul3A_153, %add3A_163 : i32
          %mul3A_165 = arith.constant 16 : i32
          %mul3A_166 = arith.muli %add3A_164, %mul3A_165 : i32
          %get3A_167 = arith.index_cast %mul3A_166 : i32 to index
          %get3A_168 = tpu.vector_load %arg9[%get3A_167] {strides = array<i32>} : memref<2048xf32, #tpu.memory_space<vmem>>, vector<16xf32>,
          %add3A_169 = arith.constant 2 : i32
          %add3A_170 = arith.addi %mul3A_153, %add3A_169 : i32
          %mul3A_171 = arith.constant 16 : i32
          %mul3A_172 = arith.muli %add3A_170, %mul3A_171 : i32
          %get3A_173 = arith.index_cast %mul3A_172 : i32 to index
          %get3A_174 = tpu.vector_load %arg9[%get3A_173] {strides = array<i32>} : memref<2048xf32, #tpu.memory_space<vmem>>, vector<16xf32>,
          %add3A_175 = arith.constant 3 : i32
          %add3A_176 = arith.addi %mul3A_153, %add3A_175 : i32
          %mul3A_177 = arith.constant 16 : i32
          %mul3A_178 = arith.muli %add3A_176, %mul3A_177 : i32
          %get3A_179 = arith.index_cast %mul3A_178 : i32 to index
          %get3A_180 = tpu.vector_load %arg9[%get3A_179] {strides = array<i32>} : memref<2048xf32, #tpu.memory_space<vmem>>, vector<16xf32>,
          %add3A_181 = arith.constant 4 : i32
          %add3A_182 = arith.addi %mul3A_153, %add3A_181 : i32
          %mul3A_183 = arith.constant 16 : i32
          %mul3A_184 = arith.muli %add3A_182, %mul3A_183 : i32
          %get3A_185 = arith.index_cast %mul3A_184 : i32 to index
          %get3A_186 = tpu.vector_load %arg9[%get3A_185] {strides = array<i32>} : memref<2048xf32, #tpu.memory_space<vmem>>, vector<16xf32>,
          %add3A_187 = arith.constant 5 : i32
          %add3A_188 = arith.addi %mul3A_153, %add3A_187 : i32
          %mul3A_189 = arith.constant 16 : i32
          %mul3A_190 = arith.muli %add3A_188, %mul3A_189 : i32
          %get3A_191 = arith.index_cast %mul3A_190 : i32 to index
          %get3A_192 = tpu.vector_load %arg9[%get3A_191] {strides = array<i32>} : memref<2048xf32, #tpu.memory_space<vmem>>, vector<16xf32>,
          %add3A_193 = arith.constant 6 : i32
          %add3A_194 = arith.addi %mul3A_153, %add3A_193 : i32
          %mul3A_195 = arith.constant 16 : i32
          %mul3A_196 = arith.muli %add3A_194, %mul3A_195 : i32
          %get3A_197 = arith.index_cast %mul3A_196 : i32 to index
          %get3A_198 = tpu.vector_load %arg9[%get3A_197] {strides = array<i32>} : memref<2048xf32, #tpu.memory_space<vmem>>, vector<16xf32>,
          %add3A_199 = arith.constant 7 : i32
          %add3A_200 = arith.addi %mul3A_153, %add3A_199 : i32
          %mul3A_201 = arith.constant 16 : i32
          %mul3A_202 = arith.muli %add3A_200, %mul3A_201 : i32
          %get3A_203 = arith.index_cast %mul3A_202 : i32 to index
          %get3A_204 = tpu.vector_load %arg9[%get3A_203] {strides = array<i32>} : memref<2048xf32, #tpu.memory_space<vmem>>, vector<16xf32>,
          %scan3A_205 = arith.constant 0 : i32
          %scan3A_206 = arith.constant 8 : i32
          %scan3A_207 = arith.addi %scan3A_205, %scan3A_206 : i32
          %scan3A_208 = arith.constant 1 : i32
          %scan3A_209:8 = scf.for %scan3A_259 = %scan3A_205 to %scan3A_207 step %scan3A_208 iter_args(%scan3A_260 = %get3A_162, %scan3A_261 = %get3A_168, %scan3A_262 = %get3A_174, %scan3A_263 = %get3A_180, %scan3A_264 = %get3A_186, %scan3A_265 = %get3A_192, %scan3A_266 = %get3A_198, %scan3A_267 = %get3A_204) -> (vector<16xf32>, vector<16xf32>, vector<16xf32>, vector<16xf32>, vector<16xf32>, vector<16xf32>, vector<16xf32>, vector<16xf32>)  : i32 {
            %mul3A_268 = arith.constant 2 : i32
            %mul3A_269 = arith.muli %scan3A_259, %mul3A_268 : i32
            %add3A_270 = arith.constant 0 : i32
            %add3A_271 = arith.addi %mul3A_269, %add3A_270 : i32
            %mul3A_272 = arith.constant 16 : i32
            %mul3A_273 = arith.muli %add3A_271, %mul3A_272 : i32
            %mul3A_274 = arith.constant 256 : i32
            %mul3A_275 = arith.muli %mul3A_55, %mul3A_274 : i32
            %add3A_276 = arith.addi %mul3A_275, %mul3A_273 : i32
            %get3A_277 = arith.index_cast %add3A_276 : i32 to index
            %get3A_278 = tpu.vector_load %arg10[%get3A_277] {strides = array<i32>} : memref<6400xf32, #tpu.memory_space<vmem>>, vector<16xf32>,
            %get3A_279 = arith.index_cast %mul3A_273 : i32 to index
            %get3A_280 = tpu.vector_load %arg12[%get3A_279] {strides = array<i32>} : memref<256xi32, #tpu.memory_space<vmem>>, vector<16xi32>,
            %add3A_281 = arith.constant 0 : i32
            %add3A_282 = arith.addi %mul3A_153, %add3A_281 : i32
            %get3A_283 = arith.index_cast %add3A_282 : i32 to index
            %get3A_284 = arith.index_cast %mul3A_273 : i32 to index
            %get3A_285 = tpu.vector_load %arg6[%get3A_283, %get3A_284] {strides = array<i32>} : memref<128x256xf32, #tpu.memory_space<vmem>>, vector<16xf32>,
            %add3A_286 = arith.constant 1 : i32
            %add3A_287 = arith.addi %mul3A_153, %add3A_286 : i32
            %get3A_288 = arith.index_cast %add3A_287 : i32 to index
            %get3A_289 = arith.index_cast %mul3A_273 : i32 to index
            %get3A_290 = tpu.vector_load %arg6[%get3A_288, %get3A_289] {strides = array<i32>} : memref<128x256xf32, #tpu.memory_space<vmem>>, vector<16xf32>,
            %add3A_291 = arith.constant 2 : i32
            %add3A_292 = arith.addi %mul3A_153, %add3A_291 : i32
            %get3A_293 = arith.index_cast %add3A_292 : i32 to index
            %get3A_294 = arith.index_cast %mul3A_273 : i32 to index
            %get3A_295 = tpu.vector_load %arg6[%get3A_293, %get3A_294] {strides = array<i32>} : memref<128x256xf32, #tpu.memory_space<vmem>>, vector<16xf32>,
            %add3A_296 = arith.constant 3 : i32
            %add3A_297 = arith.addi %mul3A_153, %add3A_296 : i32
            %get3A_298 = arith.index_cast %add3A_297 : i32 to index
            %get3A_299 = arith.index_cast %mul3A_273 : i32 to index
            %get3A_300 = tpu.vector_load %arg6[%get3A_298, %get3A_299] {strides = array<i32>} : memref<128x256xf32, #tpu.memory_space<vmem>>, vector<16xf32>,
            %add3A_301 = arith.constant 4 : i32
            %add3A_302 = arith.addi %mul3A_153, %add3A_301 : i32
            %get3A_303 = arith.index_cast %add3A_302 : i32 to index
            %get3A_304 = arith.index_cast %mul3A_273 : i32 to index
            %get3A_305 = tpu.vector_load %arg6[%get3A_303, %get3A_304] {strides = array<i32>} : memref<128x256xf32, #tpu.memory_space<vmem>>, vector<16xf32>,
            %add3A_306 = arith.constant 5 : i32
            %add3A_307 = arith.addi %mul3A_153, %add3A_306 : i32
            %get3A_308 = arith.index_cast %add3A_307 : i32 to index
            %get3A_309 = arith.index_cast %mul3A_273 : i32 to index
            %get3A_310 = tpu.vector_load %arg6[%get3A_308, %get3A_309] {strides = array<i32>} : memref<128x256xf32, #tpu.memory_space<vmem>>, vector<16xf32>,
            %add3A_311 = arith.constant 6 : i32
            %add3A_312 = arith.addi %mul3A_153, %add3A_311 : i32
            %get3A_313 = arith.index_cast %add3A_312 : i32 to index
            %get3A_314 = arith.index_cast %mul3A_273 : i32 to index
            %get3A_315 = tpu.vector_load %arg6[%get3A_313, %get3A_314] {strides = array<i32>} : memref<128x256xf32, #tpu.memory_space<vmem>>, vector<16xf32>,
            %add3A_316 = arith.constant 7 : i32
            %add3A_317 = arith.addi %mul3A_153, %add3A_316 : i32
            %get3A_318 = arith.index_cast %add3A_317 : i32 to index
            %get3A_319 = arith.index_cast %mul3A_273 : i32 to index
            %get3A_320 = tpu.vector_load %arg6[%get3A_318, %get3A_319] {strides = array<i32>} : memref<128x256xf32, #tpu.memory_space<vmem>>, vector<16xf32>,
            %gt3A = arith.cmpf ogt, %get3A_290, %get3A_285 : vector<16xf32>
            %max3A = arith.maximumf %get3A_285, %get3A_290 : vector<16xf32>
            %select_n3A = arith.select %gt3A, %add3A_135, %add3A_123 : vector<16xi1>, vector<16xi32>
            %gt3A_321 = arith.cmpf ogt, %get3A_300, %get3A_295 : vector<16xf32>
            %max3A_322 = arith.maximumf %get3A_295, %get3A_300 : vector<16xf32>
            %select_n3A_323 = arith.select %gt3A_321, %add3A_135, %add3A_123 : vector<16xi1>, vector<16xi32>
            %gt3A_324 = arith.cmpf ogt, %get3A_310, %get3A_305 : vector<16xf32>
            %max3A_325 = arith.maximumf %get3A_305, %get3A_310 : vector<16xf32>
            %select_n3A_326 = arith.select %gt3A_324, %add3A_135, %add3A_123 : vector<16xi1>, vector<16xi32>
            %gt3A_327 = arith.cmpf ogt, %get3A_320, %get3A_315 : vector<16xf32>
            %max3A_328 = arith.maximumf %get3A_315, %get3A_320 : vector<16xf32>
            %select_n3A_329 = arith.select %gt3A_327, %add3A_135, %add3A_123 : vector<16xi1>, vector<16xi32>
            %gt3A_330 = arith.cmpf ogt, %max3A_322, %max3A : vector<16xf32>
            %max3A_331 = arith.maximumf %max3A, %max3A_322 : vector<16xf32>
            %add3A_332 = arith.constant 2 : i32
            %add3A_333 = vector.broadcast %add3A_332 : i32 to vector<16xi32>
            %add3A_334 = arith.addi %select_n3A_323, %add3A_333 : vector<16xi32>
            %select_n3A_335 = arith.select %gt3A_330, %add3A_334, %select_n3A : vector<16xi1>, vector<16xi32>
            %gt3A_336 = arith.cmpf ogt, %max3A_328, %max3A_325 : vector<16xf32>
            %max3A_337 = arith.maximumf %max3A_325, %max3A_328 : vector<16xf32>
            %add3A_338 = arith.constant 2 : i32
            %add3A_339 = vector.broadcast %add3A_338 : i32 to vector<16xi32>
            %add3A_340 = arith.addi %select_n3A_329, %add3A_339 : vector<16xi32>
            %select_n3A_341 = arith.select %gt3A_336, %add3A_340, %select_n3A_326 : vector<16xi1>, vector<16xi32>
            %gt3A_342 = arith.cmpf ogt, %max3A_337, %max3A_331 : vector<16xf32>
            %max3A_343 = arith.maximumf %max3A_331, %max3A_337 : vector<16xf32>
            %add3A_344 = arith.constant 4 : i32
            %add3A_345 = vector.broadcast %add3A_344 : i32 to vector<16xi32>
            %add3A_346 = arith.addi %select_n3A_341, %add3A_345 : vector<16xi32>
            %select_n3A_347 = arith.select %gt3A_342, %add3A_346, %select_n3A_335 : vector<16xi1>, vector<16xi32>
            %gt3A_348 = arith.cmpf ogt, %max3A_343, %get3A_278 : vector<16xf32>
            %max3A_349 = arith.maximumf %get3A_278, %max3A_343 : vector<16xf32>
            %mul3A_350 = arith.constant 256 : i32
            %mul3A_351 = arith.muli %mul3A_55, %mul3A_350 : i32
            %add3A_352 = arith.addi %mul3A_351, %mul3A_273 : i32
            %swap3A_353 = arith.index_cast %add3A_352 : i32 to index
            %swap3A_354 = tpu.vector_load %arg10[%swap3A_353] {strides = array<i32>} : memref<6400xf32, #tpu.memory_space<vmem>>, vector<16xf32>,
            tpu.vector_store %arg10[%swap3A_353], %max3A_349 {strides = array<i32>} : memref<6400xf32, #tpu.memory_space<vmem>>, vector<16xf32>,
            %add3A_355 = arith.addi %select_n3A_347, %add3A_157 : vector<16xi32>
            %select_n3A_356 = arith.select %gt3A_348, %add3A_355, %get3A_280 : vector<16xi1>, vector<16xi32>
            %swap3A_357 = arith.index_cast %mul3A_273 : i32 to index
            %swap3A_358 = tpu.vector_load %arg12[%swap3A_357] {strides = array<i32>} : memref<256xi32, #tpu.memory_space<vmem>>, vector<16xi32>,
            tpu.vector_store %arg12[%swap3A_357], %select_n3A_356 {strides = array<i32>} : memref<256xi32, #tpu.memory_space<vmem>>, vector<16xi32>,
            %max3A_359 = arith.maximumf %scan3A_260, %get3A_285 : vector<16xf32>
            %max3A_360 = arith.maximumf %scan3A_261, %get3A_290 : vector<16xf32>
            %max3A_361 = arith.maximumf %scan3A_262, %get3A_295 : vector<16xf32>
            %max3A_362 = arith.maximumf %scan3A_263, %get3A_300 : vector<16xf32>
            %max3A_363 = arith.maximumf %scan3A_264, %get3A_305 : vector<16xf32>
            %max3A_364 = arith.maximumf %scan3A_265, %get3A_310 : vector<16xf32>
            %max3A_365 = arith.maximumf %scan3A_266, %get3A_315 : vector<16xf32>
            %max3A_366 = arith.maximumf %scan3A_267, %get3A_320 : vector<16xf32>
            %mul3A_367 = arith.constant 2 : i32
            %mul3A_368 = arith.muli %scan3A_259, %mul3A_367 : i32
            %add3A_369 = arith.constant 1 : i32
            %add3A_370 = arith.addi %mul3A_368, %add3A_369 : i32
            %mul3A_371 = arith.constant 16 : i32
            %mul3A_372 = arith.muli %add3A_370, %mul3A_371 : i32
            %mul3A_373 = arith.constant 256 : i32
            %mul3A_374 = arith.muli %mul3A_55, %mul3A_373 : i32
            %add3A_375 = arith.addi %mul3A_374, %mul3A_372 : i32
            %get3A_376 = arith.index_cast %add3A_375 : i32 to index
            %get3A_377 = tpu.vector_load %arg10[%get3A_376] {strides = array<i32>} : memref<6400xf32, #tpu.memory_space<vmem>>, vector<16xf32>,
            %get3A_378 = arith.index_cast %mul3A_372 : i32 to index
            %get3A_379 = tpu.vector_load %arg12[%get3A_378] {strides = array<i32>} : memref<256xi32, #tpu.memory_space<vmem>>, vector<16xi32>,
            %add3A_380 = arith.constant 0 : i32
            %add3A_381 = arith.addi %mul3A_153, %add3A_380 : i32
            %get3A_382 = arith.index_cast %add3A_381 : i32 to index
            %get3A_383 = arith.index_cast %mul3A_372 : i32 to index
            %get3A_384 = tpu.vector_load %arg6[%get3A_382, %get3A_383] {strides = array<i32>} : memref<128x256xf32, #tpu.memory_space<vmem>>, vector<16xf32>,
            %add3A_385 = arith.constant 1 : i32
            %add3A_386 = arith.addi %mul3A_153, %add3A_385 : i32
            %get3A_387 = arith.index_cast %add3A_386 : i32 to index
            %get3A_388 = arith.index_cast %mul3A_372 : i32 to index
            %get3A_389 = tpu.vector_load %arg6[%get3A_387, %get3A_388] {strides = array<i32>} : memref<128x256xf32, #tpu.memory_space<vmem>>, vector<16xf32>,
            %add3A_390 = arith.constant 2 : i32
            %add3A_391 = arith.addi %mul3A_153, %add3A_390 : i32
            %get3A_392 = arith.index_cast %add3A_391 : i32 to index
            %get3A_393 = arith.index_cast %mul3A_372 : i32 to index
            %get3A_394 = tpu.vector_load %arg6[%get3A_392, %get3A_393] {strides = array<i32>} : memref<128x256xf32, #tpu.memory_space<vmem>>, vector<16xf32>,
            %add3A_395 = arith.constant 3 : i32
            %add3A_396 = arith.addi %mul3A_153, %add3A_395 : i32
            %get3A_397 = arith.index_cast %add3A_396 : i32 to index
            %get3A_398 = arith.index_cast %mul3A_372 : i32 to index
            %get3A_399 = tpu.vector_load %arg6[%get3A_397, %get3A_398] {strides = array<i32>} : memref<128x256xf32, #tpu.memory_space<vmem>>, vector<16xf32>,
            %add3A_400 = arith.constant 4 : i32
            %add3A_401 = arith.addi %mul3A_153, %add3A_400 : i32
            %get3A_402 = arith.index_cast %add3A_401 : i32 to index
            %get3A_403 = arith.index_cast %mul3A_372 : i32 to index
            %get3A_404 = tpu.vector_load %arg6[%get3A_402, %get3A_403] {strides = array<i32>} : memref<128x256xf32, #tpu.memory_space<vmem>>, vector<16xf32>,
            %add3A_405 = arith.constant 5 : i32
            %add3A_406 = arith.addi %mul3A_153, %add3A_405 : i32
            %get3A_407 = arith.index_cast %add3A_406 : i32 to index
            %get3A_408 = arith.index_cast %mul3A_372 : i32 to index
            %get3A_409 = tpu.vector_load %arg6[%get3A_407, %get3A_408] {strides = array<i32>} : memref<128x256xf32, #tpu.memory_space<vmem>>, vector<16xf32>,
            %add3A_410 = arith.constant 6 : i32
            %add3A_411 = arith.addi %mul3A_153, %add3A_410 : i32
            %get3A_412 = arith.index_cast %add3A_411 : i32 to index
            %get3A_413 = arith.index_cast %mul3A_372 : i32 to index
            %get3A_414 = tpu.vector_load %arg6[%get3A_412, %get3A_413] {strides = array<i32>} : memref<128x256xf32, #tpu.memory_space<vmem>>, vector<16xf32>,
            %add3A_415 = arith.constant 7 : i32
            %add3A_416 = arith.addi %mul3A_153, %add3A_415 : i32
            %get3A_417 = arith.index_cast %add3A_416 : i32 to index
            %get3A_418 = arith.index_cast %mul3A_372 : i32 to index
            %get3A_419 = tpu.vector_load %arg6[%get3A_417, %get3A_418] {strides = array<i32>} : memref<128x256xf32, #tpu.memory_space<vmem>>, vector<16xf32>,
            %gt3A_420 = arith.cmpf ogt, %get3A_389, %get3A_384 : vector<16xf32>
            %max3A_421 = arith.maximumf %get3A_384, %get3A_389 : vector<16xf32>
            %select_n3A_422 = arith.select %gt3A_420, %add3A_135, %add3A_123 : vector<16xi1>, vector<16xi32>
            %gt3A_423 = arith.cmpf ogt, %get3A_399, %get3A_394 : vector<16xf32>
            %max3A_424 = arith.maximumf %get3A_394, %get3A_399 : vector<16xf32>
            %select_n3A_425 = arith.select %gt3A_423, %add3A_135, %add3A_123 : vector<16xi1>, vector<16xi32>
            %gt3A_426 = arith.cmpf ogt, %get3A_409, %get3A_404 : vector<16xf32>
            %max3A_427 = arith.maximumf %get3A_404, %get3A_409 : vector<16xf32>
            %select_n3A_428 = arith.select %gt3A_426, %add3A_135, %add3A_123 : vector<16xi1>, vector<16xi32>
            %gt3A_429 = arith.cmpf ogt, %get3A_419, %get3A_414 : vector<16xf32>
            %max3A_430 = arith.maximumf %get3A_414, %get3A_419 : vector<16xf32>
            %select_n3A_431 = arith.select %gt3A_429, %add3A_135, %add3A_123 : vector<16xi1>, vector<16xi32>
            %gt3A_432 = arith.cmpf ogt, %max3A_424, %max3A_421 : vector<16xf32>
            %max3A_433 = arith.maximumf %max3A_421, %max3A_424 : vector<16xf32>
            %add3A_434 = arith.constant 2 : i32
            %add3A_435 = vector.broadcast %add3A_434 : i32 to vector<16xi32>
            %add3A_436 = arith.addi %select_n3A_425, %add3A_435 : vector<16xi32>
            %select_n3A_437 = arith.select %gt3A_432, %add3A_436, %select_n3A_422 : vector<16xi1>, vector<16xi32>
            %gt3A_438 = arith.cmpf ogt, %max3A_430, %max3A_427 : vector<16xf32>
            %max3A_439 = arith.maximumf %max3A_427, %max3A_430 : vector<16xf32>
            %add3A_440 = arith.constant 2 : i32
            %add3A_441 = vector.broadcast %add3A_440 : i32 to vector<16xi32>
            %add3A_442 = arith.addi %select_n3A_431, %add3A_441 : vector<16xi32>
            %select_n3A_443 = arith.select %gt3A_438, %add3A_442, %select_n3A_428 : vector<16xi1>, vector<16xi32>
            %gt3A_444 = arith.cmpf ogt, %max3A_439, %max3A_433 : vector<16xf32>
            %max3A_445 = arith.maximumf %max3A_433, %max3A_439 : vector<16xf32>
            %add3A_446 = arith.constant 4 : i32
            %add3A_447 = vector.broadcast %add3A_446 : i32 to vector<16xi32>
            %add3A_448 = arith.addi %select_n3A_443, %add3A_447 : vector<16xi32>
            %select_n3A_449 = arith.select %gt3A_444, %add3A_448, %select_n3A_437 : vector<16xi1>, vector<16xi32>
            %gt3A_450 = arith.cmpf ogt, %max3A_445, %get3A_377 : vector<16xf32>
            %max3A_451 = arith.maximumf %get3A_377, %max3A_445 : vector<16xf32>
            %mul3A_452 = arith.constant 256 : i32
            %mul3A_453 = arith.muli %mul3A_55, %mul3A_452 : i32
            %add3A_454 = arith.addi %mul3A_453, %mul3A_372 : i32
            %swap3A_455 = arith.index_cast %add3A_454 : i32 to index
            %swap3A_456 = tpu.vector_load %arg10[%swap3A_455] {strides = array<i32>} : memref<6400xf32, #tpu.memory_space<vmem>>, vector<16xf32>,
            tpu.vector_store %arg10[%swap3A_455], %max3A_451 {strides = array<i32>} : memref<6400xf32, #tpu.memory_space<vmem>>, vector<16xf32>,
            %add3A_457 = arith.addi %select_n3A_449, %add3A_157 : vector<16xi32>
            %select_n3A_458 = arith.select %gt3A_450, %add3A_457, %get3A_379 : vector<16xi1>, vector<16xi32>
            %swap3A_459 = arith.index_cast %mul3A_372 : i32 to index
            %swap3A_460 = tpu.vector_load %arg12[%swap3A_459] {strides = array<i32>} : memref<256xi32, #tpu.memory_space<vmem>>, vector<16xi32>,
            tpu.vector_store %arg12[%swap3A_459], %select_n3A_458 {strides = array<i32>} : memref<256xi32, #tpu.memory_space<vmem>>, vector<16xi32>,
            %max3A_461 = arith.maximumf %max3A_359, %get3A_384 : vector<16xf32>
            %max3A_462 = arith.maximumf %max3A_360, %get3A_389 : vector<16xf32>
            %max3A_463 = arith.maximumf %max3A_361, %get3A_394 : vector<16xf32>
            %max3A_464 = arith.maximumf %max3A_362, %get3A_399 : vector<16xf32>
            %max3A_465 = arith.maximumf %max3A_363, %get3A_404 : vector<16xf32>
            %max3A_466 = arith.maximumf %max3A_364, %get3A_409 : vector<16xf32>
            %max3A_467 = arith.maximumf %max3A_365, %get3A_414 : vector<16xf32>
            %max3A_468 = arith.maximumf %max3A_366, %get3A_419 : vector<16xf32>
            scf.yield %max3A_461, %max3A_462, %max3A_463, %max3A_464, %max3A_465, %max3A_466, %max3A_467, %max3A_468 : vector<16xf32>, vector<16xf32>, vector<16xf32>, vector<16xf32>, vector<16xf32>, vector<16xf32>, vector<16xf32>, vector<16xf32>
          }
          %scan3A_210 = arith.constant 8 : i32
          %add3A_211 = arith.constant 0 : i32
          %add3A_212 = arith.addi %mul3A_153, %add3A_211 : i32
          %mul3A_213 = arith.constant 16 : i32
          %mul3A_214 = arith.muli %add3A_212, %mul3A_213 : i32
          %swap3A = arith.index_cast %mul3A_214 : i32 to index
          %swap3A_215 = tpu.vector_load %arg9[%swap3A] {strides = array<i32>} : memref<2048xf32, #tpu.memory_space<vmem>>, vector<16xf32>,
          tpu.vector_store %arg9[%swap3A], %scan3A_209#0 {strides = array<i32>} : memref<2048xf32, #tpu.memory_space<vmem>>, vector<16xf32>,
          %add3A_216 = arith.constant 1 : i32
          %add3A_217 = arith.addi %mul3A_153, %add3A_216 : i32
          %mul3A_218 = arith.constant 16 : i32
          %mul3A_219 = arith.muli %add3A_217, %mul3A_218 : i32
          %swap3A_220 = arith.index_cast %mul3A_219 : i32 to index
          %swap3A_221 = tpu.vector_load %arg9[%swap3A_220] {strides = array<i32>} : memref<2048xf32, #tpu.memory_space<vmem>>, vector<16xf32>,
          tpu.vector_store %arg9[%swap3A_220], %scan3A_209#1 {strides = array<i32>} : memref<2048xf32, #tpu.memory_space<vmem>>, vector<16xf32>,
          %add3A_222 = arith.constant 2 : i32
          %add3A_223 = arith.addi %mul3A_153, %add3A_222 : i32
          %mul3A_224 = arith.constant 16 : i32
          %mul3A_225 = arith.muli %add3A_223, %mul3A_224 : i32
          %swap3A_226 = arith.index_cast %mul3A_225 : i32 to index
          %swap3A_227 = tpu.vector_load %arg9[%swap3A_226] {strides = array<i32>} : memref<2048xf32, #tpu.memory_space<vmem>>, vector<16xf32>,
          tpu.vector_store %arg9[%swap3A_226], %scan3A_209#2 {strides = array<i32>} : memref<2048xf32, #tpu.memory_space<vmem>>, vector<16xf32>,
          %add3A_228 = arith.constant 3 : i32
          %add3A_229 = arith.addi %mul3A_153, %add3A_228 : i32
          %mul3A_230 = arith.constant 16 : i32
          %mul3A_231 = arith.muli %add3A_229, %mul3A_230 : i32
          %swap3A_232 = arith.index_cast %mul3A_231 : i32 to index
          %swap3A_233 = tpu.vector_load %arg9[%swap3A_232] {strides = array<i32>} : memref<2048xf32, #tpu.memory_space<vmem>>, vector<16xf32>,
          tpu.vector_store %arg9[%swap3A_232], %scan3A_209#3 {strides = array<i32>} : memref<2048xf32, #tpu.memory_space<vmem>>, vector<16xf32>,
          %add3A_234 = arith.constant 4 : i32
          %add3A_235 = arith.addi %mul3A_153, %add3A_234 : i32
          %mul3A_236 = arith.constant 16 : i32
          %mul3A_237 = arith.muli %add3A_235, %mul3A_236 : i32
          %swap3A_238 = arith.index_cast %mul3A_237 : i32 to index
          %swap3A_239 = tpu.vector_load %arg9[%swap3A_238] {strides = array<i32>} : memref<2048xf32, #tpu.memory_space<vmem>>, vector<16xf32>,
          tpu.vector_store %arg9[%swap3A_238], %scan3A_209#4 {strides = array<i32>} : memref<2048xf32, #tpu.memory_space<vmem>>, vector<16xf32>,
          %add3A_240 = arith.constant 5 : i32
          %add3A_241 = arith.addi %mul3A_153, %add3A_240 : i32
          %mul3A_242 = arith.constant 16 : i32
          %mul3A_243 = arith.muli %add3A_241, %mul3A_242 : i32
          %swap3A_244 = arith.index_cast %mul3A_243 : i32 to index
          %swap3A_245 = tpu.vector_load %arg9[%swap3A_244] {strides = array<i32>} : memref<2048xf32, #tpu.memory_space<vmem>>, vector<16xf32>,
          tpu.vector_store %arg9[%swap3A_244], %scan3A_209#5 {strides = array<i32>} : memref<2048xf32, #tpu.memory_space<vmem>>, vector<16xf32>,
          %add3A_246 = arith.constant 6 : i32
          %add3A_247 = arith.addi %mul3A_153, %add3A_246 : i32
          %mul3A_248 = arith.constant 16 : i32
          %mul3A_249 = arith.muli %add3A_247, %mul3A_248 : i32
          %swap3A_250 = arith.index_cast %mul3A_249 : i32 to index
          %swap3A_251 = tpu.vector_load %arg9[%swap3A_250] {strides = array<i32>} : memref<2048xf32, #tpu.memory_space<vmem>>, vector<16xf32>,
          tpu.vector_store %arg9[%swap3A_250], %scan3A_209#6 {strides = array<i32>} : memref<2048xf32, #tpu.memory_space<vmem>>, vector<16xf32>,
          %add3A_252 = arith.constant 7 : i32
          %add3A_253 = arith.addi %mul3A_153, %add3A_252 : i32
          %mul3A_254 = arith.constant 16 : i32
          %mul3A_255 = arith.muli %add3A_253, %mul3A_254 : i32
          %swap3A_256 = arith.index_cast %mul3A_255 : i32 to index
          %swap3A_257 = tpu.vector_load %arg9[%swap3A_256] {strides = array<i32>} : memref<2048xf32, #tpu.memory_space<vmem>>, vector<16xf32>,
          tpu.vector_store %arg9[%swap3A_256], %scan3A_209#7 {strides = array<i32>} : memref<2048xf32, #tpu.memory_space<vmem>>, vector<16xf32>,
          %scan3A_258 = arith.constant 0 : i32
          scf.yield %scan3A_258 : i32
        }
        %scan3A_142 = arith.constant 16 : i32
        %scan3A_143 = arith.constant 0 : i32
        %scan3A_144 = arith.constant 0 : i32
        %scan3A_145 = arith.constant 16 : i32
        %scan3A_146 = arith.addi %scan3A_144, %scan3A_145 : i32
        %scan3A_147 = arith.constant 1 : i32
        %scan3A_148 = scf.for %scan3A_150 = %scan3A_144 to %scan3A_146 step %scan3A_147 iter_args(%scan3A_151 = %scan3A_143) -> (i32)  : i32 {
          %mul3A_152 = arith.constant 16 : i32
          %mul3A_153 = arith.muli %scan3A_150, %mul3A_152 : i32
          %mul3A_154 = arith.constant 256 : i32
          %mul3A_155 = arith.muli %mul3A_55, %mul3A_154 : i32
          %add3A_156 = arith.addi %mul3A_155, %mul3A_153 : i32
          %get3A = arith.index_cast %add3A_156 : i32 to index
          %get3A_157 = tpu.vector_load %arg10[%get3A] {strides = array<i32>} : memref<6400xf32, #tpu.memory_space<vmem>>, vector<16xf32>,
          %get3A_158 = arith.index_cast %mul3A_153 : i32 to index
          %get3A_159 = tpu.vector_load %arg12[%get3A_158] {strides = array<i32>} : memref<256xi32, #tpu.memory_space<vmem>>, vector<16xi32>,
          %lt3A_160 = arith.constant 4.000000e-01 : f32
          %lt3A_161 = vector.broadcast %lt3A_160 : f32 to vector<16xf32>
          %lt3A_162 = arith.cmpf olt, %get3A_157, %lt3A_161 : vector<16xf32>
          %gt3A = arith.constant 5.000000e-01 : f32
          %gt3A_163 = vector.broadcast %gt3A : f32 to vector<16xf32>
          %gt3A_164 = arith.cmpf ogt, %get3A_157, %gt3A_163 : vector<16xf32>
          %lt3A_165 = arith.constant 8.000000e-01 : f32
          %lt3A_166 = vector.broadcast %lt3A_165 : f32 to vector<16xf32>
          %lt3A_167 = arith.cmpf olt, %get3A_157, %lt3A_166 : vector<16xf32>
          %and3A = arith.andi %gt3A_164, %lt3A_167 : vector<16xi1>
          %broadcast_in_dim3A_168 = arith.constant 0 : i32
          %broadcast_in_dim3A_169 = vector.broadcast %broadcast_in_dim3A_168 : i32 to vector<16xi32>
          %add3A_170 = arith.constant -1 : i32
          %add3A_171 = vector.broadcast %add3A_170 : i32 to vector<16xi32>
          %add3A_172 = arith.addi %broadcast_in_dim3A_169, %add3A_171 : vector<16xi32>
          %select_n3A = arith.select %lt3A_162, %add3A_123, %add3A_172 : vector<16xi1>, vector<16xi32>
          %add3A_173 = arith.constant 1 : i32
          %add3A_174 = vector.broadcast %add3A_173 : i32 to vector<16xi32>
          %add3A_175 = arith.addi %get3A_159, %add3A_174 : vector<16xi32>
          %select_n3A_176 = arith.select %and3A, %add3A_175, %select_n3A : vector<16xi1>, vector<16xi32>
          %mul3A_177 = arith.constant 256 : i32
          %mul3A_178 = arith.muli %mul3A_55, %mul3A_177 : i32
          %add3A_179 = arith.addi %mul3A_178, %mul3A_153 : i32
          %swap3A = arith.index_cast %add3A_179 : i32 to index
          %swap3A_180 = tpu.vector_load %arg11[%swap3A] {strides = array<i32>} : memref<6400xi32, #tpu.memory_space<vmem>>, vector<16xi32>,
          tpu.vector_store %arg11[%swap3A], %select_n3A_176 {strides = array<i32>} : memref<6400xi32, #tpu.memory_space<vmem>>, vector<16xi32>,
          %scan3A_181 = arith.constant 0 : i32
          scf.yield %scan3A_181 : i32
        }
        %scan3A_149 = arith.constant 16 : i32
      } else {
      }
      %eq3A_79 = arith.constant 781 : i32
      %eq3A_80 = arith.cmpi eq, %add3A_73, %eq3A_79 : i32
      %convert_element_type3A_81 = arith.extui %eq3A_80 : i1 to i32
      %cond3A_82 = arith.constant 0 : i32
      %cond3A_83 = arith.cmpi ne, %convert_element_type3A_81, %cond3A_82 : i32
      scf.if %cond3A_83 {
        %dma_wait3A = arith.constant 0 : i32
        %dma_wait3A_115 = arith.constant 199936 : i32
        %dma_wait3A_116 = tpu.memref_slice %arg2[%dma_wait3A, %dma_wait3A_115] : memref<128x200000xf32, #tpu.memory_space<hbm>> -> memref<128x64xf32, #tpu.memory_space<hbm>>
        %dma_wait3A_117 = arith.constant 0 : i32
        %dma_wait3A_118 = arith.constant 199936 : i32
        %dma_wait3A_119 = tpu.memref_slice %arg2[%dma_wait3A_117, %dma_wait3A_118] : memref<128x200000xf32, #tpu.memory_space<hbm>> -> memref<128x64xf32, #tpu.memory_space<hbm>>
        tpu.wait_dma2 semaphore(%arg13 : memref<!tpu.dma_semaphore, #tpu.memory_space<semaphore_mem>>) src(%dma_wait3A_119 : memref<128x64xf32, #tpu.memory_space<hbm>>) dst(%arg8 : memref<128x64xf32, #tpu.memory_space<vmem>>)
        %broadcast_in_dim3A = arith.constant 0 : i32
        %broadcast_in_dim3A_120 = vector.broadcast %broadcast_in_dim3A : i32 to vector<16xi32>
        %add3A_121 = arith.constant 0 : i32
        %add3A_122 = vector.broadcast %add3A_121 : i32 to vector<16xi32>
        %add3A_123 = arith.addi %broadcast_in_dim3A_120, %add3A_122 : vector<16xi32>
        %scan3A_124 = arith.constant 0 : i32
        %scan3A_125 = arith.constant 0 : i32
        %scan3A_126 = arith.constant 4 : i32
        %scan3A_127 = arith.addi %scan3A_125, %scan3A_126 : i32
        %scan3A_128 = arith.constant 1 : i32
        %scan3A_129 = scf.for %scan3A_150 = %scan3A_125 to %scan3A_127 step %scan3A_128 iter_args(%scan3A_151 = %scan3A_124) -> (i32)  : i32 {
          %broadcast_in_dim3A_152 = arith.constant 0.000000e+00 : f32
          %broadcast_in_dim3A_153 = vector.broadcast %broadcast_in_dim3A_152 : f32 to vector<16xf32>
          %add3A_154 = arith.constant -1.000000e+00 : f32
          %add3A_155 = vector.broadcast %add3A_154 : f32 to vector<16xf32>
          %add3A_156 = arith.addf %broadcast_in_dim3A_153, %add3A_155 : vector<16xf32>
          %mul3A_157 = arith.constant 256 : i32
          %mul3A_158 = arith.muli %mul3A_55, %mul3A_157 : i32
          %mul3A_159 = arith.constant 16 : i32
          %mul3A_160 = arith.muli %scan3A_150, %mul3A_159 : i32
          %add3A_161 = arith.addi %mul3A_158, %mul3A_160 : i32
          %swap3A = arith.index_cast %add3A_161 : i32 to index
          %swap3A_162 = tpu.vector_load %arg10[%swap3A] {strides = array<i32>} : memref<6400xf32, #tpu.memory_space<vmem>>, vector<16xf32>,
          tpu.vector_store %arg10[%swap3A], %add3A_156 {strides = array<i32>} : memref<6400xf32, #tpu.memory_space<vmem>>, vector<16xf32>,
          %mul3A_163 = arith.constant 16 : i32
          %mul3A_164 = arith.muli %scan3A_150, %mul3A_163 : i32
          %swap3A_165 = arith.index_cast %mul3A_164 : i32 to index
          %swap3A_166 = tpu.vector_load %arg12[%swap3A_165] {strides = array<i32>} : memref<256xi32, #tpu.memory_space<vmem>>, vector<16xi32>,
          tpu.vector_store %arg12[%swap3A_165], %add3A_123 {strides = array<i32>} : memref<256xi32, #tpu.memory_space<vmem>>, vector<16xi32>,
          %scan3A_167 = arith.constant 0 : i32
          scf.yield %scan3A_167 : i32
        }
        %scan3A_130 = arith.constant 4 : i32
        %broadcast_in_dim3A_131 = arith.constant 0 : i32
        %broadcast_in_dim3A_132 = vector.broadcast %broadcast_in_dim3A_131 : i32 to vector<16xi32>
        %add3A_133 = arith.constant 1 : i32
        %add3A_134 = vector.broadcast %add3A_133 : i32 to vector<16xi32>
        %add3A_135 = arith.addi %broadcast_in_dim3A_132, %add3A_134 : vector<16xi32>
        %scan3A_136 = arith.constant 0 : i32
        %scan3A_137 = arith.constant 0 : i32
        %scan3A_138 = arith.constant 16 : i32
        %scan3A_139 = arith.addi %scan3A_137, %scan3A_138 : i32
        %scan3A_140 = arith.constant 1 : i32
        %scan3A_141 = scf.for %scan3A_150 = %scan3A_137 to %scan3A_139 step %scan3A_140 iter_args(%scan3A_151 = %scan3A_136) -> (i32)  : i32 {
          %mul3A_152 = arith.constant 8 : i32
          %mul3A_153 = arith.muli %scan3A_150, %mul3A_152 : i32
          %broadcast_in_dim3A_154 = arith.constant 0 : i32
          %broadcast_in_dim3A_155 = vector.broadcast %broadcast_in_dim3A_154 : i32 to vector<16xi32>
          %add3A_156 = vector.broadcast %mul3A_153 : i32 to vector<16xi32>
          %add3A_157 = arith.addi %broadcast_in_dim3A_155, %add3A_156 : vector<16xi32>
          %add3A_158 = arith.constant 0 : i32
          %add3A_159 = arith.addi %mul3A_153, %add3A_158 : i32
          %mul3A_160 = arith.constant 16 : i32
          %mul3A_161 = arith.muli %add3A_159, %mul3A_160 : i32
          %get3A = arith.index_cast %mul3A_161 : i32 to index
          %get3A_162 = tpu.vector_load %arg9[%get3A] {strides = array<i32>} : memref<2048xf32, #tpu.memory_space<vmem>>, vector<16xf32>,
          %add3A_163 = arith.constant 1 : i32
          %add3A_164 = arith.addi %mul3A_153, %add3A_163 : i32
          %mul3A_165 = arith.constant 16 : i32
          %mul3A_166 = arith.muli %add3A_164, %mul3A_165 : i32
          %get3A_167 = arith.index_cast %mul3A_166 : i32 to index
          %get3A_168 = tpu.vector_load %arg9[%get3A_167] {strides = array<i32>} : memref<2048xf32, #tpu.memory_space<vmem>>, vector<16xf32>,
          %add3A_169 = arith.constant 2 : i32
          %add3A_170 = arith.addi %mul3A_153, %add3A_169 : i32
          %mul3A_171 = arith.constant 16 : i32
          %mul3A_172 = arith.muli %add3A_170, %mul3A_171 : i32
          %get3A_173 = arith.index_cast %mul3A_172 : i32 to index
          %get3A_174 = tpu.vector_load %arg9[%get3A_173] {strides = array<i32>} : memref<2048xf32, #tpu.memory_space<vmem>>, vector<16xf32>,
          %add3A_175 = arith.constant 3 : i32
          %add3A_176 = arith.addi %mul3A_153, %add3A_175 : i32
          %mul3A_177 = arith.constant 16 : i32
          %mul3A_178 = arith.muli %add3A_176, %mul3A_177 : i32
          %get3A_179 = arith.index_cast %mul3A_178 : i32 to index
          %get3A_180 = tpu.vector_load %arg9[%get3A_179] {strides = array<i32>} : memref<2048xf32, #tpu.memory_space<vmem>>, vector<16xf32>,
          %add3A_181 = arith.constant 4 : i32
          %add3A_182 = arith.addi %mul3A_153, %add3A_181 : i32
          %mul3A_183 = arith.constant 16 : i32
          %mul3A_184 = arith.muli %add3A_182, %mul3A_183 : i32
          %get3A_185 = arith.index_cast %mul3A_184 : i32 to index
          %get3A_186 = tpu.vector_load %arg9[%get3A_185] {strides = array<i32>} : memref<2048xf32, #tpu.memory_space<vmem>>, vector<16xf32>,
          %add3A_187 = arith.constant 5 : i32
          %add3A_188 = arith.addi %mul3A_153, %add3A_187 : i32
          %mul3A_189 = arith.constant 16 : i32
          %mul3A_190 = arith.muli %add3A_188, %mul3A_189 : i32
          %get3A_191 = arith.index_cast %mul3A_190 : i32 to index
          %get3A_192 = tpu.vector_load %arg9[%get3A_191] {strides = array<i32>} : memref<2048xf32, #tpu.memory_space<vmem>>, vector<16xf32>,
          %add3A_193 = arith.constant 6 : i32
          %add3A_194 = arith.addi %mul3A_153, %add3A_193 : i32
          %mul3A_195 = arith.constant 16 : i32
          %mul3A_196 = arith.muli %add3A_194, %mul3A_195 : i32
          %get3A_197 = arith.index_cast %mul3A_196 : i32 to index
          %get3A_198 = tpu.vector_load %arg9[%get3A_197] {strides = array<i32>} : memref<2048xf32, #tpu.memory_space<vmem>>, vector<16xf32>,
          %add3A_199 = arith.constant 7 : i32
          %add3A_200 = arith.addi %mul3A_153, %add3A_199 : i32
          %mul3A_201 = arith.constant 16 : i32
          %mul3A_202 = arith.muli %add3A_200, %mul3A_201 : i32
          %get3A_203 = arith.index_cast %mul3A_202 : i32 to index
          %get3A_204 = tpu.vector_load %arg9[%get3A_203] {strides = array<i32>} : memref<2048xf32, #tpu.memory_space<vmem>>, vector<16xf32>,
          %scan3A_205 = arith.constant 0 : i32
          %scan3A_206 = arith.constant 2 : i32
          %scan3A_207 = arith.addi %scan3A_205, %scan3A_206 : i32
          %scan3A_208 = arith.constant 1 : i32
          %scan3A_209:8 = scf.for %scan3A_259 = %scan3A_205 to %scan3A_207 step %scan3A_208 iter_args(%scan3A_260 = %get3A_162, %scan3A_261 = %get3A_168, %scan3A_262 = %get3A_174, %scan3A_263 = %get3A_180, %scan3A_264 = %get3A_186, %scan3A_265 = %get3A_192, %scan3A_266 = %get3A_198, %scan3A_267 = %get3A_204) -> (vector<16xf32>, vector<16xf32>, vector<16xf32>, vector<16xf32>, vector<16xf32>, vector<16xf32>, vector<16xf32>, vector<16xf32>)  : i32 {
            %mul3A_268 = arith.constant 2 : i32
            %mul3A_269 = arith.muli %scan3A_259, %mul3A_268 : i32
            %add3A_270 = arith.constant 0 : i32
            %add3A_271 = arith.addi %mul3A_269, %add3A_270 : i32
            %mul3A_272 = arith.constant 16 : i32
            %mul3A_273 = arith.muli %add3A_271, %mul3A_272 : i32
            %mul3A_274 = arith.constant 256 : i32
            %mul3A_275 = arith.muli %mul3A_55, %mul3A_274 : i32
            %add3A_276 = arith.addi %mul3A_275, %mul3A_273 : i32
            %get3A_277 = arith.index_cast %add3A_276 : i32 to index
            %get3A_278 = tpu.vector_load %arg10[%get3A_277] {strides = array<i32>} : memref<6400xf32, #tpu.memory_space<vmem>>, vector<16xf32>,
            %get3A_279 = arith.index_cast %mul3A_273 : i32 to index
            %get3A_280 = tpu.vector_load %arg12[%get3A_279] {strides = array<i32>} : memref<256xi32, #tpu.memory_space<vmem>>, vector<16xi32>,
            %add3A_281 = arith.constant 0 : i32
            %add3A_282 = arith.addi %mul3A_153, %add3A_281 : i32
            %get3A_283 = arith.index_cast %add3A_282 : i32 to index
            %get3A_284 = arith.index_cast %mul3A_273 : i32 to index
            %get3A_285 = tpu.vector_load %arg8[%get3A_283, %get3A_284] {strides = array<i32>} : memref<128x64xf32, #tpu.memory_space<vmem>>, vector<16xf32>,
            %add3A_286 = arith.constant 1 : i32
            %add3A_287 = arith.addi %mul3A_153, %add3A_286 : i32
            %get3A_288 = arith.index_cast %add3A_287 : i32 to index
            %get3A_289 = arith.index_cast %mul3A_273 : i32 to index
            %get3A_290 = tpu.vector_load %arg8[%get3A_288, %get3A_289] {strides = array<i32>} : memref<128x64xf32, #tpu.memory_space<vmem>>, vector<16xf32>,
            %add3A_291 = arith.constant 2 : i32
            %add3A_292 = arith.addi %mul3A_153, %add3A_291 : i32
            %get3A_293 = arith.index_cast %add3A_292 : i32 to index
            %get3A_294 = arith.index_cast %mul3A_273 : i32 to index
            %get3A_295 = tpu.vector_load %arg8[%get3A_293, %get3A_294] {strides = array<i32>} : memref<128x64xf32, #tpu.memory_space<vmem>>, vector<16xf32>,
            %add3A_296 = arith.constant 3 : i32
            %add3A_297 = arith.addi %mul3A_153, %add3A_296 : i32
            %get3A_298 = arith.index_cast %add3A_297 : i32 to index
            %get3A_299 = arith.index_cast %mul3A_273 : i32 to index
            %get3A_300 = tpu.vector_load %arg8[%get3A_298, %get3A_299] {strides = array<i32>} : memref<128x64xf32, #tpu.memory_space<vmem>>, vector<16xf32>,
            %add3A_301 = arith.constant 4 : i32
            %add3A_302 = arith.addi %mul3A_153, %add3A_301 : i32
            %get3A_303 = arith.index_cast %add3A_302 : i32 to index
            %get3A_304 = arith.index_cast %mul3A_273 : i32 to index
            %get3A_305 = tpu.vector_load %arg8[%get3A_303, %get3A_304] {strides = array<i32>} : memref<128x64xf32, #tpu.memory_space<vmem>>, vector<16xf32>,
            %add3A_306 = arith.constant 5 : i32
            %add3A_307 = arith.addi %mul3A_153, %add3A_306 : i32
            %get3A_308 = arith.index_cast %add3A_307 : i32 to index
            %get3A_309 = arith.index_cast %mul3A_273 : i32 to index
            %get3A_310 = tpu.vector_load %arg8[%get3A_308, %get3A_309] {strides = array<i32>} : memref<128x64xf32, #tpu.memory_space<vmem>>, vector<16xf32>,
            %add3A_311 = arith.constant 6 : i32
            %add3A_312 = arith.addi %mul3A_153, %add3A_311 : i32
            %get3A_313 = arith.index_cast %add3A_312 : i32 to index
            %get3A_314 = arith.index_cast %mul3A_273 : i32 to index
            %get3A_315 = tpu.vector_load %arg8[%get3A_313, %get3A_314] {strides = array<i32>} : memref<128x64xf32, #tpu.memory_space<vmem>>, vector<16xf32>,
            %add3A_316 = arith.constant 7 : i32
            %add3A_317 = arith.addi %mul3A_153, %add3A_316 : i32
            %get3A_318 = arith.index_cast %add3A_317 : i32 to index
            %get3A_319 = arith.index_cast %mul3A_273 : i32 to index
            %get3A_320 = tpu.vector_load %arg8[%get3A_318, %get3A_319] {strides = array<i32>} : memref<128x64xf32, #tpu.memory_space<vmem>>, vector<16xf32>,
            %gt3A = arith.cmpf ogt, %get3A_290, %get3A_285 : vector<16xf32>
            %max3A = arith.maximumf %get3A_285, %get3A_290 : vector<16xf32>
            %select_n3A = arith.select %gt3A, %add3A_135, %add3A_123 : vector<16xi1>, vector<16xi32>
            %gt3A_321 = arith.cmpf ogt, %get3A_300, %get3A_295 : vector<16xf32>
            %max3A_322 = arith.maximumf %get3A_295, %get3A_300 : vector<16xf32>
            %select_n3A_323 = arith.select %gt3A_321, %add3A_135, %add3A_123 : vector<16xi1>, vector<16xi32>
            %gt3A_324 = arith.cmpf ogt, %get3A_310, %get3A_305 : vector<16xf32>
            %max3A_325 = arith.maximumf %get3A_305, %get3A_310 : vector<16xf32>
            %select_n3A_326 = arith.select %gt3A_324, %add3A_135, %add3A_123 : vector<16xi1>, vector<16xi32>
            %gt3A_327 = arith.cmpf ogt, %get3A_320, %get3A_315 : vector<16xf32>
            %max3A_328 = arith.maximumf %get3A_315, %get3A_320 : vector<16xf32>
            %select_n3A_329 = arith.select %gt3A_327, %add3A_135, %add3A_123 : vector<16xi1>, vector<16xi32>
            %gt3A_330 = arith.cmpf ogt, %max3A_322, %max3A : vector<16xf32>
            %max3A_331 = arith.maximumf %max3A, %max3A_322 : vector<16xf32>
            %add3A_332 = arith.constant 2 : i32
            %add3A_333 = vector.broadcast %add3A_332 : i32 to vector<16xi32>
            %add3A_334 = arith.addi %select_n3A_323, %add3A_333 : vector<16xi32>
            %select_n3A_335 = arith.select %gt3A_330, %add3A_334, %select_n3A : vector<16xi1>, vector<16xi32>
            %gt3A_336 = arith.cmpf ogt, %max3A_328, %max3A_325 : vector<16xf32>
            %max3A_337 = arith.maximumf %max3A_325, %max3A_328 : vector<16xf32>
            %add3A_338 = arith.constant 2 : i32
            %add3A_339 = vector.broadcast %add3A_338 : i32 to vector<16xi32>
            %add3A_340 = arith.addi %select_n3A_329, %add3A_339 : vector<16xi32>
            %select_n3A_341 = arith.select %gt3A_336, %add3A_340, %select_n3A_326 : vector<16xi1>, vector<16xi32>
            %gt3A_342 = arith.cmpf ogt, %max3A_337, %max3A_331 : vector<16xf32>
            %max3A_343 = arith.maximumf %max3A_331, %max3A_337 : vector<16xf32>
            %add3A_344 = arith.constant 4 : i32
            %add3A_345 = vector.broadcast %add3A_344 : i32 to vector<16xi32>
            %add3A_346 = arith.addi %select_n3A_341, %add3A_345 : vector<16xi32>
            %select_n3A_347 = arith.select %gt3A_342, %add3A_346, %select_n3A_335 : vector<16xi1>, vector<16xi32>
            %gt3A_348 = arith.cmpf ogt, %max3A_343, %get3A_278 : vector<16xf32>
            %max3A_349 = arith.maximumf %get3A_278, %max3A_343 : vector<16xf32>
            %mul3A_350 = arith.constant 256 : i32
            %mul3A_351 = arith.muli %mul3A_55, %mul3A_350 : i32
            %add3A_352 = arith.addi %mul3A_351, %mul3A_273 : i32
            %swap3A_353 = arith.index_cast %add3A_352 : i32 to index
            %swap3A_354 = tpu.vector_load %arg10[%swap3A_353] {strides = array<i32>} : memref<6400xf32, #tpu.memory_space<vmem>>, vector<16xf32>,
            tpu.vector_store %arg10[%swap3A_353], %max3A_349 {strides = array<i32>} : memref<6400xf32, #tpu.memory_space<vmem>>, vector<16xf32>,
            %add3A_355 = arith.addi %select_n3A_347, %add3A_157 : vector<16xi32>
            %select_n3A_356 = arith.select %gt3A_348, %add3A_355, %get3A_280 : vector<16xi1>, vector<16xi32>
            %swap3A_357 = arith.index_cast %mul3A_273 : i32 to index
            %swap3A_358 = tpu.vector_load %arg12[%swap3A_357] {strides = array<i32>} : memref<256xi32, #tpu.memory_space<vmem>>, vector<16xi32>,
            tpu.vector_store %arg12[%swap3A_357], %select_n3A_356 {strides = array<i32>} : memref<256xi32, #tpu.memory_space<vmem>>, vector<16xi32>,
            %max3A_359 = arith.maximumf %scan3A_260, %get3A_285 : vector<16xf32>
            %max3A_360 = arith.maximumf %scan3A_261, %get3A_290 : vector<16xf32>
            %max3A_361 = arith.maximumf %scan3A_262, %get3A_295 : vector<16xf32>
            %max3A_362 = arith.maximumf %scan3A_263, %get3A_300 : vector<16xf32>
            %max3A_363 = arith.maximumf %scan3A_264, %get3A_305 : vector<16xf32>
            %max3A_364 = arith.maximumf %scan3A_265, %get3A_310 : vector<16xf32>
            %max3A_365 = arith.maximumf %scan3A_266, %get3A_315 : vector<16xf32>
            %max3A_366 = arith.maximumf %scan3A_267, %get3A_320 : vector<16xf32>
            %mul3A_367 = arith.constant 2 : i32
            %mul3A_368 = arith.muli %scan3A_259, %mul3A_367 : i32
            %add3A_369 = arith.constant 1 : i32
            %add3A_370 = arith.addi %mul3A_368, %add3A_369 : i32
            %mul3A_371 = arith.constant 16 : i32
            %mul3A_372 = arith.muli %add3A_370, %mul3A_371 : i32
            %mul3A_373 = arith.constant 256 : i32
            %mul3A_374 = arith.muli %mul3A_55, %mul3A_373 : i32
            %add3A_375 = arith.addi %mul3A_374, %mul3A_372 : i32
            %get3A_376 = arith.index_cast %add3A_375 : i32 to index
            %get3A_377 = tpu.vector_load %arg10[%get3A_376] {strides = array<i32>} : memref<6400xf32, #tpu.memory_space<vmem>>, vector<16xf32>,
            %get3A_378 = arith.index_cast %mul3A_372 : i32 to index
            %get3A_379 = tpu.vector_load %arg12[%get3A_378] {strides = array<i32>} : memref<256xi32, #tpu.memory_space<vmem>>, vector<16xi32>,
            %add3A_380 = arith.constant 0 : i32
            %add3A_381 = arith.addi %mul3A_153, %add3A_380 : i32
            %get3A_382 = arith.index_cast %add3A_381 : i32 to index
            %get3A_383 = arith.index_cast %mul3A_372 : i32 to index
            %get3A_384 = tpu.vector_load %arg8[%get3A_382, %get3A_383] {strides = array<i32>} : memref<128x64xf32, #tpu.memory_space<vmem>>, vector<16xf32>,
            %add3A_385 = arith.constant 1 : i32
            %add3A_386 = arith.addi %mul3A_153, %add3A_385 : i32
            %get3A_387 = arith.index_cast %add3A_386 : i32 to index
            %get3A_388 = arith.index_cast %mul3A_372 : i32 to index
            %get3A_389 = tpu.vector_load %arg8[%get3A_387, %get3A_388] {strides = array<i32>} : memref<128x64xf32, #tpu.memory_space<vmem>>, vector<16xf32>,
            %add3A_390 = arith.constant 2 : i32
            %add3A_391 = arith.addi %mul3A_153, %add3A_390 : i32
            %get3A_392 = arith.index_cast %add3A_391 : i32 to index
            %get3A_393 = arith.index_cast %mul3A_372 : i32 to index
            %get3A_394 = tpu.vector_load %arg8[%get3A_392, %get3A_393] {strides = array<i32>} : memref<128x64xf32, #tpu.memory_space<vmem>>, vector<16xf32>,
            %add3A_395 = arith.constant 3 : i32
            %add3A_396 = arith.addi %mul3A_153, %add3A_395 : i32
            %get3A_397 = arith.index_cast %add3A_396 : i32 to index
            %get3A_398 = arith.index_cast %mul3A_372 : i32 to index
            %get3A_399 = tpu.vector_load %arg8[%get3A_397, %get3A_398] {strides = array<i32>} : memref<128x64xf32, #tpu.memory_space<vmem>>, vector<16xf32>,
            %add3A_400 = arith.constant 4 : i32
            %add3A_401 = arith.addi %mul3A_153, %add3A_400 : i32
            %get3A_402 = arith.index_cast %add3A_401 : i32 to index
            %get3A_403 = arith.index_cast %mul3A_372 : i32 to index
            %get3A_404 = tpu.vector_load %arg8[%get3A_402, %get3A_403] {strides = array<i32>} : memref<128x64xf32, #tpu.memory_space<vmem>>, vector<16xf32>,
            %add3A_405 = arith.constant 5 : i32
            %add3A_406 = arith.addi %mul3A_153, %add3A_405 : i32
            %get3A_407 = arith.index_cast %add3A_406 : i32 to index
            %get3A_408 = arith.index_cast %mul3A_372 : i32 to index
            %get3A_409 = tpu.vector_load %arg8[%get3A_407, %get3A_408] {strides = array<i32>} : memref<128x64xf32, #tpu.memory_space<vmem>>, vector<16xf32>,
            %add3A_410 = arith.constant 6 : i32
            %add3A_411 = arith.addi %mul3A_153, %add3A_410 : i32
            %get3A_412 = arith.index_cast %add3A_411 : i32 to index
            %get3A_413 = arith.index_cast %mul3A_372 : i32 to index
            %get3A_414 = tpu.vector_load %arg8[%get3A_412, %get3A_413] {strides = array<i32>} : memref<128x64xf32, #tpu.memory_space<vmem>>, vector<16xf32>,
            %add3A_415 = arith.constant 7 : i32
            %add3A_416 = arith.addi %mul3A_153, %add3A_415 : i32
            %get3A_417 = arith.index_cast %add3A_416 : i32 to index
            %get3A_418 = arith.index_cast %mul3A_372 : i32 to index
            %get3A_419 = tpu.vector_load %arg8[%get3A_417, %get3A_418] {strides = array<i32>} : memref<128x64xf32, #tpu.memory_space<vmem>>, vector<16xf32>,
            %gt3A_420 = arith.cmpf ogt, %get3A_389, %get3A_384 : vector<16xf32>
            %max3A_421 = arith.maximumf %get3A_384, %get3A_389 : vector<16xf32>
            %select_n3A_422 = arith.select %gt3A_420, %add3A_135, %add3A_123 : vector<16xi1>, vector<16xi32>
            %gt3A_423 = arith.cmpf ogt, %get3A_399, %get3A_394 : vector<16xf32>
            %max3A_424 = arith.maximumf %get3A_394, %get3A_399 : vector<16xf32>
            %select_n3A_425 = arith.select %gt3A_423, %add3A_135, %add3A_123 : vector<16xi1>, vector<16xi32>
            %gt3A_426 = arith.cmpf ogt, %get3A_409, %get3A_404 : vector<16xf32>
            %max3A_427 = arith.maximumf %get3A_404, %get3A_409 : vector<16xf32>
            %select_n3A_428 = arith.select %gt3A_426, %add3A_135, %add3A_123 : vector<16xi1>, vector<16xi32>
            %gt3A_429 = arith.cmpf ogt, %get3A_419, %get3A_414 : vector<16xf32>
            %max3A_430 = arith.maximumf %get3A_414, %get3A_419 : vector<16xf32>
            %select_n3A_431 = arith.select %gt3A_429, %add3A_135, %add3A_123 : vector<16xi1>, vector<16xi32>
            %gt3A_432 = arith.cmpf ogt, %max3A_424, %max3A_421 : vector<16xf32>
            %max3A_433 = arith.maximumf %max3A_421, %max3A_424 : vector<16xf32>
            %add3A_434 = arith.constant 2 : i32
            %add3A_435 = vector.broadcast %add3A_434 : i32 to vector<16xi32>
            %add3A_436 = arith.addi %select_n3A_425, %add3A_435 : vector<16xi32>
            %select_n3A_437 = arith.select %gt3A_432, %add3A_436, %select_n3A_422 : vector<16xi1>, vector<16xi32>
            %gt3A_438 = arith.cmpf ogt, %max3A_430, %max3A_427 : vector<16xf32>
            %max3A_439 = arith.maximumf %max3A_427, %max3A_430 : vector<16xf32>
            %add3A_440 = arith.constant 2 : i32
            %add3A_441 = vector.broadcast %add3A_440 : i32 to vector<16xi32>
            %add3A_442 = arith.addi %select_n3A_431, %add3A_441 : vector<16xi32>
            %select_n3A_443 = arith.select %gt3A_438, %add3A_442, %select_n3A_428 : vector<16xi1>, vector<16xi32>
            %gt3A_444 = arith.cmpf ogt, %max3A_439, %max3A_433 : vector<16xf32>
            %max3A_445 = arith.maximumf %max3A_433, %max3A_439 : vector<16xf32>
            %add3A_446 = arith.constant 4 : i32
            %add3A_447 = vector.broadcast %add3A_446 : i32 to vector<16xi32>
            %add3A_448 = arith.addi %select_n3A_443, %add3A_447 : vector<16xi32>
            %select_n3A_449 = arith.select %gt3A_444, %add3A_448, %select_n3A_437 : vector<16xi1>, vector<16xi32>
            %gt3A_450 = arith.cmpf ogt, %max3A_445, %get3A_377 : vector<16xf32>
            %max3A_451 = arith.maximumf %get3A_377, %max3A_445 : vector<16xf32>
            %mul3A_452 = arith.constant 256 : i32
            %mul3A_453 = arith.muli %mul3A_55, %mul3A_452 : i32
            %add3A_454 = arith.addi %mul3A_453, %mul3A_372 : i32
            %swap3A_455 = arith.index_cast %add3A_454 : i32 to index
            %swap3A_456 = tpu.vector_load %arg10[%swap3A_455] {strides = array<i32>} : memref<6400xf32, #tpu.memory_space<vmem>>, vector<16xf32>,
            tpu.vector_store %arg10[%swap3A_455], %max3A_451 {strides = array<i32>} : memref<6400xf32, #tpu.memory_space<vmem>>, vector<16xf32>,
            %add3A_457 = arith.addi %select_n3A_449, %add3A_157 : vector<16xi32>
            %select_n3A_458 = arith.select %gt3A_450, %add3A_457, %get3A_379 : vector<16xi1>, vector<16xi32>
            %swap3A_459 = arith.index_cast %mul3A_372 : i32 to index
            %swap3A_460 = tpu.vector_load %arg12[%swap3A_459] {strides = array<i32>} : memref<256xi32, #tpu.memory_space<vmem>>, vector<16xi32>,
            tpu.vector_store %arg12[%swap3A_459], %select_n3A_458 {strides = array<i32>} : memref<256xi32, #tpu.memory_space<vmem>>, vector<16xi32>,
            %max3A_461 = arith.maximumf %max3A_359, %get3A_384 : vector<16xf32>
            %max3A_462 = arith.maximumf %max3A_360, %get3A_389 : vector<16xf32>
            %max3A_463 = arith.maximumf %max3A_361, %get3A_394 : vector<16xf32>
            %max3A_464 = arith.maximumf %max3A_362, %get3A_399 : vector<16xf32>
            %max3A_465 = arith.maximumf %max3A_363, %get3A_404 : vector<16xf32>
            %max3A_466 = arith.maximumf %max3A_364, %get3A_409 : vector<16xf32>
            %max3A_467 = arith.maximumf %max3A_365, %get3A_414 : vector<16xf32>
            %max3A_468 = arith.maximumf %max3A_366, %get3A_419 : vector<16xf32>
            scf.yield %max3A_461, %max3A_462, %max3A_463, %max3A_464, %max3A_465, %max3A_466, %max3A_467, %max3A_468 : vector<16xf32>, vector<16xf32>, vector<16xf32>, vector<16xf32>, vector<16xf32>, vector<16xf32>, vector<16xf32>, vector<16xf32>
          }
          %scan3A_210 = arith.constant 2 : i32
          %add3A_211 = arith.constant 0 : i32
          %add3A_212 = arith.addi %mul3A_153, %add3A_211 : i32
          %mul3A_213 = arith.constant 16 : i32
          %mul3A_214 = arith.muli %add3A_212, %mul3A_213 : i32
          %swap3A = arith.index_cast %mul3A_214 : i32 to index
          %swap3A_215 = tpu.vector_load %arg9[%swap3A] {strides = array<i32>} : memref<2048xf32, #tpu.memory_space<vmem>>, vector<16xf32>,
          tpu.vector_store %arg9[%swap3A], %scan3A_209#0 {strides = array<i32>} : memref<2048xf32, #tpu.memory_space<vmem>>, vector<16xf32>,
          %add3A_216 = arith.constant 1 : i32
          %add3A_217 = arith.addi %mul3A_153, %add3A_216 : i32
          %mul3A_218 = arith.constant 16 : i32
          %mul3A_219 = arith.muli %add3A_217, %mul3A_218 : i32
          %swap3A_220 = arith.index_cast %mul3A_219 : i32 to index
          %swap3A_221 = tpu.vector_load %arg9[%swap3A_220] {strides = array<i32>} : memref<2048xf32, #tpu.memory_space<vmem>>, vector<16xf32>,
          tpu.vector_store %arg9[%swap3A_220], %scan3A_209#1 {strides = array<i32>} : memref<2048xf32, #tpu.memory_space<vmem>>, vector<16xf32>,
          %add3A_222 = arith.constant 2 : i32
          %add3A_223 = arith.addi %mul3A_153, %add3A_222 : i32
          %mul3A_224 = arith.constant 16 : i32
          %mul3A_225 = arith.muli %add3A_223, %mul3A_224 : i32
          %swap3A_226 = arith.index_cast %mul3A_225 : i32 to index
          %swap3A_227 = tpu.vector_load %arg9[%swap3A_226] {strides = array<i32>} : memref<2048xf32, #tpu.memory_space<vmem>>, vector<16xf32>,
          tpu.vector_store %arg9[%swap3A_226], %scan3A_209#2 {strides = array<i32>} : memref<2048xf32, #tpu.memory_space<vmem>>, vector<16xf32>,
          %add3A_228 = arith.constant 3 : i32
          %add3A_229 = arith.addi %mul3A_153, %add3A_228 : i32
          %mul3A_230 = arith.constant 16 : i32
          %mul3A_231 = arith.muli %add3A_229, %mul3A_230 : i32
          %swap3A_232 = arith.index_cast %mul3A_231 : i32 to index
          %swap3A_233 = tpu.vector_load %arg9[%swap3A_232] {strides = array<i32>} : memref<2048xf32, #tpu.memory_space<vmem>>, vector<16xf32>,
          tpu.vector_store %arg9[%swap3A_232], %scan3A_209#3 {strides = array<i32>} : memref<2048xf32, #tpu.memory_space<vmem>>, vector<16xf32>,
          %add3A_234 = arith.constant 4 : i32
          %add3A_235 = arith.addi %mul3A_153, %add3A_234 : i32
          %mul3A_236 = arith.constant 16 : i32
          %mul3A_237 = arith.muli %add3A_235, %mul3A_236 : i32
          %swap3A_238 = arith.index_cast %mul3A_237 : i32 to index
          %swap3A_239 = tpu.vector_load %arg9[%swap3A_238] {strides = array<i32>} : memref<2048xf32, #tpu.memory_space<vmem>>, vector<16xf32>,
          tpu.vector_store %arg9[%swap3A_238], %scan3A_209#4 {strides = array<i32>} : memref<2048xf32, #tpu.memory_space<vmem>>, vector<16xf32>,
          %add3A_240 = arith.constant 5 : i32
          %add3A_241 = arith.addi %mul3A_153, %add3A_240 : i32
          %mul3A_242 = arith.constant 16 : i32
          %mul3A_243 = arith.muli %add3A_241, %mul3A_242 : i32
          %swap3A_244 = arith.index_cast %mul3A_243 : i32 to index
          %swap3A_245 = tpu.vector_load %arg9[%swap3A_244] {strides = array<i32>} : memref<2048xf32, #tpu.memory_space<vmem>>, vector<16xf32>,
          tpu.vector_store %arg9[%swap3A_244], %scan3A_209#5 {strides = array<i32>} : memref<2048xf32, #tpu.memory_space<vmem>>, vector<16xf32>,
          %add3A_246 = arith.constant 6 : i32
          %add3A_247 = arith.addi %mul3A_153, %add3A_246 : i32
          %mul3A_248 = arith.constant 16 : i32
          %mul3A_249 = arith.muli %add3A_247, %mul3A_248 : i32
          %swap3A_250 = arith.index_cast %mul3A_249 : i32 to index
          %swap3A_251 = tpu.vector_load %arg9[%swap3A_250] {strides = array<i32>} : memref<2048xf32, #tpu.memory_space<vmem>>, vector<16xf32>,
          tpu.vector_store %arg9[%swap3A_250], %scan3A_209#6 {strides = array<i32>} : memref<2048xf32, #tpu.memory_space<vmem>>, vector<16xf32>,
          %add3A_252 = arith.constant 7 : i32
          %add3A_253 = arith.addi %mul3A_153, %add3A_252 : i32
          %mul3A_254 = arith.constant 16 : i32
          %mul3A_255 = arith.muli %add3A_253, %mul3A_254 : i32
          %swap3A_256 = arith.index_cast %mul3A_255 : i32 to index
          %swap3A_257 = tpu.vector_load %arg9[%swap3A_256] {strides = array<i32>} : memref<2048xf32, #tpu.memory_space<vmem>>, vector<16xf32>,
          tpu.vector_store %arg9[%swap3A_256], %scan3A_209#7 {strides = array<i32>} : memref<2048xf32, #tpu.memory_space<vmem>>, vector<16xf32>,
          %scan3A_258 = arith.constant 0 : i32
          scf.yield %scan3A_258 : i32
        }
        %scan3A_142 = arith.constant 16 : i32
        %scan3A_143 = arith.constant 0 : i32
        %scan3A_144 = arith.constant 0 : i32
        %scan3A_145 = arith.constant 4 : i32
        %scan3A_146 = arith.addi %scan3A_144, %scan3A_145 : i32
        %scan3A_147 = arith.constant 1 : i32
        %scan3A_148 = scf.for %scan3A_150 = %scan3A_144 to %scan3A_146 step %scan3A_147 iter_args(%scan3A_151 = %scan3A_143) -> (i32)  : i32 {
          %mul3A_152 = arith.constant 16 : i32
          %mul3A_153 = arith.muli %scan3A_150, %mul3A_152 : i32
          %mul3A_154 = arith.constant 256 : i32
          %mul3A_155 = arith.muli %mul3A_55, %mul3A_154 : i32
          %add3A_156 = arith.addi %mul3A_155, %mul3A_153 : i32
          %get3A = arith.index_cast %add3A_156 : i32 to index
          %get3A_157 = tpu.vector_load %arg10[%get3A] {strides = array<i32>} : memref<6400xf32, #tpu.memory_space<vmem>>, vector<16xf32>,
          %get3A_158 = arith.index_cast %mul3A_153 : i32 to index
          %get3A_159 = tpu.vector_load %arg12[%get3A_158] {strides = array<i32>} : memref<256xi32, #tpu.memory_space<vmem>>, vector<16xi32>,
          %lt3A_160 = arith.constant 4.000000e-01 : f32
          %lt3A_161 = vector.broadcast %lt3A_160 : f32 to vector<16xf32>
          %lt3A_162 = arith.cmpf olt, %get3A_157, %lt3A_161 : vector<16xf32>
          %gt3A = arith.constant 5.000000e-01 : f32
          %gt3A_163 = vector.broadcast %gt3A : f32 to vector<16xf32>
          %gt3A_164 = arith.cmpf ogt, %get3A_157, %gt3A_163 : vector<16xf32>
          %lt3A_165 = arith.constant 8.000000e-01 : f32
          %lt3A_166 = vector.broadcast %lt3A_165 : f32 to vector<16xf32>
          %lt3A_167 = arith.cmpf olt, %get3A_157, %lt3A_166 : vector<16xf32>
          %and3A = arith.andi %gt3A_164, %lt3A_167 : vector<16xi1>
          %broadcast_in_dim3A_168 = arith.constant 0 : i32
          %broadcast_in_dim3A_169 = vector.broadcast %broadcast_in_dim3A_168 : i32 to vector<16xi32>
          %add3A_170 = arith.constant -1 : i32
          %add3A_171 = vector.broadcast %add3A_170 : i32 to vector<16xi32>
          %add3A_172 = arith.addi %broadcast_in_dim3A_169, %add3A_171 : vector<16xi32>
          %select_n3A = arith.select %lt3A_162, %add3A_123, %add3A_172 : vector<16xi1>, vector<16xi32>
          %add3A_173 = arith.constant 1 : i32
          %add3A_174 = vector.broadcast %add3A_173 : i32 to vector<16xi32>
          %add3A_175 = arith.addi %get3A_159, %add3A_174 : vector<16xi32>
          %select_n3A_176 = arith.select %and3A, %add3A_175, %select_n3A : vector<16xi1>, vector<16xi32>
          %mul3A_177 = arith.constant 256 : i32
          %mul3A_178 = arith.muli %mul3A_55, %mul3A_177 : i32
          %add3A_179 = arith.addi %mul3A_178, %mul3A_153 : i32
          %swap3A = arith.index_cast %add3A_179 : i32 to index
          %swap3A_180 = tpu.vector_load %arg11[%swap3A] {strides = array<i32>} : memref<6400xi32, #tpu.memory_space<vmem>>, vector<16xi32>,
          tpu.vector_store %arg11[%swap3A], %select_n3A_176 {strides = array<i32>} : memref<6400xi32, #tpu.memory_space<vmem>>, vector<16xi32>,
          %scan3A_181 = arith.constant 0 : i32
          scf.yield %scan3A_181 : i32
        }
        %scan3A_149 = arith.constant 4 : i32
      } else {
      }
      %add3A_84 = arith.constant 2 : i32
      %add3A_85 = arith.addi %mul3A_55, %add3A_84 : i32
      %mul3A_86 = arith.constant 32 : i32
      %mul3A_87 = arith.muli %add3A_85, %mul3A_86 : i32
      %add3A_88 = arith.addi %mul3A_87, %add3A : i32
      %lt3A_89 = arith.constant 781 : i32
      %lt3A_90 = arith.cmpi slt, %add3A_88, %lt3A_89 : i32
      %convert_element_type3A_91 = arith.extui %lt3A_90 : i1 to i32
      %cond3A_92 = arith.constant 0 : i32
      %cond3A_93 = arith.cmpi ne, %convert_element_type3A_91, %cond3A_92 : i32
      scf.if %cond3A_93 {
        %mul3A_115 = arith.constant 256 : i32
        %mul3A_116 = arith.muli %add3A_88, %mul3A_115 : i32
        %dma_start3A = arith.constant 0 : i32
        %dma_start3A_117 = tpu.memref_slice %arg2[%dma_start3A, %mul3A_116] : memref<128x200000xf32, #tpu.memory_space<hbm>> -> memref<128x256xf32, #tpu.memory_space<hbm>>
        %dma_start3A_118 = arith.constant 0 : i32
        %dma_start3A_119 = tpu.memref_slice %arg2[%dma_start3A_118, %mul3A_116] : memref<128x200000xf32, #tpu.memory_space<hbm>> -> memref<128x256xf32, #tpu.memory_space<hbm>>
        tpu.enqueue_dma source(%dma_start3A_119 : memref<128x256xf32, #tpu.memory_space<hbm>>) target(%arg6 : memref<128x256xf32, #tpu.memory_space<vmem>>) target_semaphore(%arg13 : memref<!tpu.dma_semaphore, #tpu.memory_space<semaphore_mem>>)
      } else {
      }
      %eq3A_94 = arith.constant 781 : i32
      %eq3A_95 = arith.cmpi eq, %add3A_88, %eq3A_94 : i32
      %convert_element_type3A_96 = arith.extui %eq3A_95 : i1 to i32
      %cond3A_97 = arith.constant 0 : i32
      %cond3A_98 = arith.cmpi ne, %convert_element_type3A_96, %cond3A_97 : i32
      scf.if %cond3A_98 {
        %dma_start3A = arith.constant 0 : i32
        %dma_start3A_115 = arith.constant 199936 : i32
        %dma_start3A_116 = tpu.memref_slice %arg2[%dma_start3A, %dma_start3A_115] : memref<128x200000xf32, #tpu.memory_space<hbm>> -> memref<128x64xf32, #tpu.memory_space<hbm>>
        %dma_start3A_117 = arith.constant 0 : i32
        %dma_start3A_118 = arith.constant 199936 : i32
        %dma_start3A_119 = tpu.memref_slice %arg2[%dma_start3A_117, %dma_start3A_118] : memref<128x200000xf32, #tpu.memory_space<hbm>> -> memref<128x64xf32, #tpu.memory_space<hbm>>
        tpu.enqueue_dma source(%dma_start3A_119 : memref<128x64xf32, #tpu.memory_space<hbm>>) target(%arg8 : memref<128x64xf32, #tpu.memory_space<vmem>>) target_semaphore(%arg13 : memref<!tpu.dma_semaphore, #tpu.memory_space<semaphore_mem>>)
      } else {
      }
      %add3A_99 = arith.constant 1 : i32
      %add3A_100 = arith.addi %mul3A_55, %add3A_99 : i32
      %mul3A_101 = arith.constant 32 : i32
      %mul3A_102 = arith.muli %add3A_100, %mul3A_101 : i32
      %add3A_103 = arith.addi %mul3A_102, %add3A : i32
      %lt3A_104 = arith.constant 781 : i32
      %lt3A_105 = arith.cmpi slt, %add3A_103, %lt3A_104 : i32
      %convert_element_type3A_106 = arith.extui %lt3A_105 : i1 to i32
      %cond3A_107 = arith.constant 0 : i32
      %cond3A_108 = arith.cmpi ne, %convert_element_type3A_106, %cond3A_107 : i32
      scf.if %cond3A_108 {
        %mul3A_115 = arith.constant 256 : i32
        %mul3A_116 = arith.muli %add3A_103, %mul3A_115 : i32
        %dma_wait3A = arith.constant 0 : i32
        %dma_wait3A_117 = tpu.memref_slice %arg2[%dma_wait3A, %mul3A_116] : memref<128x200000xf32, #tpu.memory_space<hbm>> -> memref<128x256xf32, #tpu.memory_space<hbm>>
        %dma_wait3A_118 = arith.constant 0 : i32
        %dma_wait3A_119 = tpu.memref_slice %arg2[%dma_wait3A_118, %mul3A_116] : memref<128x200000xf32, #tpu.memory_space<hbm>> -> memref<128x256xf32, #tpu.memory_space<hbm>>
        tpu.wait_dma2 semaphore(%arg14 : memref<!tpu.dma_semaphore, #tpu.memory_space<semaphore_mem>>) src(%dma_wait3A_119 : memref<128x256xf32, #tpu.memory_space<hbm>>) dst(%arg7 : memref<128x256xf32, #tpu.memory_space<vmem>>)
        %broadcast_in_dim3A = arith.constant 0 : i32
        %broadcast_in_dim3A_120 = vector.broadcast %broadcast_in_dim3A : i32 to vector<16xi32>
        %add3A_121 = arith.constant 0 : i32
        %add3A_122 = vector.broadcast %add3A_121 : i32 to vector<16xi32>
        %add3A_123 = arith.addi %broadcast_in_dim3A_120, %add3A_122 : vector<16xi32>
        %scan3A_124 = arith.constant 0 : i32
        %scan3A_125 = arith.constant 0 : i32
        %scan3A_126 = arith.constant 16 : i32
        %scan3A_127 = arith.addi %scan3A_125, %scan3A_126 : i32
        %scan3A_128 = arith.constant 1 : i32
        %scan3A_129 = scf.for %scan3A_150 = %scan3A_125 to %scan3A_127 step %scan3A_128 iter_args(%scan3A_151 = %scan3A_124) -> (i32)  : i32 {
          %broadcast_in_dim3A_152 = arith.constant 0.000000e+00 : f32
          %broadcast_in_dim3A_153 = vector.broadcast %broadcast_in_dim3A_152 : f32 to vector<16xf32>
          %add3A_154 = arith.constant -1.000000e+00 : f32
          %add3A_155 = vector.broadcast %add3A_154 : f32 to vector<16xf32>
          %add3A_156 = arith.addf %broadcast_in_dim3A_153, %add3A_155 : vector<16xf32>
          %mul3A_157 = arith.constant 256 : i32
          %mul3A_158 = arith.muli %add3A_100, %mul3A_157 : i32
          %mul3A_159 = arith.constant 16 : i32
          %mul3A_160 = arith.muli %scan3A_150, %mul3A_159 : i32
          %add3A_161 = arith.addi %mul3A_158, %mul3A_160 : i32
          %swap3A = arith.index_cast %add3A_161 : i32 to index
          %swap3A_162 = tpu.vector_load %arg10[%swap3A] {strides = array<i32>} : memref<6400xf32, #tpu.memory_space<vmem>>, vector<16xf32>,
          tpu.vector_store %arg10[%swap3A], %add3A_156 {strides = array<i32>} : memref<6400xf32, #tpu.memory_space<vmem>>, vector<16xf32>,
          %mul3A_163 = arith.constant 16 : i32
          %mul3A_164 = arith.muli %scan3A_150, %mul3A_163 : i32
          %swap3A_165 = arith.index_cast %mul3A_164 : i32 to index
          %swap3A_166 = tpu.vector_load %arg12[%swap3A_165] {strides = array<i32>} : memref<256xi32, #tpu.memory_space<vmem>>, vector<16xi32>,
          tpu.vector_store %arg12[%swap3A_165], %add3A_123 {strides = array<i32>} : memref<256xi32, #tpu.memory_space<vmem>>, vector<16xi32>,
          %scan3A_167 = arith.constant 0 : i32
          scf.yield %scan3A_167 : i32
        }
        %scan3A_130 = arith.constant 16 : i32
        %broadcast_in_dim3A_131 = arith.constant 0 : i32
        %broadcast_in_dim3A_132 = vector.broadcast %broadcast_in_dim3A_131 : i32 to vector<16xi32>
        %add3A_133 = arith.constant 1 : i32
        %add3A_134 = vector.broadcast %add3A_133 : i32 to vector<16xi32>
        %add3A_135 = arith.addi %broadcast_in_dim3A_132, %add3A_134 : vector<16xi32>
        %scan3A_136 = arith.constant 0 : i32
        %scan3A_137 = arith.constant 0 : i32
        %scan3A_138 = arith.constant 16 : i32
        %scan3A_139 = arith.addi %scan3A_137, %scan3A_138 : i32
        %scan3A_140 = arith.constant 1 : i32
        %scan3A_141 = scf.for %scan3A_150 = %scan3A_137 to %scan3A_139 step %scan3A_140 iter_args(%scan3A_151 = %scan3A_136) -> (i32)  : i32 {
          %mul3A_152 = arith.constant 8 : i32
          %mul3A_153 = arith.muli %scan3A_150, %mul3A_152 : i32
          %broadcast_in_dim3A_154 = arith.constant 0 : i32
          %broadcast_in_dim3A_155 = vector.broadcast %broadcast_in_dim3A_154 : i32 to vector<16xi32>
          %add3A_156 = vector.broadcast %mul3A_153 : i32 to vector<16xi32>
          %add3A_157 = arith.addi %broadcast_in_dim3A_155, %add3A_156 : vector<16xi32>
          %add3A_158 = arith.constant 0 : i32
          %add3A_159 = arith.addi %mul3A_153, %add3A_158 : i32
          %mul3A_160 = arith.constant 16 : i32
          %mul3A_161 = arith.muli %add3A_159, %mul3A_160 : i32
          %get3A = arith.index_cast %mul3A_161 : i32 to index
          %get3A_162 = tpu.vector_load %arg9[%get3A] {strides = array<i32>} : memref<2048xf32, #tpu.memory_space<vmem>>, vector<16xf32>,
          %add3A_163 = arith.constant 1 : i32
          %add3A_164 = arith.addi %mul3A_153, %add3A_163 : i32
          %mul3A_165 = arith.constant 16 : i32
          %mul3A_166 = arith.muli %add3A_164, %mul3A_165 : i32
          %get3A_167 = arith.index_cast %mul3A_166 : i32 to index
          %get3A_168 = tpu.vector_load %arg9[%get3A_167] {strides = array<i32>} : memref<2048xf32, #tpu.memory_space<vmem>>, vector<16xf32>,
          %add3A_169 = arith.constant 2 : i32
          %add3A_170 = arith.addi %mul3A_153, %add3A_169 : i32
          %mul3A_171 = arith.constant 16 : i32
          %mul3A_172 = arith.muli %add3A_170, %mul3A_171 : i32
          %get3A_173 = arith.index_cast %mul3A_172 : i32 to index
          %get3A_174 = tpu.vector_load %arg9[%get3A_173] {strides = array<i32>} : memref<2048xf32, #tpu.memory_space<vmem>>, vector<16xf32>,
          %add3A_175 = arith.constant 3 : i32
          %add3A_176 = arith.addi %mul3A_153, %add3A_175 : i32
          %mul3A_177 = arith.constant 16 : i32
          %mul3A_178 = arith.muli %add3A_176, %mul3A_177 : i32
          %get3A_179 = arith.index_cast %mul3A_178 : i32 to index
          %get3A_180 = tpu.vector_load %arg9[%get3A_179] {strides = array<i32>} : memref<2048xf32, #tpu.memory_space<vmem>>, vector<16xf32>,
          %add3A_181 = arith.constant 4 : i32
          %add3A_182 = arith.addi %mul3A_153, %add3A_181 : i32
          %mul3A_183 = arith.constant 16 : i32
          %mul3A_184 = arith.muli %add3A_182, %mul3A_183 : i32
          %get3A_185 = arith.index_cast %mul3A_184 : i32 to index
          %get3A_186 = tpu.vector_load %arg9[%get3A_185] {strides = array<i32>} : memref<2048xf32, #tpu.memory_space<vmem>>, vector<16xf32>,
          %add3A_187 = arith.constant 5 : i32
          %add3A_188 = arith.addi %mul3A_153, %add3A_187 : i32
          %mul3A_189 = arith.constant 16 : i32
          %mul3A_190 = arith.muli %add3A_188, %mul3A_189 : i32
          %get3A_191 = arith.index_cast %mul3A_190 : i32 to index
          %get3A_192 = tpu.vector_load %arg9[%get3A_191] {strides = array<i32>} : memref<2048xf32, #tpu.memory_space<vmem>>, vector<16xf32>,
          %add3A_193 = arith.constant 6 : i32
          %add3A_194 = arith.addi %mul3A_153, %add3A_193 : i32
          %mul3A_195 = arith.constant 16 : i32
          %mul3A_196 = arith.muli %add3A_194, %mul3A_195 : i32
          %get3A_197 = arith.index_cast %mul3A_196 : i32 to index
          %get3A_198 = tpu.vector_load %arg9[%get3A_197] {strides = array<i32>} : memref<2048xf32, #tpu.memory_space<vmem>>, vector<16xf32>,
          %add3A_199 = arith.constant 7 : i32
          %add3A_200 = arith.addi %mul3A_153, %add3A_199 : i32
          %mul3A_201 = arith.constant 16 : i32
          %mul3A_202 = arith.muli %add3A_200, %mul3A_201 : i32
          %get3A_203 = arith.index_cast %mul3A_202 : i32 to index
          %get3A_204 = tpu.vector_load %arg9[%get3A_203] {strides = array<i32>} : memref<2048xf32, #tpu.memory_space<vmem>>, vector<16xf32>,
          %scan3A_205 = arith.constant 0 : i32
          %scan3A_206 = arith.constant 8 : i32
          %scan3A_207 = arith.addi %scan3A_205, %scan3A_206 : i32
          %scan3A_208 = arith.constant 1 : i32
          %scan3A_209:8 = scf.for %scan3A_259 = %scan3A_205 to %scan3A_207 step %scan3A_208 iter_args(%scan3A_260 = %get3A_162, %scan3A_261 = %get3A_168, %scan3A_262 = %get3A_174, %scan3A_263 = %get3A_180, %scan3A_264 = %get3A_186, %scan3A_265 = %get3A_192, %scan3A_266 = %get3A_198, %scan3A_267 = %get3A_204) -> (vector<16xf32>, vector<16xf32>, vector<16xf32>, vector<16xf32>, vector<16xf32>, vector<16xf32>, vector<16xf32>, vector<16xf32>)  : i32 {
            %mul3A_268 = arith.constant 2 : i32
            %mul3A_269 = arith.muli %scan3A_259, %mul3A_268 : i32
            %add3A_270 = arith.constant 0 : i32
            %add3A_271 = arith.addi %mul3A_269, %add3A_270 : i32
            %mul3A_272 = arith.constant 16 : i32
            %mul3A_273 = arith.muli %add3A_271, %mul3A_272 : i32
            %mul3A_274 = arith.constant 256 : i32
            %mul3A_275 = arith.muli %add3A_100, %mul3A_274 : i32
            %add3A_276 = arith.addi %mul3A_275, %mul3A_273 : i32
            %get3A_277 = arith.index_cast %add3A_276 : i32 to index
            %get3A_278 = tpu.vector_load %arg10[%get3A_277] {strides = array<i32>} : memref<6400xf32, #tpu.memory_space<vmem>>, vector<16xf32>,
            %get3A_279 = arith.index_cast %mul3A_273 : i32 to index
            %get3A_280 = tpu.vector_load %arg12[%get3A_279] {strides = array<i32>} : memref<256xi32, #tpu.memory_space<vmem>>, vector<16xi32>,
            %add3A_281 = arith.constant 0 : i32
            %add3A_282 = arith.addi %mul3A_153, %add3A_281 : i32
            %get3A_283 = arith.index_cast %add3A_282 : i32 to index
            %get3A_284 = arith.index_cast %mul3A_273 : i32 to index
            %get3A_285 = tpu.vector_load %arg7[%get3A_283, %get3A_284] {strides = array<i32>} : memref<128x256xf32, #tpu.memory_space<vmem>>, vector<16xf32>,
            %add3A_286 = arith.constant 1 : i32
            %add3A_287 = arith.addi %mul3A_153, %add3A_286 : i32
            %get3A_288 = arith.index_cast %add3A_287 : i32 to index
            %get3A_289 = arith.index_cast %mul3A_273 : i32 to index
            %get3A_290 = tpu.vector_load %arg7[%get3A_288, %get3A_289] {strides = array<i32>} : memref<128x256xf32, #tpu.memory_space<vmem>>, vector<16xf32>,
            %add3A_291 = arith.constant 2 : i32
            %add3A_292 = arith.addi %mul3A_153, %add3A_291 : i32
            %get3A_293 = arith.index_cast %add3A_292 : i32 to index
            %get3A_294 = arith.index_cast %mul3A_273 : i32 to index
            %get3A_295 = tpu.vector_load %arg7[%get3A_293, %get3A_294] {strides = array<i32>} : memref<128x256xf32, #tpu.memory_space<vmem>>, vector<16xf32>,
            %add3A_296 = arith.constant 3 : i32
            %add3A_297 = arith.addi %mul3A_153, %add3A_296 : i32
            %get3A_298 = arith.index_cast %add3A_297 : i32 to index
            %get3A_299 = arith.index_cast %mul3A_273 : i32 to index
            %get3A_300 = tpu.vector_load %arg7[%get3A_298, %get3A_299] {strides = array<i32>} : memref<128x256xf32, #tpu.memory_space<vmem>>, vector<16xf32>,
            %add3A_301 = arith.constant 4 : i32
            %add3A_302 = arith.addi %mul3A_153, %add3A_301 : i32
            %get3A_303 = arith.index_cast %add3A_302 : i32 to index
            %get3A_304 = arith.index_cast %mul3A_273 : i32 to index
            %get3A_305 = tpu.vector_load %arg7[%get3A_303, %get3A_304] {strides = array<i32>} : memref<128x256xf32, #tpu.memory_space<vmem>>, vector<16xf32>,
            %add3A_306 = arith.constant 5 : i32
            %add3A_307 = arith.addi %mul3A_153, %add3A_306 : i32
            %get3A_308 = arith.index_cast %add3A_307 : i32 to index
            %get3A_309 = arith.index_cast %mul3A_273 : i32 to index
            %get3A_310 = tpu.vector_load %arg7[%get3A_308, %get3A_309] {strides = array<i32>} : memref<128x256xf32, #tpu.memory_space<vmem>>, vector<16xf32>,
            %add3A_311 = arith.constant 6 : i32
            %add3A_312 = arith.addi %mul3A_153, %add3A_311 : i32
            %get3A_313 = arith.index_cast %add3A_312 : i32 to index
            %get3A_314 = arith.index_cast %mul3A_273 : i32 to index
            %get3A_315 = tpu.vector_load %arg7[%get3A_313, %get3A_314] {strides = array<i32>} : memref<128x256xf32, #tpu.memory_space<vmem>>, vector<16xf32>,
            %add3A_316 = arith.constant 7 : i32
            %add3A_317 = arith.addi %mul3A_153, %add3A_316 : i32
            %get3A_318 = arith.index_cast %add3A_317 : i32 to index
            %get3A_319 = arith.index_cast %mul3A_273 : i32 to index
            %get3A_320 = tpu.vector_load %arg7[%get3A_318, %get3A_319] {strides = array<i32>} : memref<128x256xf32, #tpu.memory_space<vmem>>, vector<16xf32>,
            %gt3A = arith.cmpf ogt, %get3A_290, %get3A_285 : vector<16xf32>
            %max3A = arith.maximumf %get3A_285, %get3A_290 : vector<16xf32>
            %select_n3A = arith.select %gt3A, %add3A_135, %add3A_123 : vector<16xi1>, vector<16xi32>
            %gt3A_321 = arith.cmpf ogt, %get3A_300, %get3A_295 : vector<16xf32>
            %max3A_322 = arith.maximumf %get3A_295, %get3A_300 : vector<16xf32>
            %select_n3A_323 = arith.select %gt3A_321, %add3A_135, %add3A_123 : vector<16xi1>, vector<16xi32>
            %gt3A_324 = arith.cmpf ogt, %get3A_310, %get3A_305 : vector<16xf32>
            %max3A_325 = arith.maximumf %get3A_305, %get3A_310 : vector<16xf32>
            %select_n3A_326 = arith.select %gt3A_324, %add3A_135, %add3A_123 : vector<16xi1>, vector<16xi32>
            %gt3A_327 = arith.cmpf ogt, %get3A_320, %get3A_315 : vector<16xf32>
            %max3A_328 = arith.maximumf %get3A_315, %get3A_320 : vector<16xf32>
            %select_n3A_329 = arith.select %gt3A_327, %add3A_135, %add3A_123 : vector<16xi1>, vector<16xi32>
            %gt3A_330 = arith.cmpf ogt, %max3A_322, %max3A : vector<16xf32>
            %max3A_331 = arith.maximumf %max3A, %max3A_322 : vector<16xf32>
            %add3A_332 = arith.constant 2 : i32
            %add3A_333 = vector.broadcast %add3A_332 : i32 to vector<16xi32>
            %add3A_334 = arith.addi %select_n3A_323, %add3A_333 : vector<16xi32>
            %select_n3A_335 = arith.select %gt3A_330, %add3A_334, %select_n3A : vector<16xi1>, vector<16xi32>
            %gt3A_336 = arith.cmpf ogt, %max3A_328, %max3A_325 : vector<16xf32>
            %max3A_337 = arith.maximumf %max3A_325, %max3A_328 : vector<16xf32>
            %add3A_338 = arith.constant 2 : i32
            %add3A_339 = vector.broadcast %add3A_338 : i32 to vector<16xi32>
            %add3A_340 = arith.addi %select_n3A_329, %add3A_339 : vector<16xi32>
            %select_n3A_341 = arith.select %gt3A_336, %add3A_340, %select_n3A_326 : vector<16xi1>, vector<16xi32>
            %gt3A_342 = arith.cmpf ogt, %max3A_337, %max3A_331 : vector<16xf32>
            %max3A_343 = arith.maximumf %max3A_331, %max3A_337 : vector<16xf32>
            %add3A_344 = arith.constant 4 : i32
            %add3A_345 = vector.broadcast %add3A_344 : i32 to vector<16xi32>
            %add3A_346 = arith.addi %select_n3A_341, %add3A_345 : vector<16xi32>
            %select_n3A_347 = arith.select %gt3A_342, %add3A_346, %select_n3A_335 : vector<16xi1>, vector<16xi32>
            %gt3A_348 = arith.cmpf ogt, %max3A_343, %get3A_278 : vector<16xf32>
            %max3A_349 = arith.maximumf %get3A_278, %max3A_343 : vector<16xf32>
            %mul3A_350 = arith.constant 256 : i32
            %mul3A_351 = arith.muli %add3A_100, %mul3A_350 : i32
            %add3A_352 = arith.addi %mul3A_351, %mul3A_273 : i32
            %swap3A_353 = arith.index_cast %add3A_352 : i32 to index
            %swap3A_354 = tpu.vector_load %arg10[%swap3A_353] {strides = array<i32>} : memref<6400xf32, #tpu.memory_space<vmem>>, vector<16xf32>,
            tpu.vector_store %arg10[%swap3A_353], %max3A_349 {strides = array<i32>} : memref<6400xf32, #tpu.memory_space<vmem>>, vector<16xf32>,
            %add3A_355 = arith.addi %select_n3A_347, %add3A_157 : vector<16xi32>
            %select_n3A_356 = arith.select %gt3A_348, %add3A_355, %get3A_280 : vector<16xi1>, vector<16xi32>
            %swap3A_357 = arith.index_cast %mul3A_273 : i32 to index
            %swap3A_358 = tpu.vector_load %arg12[%swap3A_357] {strides = array<i32>} : memref<256xi32, #tpu.memory_space<vmem>>, vector<16xi32>,
            tpu.vector_store %arg12[%swap3A_357], %select_n3A_356 {strides = array<i32>} : memref<256xi32, #tpu.memory_space<vmem>>, vector<16xi32>,
            %max3A_359 = arith.maximumf %scan3A_260, %get3A_285 : vector<16xf32>
            %max3A_360 = arith.maximumf %scan3A_261, %get3A_290 : vector<16xf32>
            %max3A_361 = arith.maximumf %scan3A_262, %get3A_295 : vector<16xf32>
            %max3A_362 = arith.maximumf %scan3A_263, %get3A_300 : vector<16xf32>
            %max3A_363 = arith.maximumf %scan3A_264, %get3A_305 : vector<16xf32>
            %max3A_364 = arith.maximumf %scan3A_265, %get3A_310 : vector<16xf32>
            %max3A_365 = arith.maximumf %scan3A_266, %get3A_315 : vector<16xf32>
            %max3A_366 = arith.maximumf %scan3A_267, %get3A_320 : vector<16xf32>
            %mul3A_367 = arith.constant 2 : i32
            %mul3A_368 = arith.muli %scan3A_259, %mul3A_367 : i32
            %add3A_369 = arith.constant 1 : i32
            %add3A_370 = arith.addi %mul3A_368, %add3A_369 : i32
            %mul3A_371 = arith.constant 16 : i32
            %mul3A_372 = arith.muli %add3A_370, %mul3A_371 : i32
            %mul3A_373 = arith.constant 256 : i32
            %mul3A_374 = arith.muli %add3A_100, %mul3A_373 : i32
            %add3A_375 = arith.addi %mul3A_374, %mul3A_372 : i32
            %get3A_376 = arith.index_cast %add3A_375 : i32 to index
            %get3A_377 = tpu.vector_load %arg10[%get3A_376] {strides = array<i32>} : memref<6400xf32, #tpu.memory_space<vmem>>, vector<16xf32>,
            %get3A_378 = arith.index_cast %mul3A_372 : i32 to index
            %get3A_379 = tpu.vector_load %arg12[%get3A_378] {strides = array<i32>} : memref<256xi32, #tpu.memory_space<vmem>>, vector<16xi32>,
            %add3A_380 = arith.constant 0 : i32
            %add3A_381 = arith.addi %mul3A_153, %add3A_380 : i32
            %get3A_382 = arith.index_cast %add3A_381 : i32 to index
            %get3A_383 = arith.index_cast %mul3A_372 : i32 to index
            %get3A_384 = tpu.vector_load %arg7[%get3A_382, %get3A_383] {strides = array<i32>} : memref<128x256xf32, #tpu.memory_space<vmem>>, vector<16xf32>,
            %add3A_385 = arith.constant 1 : i32
            %add3A_386 = arith.addi %mul3A_153, %add3A_385 : i32
            %get3A_387 = arith.index_cast %add3A_386 : i32 to index
            %get3A_388 = arith.index_cast %mul3A_372 : i32 to index
            %get3A_389 = tpu.vector_load %arg7[%get3A_387, %get3A_388] {strides = array<i32>} : memref<128x256xf32, #tpu.memory_space<vmem>>, vector<16xf32>,
            %add3A_390 = arith.constant 2 : i32
            %add3A_391 = arith.addi %mul3A_153, %add3A_390 : i32
            %get3A_392 = arith.index_cast %add3A_391 : i32 to index
            %get3A_393 = arith.index_cast %mul3A_372 : i32 to index
            %get3A_394 = tpu.vector_load %arg7[%get3A_392, %get3A_393] {strides = array<i32>} : memref<128x256xf32, #tpu.memory_space<vmem>>, vector<16xf32>,
            %add3A_395 = arith.constant 3 : i32
            %add3A_396 = arith.addi %mul3A_153, %add3A_395 : i32
            %get3A_397 = arith.index_cast %add3A_396 : i32 to index
            %get3A_398 = arith.index_cast %mul3A_372 : i32 to index
            %get3A_399 = tpu.vector_load %arg7[%get3A_397, %get3A_398] {strides = array<i32>} : memref<128x256xf32, #tpu.memory_space<vmem>>, vector<16xf32>,
            %add3A_400 = arith.constant 4 : i32
            %add3A_401 = arith.addi %mul3A_153, %add3A_400 : i32
            %get3A_402 = arith.index_cast %add3A_401 : i32 to index
            %get3A_403 = arith.index_cast %mul3A_372 : i32 to index
            %get3A_404 = tpu.vector_load %arg7[%get3A_402, %get3A_403] {strides = array<i32>} : memref<128x256xf32, #tpu.memory_space<vmem>>, vector<16xf32>,
            %add3A_405 = arith.constant 5 : i32
            %add3A_406 = arith.addi %mul3A_153, %add3A_405 : i32
            %get3A_407 = arith.index_cast %add3A_406 : i32 to index
            %get3A_408 = arith.index_cast %mul3A_372 : i32 to index
            %get3A_409 = tpu.vector_load %arg7[%get3A_407, %get3A_408] {strides = array<i32>} : memref<128x256xf32, #tpu.memory_space<vmem>>, vector<16xf32>,
            %add3A_410 = arith.constant 6 : i32
            %add3A_411 = arith.addi %mul3A_153, %add3A_410 : i32
            %get3A_412 = arith.index_cast %add3A_411 : i32 to index
            %get3A_413 = arith.index_cast %mul3A_372 : i32 to index
            %get3A_414 = tpu.vector_load %arg7[%get3A_412, %get3A_413] {strides = array<i32>} : memref<128x256xf32, #tpu.memory_space<vmem>>, vector<16xf32>,
            %add3A_415 = arith.constant 7 : i32
            %add3A_416 = arith.addi %mul3A_153, %add3A_415 : i32
            %get3A_417 = arith.index_cast %add3A_416 : i32 to index
            %get3A_418 = arith.index_cast %mul3A_372 : i32 to index
            %get3A_419 = tpu.vector_load %arg7[%get3A_417, %get3A_418] {strides = array<i32>} : memref<128x256xf32, #tpu.memory_space<vmem>>, vector<16xf32>,
            %gt3A_420 = arith.cmpf ogt, %get3A_389, %get3A_384 : vector<16xf32>
            %max3A_421 = arith.maximumf %get3A_384, %get3A_389 : vector<16xf32>
            %select_n3A_422 = arith.select %gt3A_420, %add3A_135, %add3A_123 : vector<16xi1>, vector<16xi32>
            %gt3A_423 = arith.cmpf ogt, %get3A_399, %get3A_394 : vector<16xf32>
            %max3A_424 = arith.maximumf %get3A_394, %get3A_399 : vector<16xf32>
            %select_n3A_425 = arith.select %gt3A_423, %add3A_135, %add3A_123 : vector<16xi1>, vector<16xi32>
            %gt3A_426 = arith.cmpf ogt, %get3A_409, %get3A_404 : vector<16xf32>
            %max3A_427 = arith.maximumf %get3A_404, %get3A_409 : vector<16xf32>
            %select_n3A_428 = arith.select %gt3A_426, %add3A_135, %add3A_123 : vector<16xi1>, vector<16xi32>
            %gt3A_429 = arith.cmpf ogt, %get3A_419, %get3A_414 : vector<16xf32>
            %max3A_430 = arith.maximumf %get3A_414, %get3A_419 : vector<16xf32>
            %select_n3A_431 = arith.select %gt3A_429, %add3A_135, %add3A_123 : vector<16xi1>, vector<16xi32>
            %gt3A_432 = arith.cmpf ogt, %max3A_424, %max3A_421 : vector<16xf32>
            %max3A_433 = arith.maximumf %max3A_421, %max3A_424 : vector<16xf32>
            %add3A_434 = arith.constant 2 : i32
            %add3A_435 = vector.broadcast %add3A_434 : i32 to vector<16xi32>
            %add3A_436 = arith.addi %select_n3A_425, %add3A_435 : vector<16xi32>
            %select_n3A_437 = arith.select %gt3A_432, %add3A_436, %select_n3A_422 : vector<16xi1>, vector<16xi32>
            %gt3A_438 = arith.cmpf ogt, %max3A_430, %max3A_427 : vector<16xf32>
            %max3A_439 = arith.maximumf %max3A_427, %max3A_430 : vector<16xf32>
            %add3A_440 = arith.constant 2 : i32
            %add3A_441 = vector.broadcast %add3A_440 : i32 to vector<16xi32>
            %add3A_442 = arith.addi %select_n3A_431, %add3A_441 : vector<16xi32>
            %select_n3A_443 = arith.select %gt3A_438, %add3A_442, %select_n3A_428 : vector<16xi1>, vector<16xi32>
            %gt3A_444 = arith.cmpf ogt, %max3A_439, %max3A_433 : vector<16xf32>
            %max3A_445 = arith.maximumf %max3A_433, %max3A_439 : vector<16xf32>
            %add3A_446 = arith.constant 4 : i32
            %add3A_447 = vector.broadcast %add3A_446 : i32 to vector<16xi32>
            %add3A_448 = arith.addi %select_n3A_443, %add3A_447 : vector<16xi32>
            %select_n3A_449 = arith.select %gt3A_444, %add3A_448, %select_n3A_437 : vector<16xi1>, vector<16xi32>
            %gt3A_450 = arith.cmpf ogt, %max3A_445, %get3A_377 : vector<16xf32>
            %max3A_451 = arith.maximumf %get3A_377, %max3A_445 : vector<16xf32>
            %mul3A_452 = arith.constant 256 : i32
            %mul3A_453 = arith.muli %add3A_100, %mul3A_452 : i32
            %add3A_454 = arith.addi %mul3A_453, %mul3A_372 : i32
            %swap3A_455 = arith.index_cast %add3A_454 : i32 to index
            %swap3A_456 = tpu.vector_load %arg10[%swap3A_455] {strides = array<i32>} : memref<6400xf32, #tpu.memory_space<vmem>>, vector<16xf32>,
            tpu.vector_store %arg10[%swap3A_455], %max3A_451 {strides = array<i32>} : memref<6400xf32, #tpu.memory_space<vmem>>, vector<16xf32>,
            %add3A_457 = arith.addi %select_n3A_449, %add3A_157 : vector<16xi32>
            %select_n3A_458 = arith.select %gt3A_450, %add3A_457, %get3A_379 : vector<16xi1>, vector<16xi32>
            %swap3A_459 = arith.index_cast %mul3A_372 : i32 to index
            %swap3A_460 = tpu.vector_load %arg12[%swap3A_459] {strides = array<i32>} : memref<256xi32, #tpu.memory_space<vmem>>, vector<16xi32>,
            tpu.vector_store %arg12[%swap3A_459], %select_n3A_458 {strides = array<i32>} : memref<256xi32, #tpu.memory_space<vmem>>, vector<16xi32>,
            %max3A_461 = arith.maximumf %max3A_359, %get3A_384 : vector<16xf32>
            %max3A_462 = arith.maximumf %max3A_360, %get3A_389 : vector<16xf32>
            %max3A_463 = arith.maximumf %max3A_361, %get3A_394 : vector<16xf32>
            %max3A_464 = arith.maximumf %max3A_362, %get3A_399 : vector<16xf32>
            %max3A_465 = arith.maximumf %max3A_363, %get3A_404 : vector<16xf32>
            %max3A_466 = arith.maximumf %max3A_364, %get3A_409 : vector<16xf32>
            %max3A_467 = arith.maximumf %max3A_365, %get3A_414 : vector<16xf32>
            %max3A_468 = arith.maximumf %max3A_366, %get3A_419 : vector<16xf32>
            scf.yield %max3A_461, %max3A_462, %max3A_463, %max3A_464, %max3A_465, %max3A_466, %max3A_467, %max3A_468 : vector<16xf32>, vector<16xf32>, vector<16xf32>, vector<16xf32>, vector<16xf32>, vector<16xf32>, vector<16xf32>, vector<16xf32>
          }
          %scan3A_210 = arith.constant 8 : i32
          %add3A_211 = arith.constant 0 : i32
          %add3A_212 = arith.addi %mul3A_153, %add3A_211 : i32
          %mul3A_213 = arith.constant 16 : i32
          %mul3A_214 = arith.muli %add3A_212, %mul3A_213 : i32
          %swap3A = arith.index_cast %mul3A_214 : i32 to index
          %swap3A_215 = tpu.vector_load %arg9[%swap3A] {strides = array<i32>} : memref<2048xf32, #tpu.memory_space<vmem>>, vector<16xf32>,
          tpu.vector_store %arg9[%swap3A], %scan3A_209#0 {strides = array<i32>} : memref<2048xf32, #tpu.memory_space<vmem>>, vector<16xf32>,
          %add3A_216 = arith.constant 1 : i32
          %add3A_217 = arith.addi %mul3A_153, %add3A_216 : i32
          %mul3A_218 = arith.constant 16 : i32
          %mul3A_219 = arith.muli %add3A_217, %mul3A_218 : i32
          %swap3A_220 = arith.index_cast %mul3A_219 : i32 to index
          %swap3A_221 = tpu.vector_load %arg9[%swap3A_220] {strides = array<i32>} : memref<2048xf32, #tpu.memory_space<vmem>>, vector<16xf32>,
          tpu.vector_store %arg9[%swap3A_220], %scan3A_209#1 {strides = array<i32>} : memref<2048xf32, #tpu.memory_space<vmem>>, vector<16xf32>,
          %add3A_222 = arith.constant 2 : i32
          %add3A_223 = arith.addi %mul3A_153, %add3A_222 : i32
          %mul3A_224 = arith.constant 16 : i32
          %mul3A_225 = arith.muli %add3A_223, %mul3A_224 : i32
          %swap3A_226 = arith.index_cast %mul3A_225 : i32 to index
          %swap3A_227 = tpu.vector_load %arg9[%swap3A_226] {strides = array<i32>} : memref<2048xf32, #tpu.memory_space<vmem>>, vector<16xf32>,
          tpu.vector_store %arg9[%swap3A_226], %scan3A_209#2 {strides = array<i32>} : memref<2048xf32, #tpu.memory_space<vmem>>, vector<16xf32>,
          %add3A_228 = arith.constant 3 : i32
          %add3A_229 = arith.addi %mul3A_153, %add3A_228 : i32
          %mul3A_230 = arith.constant 16 : i32
          %mul3A_231 = arith.muli %add3A_229, %mul3A_230 : i32
          %swap3A_232 = arith.index_cast %mul3A_231 : i32 to index
          %swap3A_233 = tpu.vector_load %arg9[%swap3A_232] {strides = array<i32>} : memref<2048xf32, #tpu.memory_space<vmem>>, vector<16xf32>,
          tpu.vector_store %arg9[%swap3A_232], %scan3A_209#3 {strides = array<i32>} : memref<2048xf32, #tpu.memory_space<vmem>>, vector<16xf32>,
          %add3A_234 = arith.constant 4 : i32
          %add3A_235 = arith.addi %mul3A_153, %add3A_234 : i32
          %mul3A_236 = arith.constant 16 : i32
          %mul3A_237 = arith.muli %add3A_235, %mul3A_236 : i32
          %swap3A_238 = arith.index_cast %mul3A_237 : i32 to index
          %swap3A_239 = tpu.vector_load %arg9[%swap3A_238] {strides = array<i32>} : memref<2048xf32, #tpu.memory_space<vmem>>, vector<16xf32>,
          tpu.vector_store %arg9[%swap3A_238], %scan3A_209#4 {strides = array<i32>} : memref<2048xf32, #tpu.memory_space<vmem>>, vector<16xf32>,
          %add3A_240 = arith.constant 5 : i32
          %add3A_241 = arith.addi %mul3A_153, %add3A_240 : i32
          %mul3A_242 = arith.constant 16 : i32
          %mul3A_243 = arith.muli %add3A_241, %mul3A_242 : i32
          %swap3A_244 = arith.index_cast %mul3A_243 : i32 to index
          %swap3A_245 = tpu.vector_load %arg9[%swap3A_244] {strides = array<i32>} : memref<2048xf32, #tpu.memory_space<vmem>>, vector<16xf32>,
          tpu.vector_store %arg9[%swap3A_244], %scan3A_209#5 {strides = array<i32>} : memref<2048xf32, #tpu.memory_space<vmem>>, vector<16xf32>,
          %add3A_246 = arith.constant 6 : i32
          %add3A_247 = arith.addi %mul3A_153, %add3A_246 : i32
          %mul3A_248 = arith.constant 16 : i32
          %mul3A_249 = arith.muli %add3A_247, %mul3A_248 : i32
          %swap3A_250 = arith.index_cast %mul3A_249 : i32 to index
          %swap3A_251 = tpu.vector_load %arg9[%swap3A_250] {strides = array<i32>} : memref<2048xf32, #tpu.memory_space<vmem>>, vector<16xf32>,
          tpu.vector_store %arg9[%swap3A_250], %scan3A_209#6 {strides = array<i32>} : memref<2048xf32, #tpu.memory_space<vmem>>, vector<16xf32>,
          %add3A_252 = arith.constant 7 : i32
          %add3A_253 = arith.addi %mul3A_153, %add3A_252 : i32
          %mul3A_254 = arith.constant 16 : i32
          %mul3A_255 = arith.muli %add3A_253, %mul3A_254 : i32
          %swap3A_256 = arith.index_cast %mul3A_255 : i32 to index
          %swap3A_257 = tpu.vector_load %arg9[%swap3A_256] {strides = array<i32>} : memref<2048xf32, #tpu.memory_space<vmem>>, vector<16xf32>,
          tpu.vector_store %arg9[%swap3A_256], %scan3A_209#7 {strides = array<i32>} : memref<2048xf32, #tpu.memory_space<vmem>>, vector<16xf32>,
          %scan3A_258 = arith.constant 0 : i32
          scf.yield %scan3A_258 : i32
        }
        %scan3A_142 = arith.constant 16 : i32
        %scan3A_143 = arith.constant 0 : i32
        %scan3A_144 = arith.constant 0 : i32
        %scan3A_145 = arith.constant 16 : i32
        %scan3A_146 = arith.addi %scan3A_144, %scan3A_145 : i32
        %scan3A_147 = arith.constant 1 : i32
        %scan3A_148 = scf.for %scan3A_150 = %scan3A_144 to %scan3A_146 step %scan3A_147 iter_args(%scan3A_151 = %scan3A_143) -> (i32)  : i32 {
          %mul3A_152 = arith.constant 16 : i32
          %mul3A_153 = arith.muli %scan3A_150, %mul3A_152 : i32
          %mul3A_154 = arith.constant 256 : i32
          %mul3A_155 = arith.muli %add3A_100, %mul3A_154 : i32
          %add3A_156 = arith.addi %mul3A_155, %mul3A_153 : i32
          %get3A = arith.index_cast %add3A_156 : i32 to index
          %get3A_157 = tpu.vector_load %arg10[%get3A] {strides = array<i32>} : memref<6400xf32, #tpu.memory_space<vmem>>, vector<16xf32>,
          %get3A_158 = arith.index_cast %mul3A_153 : i32 to index
          %get3A_159 = tpu.vector_load %arg12[%get3A_158] {strides = array<i32>} : memref<256xi32, #tpu.memory_space<vmem>>, vector<16xi32>,
          %lt3A_160 = arith.constant 4.000000e-01 : f32
          %lt3A_161 = vector.broadcast %lt3A_160 : f32 to vector<16xf32>
          %lt3A_162 = arith.cmpf olt, %get3A_157, %lt3A_161 : vector<16xf32>
          %gt3A = arith.constant 5.000000e-01 : f32
          %gt3A_163 = vector.broadcast %gt3A : f32 to vector<16xf32>
          %gt3A_164 = arith.cmpf ogt, %get3A_157, %gt3A_163 : vector<16xf32>
          %lt3A_165 = arith.constant 8.000000e-01 : f32
          %lt3A_166 = vector.broadcast %lt3A_165 : f32 to vector<16xf32>
          %lt3A_167 = arith.cmpf olt, %get3A_157, %lt3A_166 : vector<16xf32>
          %and3A = arith.andi %gt3A_164, %lt3A_167 : vector<16xi1>
          %broadcast_in_dim3A_168 = arith.constant 0 : i32
          %broadcast_in_dim3A_169 = vector.broadcast %broadcast_in_dim3A_168 : i32 to vector<16xi32>
          %add3A_170 = arith.constant -1 : i32
          %add3A_171 = vector.broadcast %add3A_170 : i32 to vector<16xi32>
          %add3A_172 = arith.addi %broadcast_in_dim3A_169, %add3A_171 : vector<16xi32>
          %select_n3A = arith.select %lt3A_162, %add3A_123, %add3A_172 : vector<16xi1>, vector<16xi32>
          %add3A_173 = arith.constant 1 : i32
          %add3A_174 = vector.broadcast %add3A_173 : i32 to vector<16xi32>
          %add3A_175 = arith.addi %get3A_159, %add3A_174 : vector<16xi32>
          %select_n3A_176 = arith.select %and3A, %add3A_175, %select_n3A : vector<16xi1>, vector<16xi32>
          %mul3A_177 = arith.constant 256 : i32
          %mul3A_178 = arith.muli %add3A_100, %mul3A_177 : i32
          %add3A_179 = arith.addi %mul3A_178, %mul3A_153 : i32
          %swap3A = arith.index_cast %add3A_179 : i32 to index
          %swap3A_180 = tpu.vector_load %arg11[%swap3A] {strides = array<i32>} : memref<6400xi32, #tpu.memory_space<vmem>>, vector<16xi32>,
          tpu.vector_store %arg11[%swap3A], %select_n3A_176 {strides = array<i32>} : memref<6400xi32, #tpu.memory_space<vmem>>, vector<16xi32>,
          %scan3A_181 = arith.constant 0 : i32
          scf.yield %scan3A_181 : i32
        }
        %scan3A_149 = arith.constant 16 : i32
      } else {
      }
      %eq3A_109 = arith.constant 781 : i32
      %eq3A_110 = arith.cmpi eq, %add3A_103, %eq3A_109 : i32
      %convert_element_type3A_111 = arith.extui %eq3A_110 : i1 to i32
      %cond3A_112 = arith.constant 0 : i32
      %cond3A_113 = arith.cmpi ne, %convert_element_type3A_111, %cond3A_112 : i32
      scf.if %cond3A_113 {
        %dma_wait3A = arith.constant 0 : i32
        %dma_wait3A_115 = arith.constant 199936 : i32
        %dma_wait3A_116 = tpu.memref_slice %arg2[%dma_wait3A, %dma_wait3A_115] : memref<128x200000xf32, #tpu.memory_space<hbm>> -> memref<128x64xf32, #tpu.memory_space<hbm>>
        %dma_wait3A_117 = arith.constant 0 : i32
        %dma_wait3A_118 = arith.constant 199936 : i32
        %dma_wait3A_119 = tpu.memref_slice %arg2[%dma_wait3A_117, %dma_wait3A_118] : memref<128x200000xf32, #tpu.memory_space<hbm>> -> memref<128x64xf32, #tpu.memory_space<hbm>>
        tpu.wait_dma2 semaphore(%arg14 : memref<!tpu.dma_semaphore, #tpu.memory_space<semaphore_mem>>) src(%dma_wait3A_119 : memref<128x64xf32, #tpu.memory_space<hbm>>) dst(%arg8 : memref<128x64xf32, #tpu.memory_space<vmem>>)
        %broadcast_in_dim3A = arith.constant 0 : i32
        %broadcast_in_dim3A_120 = vector.broadcast %broadcast_in_dim3A : i32 to vector<16xi32>
        %add3A_121 = arith.constant 0 : i32
        %add3A_122 = vector.broadcast %add3A_121 : i32 to vector<16xi32>
        %add3A_123 = arith.addi %broadcast_in_dim3A_120, %add3A_122 : vector<16xi32>
        %scan3A_124 = arith.constant 0 : i32
        %scan3A_125 = arith.constant 0 : i32
        %scan3A_126 = arith.constant 4 : i32
        %scan3A_127 = arith.addi %scan3A_125, %scan3A_126 : i32
        %scan3A_128 = arith.constant 1 : i32
        %scan3A_129 = scf.for %scan3A_150 = %scan3A_125 to %scan3A_127 step %scan3A_128 iter_args(%scan3A_151 = %scan3A_124) -> (i32)  : i32 {
          %broadcast_in_dim3A_152 = arith.constant 0.000000e+00 : f32
          %broadcast_in_dim3A_153 = vector.broadcast %broadcast_in_dim3A_152 : f32 to vector<16xf32>
          %add3A_154 = arith.constant -1.000000e+00 : f32
          %add3A_155 = vector.broadcast %add3A_154 : f32 to vector<16xf32>
          %add3A_156 = arith.addf %broadcast_in_dim3A_153, %add3A_155 : vector<16xf32>
          %mul3A_157 = arith.constant 256 : i32
          %mul3A_158 = arith.muli %add3A_100, %mul3A_157 : i32
          %mul3A_159 = arith.constant 16 : i32
          %mul3A_160 = arith.muli %scan3A_150, %mul3A_159 : i32
          %add3A_161 = arith.addi %mul3A_158, %mul3A_160 : i32
          %swap3A = arith.index_cast %add3A_161 : i32 to index
          %swap3A_162 = tpu.vector_load %arg10[%swap3A] {strides = array<i32>} : memref<6400xf32, #tpu.memory_space<vmem>>, vector<16xf32>,
          tpu.vector_store %arg10[%swap3A], %add3A_156 {strides = array<i32>} : memref<6400xf32, #tpu.memory_space<vmem>>, vector<16xf32>,
          %mul3A_163 = arith.constant 16 : i32
          %mul3A_164 = arith.muli %scan3A_150, %mul3A_163 : i32
          %swap3A_165 = arith.index_cast %mul3A_164 : i32 to index
          %swap3A_166 = tpu.vector_load %arg12[%swap3A_165] {strides = array<i32>} : memref<256xi32, #tpu.memory_space<vmem>>, vector<16xi32>,
          tpu.vector_store %arg12[%swap3A_165], %add3A_123 {strides = array<i32>} : memref<256xi32, #tpu.memory_space<vmem>>, vector<16xi32>,
          %scan3A_167 = arith.constant 0 : i32
          scf.yield %scan3A_167 : i32
        }
        %scan3A_130 = arith.constant 4 : i32
        %broadcast_in_dim3A_131 = arith.constant 0 : i32
        %broadcast_in_dim3A_132 = vector.broadcast %broadcast_in_dim3A_131 : i32 to vector<16xi32>
        %add3A_133 = arith.constant 1 : i32
        %add3A_134 = vector.broadcast %add3A_133 : i32 to vector<16xi32>
        %add3A_135 = arith.addi %broadcast_in_dim3A_132, %add3A_134 : vector<16xi32>
        %scan3A_136 = arith.constant 0 : i32
        %scan3A_137 = arith.constant 0 : i32
        %scan3A_138 = arith.constant 16 : i32
        %scan3A_139 = arith.addi %scan3A_137, %scan3A_138 : i32
        %scan3A_140 = arith.constant 1 : i32
        %scan3A_141 = scf.for %scan3A_150 = %scan3A_137 to %scan3A_139 step %scan3A_140 iter_args(%scan3A_151 = %scan3A_136) -> (i32)  : i32 {
          %mul3A_152 = arith.constant 8 : i32
          %mul3A_153 = arith.muli %scan3A_150, %mul3A_152 : i32
          %broadcast_in_dim3A_154 = arith.constant 0 : i32
          %broadcast_in_dim3A_155 = vector.broadcast %broadcast_in_dim3A_154 : i32 to vector<16xi32>
          %add3A_156 = vector.broadcast %mul3A_153 : i32 to vector<16xi32>
          %add3A_157 = arith.addi %broadcast_in_dim3A_155, %add3A_156 : vector<16xi32>
          %add3A_158 = arith.constant 0 : i32
          %add3A_159 = arith.addi %mul3A_153, %add3A_158 : i32
          %mul3A_160 = arith.constant 16 : i32
          %mul3A_161 = arith.muli %add3A_159, %mul3A_160 : i32
          %get3A = arith.index_cast %mul3A_161 : i32 to index
          %get3A_162 = tpu.vector_load %arg9[%get3A] {strides = array<i32>} : memref<2048xf32, #tpu.memory_space<vmem>>, vector<16xf32>,
          %add3A_163 = arith.constant 1 : i32
          %add3A_164 = arith.addi %mul3A_153, %add3A_163 : i32
          %mul3A_165 = arith.constant 16 : i32
          %mul3A_166 = arith.muli %add3A_164, %mul3A_165 : i32
          %get3A_167 = arith.index_cast %mul3A_166 : i32 to index
          %get3A_168 = tpu.vector_load %arg9[%get3A_167] {strides = array<i32>} : memref<2048xf32, #tpu.memory_space<vmem>>, vector<16xf32>,
          %add3A_169 = arith.constant 2 : i32
          %add3A_170 = arith.addi %mul3A_153, %add3A_169 : i32
          %mul3A_171 = arith.constant 16 : i32
          %mul3A_172 = arith.muli %add3A_170, %mul3A_171 : i32
          %get3A_173 = arith.index_cast %mul3A_172 : i32 to index
          %get3A_174 = tpu.vector_load %arg9[%get3A_173] {strides = array<i32>} : memref<2048xf32, #tpu.memory_space<vmem>>, vector<16xf32>,
          %add3A_175 = arith.constant 3 : i32
          %add3A_176 = arith.addi %mul3A_153, %add3A_175 : i32
          %mul3A_177 = arith.constant 16 : i32
          %mul3A_178 = arith.muli %add3A_176, %mul3A_177 : i32
          %get3A_179 = arith.index_cast %mul3A_178 : i32 to index
          %get3A_180 = tpu.vector_load %arg9[%get3A_179] {strides = array<i32>} : memref<2048xf32, #tpu.memory_space<vmem>>, vector<16xf32>,
          %add3A_181 = arith.constant 4 : i32
          %add3A_182 = arith.addi %mul3A_153, %add3A_181 : i32
          %mul3A_183 = arith.constant 16 : i32
          %mul3A_184 = arith.muli %add3A_182, %mul3A_183 : i32
          %get3A_185 = arith.index_cast %mul3A_184 : i32 to index
          %get3A_186 = tpu.vector_load %arg9[%get3A_185] {strides = array<i32>} : memref<2048xf32, #tpu.memory_space<vmem>>, vector<16xf32>,
          %add3A_187 = arith.constant 5 : i32
          %add3A_188 = arith.addi %mul3A_153, %add3A_187 : i32
          %mul3A_189 = arith.constant 16 : i32
          %mul3A_190 = arith.muli %add3A_188, %mul3A_189 : i32
          %get3A_191 = arith.index_cast %mul3A_190 : i32 to index
          %get3A_192 = tpu.vector_load %arg9[%get3A_191] {strides = array<i32>} : memref<2048xf32, #tpu.memory_space<vmem>>, vector<16xf32>,
          %add3A_193 = arith.constant 6 : i32
          %add3A_194 = arith.addi %mul3A_153, %add3A_193 : i32
          %mul3A_195 = arith.constant 16 : i32
          %mul3A_196 = arith.muli %add3A_194, %mul3A_195 : i32
          %get3A_197 = arith.index_cast %mul3A_196 : i32 to index
          %get3A_198 = tpu.vector_load %arg9[%get3A_197] {strides = array<i32>} : memref<2048xf32, #tpu.memory_space<vmem>>, vector<16xf32>,
          %add3A_199 = arith.constant 7 : i32
          %add3A_200 = arith.addi %mul3A_153, %add3A_199 : i32
          %mul3A_201 = arith.constant 16 : i32
          %mul3A_202 = arith.muli %add3A_200, %mul3A_201 : i32
          %get3A_203 = arith.index_cast %mul3A_202 : i32 to index
          %get3A_204 = tpu.vector_load %arg9[%get3A_203] {strides = array<i32>} : memref<2048xf32, #tpu.memory_space<vmem>>, vector<16xf32>,
          %scan3A_205 = arith.constant 0 : i32
          %scan3A_206 = arith.constant 2 : i32
          %scan3A_207 = arith.addi %scan3A_205, %scan3A_206 : i32
          %scan3A_208 = arith.constant 1 : i32
          %scan3A_209:8 = scf.for %scan3A_259 = %scan3A_205 to %scan3A_207 step %scan3A_208 iter_args(%scan3A_260 = %get3A_162, %scan3A_261 = %get3A_168, %scan3A_262 = %get3A_174, %scan3A_263 = %get3A_180, %scan3A_264 = %get3A_186, %scan3A_265 = %get3A_192, %scan3A_266 = %get3A_198, %scan3A_267 = %get3A_204) -> (vector<16xf32>, vector<16xf32>, vector<16xf32>, vector<16xf32>, vector<16xf32>, vector<16xf32>, vector<16xf32>, vector<16xf32>)  : i32 {
            %mul3A_268 = arith.constant 2 : i32
            %mul3A_269 = arith.muli %scan3A_259, %mul3A_268 : i32
            %add3A_270 = arith.constant 0 : i32
            %add3A_271 = arith.addi %mul3A_269, %add3A_270 : i32
            %mul3A_272 = arith.constant 16 : i32
            %mul3A_273 = arith.muli %add3A_271, %mul3A_272 : i32
            %mul3A_274 = arith.constant 256 : i32
            %mul3A_275 = arith.muli %add3A_100, %mul3A_274 : i32
            %add3A_276 = arith.addi %mul3A_275, %mul3A_273 : i32
            %get3A_277 = arith.index_cast %add3A_276 : i32 to index
            %get3A_278 = tpu.vector_load %arg10[%get3A_277] {strides = array<i32>} : memref<6400xf32, #tpu.memory_space<vmem>>, vector<16xf32>,
            %get3A_279 = arith.index_cast %mul3A_273 : i32 to index
            %get3A_280 = tpu.vector_load %arg12[%get3A_279] {strides = array<i32>} : memref<256xi32, #tpu.memory_space<vmem>>, vector<16xi32>,
            %add3A_281 = arith.constant 0 : i32
            %add3A_282 = arith.addi %mul3A_153, %add3A_281 : i32
            %get3A_283 = arith.index_cast %add3A_282 : i32 to index
            %get3A_284 = arith.index_cast %mul3A_273 : i32 to index
            %get3A_285 = tpu.vector_load %arg8[%get3A_283, %get3A_284] {strides = array<i32>} : memref<128x64xf32, #tpu.memory_space<vmem>>, vector<16xf32>,
            %add3A_286 = arith.constant 1 : i32
            %add3A_287 = arith.addi %mul3A_153, %add3A_286 : i32
            %get3A_288 = arith.index_cast %add3A_287 : i32 to index
            %get3A_289 = arith.index_cast %mul3A_273 : i32 to index
            %get3A_290 = tpu.vector_load %arg8[%get3A_288, %get3A_289] {strides = array<i32>} : memref<128x64xf32, #tpu.memory_space<vmem>>, vector<16xf32>,
            %add3A_291 = arith.constant 2 : i32
            %add3A_292 = arith.addi %mul3A_153, %add3A_291 : i32
            %get3A_293 = arith.index_cast %add3A_292 : i32 to index
            %get3A_294 = arith.index_cast %mul3A_273 : i32 to index
            %get3A_295 = tpu.vector_load %arg8[%get3A_293, %get3A_294] {strides = array<i32>} : memref<128x64xf32, #tpu.memory_space<vmem>>, vector<16xf32>,
            %add3A_296 = arith.constant 3 : i32
            %add3A_297 = arith.addi %mul3A_153, %add3A_296 : i32
            %get3A_298 = arith.index_cast %add3A_297 : i32 to index
            %get3A_299 = arith.index_cast %mul3A_273 : i32 to index
            %get3A_300 = tpu.vector_load %arg8[%get3A_298, %get3A_299] {strides = array<i32>} : memref<128x64xf32, #tpu.memory_space<vmem>>, vector<16xf32>,
            %add3A_301 = arith.constant 4 : i32
            %add3A_302 = arith.addi %mul3A_153, %add3A_301 : i32
            %get3A_303 = arith.index_cast %add3A_302 : i32 to index
            %get3A_304 = arith.index_cast %mul3A_273 : i32 to index
            %get3A_305 = tpu.vector_load %arg8[%get3A_303, %get3A_304] {strides = array<i32>} : memref<128x64xf32, #tpu.memory_space<vmem>>, vector<16xf32>,
            %add3A_306 = arith.constant 5 : i32
            %add3A_307 = arith.addi %mul3A_153, %add3A_306 : i32
            %get3A_308 = arith.index_cast %add3A_307 : i32 to index
            %get3A_309 = arith.index_cast %mul3A_273 : i32 to index
            %get3A_310 = tpu.vector_load %arg8[%get3A_308, %get3A_309] {strides = array<i32>} : memref<128x64xf32, #tpu.memory_space<vmem>>, vector<16xf32>,
            %add3A_311 = arith.constant 6 : i32
            %add3A_312 = arith.addi %mul3A_153, %add3A_311 : i32
            %get3A_313 = arith.index_cast %add3A_312 : i32 to index
            %get3A_314 = arith.index_cast %mul3A_273 : i32 to index
            %get3A_315 = tpu.vector_load %arg8[%get3A_313, %get3A_314] {strides = array<i32>} : memref<128x64xf32, #tpu.memory_space<vmem>>, vector<16xf32>,
            %add3A_316 = arith.constant 7 : i32
            %add3A_317 = arith.addi %mul3A_153, %add3A_316 : i32
            %get3A_318 = arith.index_cast %add3A_317 : i32 to index
            %get3A_319 = arith.index_cast %mul3A_273 : i32 to index
            %get3A_320 = tpu.vector_load %arg8[%get3A_318, %get3A_319] {strides = array<i32>} : memref<128x64xf32, #tpu.memory_space<vmem>>, vector<16xf32>,
            %gt3A = arith.cmpf ogt, %get3A_290, %get3A_285 : vector<16xf32>
            %max3A = arith.maximumf %get3A_285, %get3A_290 : vector<16xf32>
            %select_n3A = arith.select %gt3A, %add3A_135, %add3A_123 : vector<16xi1>, vector<16xi32>
            %gt3A_321 = arith.cmpf ogt, %get3A_300, %get3A_295 : vector<16xf32>
            %max3A_322 = arith.maximumf %get3A_295, %get3A_300 : vector<16xf32>
            %select_n3A_323 = arith.select %gt3A_321, %add3A_135, %add3A_123 : vector<16xi1>, vector<16xi32>
            %gt3A_324 = arith.cmpf ogt, %get3A_310, %get3A_305 : vector<16xf32>
            %max3A_325 = arith.maximumf %get3A_305, %get3A_310 : vector<16xf32>
            %select_n3A_326 = arith.select %gt3A_324, %add3A_135, %add3A_123 : vector<16xi1>, vector<16xi32>
            %gt3A_327 = arith.cmpf ogt, %get3A_320, %get3A_315 : vector<16xf32>
            %max3A_328 = arith.maximumf %get3A_315, %get3A_320 : vector<16xf32>
            %select_n3A_329 = arith.select %gt3A_327, %add3A_135, %add3A_123 : vector<16xi1>, vector<16xi32>
            %gt3A_330 = arith.cmpf ogt, %max3A_322, %max3A : vector<16xf32>
            %max3A_331 = arith.maximumf %max3A, %max3A_322 : vector<16xf32>
            %add3A_332 = arith.constant 2 : i32
            %add3A_333 = vector.broadcast %add3A_332 : i32 to vector<16xi32>
            %add3A_334 = arith.addi %select_n3A_323, %add3A_333 : vector<16xi32>
            %select_n3A_335 = arith.select %gt3A_330, %add3A_334, %select_n3A : vector<16xi1>, vector<16xi32>
            %gt3A_336 = arith.cmpf ogt, %max3A_328, %max3A_325 : vector<16xf32>
            %max3A_337 = arith.maximumf %max3A_325, %max3A_328 : vector<16xf32>
            %add3A_338 = arith.constant 2 : i32
            %add3A_339 = vector.broadcast %add3A_338 : i32 to vector<16xi32>
            %add3A_340 = arith.addi %select_n3A_329, %add3A_339 : vector<16xi32>
            %select_n3A_341 = arith.select %gt3A_336, %add3A_340, %select_n3A_326 : vector<16xi1>, vector<16xi32>
            %gt3A_342 = arith.cmpf ogt, %max3A_337, %max3A_331 : vector<16xf32>
            %max3A_343 = arith.maximumf %max3A_331, %max3A_337 : vector<16xf32>
            %add3A_344 = arith.constant 4 : i32
            %add3A_345 = vector.broadcast %add3A_344 : i32 to vector<16xi32>
            %add3A_346 = arith.addi %select_n3A_341, %add3A_345 : vector<16xi32>
            %select_n3A_347 = arith.select %gt3A_342, %add3A_346, %select_n3A_335 : vector<16xi1>, vector<16xi32>
            %gt3A_348 = arith.cmpf ogt, %max3A_343, %get3A_278 : vector<16xf32>
            %max3A_349 = arith.maximumf %get3A_278, %max3A_343 : vector<16xf32>
            %mul3A_350 = arith.constant 256 : i32
            %mul3A_351 = arith.muli %add3A_100, %mul3A_350 : i32
            %add3A_352 = arith.addi %mul3A_351, %mul3A_273 : i32
            %swap3A_353 = arith.index_cast %add3A_352 : i32 to index
            %swap3A_354 = tpu.vector_load %arg10[%swap3A_353] {strides = array<i32>} : memref<6400xf32, #tpu.memory_space<vmem>>, vector<16xf32>,
            tpu.vector_store %arg10[%swap3A_353], %max3A_349 {strides = array<i32>} : memref<6400xf32, #tpu.memory_space<vmem>>, vector<16xf32>,
            %add3A_355 = arith.addi %select_n3A_347, %add3A_157 : vector<16xi32>
            %select_n3A_356 = arith.select %gt3A_348, %add3A_355, %get3A_280 : vector<16xi1>, vector<16xi32>
            %swap3A_357 = arith.index_cast %mul3A_273 : i32 to index
            %swap3A_358 = tpu.vector_load %arg12[%swap3A_357] {strides = array<i32>} : memref<256xi32, #tpu.memory_space<vmem>>, vector<16xi32>,
            tpu.vector_store %arg12[%swap3A_357], %select_n3A_356 {strides = array<i32>} : memref<256xi32, #tpu.memory_space<vmem>>, vector<16xi32>,
            %max3A_359 = arith.maximumf %scan3A_260, %get3A_285 : vector<16xf32>
            %max3A_360 = arith.maximumf %scan3A_261, %get3A_290 : vector<16xf32>
            %max3A_361 = arith.maximumf %scan3A_262, %get3A_295 : vector<16xf32>
            %max3A_362 = arith.maximumf %scan3A_263, %get3A_300 : vector<16xf32>
            %max3A_363 = arith.maximumf %scan3A_264, %get3A_305 : vector<16xf32>
            %max3A_364 = arith.maximumf %scan3A_265, %get3A_310 : vector<16xf32>
            %max3A_365 = arith.maximumf %scan3A_266, %get3A_315 : vector<16xf32>
            %max3A_366 = arith.maximumf %scan3A_267, %get3A_320 : vector<16xf32>
            %mul3A_367 = arith.constant 2 : i32
            %mul3A_368 = arith.muli %scan3A_259, %mul3A_367 : i32
            %add3A_369 = arith.constant 1 : i32
            %add3A_370 = arith.addi %mul3A_368, %add3A_369 : i32
            %mul3A_371 = arith.constant 16 : i32
            %mul3A_372 = arith.muli %add3A_370, %mul3A_371 : i32
            %mul3A_373 = arith.constant 256 : i32
            %mul3A_374 = arith.muli %add3A_100, %mul3A_373 : i32
            %add3A_375 = arith.addi %mul3A_374, %mul3A_372 : i32
            %get3A_376 = arith.index_cast %add3A_375 : i32 to index
            %get3A_377 = tpu.vector_load %arg10[%get3A_376] {strides = array<i32>} : memref<6400xf32, #tpu.memory_space<vmem>>, vector<16xf32>,
            %get3A_378 = arith.index_cast %mul3A_372 : i32 to index
            %get3A_379 = tpu.vector_load %arg12[%get3A_378] {strides = array<i32>} : memref<256xi32, #tpu.memory_space<vmem>>, vector<16xi32>,
            %add3A_380 = arith.constant 0 : i32
            %add3A_381 = arith.addi %mul3A_153, %add3A_380 : i32
            %get3A_382 = arith.index_cast %add3A_381 : i32 to index
            %get3A_383 = arith.index_cast %mul3A_372 : i32 to index
            %get3A_384 = tpu.vector_load %arg8[%get3A_382, %get3A_383] {strides = array<i32>} : memref<128x64xf32, #tpu.memory_space<vmem>>, vector<16xf32>,
            %add3A_385 = arith.constant 1 : i32
            %add3A_386 = arith.addi %mul3A_153, %add3A_385 : i32
            %get3A_387 = arith.index_cast %add3A_386 : i32 to index
            %get3A_388 = arith.index_cast %mul3A_372 : i32 to index
            %get3A_389 = tpu.vector_load %arg8[%get3A_387, %get3A_388] {strides = array<i32>} : memref<128x64xf32, #tpu.memory_space<vmem>>, vector<16xf32>,
            %add3A_390 = arith.constant 2 : i32
            %add3A_391 = arith.addi %mul3A_153, %add3A_390 : i32
            %get3A_392 = arith.index_cast %add3A_391 : i32 to index
            %get3A_393 = arith.index_cast %mul3A_372 : i32 to index
            %get3A_394 = tpu.vector_load %arg8[%get3A_392, %get3A_393] {strides = array<i32>} : memref<128x64xf32, #tpu.memory_space<vmem>>, vector<16xf32>,
            %add3A_395 = arith.constant 3 : i32
            %add3A_396 = arith.addi %mul3A_153, %add3A_395 : i32
            %get3A_397 = arith.index_cast %add3A_396 : i32 to index
            %get3A_398 = arith.index_cast %mul3A_372 : i32 to index
            %get3A_399 = tpu.vector_load %arg8[%get3A_397, %get3A_398] {strides = array<i32>} : memref<128x64xf32, #tpu.memory_space<vmem>>, vector<16xf32>,
            %add3A_400 = arith.constant 4 : i32
            %add3A_401 = arith.addi %mul3A_153, %add3A_400 : i32
            %get3A_402 = arith.index_cast %add3A_401 : i32 to index
            %get3A_403 = arith.index_cast %mul3A_372 : i32 to index
            %get3A_404 = tpu.vector_load %arg8[%get3A_402, %get3A_403] {strides = array<i32>} : memref<128x64xf32, #tpu.memory_space<vmem>>, vector<16xf32>,
            %add3A_405 = arith.constant 5 : i32
            %add3A_406 = arith.addi %mul3A_153, %add3A_405 : i32
            %get3A_407 = arith.index_cast %add3A_406 : i32 to index
            %get3A_408 = arith.index_cast %mul3A_372 : i32 to index
            %get3A_409 = tpu.vector_load %arg8[%get3A_407, %get3A_408] {strides = array<i32>} : memref<128x64xf32, #tpu.memory_space<vmem>>, vector<16xf32>,
            %add3A_410 = arith.constant 6 : i32
            %add3A_411 = arith.addi %mul3A_153, %add3A_410 : i32
            %get3A_412 = arith.index_cast %add3A_411 : i32 to index
            %get3A_413 = arith.index_cast %mul3A_372 : i32 to index
            %get3A_414 = tpu.vector_load %arg8[%get3A_412, %get3A_413] {strides = array<i32>} : memref<128x64xf32, #tpu.memory_space<vmem>>, vector<16xf32>,
            %add3A_415 = arith.constant 7 : i32
            %add3A_416 = arith.addi %mul3A_153, %add3A_415 : i32
            %get3A_417 = arith.index_cast %add3A_416 : i32 to index
            %get3A_418 = arith.index_cast %mul3A_372 : i32 to index
            %get3A_419 = tpu.vector_load %arg8[%get3A_417, %get3A_418] {strides = array<i32>} : memref<128x64xf32, #tpu.memory_space<vmem>>, vector<16xf32>,
            %gt3A_420 = arith.cmpf ogt, %get3A_389, %get3A_384 : vector<16xf32>
            %max3A_421 = arith.maximumf %get3A_384, %get3A_389 : vector<16xf32>
            %select_n3A_422 = arith.select %gt3A_420, %add3A_135, %add3A_123 : vector<16xi1>, vector<16xi32>
            %gt3A_423 = arith.cmpf ogt, %get3A_399, %get3A_394 : vector<16xf32>
            %max3A_424 = arith.maximumf %get3A_394, %get3A_399 : vector<16xf32>
            %select_n3A_425 = arith.select %gt3A_423, %add3A_135, %add3A_123 : vector<16xi1>, vector<16xi32>
            %gt3A_426 = arith.cmpf ogt, %get3A_409, %get3A_404 : vector<16xf32>
            %max3A_427 = arith.maximumf %get3A_404, %get3A_409 : vector<16xf32>
            %select_n3A_428 = arith.select %gt3A_426, %add3A_135, %add3A_123 : vector<16xi1>, vector<16xi32>
            %gt3A_429 = arith.cmpf ogt, %get3A_419, %get3A_414 : vector<16xf32>
            %max3A_430 = arith.maximumf %get3A_414, %get3A_419 : vector<16xf32>
            %select_n3A_431 = arith.select %gt3A_429, %add3A_135, %add3A_123 : vector<16xi1>, vector<16xi32>
            %gt3A_432 = arith.cmpf ogt, %max3A_424, %max3A_421 : vector<16xf32>
            %max3A_433 = arith.maximumf %max3A_421, %max3A_424 : vector<16xf32>
            %add3A_434 = arith.constant 2 : i32
            %add3A_435 = vector.broadcast %add3A_434 : i32 to vector<16xi32>
            %add3A_436 = arith.addi %select_n3A_425, %add3A_435 : vector<16xi32>
            %select_n3A_437 = arith.select %gt3A_432, %add3A_436, %select_n3A_422 : vector<16xi1>, vector<16xi32>
            %gt3A_438 = arith.cmpf ogt, %max3A_430, %max3A_427 : vector<16xf32>
            %max3A_439 = arith.maximumf %max3A_427, %max3A_430 : vector<16xf32>
            %add3A_440 = arith.constant 2 : i32
            %add3A_441 = vector.broadcast %add3A_440 : i32 to vector<16xi32>
            %add3A_442 = arith.addi %select_n3A_431, %add3A_441 : vector<16xi32>
            %select_n3A_443 = arith.select %gt3A_438, %add3A_442, %select_n3A_428 : vector<16xi1>, vector<16xi32>
            %gt3A_444 = arith.cmpf ogt, %max3A_439, %max3A_433 : vector<16xf32>
            %max3A_445 = arith.maximumf %max3A_433, %max3A_439 : vector<16xf32>
            %add3A_446 = arith.constant 4 : i32
            %add3A_447 = vector.broadcast %add3A_446 : i32 to vector<16xi32>
            %add3A_448 = arith.addi %select_n3A_443, %add3A_447 : vector<16xi32>
            %select_n3A_449 = arith.select %gt3A_444, %add3A_448, %select_n3A_437 : vector<16xi1>, vector<16xi32>
            %gt3A_450 = arith.cmpf ogt, %max3A_445, %get3A_377 : vector<16xf32>
            %max3A_451 = arith.maximumf %get3A_377, %max3A_445 : vector<16xf32>
            %mul3A_452 = arith.constant 256 : i32
            %mul3A_453 = arith.muli %add3A_100, %mul3A_452 : i32
            %add3A_454 = arith.addi %mul3A_453, %mul3A_372 : i32
            %swap3A_455 = arith.index_cast %add3A_454 : i32 to index
            %swap3A_456 = tpu.vector_load %arg10[%swap3A_455] {strides = array<i32>} : memref<6400xf32, #tpu.memory_space<vmem>>, vector<16xf32>,
            tpu.vector_store %arg10[%swap3A_455], %max3A_451 {strides = array<i32>} : memref<6400xf32, #tpu.memory_space<vmem>>, vector<16xf32>,
            %add3A_457 = arith.addi %select_n3A_449, %add3A_157 : vector<16xi32>
            %select_n3A_458 = arith.select %gt3A_450, %add3A_457, %get3A_379 : vector<16xi1>, vector<16xi32>
            %swap3A_459 = arith.index_cast %mul3A_372 : i32 to index
            %swap3A_460 = tpu.vector_load %arg12[%swap3A_459] {strides = array<i32>} : memref<256xi32, #tpu.memory_space<vmem>>, vector<16xi32>,
            tpu.vector_store %arg12[%swap3A_459], %select_n3A_458 {strides = array<i32>} : memref<256xi32, #tpu.memory_space<vmem>>, vector<16xi32>,
            %max3A_461 = arith.maximumf %max3A_359, %get3A_384 : vector<16xf32>
            %max3A_462 = arith.maximumf %max3A_360, %get3A_389 : vector<16xf32>
            %max3A_463 = arith.maximumf %max3A_361, %get3A_394 : vector<16xf32>
            %max3A_464 = arith.maximumf %max3A_362, %get3A_399 : vector<16xf32>
            %max3A_465 = arith.maximumf %max3A_363, %get3A_404 : vector<16xf32>
            %max3A_466 = arith.maximumf %max3A_364, %get3A_409 : vector<16xf32>
            %max3A_467 = arith.maximumf %max3A_365, %get3A_414 : vector<16xf32>
            %max3A_468 = arith.maximumf %max3A_366, %get3A_419 : vector<16xf32>
            scf.yield %max3A_461, %max3A_462, %max3A_463, %max3A_464, %max3A_465, %max3A_466, %max3A_467, %max3A_468 : vector<16xf32>, vector<16xf32>, vector<16xf32>, vector<16xf32>, vector<16xf32>, vector<16xf32>, vector<16xf32>, vector<16xf32>
          }
          %scan3A_210 = arith.constant 2 : i32
          %add3A_211 = arith.constant 0 : i32
          %add3A_212 = arith.addi %mul3A_153, %add3A_211 : i32
          %mul3A_213 = arith.constant 16 : i32
          %mul3A_214 = arith.muli %add3A_212, %mul3A_213 : i32
          %swap3A = arith.index_cast %mul3A_214 : i32 to index
          %swap3A_215 = tpu.vector_load %arg9[%swap3A] {strides = array<i32>} : memref<2048xf32, #tpu.memory_space<vmem>>, vector<16xf32>,
          tpu.vector_store %arg9[%swap3A], %scan3A_209#0 {strides = array<i32>} : memref<2048xf32, #tpu.memory_space<vmem>>, vector<16xf32>,
          %add3A_216 = arith.constant 1 : i32
          %add3A_217 = arith.addi %mul3A_153, %add3A_216 : i32
          %mul3A_218 = arith.constant 16 : i32
          %mul3A_219 = arith.muli %add3A_217, %mul3A_218 : i32
          %swap3A_220 = arith.index_cast %mul3A_219 : i32 to index
          %swap3A_221 = tpu.vector_load %arg9[%swap3A_220] {strides = array<i32>} : memref<2048xf32, #tpu.memory_space<vmem>>, vector<16xf32>,
          tpu.vector_store %arg9[%swap3A_220], %scan3A_209#1 {strides = array<i32>} : memref<2048xf32, #tpu.memory_space<vmem>>, vector<16xf32>,
          %add3A_222 = arith.constant 2 : i32
          %add3A_223 = arith.addi %mul3A_153, %add3A_222 : i32
          %mul3A_224 = arith.constant 16 : i32
          %mul3A_225 = arith.muli %add3A_223, %mul3A_224 : i32
          %swap3A_226 = arith.index_cast %mul3A_225 : i32 to index
          %swap3A_227 = tpu.vector_load %arg9[%swap3A_226] {strides = array<i32>} : memref<2048xf32, #tpu.memory_space<vmem>>, vector<16xf32>,
          tpu.vector_store %arg9[%swap3A_226], %scan3A_209#2 {strides = array<i32>} : memref<2048xf32, #tpu.memory_space<vmem>>, vector<16xf32>,
          %add3A_228 = arith.constant 3 : i32
          %add3A_229 = arith.addi %mul3A_153, %add3A_228 : i32
          %mul3A_230 = arith.constant 16 : i32
          %mul3A_231 = arith.muli %add3A_229, %mul3A_230 : i32
          %swap3A_232 = arith.index_cast %mul3A_231 : i32 to index
          %swap3A_233 = tpu.vector_load %arg9[%swap3A_232] {strides = array<i32>} : memref<2048xf32, #tpu.memory_space<vmem>>, vector<16xf32>,
          tpu.vector_store %arg9[%swap3A_232], %scan3A_209#3 {strides = array<i32>} : memref<2048xf32, #tpu.memory_space<vmem>>, vector<16xf32>,
          %add3A_234 = arith.constant 4 : i32
          %add3A_235 = arith.addi %mul3A_153, %add3A_234 : i32
          %mul3A_236 = arith.constant 16 : i32
          %mul3A_237 = arith.muli %add3A_235, %mul3A_236 : i32
          %swap3A_238 = arith.index_cast %mul3A_237 : i32 to index
          %swap3A_239 = tpu.vector_load %arg9[%swap3A_238] {strides = array<i32>} : memref<2048xf32, #tpu.memory_space<vmem>>, vector<16xf32>,
          tpu.vector_store %arg9[%swap3A_238], %scan3A_209#4 {strides = array<i32>} : memref<2048xf32, #tpu.memory_space<vmem>>, vector<16xf32>,
          %add3A_240 = arith.constant 5 : i32
          %add3A_241 = arith.addi %mul3A_153, %add3A_240 : i32
          %mul3A_242 = arith.constant 16 : i32
          %mul3A_243 = arith.muli %add3A_241, %mul3A_242 : i32
          %swap3A_244 = arith.index_cast %mul3A_243 : i32 to index
          %swap3A_245 = tpu.vector_load %arg9[%swap3A_244] {strides = array<i32>} : memref<2048xf32, #tpu.memory_space<vmem>>, vector<16xf32>,
          tpu.vector_store %arg9[%swap3A_244], %scan3A_209#5 {strides = array<i32>} : memref<2048xf32, #tpu.memory_space<vmem>>, vector<16xf32>,
          %add3A_246 = arith.constant 6 : i32
          %add3A_247 = arith.addi %mul3A_153, %add3A_246 : i32
          %mul3A_248 = arith.constant 16 : i32
          %mul3A_249 = arith.muli %add3A_247, %mul3A_248 : i32
          %swap3A_250 = arith.index_cast %mul3A_249 : i32 to index
          %swap3A_251 = tpu.vector_load %arg9[%swap3A_250] {strides = array<i32>} : memref<2048xf32, #tpu.memory_space<vmem>>, vector<16xf32>,
          tpu.vector_store %arg9[%swap3A_250], %scan3A_209#6 {strides = array<i32>} : memref<2048xf32, #tpu.memory_space<vmem>>, vector<16xf32>,
          %add3A_252 = arith.constant 7 : i32
          %add3A_253 = arith.addi %mul3A_153, %add3A_252 : i32
          %mul3A_254 = arith.constant 16 : i32
          %mul3A_255 = arith.muli %add3A_253, %mul3A_254 : i32
          %swap3A_256 = arith.index_cast %mul3A_255 : i32 to index
          %swap3A_257 = tpu.vector_load %arg9[%swap3A_256] {strides = array<i32>} : memref<2048xf32, #tpu.memory_space<vmem>>, vector<16xf32>,
          tpu.vector_store %arg9[%swap3A_256], %scan3A_209#7 {strides = array<i32>} : memref<2048xf32, #tpu.memory_space<vmem>>, vector<16xf32>,
          %scan3A_258 = arith.constant 0 : i32
          scf.yield %scan3A_258 : i32
        }
        %scan3A_142 = arith.constant 16 : i32
        %scan3A_143 = arith.constant 0 : i32
        %scan3A_144 = arith.constant 0 : i32
        %scan3A_145 = arith.constant 4 : i32
        %scan3A_146 = arith.addi %scan3A_144, %scan3A_145 : i32
        %scan3A_147 = arith.constant 1 : i32
        %scan3A_148 = scf.for %scan3A_150 = %scan3A_144 to %scan3A_146 step %scan3A_147 iter_args(%scan3A_151 = %scan3A_143) -> (i32)  : i32 {
          %mul3A_152 = arith.constant 16 : i32
          %mul3A_153 = arith.muli %scan3A_150, %mul3A_152 : i32
          %mul3A_154 = arith.constant 256 : i32
          %mul3A_155 = arith.muli %add3A_100, %mul3A_154 : i32
          %add3A_156 = arith.addi %mul3A_155, %mul3A_153 : i32
          %get3A = arith.index_cast %add3A_156 : i32 to index
          %get3A_157 = tpu.vector_load %arg10[%get3A] {strides = array<i32>} : memref<6400xf32, #tpu.memory_space<vmem>>, vector<16xf32>,
          %get3A_158 = arith.index_cast %mul3A_153 : i32 to index
          %get3A_159 = tpu.vector_load %arg12[%get3A_158] {strides = array<i32>} : memref<256xi32, #tpu.memory_space<vmem>>, vector<16xi32>,
          %lt3A_160 = arith.constant 4.000000e-01 : f32
          %lt3A_161 = vector.broadcast %lt3A_160 : f32 to vector<16xf32>
          %lt3A_162 = arith.cmpf olt, %get3A_157, %lt3A_161 : vector<16xf32>
          %gt3A = arith.constant 5.000000e-01 : f32
          %gt3A_163 = vector.broadcast %gt3A : f32 to vector<16xf32>
          %gt3A_164 = arith.cmpf ogt, %get3A_157, %gt3A_163 : vector<16xf32>
          %lt3A_165 = arith.constant 8.000000e-01 : f32
          %lt3A_166 = vector.broadcast %lt3A_165 : f32 to vector<16xf32>
          %lt3A_167 = arith.cmpf olt, %get3A_157, %lt3A_166 : vector<16xf32>
          %and3A = arith.andi %gt3A_164, %lt3A_167 : vector<16xi1>
          %broadcast_in_dim3A_168 = arith.constant 0 : i32
          %broadcast_in_dim3A_169 = vector.broadcast %broadcast_in_dim3A_168 : i32 to vector<16xi32>
          %add3A_170 = arith.constant -1 : i32
          %add3A_171 = vector.broadcast %add3A_170 : i32 to vector<16xi32>
          %add3A_172 = arith.addi %broadcast_in_dim3A_169, %add3A_171 : vector<16xi32>
          %select_n3A = arith.select %lt3A_162, %add3A_123, %add3A_172 : vector<16xi1>, vector<16xi32>
          %add3A_173 = arith.constant 1 : i32
          %add3A_174 = vector.broadcast %add3A_173 : i32 to vector<16xi32>
          %add3A_175 = arith.addi %get3A_159, %add3A_174 : vector<16xi32>
          %select_n3A_176 = arith.select %and3A, %add3A_175, %select_n3A : vector<16xi1>, vector<16xi32>
          %mul3A_177 = arith.constant 256 : i32
          %mul3A_178 = arith.muli %add3A_100, %mul3A_177 : i32
          %add3A_179 = arith.addi %mul3A_178, %mul3A_153 : i32
          %swap3A = arith.index_cast %add3A_179 : i32 to index
          %swap3A_180 = tpu.vector_load %arg11[%swap3A] {strides = array<i32>} : memref<6400xi32, #tpu.memory_space<vmem>>, vector<16xi32>,
          tpu.vector_store %arg11[%swap3A], %select_n3A_176 {strides = array<i32>} : memref<6400xi32, #tpu.memory_space<vmem>>, vector<16xi32>,
          %scan3A_181 = arith.constant 0 : i32
          scf.yield %scan3A_181 : i32
        }
        %scan3A_149 = arith.constant 4 : i32
      } else {
      }
      %scan3A_114 = arith.constant 0 : i32
      scf.yield %scan3A_114 : i32
    }
    %scan3A_21 = arith.constant 12 : i32
    %add3A_22 = arith.constant 768 : i32
    %add3A_23 = arith.addi %add3A_22, %add3A : i32
    %lt3A_24 = arith.constant 781 : i32
    %lt3A_25 = arith.cmpi slt, %add3A_23, %lt3A_24 : i32
    %convert_element_type3A_26 = arith.extui %lt3A_25 : i1 to i32
    %cond3A_27 = arith.constant 0 : i32
    %cond3A_28 = arith.cmpi ne, %convert_element_type3A_26, %cond3A_27 : i32
    scf.if %cond3A_28 {
      %mul3A_52 = arith.constant 256 : i32
      %mul3A_53 = arith.muli %add3A_23, %mul3A_52 : i32
      %dma_wait3A = arith.constant 0 : i32
      %dma_wait3A_54 = tpu.memref_slice %arg2[%dma_wait3A, %mul3A_53] : memref<128x200000xf32, #tpu.memory_space<hbm>> -> memref<128x256xf32, #tpu.memory_space<hbm>>
      %dma_wait3A_55 = arith.constant 0 : i32
      %dma_wait3A_56 = tpu.memref_slice %arg2[%dma_wait3A_55, %mul3A_53] : memref<128x200000xf32, #tpu.memory_space<hbm>> -> memref<128x256xf32, #tpu.memory_space<hbm>>
      tpu.wait_dma2 semaphore(%arg13 : memref<!tpu.dma_semaphore, #tpu.memory_space<semaphore_mem>>) src(%dma_wait3A_56 : memref<128x256xf32, #tpu.memory_space<hbm>>) dst(%arg6 : memref<128x256xf32, #tpu.memory_space<vmem>>)
      %broadcast_in_dim3A = arith.constant 0 : i32
      %broadcast_in_dim3A_57 = vector.broadcast %broadcast_in_dim3A : i32 to vector<16xi32>
      %add3A_58 = arith.constant 0 : i32
      %add3A_59 = vector.broadcast %add3A_58 : i32 to vector<16xi32>
      %add3A_60 = arith.addi %broadcast_in_dim3A_57, %add3A_59 : vector<16xi32>
      %scan3A_61 = arith.constant 0 : i32
      %scan3A_62 = arith.constant 0 : i32
      %scan3A_63 = arith.constant 16 : i32
      %scan3A_64 = arith.addi %scan3A_62, %scan3A_63 : i32
      %scan3A_65 = arith.constant 1 : i32
      %scan3A_66 = scf.for %scan3A_87 = %scan3A_62 to %scan3A_64 step %scan3A_65 iter_args(%scan3A_88 = %scan3A_61) -> (i32)  : i32 {
        %broadcast_in_dim3A_89 = arith.constant 0.000000e+00 : f32
        %broadcast_in_dim3A_90 = vector.broadcast %broadcast_in_dim3A_89 : f32 to vector<16xf32>
        %add3A_91 = arith.constant -1.000000e+00 : f32
        %add3A_92 = vector.broadcast %add3A_91 : f32 to vector<16xf32>
        %add3A_93 = arith.addf %broadcast_in_dim3A_90, %add3A_92 : vector<16xf32>
        %mul3A_94 = arith.constant 16 : i32
        %mul3A_95 = arith.muli %scan3A_87, %mul3A_94 : i32
        %add3A_96 = arith.constant 6144 : i32
        %add3A_97 = arith.addi %add3A_96, %mul3A_95 : i32
        %swap3A = arith.index_cast %add3A_97 : i32 to index
        %swap3A_98 = tpu.vector_load %arg10[%swap3A] {strides = array<i32>} : memref<6400xf32, #tpu.memory_space<vmem>>, vector<16xf32>,
        tpu.vector_store %arg10[%swap3A], %add3A_93 {strides = array<i32>} : memref<6400xf32, #tpu.memory_space<vmem>>, vector<16xf32>,
        %mul3A_99 = arith.constant 16 : i32
        %mul3A_100 = arith.muli %scan3A_87, %mul3A_99 : i32
        %swap3A_101 = arith.index_cast %mul3A_100 : i32 to index
        %swap3A_102 = tpu.vector_load %arg12[%swap3A_101] {strides = array<i32>} : memref<256xi32, #tpu.memory_space<vmem>>, vector<16xi32>,
        tpu.vector_store %arg12[%swap3A_101], %add3A_60 {strides = array<i32>} : memref<256xi32, #tpu.memory_space<vmem>>, vector<16xi32>,
        %scan3A_103 = arith.constant 0 : i32
        scf.yield %scan3A_103 : i32
      }
      %scan3A_67 = arith.constant 16 : i32
      %broadcast_in_dim3A_68 = arith.constant 0 : i32
      %broadcast_in_dim3A_69 = vector.broadcast %broadcast_in_dim3A_68 : i32 to vector<16xi32>
      %add3A_70 = arith.constant 1 : i32
      %add3A_71 = vector.broadcast %add3A_70 : i32 to vector<16xi32>
      %add3A_72 = arith.addi %broadcast_in_dim3A_69, %add3A_71 : vector<16xi32>
      %scan3A_73 = arith.constant 0 : i32
      %scan3A_74 = arith.constant 0 : i32
      %scan3A_75 = arith.constant 16 : i32
      %scan3A_76 = arith.addi %scan3A_74, %scan3A_75 : i32
      %scan3A_77 = arith.constant 1 : i32
      %scan3A_78 = scf.for %scan3A_87 = %scan3A_74 to %scan3A_76 step %scan3A_77 iter_args(%scan3A_88 = %scan3A_73) -> (i32)  : i32 {
        %mul3A_89 = arith.constant 8 : i32
        %mul3A_90 = arith.muli %scan3A_87, %mul3A_89 : i32
        %broadcast_in_dim3A_91 = arith.constant 0 : i32
        %broadcast_in_dim3A_92 = vector.broadcast %broadcast_in_dim3A_91 : i32 to vector<16xi32>
        %add3A_93 = vector.broadcast %mul3A_90 : i32 to vector<16xi32>
        %add3A_94 = arith.addi %broadcast_in_dim3A_92, %add3A_93 : vector<16xi32>
        %add3A_95 = arith.constant 0 : i32
        %add3A_96 = arith.addi %mul3A_90, %add3A_95 : i32
        %mul3A_97 = arith.constant 16 : i32
        %mul3A_98 = arith.muli %add3A_96, %mul3A_97 : i32
        %get3A = arith.index_cast %mul3A_98 : i32 to index
        %get3A_99 = tpu.vector_load %arg9[%get3A] {strides = array<i32>} : memref<2048xf32, #tpu.memory_space<vmem>>, vector<16xf32>,
        %add3A_100 = arith.constant 1 : i32
        %add3A_101 = arith.addi %mul3A_90, %add3A_100 : i32
        %mul3A_102 = arith.constant 16 : i32
        %mul3A_103 = arith.muli %add3A_101, %mul3A_102 : i32
        %get3A_104 = arith.index_cast %mul3A_103 : i32 to index
        %get3A_105 = tpu.vector_load %arg9[%get3A_104] {strides = array<i32>} : memref<2048xf32, #tpu.memory_space<vmem>>, vector<16xf32>,
        %add3A_106 = arith.constant 2 : i32
        %add3A_107 = arith.addi %mul3A_90, %add3A_106 : i32
        %mul3A_108 = arith.constant 16 : i32
        %mul3A_109 = arith.muli %add3A_107, %mul3A_108 : i32
        %get3A_110 = arith.index_cast %mul3A_109 : i32 to index
        %get3A_111 = tpu.vector_load %arg9[%get3A_110] {strides = array<i32>} : memref<2048xf32, #tpu.memory_space<vmem>>, vector<16xf32>,
        %add3A_112 = arith.constant 3 : i32
        %add3A_113 = arith.addi %mul3A_90, %add3A_112 : i32
        %mul3A_114 = arith.constant 16 : i32
        %mul3A_115 = arith.muli %add3A_113, %mul3A_114 : i32
        %get3A_116 = arith.index_cast %mul3A_115 : i32 to index
        %get3A_117 = tpu.vector_load %arg9[%get3A_116] {strides = array<i32>} : memref<2048xf32, #tpu.memory_space<vmem>>, vector<16xf32>,
        %add3A_118 = arith.constant 4 : i32
        %add3A_119 = arith.addi %mul3A_90, %add3A_118 : i32
        %mul3A_120 = arith.constant 16 : i32
        %mul3A_121 = arith.muli %add3A_119, %mul3A_120 : i32
        %get3A_122 = arith.index_cast %mul3A_121 : i32 to index
        %get3A_123 = tpu.vector_load %arg9[%get3A_122] {strides = array<i32>} : memref<2048xf32, #tpu.memory_space<vmem>>, vector<16xf32>,
        %add3A_124 = arith.constant 5 : i32
        %add3A_125 = arith.addi %mul3A_90, %add3A_124 : i32
        %mul3A_126 = arith.constant 16 : i32
        %mul3A_127 = arith.muli %add3A_125, %mul3A_126 : i32
        %get3A_128 = arith.index_cast %mul3A_127 : i32 to index
        %get3A_129 = tpu.vector_load %arg9[%get3A_128] {strides = array<i32>} : memref<2048xf32, #tpu.memory_space<vmem>>, vector<16xf32>,
        %add3A_130 = arith.constant 6 : i32
        %add3A_131 = arith.addi %mul3A_90, %add3A_130 : i32
        %mul3A_132 = arith.constant 16 : i32
        %mul3A_133 = arith.muli %add3A_131, %mul3A_132 : i32
        %get3A_134 = arith.index_cast %mul3A_133 : i32 to index
        %get3A_135 = tpu.vector_load %arg9[%get3A_134] {strides = array<i32>} : memref<2048xf32, #tpu.memory_space<vmem>>, vector<16xf32>,
        %add3A_136 = arith.constant 7 : i32
        %add3A_137 = arith.addi %mul3A_90, %add3A_136 : i32
        %mul3A_138 = arith.constant 16 : i32
        %mul3A_139 = arith.muli %add3A_137, %mul3A_138 : i32
        %get3A_140 = arith.index_cast %mul3A_139 : i32 to index
        %get3A_141 = tpu.vector_load %arg9[%get3A_140] {strides = array<i32>} : memref<2048xf32, #tpu.memory_space<vmem>>, vector<16xf32>,
        %scan3A_142 = arith.constant 0 : i32
        %scan3A_143 = arith.constant 8 : i32
        %scan3A_144 = arith.addi %scan3A_142, %scan3A_143 : i32
        %scan3A_145 = arith.constant 1 : i32
        %scan3A_146:8 = scf.for %scan3A_196 = %scan3A_142 to %scan3A_144 step %scan3A_145 iter_args(%scan3A_197 = %get3A_99, %scan3A_198 = %get3A_105, %scan3A_199 = %get3A_111, %scan3A_200 = %get3A_117, %scan3A_201 = %get3A_123, %scan3A_202 = %get3A_129, %scan3A_203 = %get3A_135, %scan3A_204 = %get3A_141) -> (vector<16xf32>, vector<16xf32>, vector<16xf32>, vector<16xf32>, vector<16xf32>, vector<16xf32>, vector<16xf32>, vector<16xf32>)  : i32 {
          %mul3A_205 = arith.constant 2 : i32
          %mul3A_206 = arith.muli %scan3A_196, %mul3A_205 : i32
          %add3A_207 = arith.constant 0 : i32
          %add3A_208 = arith.addi %mul3A_206, %add3A_207 : i32
          %mul3A_209 = arith.constant 16 : i32
          %mul3A_210 = arith.muli %add3A_208, %mul3A_209 : i32
          %add3A_211 = arith.constant 6144 : i32
          %add3A_212 = arith.addi %add3A_211, %mul3A_210 : i32
          %get3A_213 = arith.index_cast %add3A_212 : i32 to index
          %get3A_214 = tpu.vector_load %arg10[%get3A_213] {strides = array<i32>} : memref<6400xf32, #tpu.memory_space<vmem>>, vector<16xf32>,
          %get3A_215 = arith.index_cast %mul3A_210 : i32 to index
          %get3A_216 = tpu.vector_load %arg12[%get3A_215] {strides = array<i32>} : memref<256xi32, #tpu.memory_space<vmem>>, vector<16xi32>,
          %add3A_217 = arith.constant 0 : i32
          %add3A_218 = arith.addi %mul3A_90, %add3A_217 : i32
          %get3A_219 = arith.index_cast %add3A_218 : i32 to index
          %get3A_220 = arith.index_cast %mul3A_210 : i32 to index
          %get3A_221 = tpu.vector_load %arg6[%get3A_219, %get3A_220] {strides = array<i32>} : memref<128x256xf32, #tpu.memory_space<vmem>>, vector<16xf32>,
          %add3A_222 = arith.constant 1 : i32
          %add3A_223 = arith.addi %mul3A_90, %add3A_222 : i32
          %get3A_224 = arith.index_cast %add3A_223 : i32 to index
          %get3A_225 = arith.index_cast %mul3A_210 : i32 to index
          %get3A_226 = tpu.vector_load %arg6[%get3A_224, %get3A_225] {strides = array<i32>} : memref<128x256xf32, #tpu.memory_space<vmem>>, vector<16xf32>,
          %add3A_227 = arith.constant 2 : i32
          %add3A_228 = arith.addi %mul3A_90, %add3A_227 : i32
          %get3A_229 = arith.index_cast %add3A_228 : i32 to index
          %get3A_230 = arith.index_cast %mul3A_210 : i32 to index
          %get3A_231 = tpu.vector_load %arg6[%get3A_229, %get3A_230] {strides = array<i32>} : memref<128x256xf32, #tpu.memory_space<vmem>>, vector<16xf32>,
          %add3A_232 = arith.constant 3 : i32
          %add3A_233 = arith.addi %mul3A_90, %add3A_232 : i32
          %get3A_234 = arith.index_cast %add3A_233 : i32 to index
          %get3A_235 = arith.index_cast %mul3A_210 : i32 to index
          %get3A_236 = tpu.vector_load %arg6[%get3A_234, %get3A_235] {strides = array<i32>} : memref<128x256xf32, #tpu.memory_space<vmem>>, vector<16xf32>,
          %add3A_237 = arith.constant 4 : i32
          %add3A_238 = arith.addi %mul3A_90, %add3A_237 : i32
          %get3A_239 = arith.index_cast %add3A_238 : i32 to index
          %get3A_240 = arith.index_cast %mul3A_210 : i32 to index
          %get3A_241 = tpu.vector_load %arg6[%get3A_239, %get3A_240] {strides = array<i32>} : memref<128x256xf32, #tpu.memory_space<vmem>>, vector<16xf32>,
          %add3A_242 = arith.constant 5 : i32
          %add3A_243 = arith.addi %mul3A_90, %add3A_242 : i32
          %get3A_244 = arith.index_cast %add3A_243 : i32 to index
          %get3A_245 = arith.index_cast %mul3A_210 : i32 to index
          %get3A_246 = tpu.vector_load %arg6[%get3A_244, %get3A_245] {strides = array<i32>} : memref<128x256xf32, #tpu.memory_space<vmem>>, vector<16xf32>,
          %add3A_247 = arith.constant 6 : i32
          %add3A_248 = arith.addi %mul3A_90, %add3A_247 : i32
          %get3A_249 = arith.index_cast %add3A_248 : i32 to index
          %get3A_250 = arith.index_cast %mul3A_210 : i32 to index
          %get3A_251 = tpu.vector_load %arg6[%get3A_249, %get3A_250] {strides = array<i32>} : memref<128x256xf32, #tpu.memory_space<vmem>>, vector<16xf32>,
          %add3A_252 = arith.constant 7 : i32
          %add3A_253 = arith.addi %mul3A_90, %add3A_252 : i32
          %get3A_254 = arith.index_cast %add3A_253 : i32 to index
          %get3A_255 = arith.index_cast %mul3A_210 : i32 to index
          %get3A_256 = tpu.vector_load %arg6[%get3A_254, %get3A_255] {strides = array<i32>} : memref<128x256xf32, #tpu.memory_space<vmem>>, vector<16xf32>,
          %gt3A = arith.cmpf ogt, %get3A_226, %get3A_221 : vector<16xf32>
          %max3A = arith.maximumf %get3A_221, %get3A_226 : vector<16xf32>
          %select_n3A = arith.select %gt3A, %add3A_72, %add3A_60 : vector<16xi1>, vector<16xi32>
          %gt3A_257 = arith.cmpf ogt, %get3A_236, %get3A_231 : vector<16xf32>
          %max3A_258 = arith.maximumf %get3A_231, %get3A_236 : vector<16xf32>
          %select_n3A_259 = arith.select %gt3A_257, %add3A_72, %add3A_60 : vector<16xi1>, vector<16xi32>
          %gt3A_260 = arith.cmpf ogt, %get3A_246, %get3A_241 : vector<16xf32>
          %max3A_261 = arith.maximumf %get3A_241, %get3A_246 : vector<16xf32>
          %select_n3A_262 = arith.select %gt3A_260, %add3A_72, %add3A_60 : vector<16xi1>, vector<16xi32>
          %gt3A_263 = arith.cmpf ogt, %get3A_256, %get3A_251 : vector<16xf32>
          %max3A_264 = arith.maximumf %get3A_251, %get3A_256 : vector<16xf32>
          %select_n3A_265 = arith.select %gt3A_263, %add3A_72, %add3A_60 : vector<16xi1>, vector<16xi32>
          %gt3A_266 = arith.cmpf ogt, %max3A_258, %max3A : vector<16xf32>
          %max3A_267 = arith.maximumf %max3A, %max3A_258 : vector<16xf32>
          %add3A_268 = arith.constant 2 : i32
          %add3A_269 = vector.broadcast %add3A_268 : i32 to vector<16xi32>
          %add3A_270 = arith.addi %select_n3A_259, %add3A_269 : vector<16xi32>
          %select_n3A_271 = arith.select %gt3A_266, %add3A_270, %select_n3A : vector<16xi1>, vector<16xi32>
          %gt3A_272 = arith.cmpf ogt, %max3A_264, %max3A_261 : vector<16xf32>
          %max3A_273 = arith.maximumf %max3A_261, %max3A_264 : vector<16xf32>
          %add3A_274 = arith.constant 2 : i32
          %add3A_275 = vector.broadcast %add3A_274 : i32 to vector<16xi32>
          %add3A_276 = arith.addi %select_n3A_265, %add3A_275 : vector<16xi32>
          %select_n3A_277 = arith.select %gt3A_272, %add3A_276, %select_n3A_262 : vector<16xi1>, vector<16xi32>
          %gt3A_278 = arith.cmpf ogt, %max3A_273, %max3A_267 : vector<16xf32>
          %max3A_279 = arith.maximumf %max3A_267, %max3A_273 : vector<16xf32>
          %add3A_280 = arith.constant 4 : i32
          %add3A_281 = vector.broadcast %add3A_280 : i32 to vector<16xi32>
          %add3A_282 = arith.addi %select_n3A_277, %add3A_281 : vector<16xi32>
          %select_n3A_283 = arith.select %gt3A_278, %add3A_282, %select_n3A_271 : vector<16xi1>, vector<16xi32>
          %gt3A_284 = arith.cmpf ogt, %max3A_279, %get3A_214 : vector<16xf32>
          %max3A_285 = arith.maximumf %get3A_214, %max3A_279 : vector<16xf32>
          %add3A_286 = arith.constant 6144 : i32
          %add3A_287 = arith.addi %add3A_286, %mul3A_210 : i32
          %swap3A_288 = arith.index_cast %add3A_287 : i32 to index
          %swap3A_289 = tpu.vector_load %arg10[%swap3A_288] {strides = array<i32>} : memref<6400xf32, #tpu.memory_space<vmem>>, vector<16xf32>,
          tpu.vector_store %arg10[%swap3A_288], %max3A_285 {strides = array<i32>} : memref<6400xf32, #tpu.memory_space<vmem>>, vector<16xf32>,
          %add3A_290 = arith.addi %select_n3A_283, %add3A_94 : vector<16xi32>
          %select_n3A_291 = arith.select %gt3A_284, %add3A_290, %get3A_216 : vector<16xi1>, vector<16xi32>
          %swap3A_292 = arith.index_cast %mul3A_210 : i32 to index
          %swap3A_293 = tpu.vector_load %arg12[%swap3A_292] {strides = array<i32>} : memref<256xi32, #tpu.memory_space<vmem>>, vector<16xi32>,
          tpu.vector_store %arg12[%swap3A_292], %select_n3A_291 {strides = array<i32>} : memref<256xi32, #tpu.memory_space<vmem>>, vector<16xi32>,
          %max3A_294 = arith.maximumf %scan3A_197, %get3A_221 : vector<16xf32>
          %max3A_295 = arith.maximumf %scan3A_198, %get3A_226 : vector<16xf32>
          %max3A_296 = arith.maximumf %scan3A_199, %get3A_231 : vector<16xf32>
          %max3A_297 = arith.maximumf %scan3A_200, %get3A_236 : vector<16xf32>
          %max3A_298 = arith.maximumf %scan3A_201, %get3A_241 : vector<16xf32>
          %max3A_299 = arith.maximumf %scan3A_202, %get3A_246 : vector<16xf32>
          %max3A_300 = arith.maximumf %scan3A_203, %get3A_251 : vector<16xf32>
          %max3A_301 = arith.maximumf %scan3A_204, %get3A_256 : vector<16xf32>
          %mul3A_302 = arith.constant 2 : i32
          %mul3A_303 = arith.muli %scan3A_196, %mul3A_302 : i32
          %add3A_304 = arith.constant 1 : i32
          %add3A_305 = arith.addi %mul3A_303, %add3A_304 : i32
          %mul3A_306 = arith.constant 16 : i32
          %mul3A_307 = arith.muli %add3A_305, %mul3A_306 : i32
          %add3A_308 = arith.constant 6144 : i32
          %add3A_309 = arith.addi %add3A_308, %mul3A_307 : i32
          %get3A_310 = arith.index_cast %add3A_309 : i32 to index
          %get3A_311 = tpu.vector_load %arg10[%get3A_310] {strides = array<i32>} : memref<6400xf32, #tpu.memory_space<vmem>>, vector<16xf32>,
          %get3A_312 = arith.index_cast %mul3A_307 : i32 to index
          %get3A_313 = tpu.vector_load %arg12[%get3A_312] {strides = array<i32>} : memref<256xi32, #tpu.memory_space<vmem>>, vector<16xi32>,
          %add3A_314 = arith.constant 0 : i32
          %add3A_315 = arith.addi %mul3A_90, %add3A_314 : i32
          %get3A_316 = arith.index_cast %add3A_315 : i32 to index
          %get3A_317 = arith.index_cast %mul3A_307 : i32 to index
          %get3A_318 = tpu.vector_load %arg6[%get3A_316, %get3A_317] {strides = array<i32>} : memref<128x256xf32, #tpu.memory_space<vmem>>, vector<16xf32>,
          %add3A_319 = arith.constant 1 : i32
          %add3A_320 = arith.addi %mul3A_90, %add3A_319 : i32
          %get3A_321 = arith.index_cast %add3A_320 : i32 to index
          %get3A_322 = arith.index_cast %mul3A_307 : i32 to index
          %get3A_323 = tpu.vector_load %arg6[%get3A_321, %get3A_322] {strides = array<i32>} : memref<128x256xf32, #tpu.memory_space<vmem>>, vector<16xf32>,
          %add3A_324 = arith.constant 2 : i32
          %add3A_325 = arith.addi %mul3A_90, %add3A_324 : i32
          %get3A_326 = arith.index_cast %add3A_325 : i32 to index
          %get3A_327 = arith.index_cast %mul3A_307 : i32 to index
          %get3A_328 = tpu.vector_load %arg6[%get3A_326, %get3A_327] {strides = array<i32>} : memref<128x256xf32, #tpu.memory_space<vmem>>, vector<16xf32>,
          %add3A_329 = arith.constant 3 : i32
          %add3A_330 = arith.addi %mul3A_90, %add3A_329 : i32
          %get3A_331 = arith.index_cast %add3A_330 : i32 to index
          %get3A_332 = arith.index_cast %mul3A_307 : i32 to index
          %get3A_333 = tpu.vector_load %arg6[%get3A_331, %get3A_332] {strides = array<i32>} : memref<128x256xf32, #tpu.memory_space<vmem>>, vector<16xf32>,
          %add3A_334 = arith.constant 4 : i32
          %add3A_335 = arith.addi %mul3A_90, %add3A_334 : i32
          %get3A_336 = arith.index_cast %add3A_335 : i32 to index
          %get3A_337 = arith.index_cast %mul3A_307 : i32 to index
          %get3A_338 = tpu.vector_load %arg6[%get3A_336, %get3A_337] {strides = array<i32>} : memref<128x256xf32, #tpu.memory_space<vmem>>, vector<16xf32>,
          %add3A_339 = arith.constant 5 : i32
          %add3A_340 = arith.addi %mul3A_90, %add3A_339 : i32
          %get3A_341 = arith.index_cast %add3A_340 : i32 to index
          %get3A_342 = arith.index_cast %mul3A_307 : i32 to index
          %get3A_343 = tpu.vector_load %arg6[%get3A_341, %get3A_342] {strides = array<i32>} : memref<128x256xf32, #tpu.memory_space<vmem>>, vector<16xf32>,
          %add3A_344 = arith.constant 6 : i32
          %add3A_345 = arith.addi %mul3A_90, %add3A_344 : i32
          %get3A_346 = arith.index_cast %add3A_345 : i32 to index
          %get3A_347 = arith.index_cast %mul3A_307 : i32 to index
          %get3A_348 = tpu.vector_load %arg6[%get3A_346, %get3A_347] {strides = array<i32>} : memref<128x256xf32, #tpu.memory_space<vmem>>, vector<16xf32>,
          %add3A_349 = arith.constant 7 : i32
          %add3A_350 = arith.addi %mul3A_90, %add3A_349 : i32
          %get3A_351 = arith.index_cast %add3A_350 : i32 to index
          %get3A_352 = arith.index_cast %mul3A_307 : i32 to index
          %get3A_353 = tpu.vector_load %arg6[%get3A_351, %get3A_352] {strides = array<i32>} : memref<128x256xf32, #tpu.memory_space<vmem>>, vector<16xf32>,
          %gt3A_354 = arith.cmpf ogt, %get3A_323, %get3A_318 : vector<16xf32>
          %max3A_355 = arith.maximumf %get3A_318, %get3A_323 : vector<16xf32>
          %select_n3A_356 = arith.select %gt3A_354, %add3A_72, %add3A_60 : vector<16xi1>, vector<16xi32>
          %gt3A_357 = arith.cmpf ogt, %get3A_333, %get3A_328 : vector<16xf32>
          %max3A_358 = arith.maximumf %get3A_328, %get3A_333 : vector<16xf32>
          %select_n3A_359 = arith.select %gt3A_357, %add3A_72, %add3A_60 : vector<16xi1>, vector<16xi32>
          %gt3A_360 = arith.cmpf ogt, %get3A_343, %get3A_338 : vector<16xf32>
          %max3A_361 = arith.maximumf %get3A_338, %get3A_343 : vector<16xf32>
          %select_n3A_362 = arith.select %gt3A_360, %add3A_72, %add3A_60 : vector<16xi1>, vector<16xi32>
          %gt3A_363 = arith.cmpf ogt, %get3A_353, %get3A_348 : vector<16xf32>
          %max3A_364 = arith.maximumf %get3A_348, %get3A_353 : vector<16xf32>
          %select_n3A_365 = arith.select %gt3A_363, %add3A_72, %add3A_60 : vector<16xi1>, vector<16xi32>
          %gt3A_366 = arith.cmpf ogt, %max3A_358, %max3A_355 : vector<16xf32>
          %max3A_367 = arith.maximumf %max3A_355, %max3A_358 : vector<16xf32>
          %add3A_368 = arith.constant 2 : i32
          %add3A_369 = vector.broadcast %add3A_368 : i32 to vector<16xi32>
          %add3A_370 = arith.addi %select_n3A_359, %add3A_369 : vector<16xi32>
          %select_n3A_371 = arith.select %gt3A_366, %add3A_370, %select_n3A_356 : vector<16xi1>, vector<16xi32>
          %gt3A_372 = arith.cmpf ogt, %max3A_364, %max3A_361 : vector<16xf32>
          %max3A_373 = arith.maximumf %max3A_361, %max3A_364 : vector<16xf32>
          %add3A_374 = arith.constant 2 : i32
          %add3A_375 = vector.broadcast %add3A_374 : i32 to vector<16xi32>
          %add3A_376 = arith.addi %select_n3A_365, %add3A_375 : vector<16xi32>
          %select_n3A_377 = arith.select %gt3A_372, %add3A_376, %select_n3A_362 : vector<16xi1>, vector<16xi32>
          %gt3A_378 = arith.cmpf ogt, %max3A_373, %max3A_367 : vector<16xf32>
          %max3A_379 = arith.maximumf %max3A_367, %max3A_373 : vector<16xf32>
          %add3A_380 = arith.constant 4 : i32
          %add3A_381 = vector.broadcast %add3A_380 : i32 to vector<16xi32>
          %add3A_382 = arith.addi %select_n3A_377, %add3A_381 : vector<16xi32>
          %select_n3A_383 = arith.select %gt3A_378, %add3A_382, %select_n3A_371 : vector<16xi1>, vector<16xi32>
          %gt3A_384 = arith.cmpf ogt, %max3A_379, %get3A_311 : vector<16xf32>
          %max3A_385 = arith.maximumf %get3A_311, %max3A_379 : vector<16xf32>
          %add3A_386 = arith.constant 6144 : i32
          %add3A_387 = arith.addi %add3A_386, %mul3A_307 : i32
          %swap3A_388 = arith.index_cast %add3A_387 : i32 to index
          %swap3A_389 = tpu.vector_load %arg10[%swap3A_388] {strides = array<i32>} : memref<6400xf32, #tpu.memory_space<vmem>>, vector<16xf32>,
          tpu.vector_store %arg10[%swap3A_388], %max3A_385 {strides = array<i32>} : memref<6400xf32, #tpu.memory_space<vmem>>, vector<16xf32>,
          %add3A_390 = arith.addi %select_n3A_383, %add3A_94 : vector<16xi32>
          %select_n3A_391 = arith.select %gt3A_384, %add3A_390, %get3A_313 : vector<16xi1>, vector<16xi32>
          %swap3A_392 = arith.index_cast %mul3A_307 : i32 to index
          %swap3A_393 = tpu.vector_load %arg12[%swap3A_392] {strides = array<i32>} : memref<256xi32, #tpu.memory_space<vmem>>, vector<16xi32>,
          tpu.vector_store %arg12[%swap3A_392], %select_n3A_391 {strides = array<i32>} : memref<256xi32, #tpu.memory_space<vmem>>, vector<16xi32>,
          %max3A_394 = arith.maximumf %max3A_294, %get3A_318 : vector<16xf32>
          %max3A_395 = arith.maximumf %max3A_295, %get3A_323 : vector<16xf32>
          %max3A_396 = arith.maximumf %max3A_296, %get3A_328 : vector<16xf32>
          %max3A_397 = arith.maximumf %max3A_297, %get3A_333 : vector<16xf32>
          %max3A_398 = arith.maximumf %max3A_298, %get3A_338 : vector<16xf32>
          %max3A_399 = arith.maximumf %max3A_299, %get3A_343 : vector<16xf32>
          %max3A_400 = arith.maximumf %max3A_300, %get3A_348 : vector<16xf32>
          %max3A_401 = arith.maximumf %max3A_301, %get3A_353 : vector<16xf32>
          scf.yield %max3A_394, %max3A_395, %max3A_396, %max3A_397, %max3A_398, %max3A_399, %max3A_400, %max3A_401 : vector<16xf32>, vector<16xf32>, vector<16xf32>, vector<16xf32>, vector<16xf32>, vector<16xf32>, vector<16xf32>, vector<16xf32>
        }
        %scan3A_147 = arith.constant 8 : i32
        %add3A_148 = arith.constant 0 : i32
        %add3A_149 = arith.addi %mul3A_90, %add3A_148 : i32
        %mul3A_150 = arith.constant 16 : i32
        %mul3A_151 = arith.muli %add3A_149, %mul3A_150 : i32
        %swap3A = arith.index_cast %mul3A_151 : i32 to index
        %swap3A_152 = tpu.vector_load %arg9[%swap3A] {strides = array<i32>} : memref<2048xf32, #tpu.memory_space<vmem>>, vector<16xf32>,
        tpu.vector_store %arg9[%swap3A], %scan3A_146#0 {strides = array<i32>} : memref<2048xf32, #tpu.memory_space<vmem>>, vector<16xf32>,
        %add3A_153 = arith.constant 1 : i32
        %add3A_154 = arith.addi %mul3A_90, %add3A_153 : i32
        %mul3A_155 = arith.constant 16 : i32
        %mul3A_156 = arith.muli %add3A_154, %mul3A_155 : i32
        %swap3A_157 = arith.index_cast %mul3A_156 : i32 to index
        %swap3A_158 = tpu.vector_load %arg9[%swap3A_157] {strides = array<i32>} : memref<2048xf32, #tpu.memory_space<vmem>>, vector<16xf32>,
        tpu.vector_store %arg9[%swap3A_157], %scan3A_146#1 {strides = array<i32>} : memref<2048xf32, #tpu.memory_space<vmem>>, vector<16xf32>,
        %add3A_159 = arith.constant 2 : i32
        %add3A_160 = arith.addi %mul3A_90, %add3A_159 : i32
        %mul3A_161 = arith.constant 16 : i32
        %mul3A_162 = arith.muli %add3A_160, %mul3A_161 : i32
        %swap3A_163 = arith.index_cast %mul3A_162 : i32 to index
        %swap3A_164 = tpu.vector_load %arg9[%swap3A_163] {strides = array<i32>} : memref<2048xf32, #tpu.memory_space<vmem>>, vector<16xf32>,
        tpu.vector_store %arg9[%swap3A_163], %scan3A_146#2 {strides = array<i32>} : memref<2048xf32, #tpu.memory_space<vmem>>, vector<16xf32>,
        %add3A_165 = arith.constant 3 : i32
        %add3A_166 = arith.addi %mul3A_90, %add3A_165 : i32
        %mul3A_167 = arith.constant 16 : i32
        %mul3A_168 = arith.muli %add3A_166, %mul3A_167 : i32
        %swap3A_169 = arith.index_cast %mul3A_168 : i32 to index
        %swap3A_170 = tpu.vector_load %arg9[%swap3A_169] {strides = array<i32>} : memref<2048xf32, #tpu.memory_space<vmem>>, vector<16xf32>,
        tpu.vector_store %arg9[%swap3A_169], %scan3A_146#3 {strides = array<i32>} : memref<2048xf32, #tpu.memory_space<vmem>>, vector<16xf32>,
        %add3A_171 = arith.constant 4 : i32
        %add3A_172 = arith.addi %mul3A_90, %add3A_171 : i32
        %mul3A_173 = arith.constant 16 : i32
        %mul3A_174 = arith.muli %add3A_172, %mul3A_173 : i32
        %swap3A_175 = arith.index_cast %mul3A_174 : i32 to index
        %swap3A_176 = tpu.vector_load %arg9[%swap3A_175] {strides = array<i32>} : memref<2048xf32, #tpu.memory_space<vmem>>, vector<16xf32>,
        tpu.vector_store %arg9[%swap3A_175], %scan3A_146#4 {strides = array<i32>} : memref<2048xf32, #tpu.memory_space<vmem>>, vector<16xf32>,
        %add3A_177 = arith.constant 5 : i32
        %add3A_178 = arith.addi %mul3A_90, %add3A_177 : i32
        %mul3A_179 = arith.constant 16 : i32
        %mul3A_180 = arith.muli %add3A_178, %mul3A_179 : i32
        %swap3A_181 = arith.index_cast %mul3A_180 : i32 to index
        %swap3A_182 = tpu.vector_load %arg9[%swap3A_181] {strides = array<i32>} : memref<2048xf32, #tpu.memory_space<vmem>>, vector<16xf32>,
        tpu.vector_store %arg9[%swap3A_181], %scan3A_146#5 {strides = array<i32>} : memref<2048xf32, #tpu.memory_space<vmem>>, vector<16xf32>,
        %add3A_183 = arith.constant 6 : i32
        %add3A_184 = arith.addi %mul3A_90, %add3A_183 : i32
        %mul3A_185 = arith.constant 16 : i32
        %mul3A_186 = arith.muli %add3A_184, %mul3A_185 : i32
        %swap3A_187 = arith.index_cast %mul3A_186 : i32 to index
        %swap3A_188 = tpu.vector_load %arg9[%swap3A_187] {strides = array<i32>} : memref<2048xf32, #tpu.memory_space<vmem>>, vector<16xf32>,
        tpu.vector_store %arg9[%swap3A_187], %scan3A_146#6 {strides = array<i32>} : memref<2048xf32, #tpu.memory_space<vmem>>, vector<16xf32>,
        %add3A_189 = arith.constant 7 : i32
        %add3A_190 = arith.addi %mul3A_90, %add3A_189 : i32
        %mul3A_191 = arith.constant 16 : i32
        %mul3A_192 = arith.muli %add3A_190, %mul3A_191 : i32
        %swap3A_193 = arith.index_cast %mul3A_192 : i32 to index
        %swap3A_194 = tpu.vector_load %arg9[%swap3A_193] {strides = array<i32>} : memref<2048xf32, #tpu.memory_space<vmem>>, vector<16xf32>,
        tpu.vector_store %arg9[%swap3A_193], %scan3A_146#7 {strides = array<i32>} : memref<2048xf32, #tpu.memory_space<vmem>>, vector<16xf32>,
        %scan3A_195 = arith.constant 0 : i32
        scf.yield %scan3A_195 : i32
      }
      %scan3A_79 = arith.constant 16 : i32
      %scan3A_80 = arith.constant 0 : i32
      %scan3A_81 = arith.constant 0 : i32
      %scan3A_82 = arith.constant 16 : i32
      %scan3A_83 = arith.addi %scan3A_81, %scan3A_82 : i32
      %scan3A_84 = arith.constant 1 : i32
      %scan3A_85 = scf.for %scan3A_87 = %scan3A_81 to %scan3A_83 step %scan3A_84 iter_args(%scan3A_88 = %scan3A_80) -> (i32)  : i32 {
        %mul3A_89 = arith.constant 16 : i32
        %mul3A_90 = arith.muli %scan3A_87, %mul3A_89 : i32
        %add3A_91 = arith.constant 6144 : i32
        %add3A_92 = arith.addi %add3A_91, %mul3A_90 : i32
        %get3A = arith.index_cast %add3A_92 : i32 to index
        %get3A_93 = tpu.vector_load %arg10[%get3A] {strides = array<i32>} : memref<6400xf32, #tpu.memory_space<vmem>>, vector<16xf32>,
        %get3A_94 = arith.index_cast %mul3A_90 : i32 to index
        %get3A_95 = tpu.vector_load %arg12[%get3A_94] {strides = array<i32>} : memref<256xi32, #tpu.memory_space<vmem>>, vector<16xi32>,
        %lt3A_96 = arith.constant 4.000000e-01 : f32
        %lt3A_97 = vector.broadcast %lt3A_96 : f32 to vector<16xf32>
        %lt3A_98 = arith.cmpf olt, %get3A_93, %lt3A_97 : vector<16xf32>
        %gt3A = arith.constant 5.000000e-01 : f32
        %gt3A_99 = vector.broadcast %gt3A : f32 to vector<16xf32>
        %gt3A_100 = arith.cmpf ogt, %get3A_93, %gt3A_99 : vector<16xf32>
        %lt3A_101 = arith.constant 8.000000e-01 : f32
        %lt3A_102 = vector.broadcast %lt3A_101 : f32 to vector<16xf32>
        %lt3A_103 = arith.cmpf olt, %get3A_93, %lt3A_102 : vector<16xf32>
        %and3A = arith.andi %gt3A_100, %lt3A_103 : vector<16xi1>
        %broadcast_in_dim3A_104 = arith.constant 0 : i32
        %broadcast_in_dim3A_105 = vector.broadcast %broadcast_in_dim3A_104 : i32 to vector<16xi32>
        %add3A_106 = arith.constant -1 : i32
        %add3A_107 = vector.broadcast %add3A_106 : i32 to vector<16xi32>
        %add3A_108 = arith.addi %broadcast_in_dim3A_105, %add3A_107 : vector<16xi32>
        %select_n3A = arith.select %lt3A_98, %add3A_60, %add3A_108 : vector<16xi1>, vector<16xi32>
        %add3A_109 = arith.constant 1 : i32
        %add3A_110 = vector.broadcast %add3A_109 : i32 to vector<16xi32>
        %add3A_111 = arith.addi %get3A_95, %add3A_110 : vector<16xi32>
        %select_n3A_112 = arith.select %and3A, %add3A_111, %select_n3A : vector<16xi1>, vector<16xi32>
        %add3A_113 = arith.constant 6144 : i32
        %add3A_114 = arith.addi %add3A_113, %mul3A_90 : i32
        %swap3A = arith.index_cast %add3A_114 : i32 to index
        %swap3A_115 = tpu.vector_load %arg11[%swap3A] {strides = array<i32>} : memref<6400xi32, #tpu.memory_space<vmem>>, vector<16xi32>,
        tpu.vector_store %arg11[%swap3A], %select_n3A_112 {strides = array<i32>} : memref<6400xi32, #tpu.memory_space<vmem>>, vector<16xi32>,
        %scan3A_116 = arith.constant 0 : i32
        scf.yield %scan3A_116 : i32
      }
      %scan3A_86 = arith.constant 16 : i32
    } else {
    }
    %eq3A_29 = arith.constant 781 : i32
    %eq3A_30 = arith.cmpi eq, %add3A_23, %eq3A_29 : i32
    %convert_element_type3A_31 = arith.extui %eq3A_30 : i1 to i32
    %cond3A_32 = arith.constant 0 : i32
    %cond3A_33 = arith.cmpi ne, %convert_element_type3A_31, %cond3A_32 : i32
    scf.if %cond3A_33 {
      %dma_wait3A = arith.constant 0 : i32
      %dma_wait3A_52 = arith.constant 199936 : i32
      %dma_wait3A_53 = tpu.memref_slice %arg2[%dma_wait3A, %dma_wait3A_52] : memref<128x200000xf32, #tpu.memory_space<hbm>> -> memref<128x64xf32, #tpu.memory_space<hbm>>
      %dma_wait3A_54 = arith.constant 0 : i32
      %dma_wait3A_55 = arith.constant 199936 : i32
      %dma_wait3A_56 = tpu.memref_slice %arg2[%dma_wait3A_54, %dma_wait3A_55] : memref<128x200000xf32, #tpu.memory_space<hbm>> -> memref<128x64xf32, #tpu.memory_space<hbm>>
      tpu.wait_dma2 semaphore(%arg13 : memref<!tpu.dma_semaphore, #tpu.memory_space<semaphore_mem>>) src(%dma_wait3A_56 : memref<128x64xf32, #tpu.memory_space<hbm>>) dst(%arg8 : memref<128x64xf32, #tpu.memory_space<vmem>>)
      %broadcast_in_dim3A = arith.constant 0 : i32
      %broadcast_in_dim3A_57 = vector.broadcast %broadcast_in_dim3A : i32 to vector<16xi32>
      %add3A_58 = arith.constant 0 : i32
      %add3A_59 = vector.broadcast %add3A_58 : i32 to vector<16xi32>
      %add3A_60 = arith.addi %broadcast_in_dim3A_57, %add3A_59 : vector<16xi32>
      %scan3A_61 = arith.constant 0 : i32
      %scan3A_62 = arith.constant 0 : i32
      %scan3A_63 = arith.constant 4 : i32
      %scan3A_64 = arith.addi %scan3A_62, %scan3A_63 : i32
      %scan3A_65 = arith.constant 1 : i32
      %scan3A_66 = scf.for %scan3A_87 = %scan3A_62 to %scan3A_64 step %scan3A_65 iter_args(%scan3A_88 = %scan3A_61) -> (i32)  : i32 {
        %broadcast_in_dim3A_89 = arith.constant 0.000000e+00 : f32
        %broadcast_in_dim3A_90 = vector.broadcast %broadcast_in_dim3A_89 : f32 to vector<16xf32>
        %add3A_91 = arith.constant -1.000000e+00 : f32
        %add3A_92 = vector.broadcast %add3A_91 : f32 to vector<16xf32>
        %add3A_93 = arith.addf %broadcast_in_dim3A_90, %add3A_92 : vector<16xf32>
        %mul3A_94 = arith.constant 16 : i32
        %mul3A_95 = arith.muli %scan3A_87, %mul3A_94 : i32
        %add3A_96 = arith.constant 6144 : i32
        %add3A_97 = arith.addi %add3A_96, %mul3A_95 : i32
        %swap3A = arith.index_cast %add3A_97 : i32 to index
        %swap3A_98 = tpu.vector_load %arg10[%swap3A] {strides = array<i32>} : memref<6400xf32, #tpu.memory_space<vmem>>, vector<16xf32>,
        tpu.vector_store %arg10[%swap3A], %add3A_93 {strides = array<i32>} : memref<6400xf32, #tpu.memory_space<vmem>>, vector<16xf32>,
        %mul3A_99 = arith.constant 16 : i32
        %mul3A_100 = arith.muli %scan3A_87, %mul3A_99 : i32
        %swap3A_101 = arith.index_cast %mul3A_100 : i32 to index
        %swap3A_102 = tpu.vector_load %arg12[%swap3A_101] {strides = array<i32>} : memref<256xi32, #tpu.memory_space<vmem>>, vector<16xi32>,
        tpu.vector_store %arg12[%swap3A_101], %add3A_60 {strides = array<i32>} : memref<256xi32, #tpu.memory_space<vmem>>, vector<16xi32>,
        %scan3A_103 = arith.constant 0 : i32
        scf.yield %scan3A_103 : i32
      }
      %scan3A_67 = arith.constant 4 : i32
      %broadcast_in_dim3A_68 = arith.constant 0 : i32
      %broadcast_in_dim3A_69 = vector.broadcast %broadcast_in_dim3A_68 : i32 to vector<16xi32>
      %add3A_70 = arith.constant 1 : i32
      %add3A_71 = vector.broadcast %add3A_70 : i32 to vector<16xi32>
      %add3A_72 = arith.addi %broadcast_in_dim3A_69, %add3A_71 : vector<16xi32>
      %scan3A_73 = arith.constant 0 : i32
      %scan3A_74 = arith.constant 0 : i32
      %scan3A_75 = arith.constant 16 : i32
      %scan3A_76 = arith.addi %scan3A_74, %scan3A_75 : i32
      %scan3A_77 = arith.constant 1 : i32
      %scan3A_78 = scf.for %scan3A_87 = %scan3A_74 to %scan3A_76 step %scan3A_77 iter_args(%scan3A_88 = %scan3A_73) -> (i32)  : i32 {
        %mul3A_89 = arith.constant 8 : i32
        %mul3A_90 = arith.muli %scan3A_87, %mul3A_89 : i32
        %broadcast_in_dim3A_91 = arith.constant 0 : i32
        %broadcast_in_dim3A_92 = vector.broadcast %broadcast_in_dim3A_91 : i32 to vector<16xi32>
        %add3A_93 = vector.broadcast %mul3A_90 : i32 to vector<16xi32>
        %add3A_94 = arith.addi %broadcast_in_dim3A_92, %add3A_93 : vector<16xi32>
        %add3A_95 = arith.constant 0 : i32
        %add3A_96 = arith.addi %mul3A_90, %add3A_95 : i32
        %mul3A_97 = arith.constant 16 : i32
        %mul3A_98 = arith.muli %add3A_96, %mul3A_97 : i32
        %get3A = arith.index_cast %mul3A_98 : i32 to index
        %get3A_99 = tpu.vector_load %arg9[%get3A] {strides = array<i32>} : memref<2048xf32, #tpu.memory_space<vmem>>, vector<16xf32>,
        %add3A_100 = arith.constant 1 : i32
        %add3A_101 = arith.addi %mul3A_90, %add3A_100 : i32
        %mul3A_102 = arith.constant 16 : i32
        %mul3A_103 = arith.muli %add3A_101, %mul3A_102 : i32
        %get3A_104 = arith.index_cast %mul3A_103 : i32 to index
        %get3A_105 = tpu.vector_load %arg9[%get3A_104] {strides = array<i32>} : memref<2048xf32, #tpu.memory_space<vmem>>, vector<16xf32>,
        %add3A_106 = arith.constant 2 : i32
        %add3A_107 = arith.addi %mul3A_90, %add3A_106 : i32
        %mul3A_108 = arith.constant 16 : i32
        %mul3A_109 = arith.muli %add3A_107, %mul3A_108 : i32
        %get3A_110 = arith.index_cast %mul3A_109 : i32 to index
        %get3A_111 = tpu.vector_load %arg9[%get3A_110] {strides = array<i32>} : memref<2048xf32, #tpu.memory_space<vmem>>, vector<16xf32>,
        %add3A_112 = arith.constant 3 : i32
        %add3A_113 = arith.addi %mul3A_90, %add3A_112 : i32
        %mul3A_114 = arith.constant 16 : i32
        %mul3A_115 = arith.muli %add3A_113, %mul3A_114 : i32
        %get3A_116 = arith.index_cast %mul3A_115 : i32 to index
        %get3A_117 = tpu.vector_load %arg9[%get3A_116] {strides = array<i32>} : memref<2048xf32, #tpu.memory_space<vmem>>, vector<16xf32>,
        %add3A_118 = arith.constant 4 : i32
        %add3A_119 = arith.addi %mul3A_90, %add3A_118 : i32
        %mul3A_120 = arith.constant 16 : i32
        %mul3A_121 = arith.muli %add3A_119, %mul3A_120 : i32
        %get3A_122 = arith.index_cast %mul3A_121 : i32 to index
        %get3A_123 = tpu.vector_load %arg9[%get3A_122] {strides = array<i32>} : memref<2048xf32, #tpu.memory_space<vmem>>, vector<16xf32>,
        %add3A_124 = arith.constant 5 : i32
        %add3A_125 = arith.addi %mul3A_90, %add3A_124 : i32
        %mul3A_126 = arith.constant 16 : i32
        %mul3A_127 = arith.muli %add3A_125, %mul3A_126 : i32
        %get3A_128 = arith.index_cast %mul3A_127 : i32 to index
        %get3A_129 = tpu.vector_load %arg9[%get3A_128] {strides = array<i32>} : memref<2048xf32, #tpu.memory_space<vmem>>, vector<16xf32>,
        %add3A_130 = arith.constant 6 : i32
        %add3A_131 = arith.addi %mul3A_90, %add3A_130 : i32
        %mul3A_132 = arith.constant 16 : i32
        %mul3A_133 = arith.muli %add3A_131, %mul3A_132 : i32
        %get3A_134 = arith.index_cast %mul3A_133 : i32 to index
        %get3A_135 = tpu.vector_load %arg9[%get3A_134] {strides = array<i32>} : memref<2048xf32, #tpu.memory_space<vmem>>, vector<16xf32>,
        %add3A_136 = arith.constant 7 : i32
        %add3A_137 = arith.addi %mul3A_90, %add3A_136 : i32
        %mul3A_138 = arith.constant 16 : i32
        %mul3A_139 = arith.muli %add3A_137, %mul3A_138 : i32
        %get3A_140 = arith.index_cast %mul3A_139 : i32 to index
        %get3A_141 = tpu.vector_load %arg9[%get3A_140] {strides = array<i32>} : memref<2048xf32, #tpu.memory_space<vmem>>, vector<16xf32>,
        %scan3A_142 = arith.constant 0 : i32
        %scan3A_143 = arith.constant 2 : i32
        %scan3A_144 = arith.addi %scan3A_142, %scan3A_143 : i32
        %scan3A_145 = arith.constant 1 : i32
        %scan3A_146:8 = scf.for %scan3A_196 = %scan3A_142 to %scan3A_144 step %scan3A_145 iter_args(%scan3A_197 = %get3A_99, %scan3A_198 = %get3A_105, %scan3A_199 = %get3A_111, %scan3A_200 = %get3A_117, %scan3A_201 = %get3A_123, %scan3A_202 = %get3A_129, %scan3A_203 = %get3A_135, %scan3A_204 = %get3A_141) -> (vector<16xf32>, vector<16xf32>, vector<16xf32>, vector<16xf32>, vector<16xf32>, vector<16xf32>, vector<16xf32>, vector<16xf32>)  : i32 {
          %mul3A_205 = arith.constant 2 : i32
          %mul3A_206 = arith.muli %scan3A_196, %mul3A_205 : i32
          %add3A_207 = arith.constant 0 : i32
          %add3A_208 = arith.addi %mul3A_206, %add3A_207 : i32
          %mul3A_209 = arith.constant 16 : i32
          %mul3A_210 = arith.muli %add3A_208, %mul3A_209 : i32
          %add3A_211 = arith.constant 6144 : i32
          %add3A_212 = arith.addi %add3A_211, %mul3A_210 : i32
          %get3A_213 = arith.index_cast %add3A_212 : i32 to index
          %get3A_214 = tpu.vector_load %arg10[%get3A_213] {strides = array<i32>} : memref<6400xf32, #tpu.memory_space<vmem>>, vector<16xf32>,
          %get3A_215 = arith.index_cast %mul3A_210 : i32 to index
          %get3A_216 = tpu.vector_load %arg12[%get3A_215] {strides = array<i32>} : memref<256xi32, #tpu.memory_space<vmem>>, vector<16xi32>,
          %add3A_217 = arith.constant 0 : i32
          %add3A_218 = arith.addi %mul3A_90, %add3A_217 : i32
          %get3A_219 = arith.index_cast %add3A_218 : i32 to index
          %get3A_220 = arith.index_cast %mul3A_210 : i32 to index
          %get3A_221 = tpu.vector_load %arg8[%get3A_219, %get3A_220] {strides = array<i32>} : memref<128x64xf32, #tpu.memory_space<vmem>>, vector<16xf32>,
          %add3A_222 = arith.constant 1 : i32
          %add3A_223 = arith.addi %mul3A_90, %add3A_222 : i32
          %get3A_224 = arith.index_cast %add3A_223 : i32 to index
          %get3A_225 = arith.index_cast %mul3A_210 : i32 to index
          %get3A_226 = tpu.vector_load %arg8[%get3A_224, %get3A_225] {strides = array<i32>} : memref<128x64xf32, #tpu.memory_space<vmem>>, vector<16xf32>,
          %add3A_227 = arith.constant 2 : i32
          %add3A_228 = arith.addi %mul3A_90, %add3A_227 : i32
          %get3A_229 = arith.index_cast %add3A_228 : i32 to index
          %get3A_230 = arith.index_cast %mul3A_210 : i32 to index
          %get3A_231 = tpu.vector_load %arg8[%get3A_229, %get3A_230] {strides = array<i32>} : memref<128x64xf32, #tpu.memory_space<vmem>>, vector<16xf32>,
          %add3A_232 = arith.constant 3 : i32
          %add3A_233 = arith.addi %mul3A_90, %add3A_232 : i32
          %get3A_234 = arith.index_cast %add3A_233 : i32 to index
          %get3A_235 = arith.index_cast %mul3A_210 : i32 to index
          %get3A_236 = tpu.vector_load %arg8[%get3A_234, %get3A_235] {strides = array<i32>} : memref<128x64xf32, #tpu.memory_space<vmem>>, vector<16xf32>,
          %add3A_237 = arith.constant 4 : i32
          %add3A_238 = arith.addi %mul3A_90, %add3A_237 : i32
          %get3A_239 = arith.index_cast %add3A_238 : i32 to index
          %get3A_240 = arith.index_cast %mul3A_210 : i32 to index
          %get3A_241 = tpu.vector_load %arg8[%get3A_239, %get3A_240] {strides = array<i32>} : memref<128x64xf32, #tpu.memory_space<vmem>>, vector<16xf32>,
          %add3A_242 = arith.constant 5 : i32
          %add3A_243 = arith.addi %mul3A_90, %add3A_242 : i32
          %get3A_244 = arith.index_cast %add3A_243 : i32 to index
          %get3A_245 = arith.index_cast %mul3A_210 : i32 to index
          %get3A_246 = tpu.vector_load %arg8[%get3A_244, %get3A_245] {strides = array<i32>} : memref<128x64xf32, #tpu.memory_space<vmem>>, vector<16xf32>,
          %add3A_247 = arith.constant 6 : i32
          %add3A_248 = arith.addi %mul3A_90, %add3A_247 : i32
          %get3A_249 = arith.index_cast %add3A_248 : i32 to index
          %get3A_250 = arith.index_cast %mul3A_210 : i32 to index
          %get3A_251 = tpu.vector_load %arg8[%get3A_249, %get3A_250] {strides = array<i32>} : memref<128x64xf32, #tpu.memory_space<vmem>>, vector<16xf32>,
          %add3A_252 = arith.constant 7 : i32
          %add3A_253 = arith.addi %mul3A_90, %add3A_252 : i32
          %get3A_254 = arith.index_cast %add3A_253 : i32 to index
          %get3A_255 = arith.index_cast %mul3A_210 : i32 to index
          %get3A_256 = tpu.vector_load %arg8[%get3A_254, %get3A_255] {strides = array<i32>} : memref<128x64xf32, #tpu.memory_space<vmem>>, vector<16xf32>,
          %gt3A = arith.cmpf ogt, %get3A_226, %get3A_221 : vector<16xf32>
          %max3A = arith.maximumf %get3A_221, %get3A_226 : vector<16xf32>
          %select_n3A = arith.select %gt3A, %add3A_72, %add3A_60 : vector<16xi1>, vector<16xi32>
          %gt3A_257 = arith.cmpf ogt, %get3A_236, %get3A_231 : vector<16xf32>
          %max3A_258 = arith.maximumf %get3A_231, %get3A_236 : vector<16xf32>
          %select_n3A_259 = arith.select %gt3A_257, %add3A_72, %add3A_60 : vector<16xi1>, vector<16xi32>
          %gt3A_260 = arith.cmpf ogt, %get3A_246, %get3A_241 : vector<16xf32>
          %max3A_261 = arith.maximumf %get3A_241, %get3A_246 : vector<16xf32>
          %select_n3A_262 = arith.select %gt3A_260, %add3A_72, %add3A_60 : vector<16xi1>, vector<16xi32>
          %gt3A_263 = arith.cmpf ogt, %get3A_256, %get3A_251 : vector<16xf32>
          %max3A_264 = arith.maximumf %get3A_251, %get3A_256 : vector<16xf32>
          %select_n3A_265 = arith.select %gt3A_263, %add3A_72, %add3A_60 : vector<16xi1>, vector<16xi32>
          %gt3A_266 = arith.cmpf ogt, %max3A_258, %max3A : vector<16xf32>
          %max3A_267 = arith.maximumf %max3A, %max3A_258 : vector<16xf32>
          %add3A_268 = arith.constant 2 : i32
          %add3A_269 = vector.broadcast %add3A_268 : i32 to vector<16xi32>
          %add3A_270 = arith.addi %select_n3A_259, %add3A_269 : vector<16xi32>
          %select_n3A_271 = arith.select %gt3A_266, %add3A_270, %select_n3A : vector<16xi1>, vector<16xi32>
          %gt3A_272 = arith.cmpf ogt, %max3A_264, %max3A_261 : vector<16xf32>
          %max3A_273 = arith.maximumf %max3A_261, %max3A_264 : vector<16xf32>
          %add3A_274 = arith.constant 2 : i32
          %add3A_275 = vector.broadcast %add3A_274 : i32 to vector<16xi32>
          %add3A_276 = arith.addi %select_n3A_265, %add3A_275 : vector<16xi32>
          %select_n3A_277 = arith.select %gt3A_272, %add3A_276, %select_n3A_262 : vector<16xi1>, vector<16xi32>
          %gt3A_278 = arith.cmpf ogt, %max3A_273, %max3A_267 : vector<16xf32>
          %max3A_279 = arith.maximumf %max3A_267, %max3A_273 : vector<16xf32>
          %add3A_280 = arith.constant 4 : i32
          %add3A_281 = vector.broadcast %add3A_280 : i32 to vector<16xi32>
          %add3A_282 = arith.addi %select_n3A_277, %add3A_281 : vector<16xi32>
          %select_n3A_283 = arith.select %gt3A_278, %add3A_282, %select_n3A_271 : vector<16xi1>, vector<16xi32>
          %gt3A_284 = arith.cmpf ogt, %max3A_279, %get3A_214 : vector<16xf32>
          %max3A_285 = arith.maximumf %get3A_214, %max3A_279 : vector<16xf32>
          %add3A_286 = arith.constant 6144 : i32
          %add3A_287 = arith.addi %add3A_286, %mul3A_210 : i32
          %swap3A_288 = arith.index_cast %add3A_287 : i32 to index
          %swap3A_289 = tpu.vector_load %arg10[%swap3A_288] {strides = array<i32>} : memref<6400xf32, #tpu.memory_space<vmem>>, vector<16xf32>,
          tpu.vector_store %arg10[%swap3A_288], %max3A_285 {strides = array<i32>} : memref<6400xf32, #tpu.memory_space<vmem>>, vector<16xf32>,
          %add3A_290 = arith.addi %select_n3A_283, %add3A_94 : vector<16xi32>
          %select_n3A_291 = arith.select %gt3A_284, %add3A_290, %get3A_216 : vector<16xi1>, vector<16xi32>
          %swap3A_292 = arith.index_cast %mul3A_210 : i32 to index
          %swap3A_293 = tpu.vector_load %arg12[%swap3A_292] {strides = array<i32>} : memref<256xi32, #tpu.memory_space<vmem>>, vector<16xi32>,
          tpu.vector_store %arg12[%swap3A_292], %select_n3A_291 {strides = array<i32>} : memref<256xi32, #tpu.memory_space<vmem>>, vector<16xi32>,
          %max3A_294 = arith.maximumf %scan3A_197, %get3A_221 : vector<16xf32>
          %max3A_295 = arith.maximumf %scan3A_198, %get3A_226 : vector<16xf32>
          %max3A_296 = arith.maximumf %scan3A_199, %get3A_231 : vector<16xf32>
          %max3A_297 = arith.maximumf %scan3A_200, %get3A_236 : vector<16xf32>
          %max3A_298 = arith.maximumf %scan3A_201, %get3A_241 : vector<16xf32>
          %max3A_299 = arith.maximumf %scan3A_202, %get3A_246 : vector<16xf32>
          %max3A_300 = arith.maximumf %scan3A_203, %get3A_251 : vector<16xf32>
          %max3A_301 = arith.maximumf %scan3A_204, %get3A_256 : vector<16xf32>
          %mul3A_302 = arith.constant 2 : i32
          %mul3A_303 = arith.muli %scan3A_196, %mul3A_302 : i32
          %add3A_304 = arith.constant 1 : i32
          %add3A_305 = arith.addi %mul3A_303, %add3A_304 : i32
          %mul3A_306 = arith.constant 16 : i32
          %mul3A_307 = arith.muli %add3A_305, %mul3A_306 : i32
          %add3A_308 = arith.constant 6144 : i32
          %add3A_309 = arith.addi %add3A_308, %mul3A_307 : i32
          %get3A_310 = arith.index_cast %add3A_309 : i32 to index
          %get3A_311 = tpu.vector_load %arg10[%get3A_310] {strides = array<i32>} : memref<6400xf32, #tpu.memory_space<vmem>>, vector<16xf32>,
          %get3A_312 = arith.index_cast %mul3A_307 : i32 to index
          %get3A_313 = tpu.vector_load %arg12[%get3A_312] {strides = array<i32>} : memref<256xi32, #tpu.memory_space<vmem>>, vector<16xi32>,
          %add3A_314 = arith.constant 0 : i32
          %add3A_315 = arith.addi %mul3A_90, %add3A_314 : i32
          %get3A_316 = arith.index_cast %add3A_315 : i32 to index
          %get3A_317 = arith.index_cast %mul3A_307 : i32 to index
          %get3A_318 = tpu.vector_load %arg8[%get3A_316, %get3A_317] {strides = array<i32>} : memref<128x64xf32, #tpu.memory_space<vmem>>, vector<16xf32>,
          %add3A_319 = arith.constant 1 : i32
          %add3A_320 = arith.addi %mul3A_90, %add3A_319 : i32
          %get3A_321 = arith.index_cast %add3A_320 : i32 to index
          %get3A_322 = arith.index_cast %mul3A_307 : i32 to index
          %get3A_323 = tpu.vector_load %arg8[%get3A_321, %get3A_322] {strides = array<i32>} : memref<128x64xf32, #tpu.memory_space<vmem>>, vector<16xf32>,
          %add3A_324 = arith.constant 2 : i32
          %add3A_325 = arith.addi %mul3A_90, %add3A_324 : i32
          %get3A_326 = arith.index_cast %add3A_325 : i32 to index
          %get3A_327 = arith.index_cast %mul3A_307 : i32 to index
          %get3A_328 = tpu.vector_load %arg8[%get3A_326, %get3A_327] {strides = array<i32>} : memref<128x64xf32, #tpu.memory_space<vmem>>, vector<16xf32>,
          %add3A_329 = arith.constant 3 : i32
          %add3A_330 = arith.addi %mul3A_90, %add3A_329 : i32
          %get3A_331 = arith.index_cast %add3A_330 : i32 to index
          %get3A_332 = arith.index_cast %mul3A_307 : i32 to index
          %get3A_333 = tpu.vector_load %arg8[%get3A_331, %get3A_332] {strides = array<i32>} : memref<128x64xf32, #tpu.memory_space<vmem>>, vector<16xf32>,
          %add3A_334 = arith.constant 4 : i32
          %add3A_335 = arith.addi %mul3A_90, %add3A_334 : i32
          %get3A_336 = arith.index_cast %add3A_335 : i32 to index
          %get3A_337 = arith.index_cast %mul3A_307 : i32 to index
          %get3A_338 = tpu.vector_load %arg8[%get3A_336, %get3A_337] {strides = array<i32>} : memref<128x64xf32, #tpu.memory_space<vmem>>, vector<16xf32>,
          %add3A_339 = arith.constant 5 : i32
          %add3A_340 = arith.addi %mul3A_90, %add3A_339 : i32
          %get3A_341 = arith.index_cast %add3A_340 : i32 to index
          %get3A_342 = arith.index_cast %mul3A_307 : i32 to index
          %get3A_343 = tpu.vector_load %arg8[%get3A_341, %get3A_342] {strides = array<i32>} : memref<128x64xf32, #tpu.memory_space<vmem>>, vector<16xf32>,
          %add3A_344 = arith.constant 6 : i32
          %add3A_345 = arith.addi %mul3A_90, %add3A_344 : i32
          %get3A_346 = arith.index_cast %add3A_345 : i32 to index
          %get3A_347 = arith.index_cast %mul3A_307 : i32 to index
          %get3A_348 = tpu.vector_load %arg8[%get3A_346, %get3A_347] {strides = array<i32>} : memref<128x64xf32, #tpu.memory_space<vmem>>, vector<16xf32>,
          %add3A_349 = arith.constant 7 : i32
          %add3A_350 = arith.addi %mul3A_90, %add3A_349 : i32
          %get3A_351 = arith.index_cast %add3A_350 : i32 to index
          %get3A_352 = arith.index_cast %mul3A_307 : i32 to index
          %get3A_353 = tpu.vector_load %arg8[%get3A_351, %get3A_352] {strides = array<i32>} : memref<128x64xf32, #tpu.memory_space<vmem>>, vector<16xf32>,
          %gt3A_354 = arith.cmpf ogt, %get3A_323, %get3A_318 : vector<16xf32>
          %max3A_355 = arith.maximumf %get3A_318, %get3A_323 : vector<16xf32>
          %select_n3A_356 = arith.select %gt3A_354, %add3A_72, %add3A_60 : vector<16xi1>, vector<16xi32>
          %gt3A_357 = arith.cmpf ogt, %get3A_333, %get3A_328 : vector<16xf32>
          %max3A_358 = arith.maximumf %get3A_328, %get3A_333 : vector<16xf32>
          %select_n3A_359 = arith.select %gt3A_357, %add3A_72, %add3A_60 : vector<16xi1>, vector<16xi32>
          %gt3A_360 = arith.cmpf ogt, %get3A_343, %get3A_338 : vector<16xf32>
          %max3A_361 = arith.maximumf %get3A_338, %get3A_343 : vector<16xf32>
          %select_n3A_362 = arith.select %gt3A_360, %add3A_72, %add3A_60 : vector<16xi1>, vector<16xi32>
          %gt3A_363 = arith.cmpf ogt, %get3A_353, %get3A_348 : vector<16xf32>
          %max3A_364 = arith.maximumf %get3A_348, %get3A_353 : vector<16xf32>
          %select_n3A_365 = arith.select %gt3A_363, %add3A_72, %add3A_60 : vector<16xi1>, vector<16xi32>
          %gt3A_366 = arith.cmpf ogt, %max3A_358, %max3A_355 : vector<16xf32>
          %max3A_367 = arith.maximumf %max3A_355, %max3A_358 : vector<16xf32>
          %add3A_368 = arith.constant 2 : i32
          %add3A_369 = vector.broadcast %add3A_368 : i32 to vector<16xi32>
          %add3A_370 = arith.addi %select_n3A_359, %add3A_369 : vector<16xi32>
          %select_n3A_371 = arith.select %gt3A_366, %add3A_370, %select_n3A_356 : vector<16xi1>, vector<16xi32>
          %gt3A_372 = arith.cmpf ogt, %max3A_364, %max3A_361 : vector<16xf32>
          %max3A_373 = arith.maximumf %max3A_361, %max3A_364 : vector<16xf32>
          %add3A_374 = arith.constant 2 : i32
          %add3A_375 = vector.broadcast %add3A_374 : i32 to vector<16xi32>
          %add3A_376 = arith.addi %select_n3A_365, %add3A_375 : vector<16xi32>
          %select_n3A_377 = arith.select %gt3A_372, %add3A_376, %select_n3A_362 : vector<16xi1>, vector<16xi32>
          %gt3A_378 = arith.cmpf ogt, %max3A_373, %max3A_367 : vector<16xf32>
          %max3A_379 = arith.maximumf %max3A_367, %max3A_373 : vector<16xf32>
          %add3A_380 = arith.constant 4 : i32
          %add3A_381 = vector.broadcast %add3A_380 : i32 to vector<16xi32>
          %add3A_382 = arith.addi %select_n3A_377, %add3A_381 : vector<16xi32>
          %select_n3A_383 = arith.select %gt3A_378, %add3A_382, %select_n3A_371 : vector<16xi1>, vector<16xi32>
          %gt3A_384 = arith.cmpf ogt, %max3A_379, %get3A_311 : vector<16xf32>
          %max3A_385 = arith.maximumf %get3A_311, %max3A_379 : vector<16xf32>
          %add3A_386 = arith.constant 6144 : i32
          %add3A_387 = arith.addi %add3A_386, %mul3A_307 : i32
          %swap3A_388 = arith.index_cast %add3A_387 : i32 to index
          %swap3A_389 = tpu.vector_load %arg10[%swap3A_388] {strides = array<i32>} : memref<6400xf32, #tpu.memory_space<vmem>>, vector<16xf32>,
          tpu.vector_store %arg10[%swap3A_388], %max3A_385 {strides = array<i32>} : memref<6400xf32, #tpu.memory_space<vmem>>, vector<16xf32>,
          %add3A_390 = arith.addi %select_n3A_383, %add3A_94 : vector<16xi32>
          %select_n3A_391 = arith.select %gt3A_384, %add3A_390, %get3A_313 : vector<16xi1>, vector<16xi32>
          %swap3A_392 = arith.index_cast %mul3A_307 : i32 to index
          %swap3A_393 = tpu.vector_load %arg12[%swap3A_392] {strides = array<i32>} : memref<256xi32, #tpu.memory_space<vmem>>, vector<16xi32>,
          tpu.vector_store %arg12[%swap3A_392], %select_n3A_391 {strides = array<i32>} : memref<256xi32, #tpu.memory_space<vmem>>, vector<16xi32>,
          %max3A_394 = arith.maximumf %max3A_294, %get3A_318 : vector<16xf32>
          %max3A_395 = arith.maximumf %max3A_295, %get3A_323 : vector<16xf32>
          %max3A_396 = arith.maximumf %max3A_296, %get3A_328 : vector<16xf32>
          %max3A_397 = arith.maximumf %max3A_297, %get3A_333 : vector<16xf32>
          %max3A_398 = arith.maximumf %max3A_298, %get3A_338 : vector<16xf32>
          %max3A_399 = arith.maximumf %max3A_299, %get3A_343 : vector<16xf32>
          %max3A_400 = arith.maximumf %max3A_300, %get3A_348 : vector<16xf32>
          %max3A_401 = arith.maximumf %max3A_301, %get3A_353 : vector<16xf32>
          scf.yield %max3A_394, %max3A_395, %max3A_396, %max3A_397, %max3A_398, %max3A_399, %max3A_400, %max3A_401 : vector<16xf32>, vector<16xf32>, vector<16xf32>, vector<16xf32>, vector<16xf32>, vector<16xf32>, vector<16xf32>, vector<16xf32>
        }
        %scan3A_147 = arith.constant 2 : i32
        %add3A_148 = arith.constant 0 : i32
        %add3A_149 = arith.addi %mul3A_90, %add3A_148 : i32
        %mul3A_150 = arith.constant 16 : i32
        %mul3A_151 = arith.muli %add3A_149, %mul3A_150 : i32
        %swap3A = arith.index_cast %mul3A_151 : i32 to index
        %swap3A_152 = tpu.vector_load %arg9[%swap3A] {strides = array<i32>} : memref<2048xf32, #tpu.memory_space<vmem>>, vector<16xf32>,
        tpu.vector_store %arg9[%swap3A], %scan3A_146#0 {strides = array<i32>} : memref<2048xf32, #tpu.memory_space<vmem>>, vector<16xf32>,
        %add3A_153 = arith.constant 1 : i32
        %add3A_154 = arith.addi %mul3A_90, %add3A_153 : i32
        %mul3A_155 = arith.constant 16 : i32
        %mul3A_156 = arith.muli %add3A_154, %mul3A_155 : i32
        %swap3A_157 = arith.index_cast %mul3A_156 : i32 to index
        %swap3A_158 = tpu.vector_load %arg9[%swap3A_157] {strides = array<i32>} : memref<2048xf32, #tpu.memory_space<vmem>>, vector<16xf32>,
        tpu.vector_store %arg9[%swap3A_157], %scan3A_146#1 {strides = array<i32>} : memref<2048xf32, #tpu.memory_space<vmem>>, vector<16xf32>,
        %add3A_159 = arith.constant 2 : i32
        %add3A_160 = arith.addi %mul3A_90, %add3A_159 : i32
        %mul3A_161 = arith.constant 16 : i32
        %mul3A_162 = arith.muli %add3A_160, %mul3A_161 : i32
        %swap3A_163 = arith.index_cast %mul3A_162 : i32 to index
        %swap3A_164 = tpu.vector_load %arg9[%swap3A_163] {strides = array<i32>} : memref<2048xf32, #tpu.memory_space<vmem>>, vector<16xf32>,
        tpu.vector_store %arg9[%swap3A_163], %scan3A_146#2 {strides = array<i32>} : memref<2048xf32, #tpu.memory_space<vmem>>, vector<16xf32>,
        %add3A_165 = arith.constant 3 : i32
        %add3A_166 = arith.addi %mul3A_90, %add3A_165 : i32
        %mul3A_167 = arith.constant 16 : i32
        %mul3A_168 = arith.muli %add3A_166, %mul3A_167 : i32
        %swap3A_169 = arith.index_cast %mul3A_168 : i32 to index
        %swap3A_170 = tpu.vector_load %arg9[%swap3A_169] {strides = array<i32>} : memref<2048xf32, #tpu.memory_space<vmem>>, vector<16xf32>,
        tpu.vector_store %arg9[%swap3A_169], %scan3A_146#3 {strides = array<i32>} : memref<2048xf32, #tpu.memory_space<vmem>>, vector<16xf32>,
        %add3A_171 = arith.constant 4 : i32
        %add3A_172 = arith.addi %mul3A_90, %add3A_171 : i32
        %mul3A_173 = arith.constant 16 : i32
        %mul3A_174 = arith.muli %add3A_172, %mul3A_173 : i32
        %swap3A_175 = arith.index_cast %mul3A_174 : i32 to index
        %swap3A_176 = tpu.vector_load %arg9[%swap3A_175] {strides = array<i32>} : memref<2048xf32, #tpu.memory_space<vmem>>, vector<16xf32>,
        tpu.vector_store %arg9[%swap3A_175], %scan3A_146#4 {strides = array<i32>} : memref<2048xf32, #tpu.memory_space<vmem>>, vector<16xf32>,
        %add3A_177 = arith.constant 5 : i32
        %add3A_178 = arith.addi %mul3A_90, %add3A_177 : i32
        %mul3A_179 = arith.constant 16 : i32
        %mul3A_180 = arith.muli %add3A_178, %mul3A_179 : i32
        %swap3A_181 = arith.index_cast %mul3A_180 : i32 to index
        %swap3A_182 = tpu.vector_load %arg9[%swap3A_181] {strides = array<i32>} : memref<2048xf32, #tpu.memory_space<vmem>>, vector<16xf32>,
        tpu.vector_store %arg9[%swap3A_181], %scan3A_146#5 {strides = array<i32>} : memref<2048xf32, #tpu.memory_space<vmem>>, vector<16xf32>,
        %add3A_183 = arith.constant 6 : i32
        %add3A_184 = arith.addi %mul3A_90, %add3A_183 : i32
        %mul3A_185 = arith.constant 16 : i32
        %mul3A_186 = arith.muli %add3A_184, %mul3A_185 : i32
        %swap3A_187 = arith.index_cast %mul3A_186 : i32 to index
        %swap3A_188 = tpu.vector_load %arg9[%swap3A_187] {strides = array<i32>} : memref<2048xf32, #tpu.memory_space<vmem>>, vector<16xf32>,
        tpu.vector_store %arg9[%swap3A_187], %scan3A_146#6 {strides = array<i32>} : memref<2048xf32, #tpu.memory_space<vmem>>, vector<16xf32>,
        %add3A_189 = arith.constant 7 : i32
        %add3A_190 = arith.addi %mul3A_90, %add3A_189 : i32
        %mul3A_191 = arith.constant 16 : i32
        %mul3A_192 = arith.muli %add3A_190, %mul3A_191 : i32
        %swap3A_193 = arith.index_cast %mul3A_192 : i32 to index
        %swap3A_194 = tpu.vector_load %arg9[%swap3A_193] {strides = array<i32>} : memref<2048xf32, #tpu.memory_space<vmem>>, vector<16xf32>,
        tpu.vector_store %arg9[%swap3A_193], %scan3A_146#7 {strides = array<i32>} : memref<2048xf32, #tpu.memory_space<vmem>>, vector<16xf32>,
        %scan3A_195 = arith.constant 0 : i32
        scf.yield %scan3A_195 : i32
      }
      %scan3A_79 = arith.constant 16 : i32
      %scan3A_80 = arith.constant 0 : i32
      %scan3A_81 = arith.constant 0 : i32
      %scan3A_82 = arith.constant 4 : i32
      %scan3A_83 = arith.addi %scan3A_81, %scan3A_82 : i32
      %scan3A_84 = arith.constant 1 : i32
      %scan3A_85 = scf.for %scan3A_87 = %scan3A_81 to %scan3A_83 step %scan3A_84 iter_args(%scan3A_88 = %scan3A_80) -> (i32)  : i32 {
        %mul3A_89 = arith.constant 16 : i32
        %mul3A_90 = arith.muli %scan3A_87, %mul3A_89 : i32
        %add3A_91 = arith.constant 6144 : i32
        %add3A_92 = arith.addi %add3A_91, %mul3A_90 : i32
        %get3A = arith.index_cast %add3A_92 : i32 to index
        %get3A_93 = tpu.vector_load %arg10[%get3A] {strides = array<i32>} : memref<6400xf32, #tpu.memory_space<vmem>>, vector<16xf32>,
        %get3A_94 = arith.index_cast %mul3A_90 : i32 to index
        %get3A_95 = tpu.vector_load %arg12[%get3A_94] {strides = array<i32>} : memref<256xi32, #tpu.memory_space<vmem>>, vector<16xi32>,
        %lt3A_96 = arith.constant 4.000000e-01 : f32
        %lt3A_97 = vector.broadcast %lt3A_96 : f32 to vector<16xf32>
        %lt3A_98 = arith.cmpf olt, %get3A_93, %lt3A_97 : vector<16xf32>
        %gt3A = arith.constant 5.000000e-01 : f32
        %gt3A_99 = vector.broadcast %gt3A : f32 to vector<16xf32>
        %gt3A_100 = arith.cmpf ogt, %get3A_93, %gt3A_99 : vector<16xf32>
        %lt3A_101 = arith.constant 8.000000e-01 : f32
        %lt3A_102 = vector.broadcast %lt3A_101 : f32 to vector<16xf32>
        %lt3A_103 = arith.cmpf olt, %get3A_93, %lt3A_102 : vector<16xf32>
        %and3A = arith.andi %gt3A_100, %lt3A_103 : vector<16xi1>
        %broadcast_in_dim3A_104 = arith.constant 0 : i32
        %broadcast_in_dim3A_105 = vector.broadcast %broadcast_in_dim3A_104 : i32 to vector<16xi32>
        %add3A_106 = arith.constant -1 : i32
        %add3A_107 = vector.broadcast %add3A_106 : i32 to vector<16xi32>
        %add3A_108 = arith.addi %broadcast_in_dim3A_105, %add3A_107 : vector<16xi32>
        %select_n3A = arith.select %lt3A_98, %add3A_60, %add3A_108 : vector<16xi1>, vector<16xi32>
        %add3A_109 = arith.constant 1 : i32
        %add3A_110 = vector.broadcast %add3A_109 : i32 to vector<16xi32>
        %add3A_111 = arith.addi %get3A_95, %add3A_110 : vector<16xi32>
        %select_n3A_112 = arith.select %and3A, %add3A_111, %select_n3A : vector<16xi1>, vector<16xi32>
        %add3A_113 = arith.constant 6144 : i32
        %add3A_114 = arith.addi %add3A_113, %mul3A_90 : i32
        %swap3A = arith.index_cast %add3A_114 : i32 to index
        %swap3A_115 = tpu.vector_load %arg11[%swap3A] {strides = array<i32>} : memref<6400xi32, #tpu.memory_space<vmem>>, vector<16xi32>,
        tpu.vector_store %arg11[%swap3A], %select_n3A_112 {strides = array<i32>} : memref<6400xi32, #tpu.memory_space<vmem>>, vector<16xi32>,
        %scan3A_116 = arith.constant 0 : i32
        scf.yield %scan3A_116 : i32
      }
      %scan3A_86 = arith.constant 4 : i32
    } else {
    }
    %scan3A_34 = arith.constant 0 : i32
    %scan3A_35 = arith.constant 0 : i32
    %scan3A_36 = arith.constant 25 : i32
    %scan3A_37 = arith.addi %scan3A_35, %scan3A_36 : i32
    %scan3A_38 = arith.constant 1 : i32
    %scan3A_39 = scf.for %scan3A_52 = %scan3A_35 to %scan3A_37 step %scan3A_38 iter_args(%scan3A_53 = %scan3A_34) -> (i32)  : i32 {
      %mul3A_54 = arith.constant 32 : i32
      %mul3A_55 = arith.muli %scan3A_52, %mul3A_54 : i32
      %add3A_56 = arith.addi %mul3A_55, %add3A : i32
      %lt3A_57 = arith.constant 781 : i32
      %lt3A_58 = arith.cmpi slt, %add3A_56, %lt3A_57 : i32
      %convert_element_type3A_59 = arith.extui %lt3A_58 : i1 to i32
      %cond3A_60 = arith.constant 0 : i32
      %cond3A_61 = arith.cmpi ne, %convert_element_type3A_59, %cond3A_60 : i32
      scf.if %cond3A_61 {
        %mul3A_68 = arith.constant 256 : i32
        %mul3A_69 = arith.muli %scan3A_52, %mul3A_68 : i32
        %mul3A_70 = arith.constant 256 : i32
        %mul3A_71 = arith.muli %add3A_56, %mul3A_70 : i32
        %dma_start3A = tpu.memref_slice %arg10[%mul3A_69] : memref<6400xf32, #tpu.memory_space<vmem>> -> memref<256xf32, #tpu.memory_space<vmem>>
        %dma_start3A_72 = tpu.memref_slice %arg3[%mul3A_71] : memref<200000xf32, #tpu.memory_space<hbm>> -> memref<256xf32, #tpu.memory_space<hbm>>
        %dma_start3A_73 = tpu.memref_slice %arg3[%mul3A_71] : memref<200000xf32, #tpu.memory_space<hbm>> -> memref<256xf32, #tpu.memory_space<hbm>>
        %dma_start3A_74 = tpu.memref_slice %arg10[%mul3A_69] : memref<6400xf32, #tpu.memory_space<vmem>> -> memref<256xf32, #tpu.memory_space<vmem>>
        tpu.enqueue_dma source(%dma_start3A_74 : memref<256xf32, #tpu.memory_space<vmem>>) target(%dma_start3A_73 : memref<256xf32, #tpu.memory_space<hbm>>) target_semaphore(%arg15 : memref<!tpu.dma_semaphore, #tpu.memory_space<semaphore_mem>>)
        %mul3A_75 = arith.constant 256 : i32
        %mul3A_76 = arith.muli %scan3A_52, %mul3A_75 : i32
        %mul3A_77 = arith.constant 256 : i32
        %mul3A_78 = arith.muli %add3A_56, %mul3A_77 : i32
        %dma_start3A_79 = tpu.memref_slice %arg11[%mul3A_76] : memref<6400xi32, #tpu.memory_space<vmem>> -> memref<256xi32, #tpu.memory_space<vmem>>
        %dma_start3A_80 = tpu.memref_slice %arg4[%mul3A_78] : memref<200000xi32, #tpu.memory_space<hbm>> -> memref<256xi32, #tpu.memory_space<hbm>>
        %dma_start3A_81 = tpu.memref_slice %arg4[%mul3A_78] : memref<200000xi32, #tpu.memory_space<hbm>> -> memref<256xi32, #tpu.memory_space<hbm>>
        %dma_start3A_82 = tpu.memref_slice %arg11[%mul3A_76] : memref<6400xi32, #tpu.memory_space<vmem>> -> memref<256xi32, #tpu.memory_space<vmem>>
        tpu.enqueue_dma source(%dma_start3A_82 : memref<256xi32, #tpu.memory_space<vmem>>) target(%dma_start3A_81 : memref<256xi32, #tpu.memory_space<hbm>>) target_semaphore(%arg15 : memref<!tpu.dma_semaphore, #tpu.memory_space<semaphore_mem>>)
      } else {
      }
      %eq3A_62 = arith.constant 781 : i32
      %eq3A_63 = arith.cmpi eq, %add3A_56, %eq3A_62 : i32
      %convert_element_type3A_64 = arith.extui %eq3A_63 : i1 to i32
      %cond3A_65 = arith.constant 0 : i32
      %cond3A_66 = arith.cmpi ne, %convert_element_type3A_64, %cond3A_65 : i32
      scf.if %cond3A_66 {
        %mul3A_68 = arith.constant 256 : i32
        %mul3A_69 = arith.muli %scan3A_52, %mul3A_68 : i32
        %dma_start3A = tpu.memref_slice %arg10[%mul3A_69] : memref<6400xf32, #tpu.memory_space<vmem>> -> memref<64xf32, #tpu.memory_space<vmem>>
        %dma_start3A_70 = arith.constant 199936 : i32
        %dma_start3A_71 = tpu.memref_slice %arg3[%dma_start3A_70] : memref<200000xf32, #tpu.memory_space<hbm>> -> memref<64xf32, #tpu.memory_space<hbm>>
        %dma_start3A_72 = arith.constant 199936 : i32
        %dma_start3A_73 = tpu.memref_slice %arg3[%dma_start3A_72] : memref<200000xf32, #tpu.memory_space<hbm>> -> memref<64xf32, #tpu.memory_space<hbm>>
        %dma_start3A_74 = tpu.memref_slice %arg10[%mul3A_69] : memref<6400xf32, #tpu.memory_space<vmem>> -> memref<64xf32, #tpu.memory_space<vmem>>
        tpu.enqueue_dma source(%dma_start3A_74 : memref<64xf32, #tpu.memory_space<vmem>>) target(%dma_start3A_73 : memref<64xf32, #tpu.memory_space<hbm>>) target_semaphore(%arg15 : memref<!tpu.dma_semaphore, #tpu.memory_space<semaphore_mem>>)
        %mul3A_75 = arith.constant 256 : i32
        %mul3A_76 = arith.muli %scan3A_52, %mul3A_75 : i32
        %dma_start3A_77 = tpu.memref_slice %arg11[%mul3A_76] : memref<6400xi32, #tpu.memory_space<vmem>> -> memref<64xi32, #tpu.memory_space<vmem>>
        %dma_start3A_78 = arith.constant 199936 : i32
        %dma_start3A_79 = tpu.memref_slice %arg4[%dma_start3A_78] : memref<200000xi32, #tpu.memory_space<hbm>> -> memref<64xi32, #tpu.memory_space<hbm>>
        %dma_start3A_80 = arith.constant 199936 : i32
        %dma_start3A_81 = tpu.memref_slice %arg4[%dma_start3A_80] : memref<200000xi32, #tpu.memory_space<hbm>> -> memref<64xi32, #tpu.memory_space<hbm>>
        %dma_start3A_82 = tpu.memref_slice %arg11[%mul3A_76] : memref<6400xi32, #tpu.memory_space<vmem>> -> memref<64xi32, #tpu.memory_space<vmem>>
        tpu.enqueue_dma source(%dma_start3A_82 : memref<64xi32, #tpu.memory_space<vmem>>) target(%dma_start3A_81 : memref<64xi32, #tpu.memory_space<hbm>>) target_semaphore(%arg15 : memref<!tpu.dma_semaphore, #tpu.memory_space<semaphore_mem>>)
      } else {
      }
      %scan3A_67 = arith.constant 0 : i32
      scf.yield %scan3A_67 : i32
    }
    %scan3A_40 = arith.constant 25 : i32
    %scan3A_41 = arith.constant 0 : i32
    %scan3A_42 = arith.constant 0 : i32
    %scan3A_43 = arith.constant 25 : i32
    %scan3A_44 = arith.addi %scan3A_42, %scan3A_43 : i32
    %scan3A_45 = arith.constant 1 : i32
    %scan3A_46 = scf.for %scan3A_52 = %scan3A_42 to %scan3A_44 step %scan3A_45 iter_args(%scan3A_53 = %scan3A_41) -> (i32)  : i32 {
      %mul3A_54 = arith.constant 32 : i32
      %mul3A_55 = arith.muli %scan3A_52, %mul3A_54 : i32
      %add3A_56 = arith.addi %mul3A_55, %add3A : i32
      %lt3A_57 = arith.constant 781 : i32
      %lt3A_58 = arith.cmpi slt, %add3A_56, %lt3A_57 : i32
      %convert_element_type3A_59 = arith.extui %lt3A_58 : i1 to i32
      %cond3A_60 = arith.constant 0 : i32
      %cond3A_61 = arith.cmpi ne, %convert_element_type3A_59, %cond3A_60 : i32
      scf.if %cond3A_61 {
        %mul3A_68 = arith.constant 256 : i32
        %mul3A_69 = arith.muli %scan3A_52, %mul3A_68 : i32
        %mul3A_70 = arith.constant 256 : i32
        %mul3A_71 = arith.muli %add3A_56, %mul3A_70 : i32
        %dma_wait3A = tpu.memref_slice %arg10[%mul3A_69] : memref<6400xf32, #tpu.memory_space<vmem>> -> memref<256xf32, #tpu.memory_space<vmem>>
        %dma_wait3A_72 = tpu.memref_slice %arg3[%mul3A_71] : memref<200000xf32, #tpu.memory_space<hbm>> -> memref<256xf32, #tpu.memory_space<hbm>>
        %dma_wait3A_73 = tpu.memref_slice %arg3[%mul3A_71] : memref<200000xf32, #tpu.memory_space<hbm>> -> memref<256xf32, #tpu.memory_space<hbm>>
        %dma_wait3A_74 = tpu.memref_slice %arg10[%mul3A_69] : memref<6400xf32, #tpu.memory_space<vmem>> -> memref<256xf32, #tpu.memory_space<vmem>>
        tpu.wait_dma2 semaphore(%arg15 : memref<!tpu.dma_semaphore, #tpu.memory_space<semaphore_mem>>) src(%dma_wait3A_74 : memref<256xf32, #tpu.memory_space<vmem>>) dst(%dma_wait3A_73 : memref<256xf32, #tpu.memory_space<hbm>>)
        %mul3A_75 = arith.constant 256 : i32
        %mul3A_76 = arith.muli %scan3A_52, %mul3A_75 : i32
        %mul3A_77 = arith.constant 256 : i32
        %mul3A_78 = arith.muli %add3A_56, %mul3A_77 : i32
        %dma_wait3A_79 = tpu.memref_slice %arg11[%mul3A_76] : memref<6400xi32, #tpu.memory_space<vmem>> -> memref<256xi32, #tpu.memory_space<vmem>>
        %dma_wait3A_80 = tpu.memref_slice %arg4[%mul3A_78] : memref<200000xi32, #tpu.memory_space<hbm>> -> memref<256xi32, #tpu.memory_space<hbm>>
        %dma_wait3A_81 = tpu.memref_slice %arg4[%mul3A_78] : memref<200000xi32, #tpu.memory_space<hbm>> -> memref<256xi32, #tpu.memory_space<hbm>>
        %dma_wait3A_82 = tpu.memref_slice %arg11[%mul3A_76] : memref<6400xi32, #tpu.memory_space<vmem>> -> memref<256xi32, #tpu.memory_space<vmem>>
        tpu.wait_dma2 semaphore(%arg15 : memref<!tpu.dma_semaphore, #tpu.memory_space<semaphore_mem>>) src(%dma_wait3A_82 : memref<256xi32, #tpu.memory_space<vmem>>) dst(%dma_wait3A_81 : memref<256xi32, #tpu.memory_space<hbm>>)
      } else {
      }
      %eq3A_62 = arith.constant 781 : i32
      %eq3A_63 = arith.cmpi eq, %add3A_56, %eq3A_62 : i32
      %convert_element_type3A_64 = arith.extui %eq3A_63 : i1 to i32
      %cond3A_65 = arith.constant 0 : i32
      %cond3A_66 = arith.cmpi ne, %convert_element_type3A_64, %cond3A_65 : i32
      scf.if %cond3A_66 {
        %mul3A_68 = arith.constant 256 : i32
        %mul3A_69 = arith.muli %scan3A_52, %mul3A_68 : i32
        %dma_wait3A = tpu.memref_slice %arg10[%mul3A_69] : memref<6400xf32, #tpu.memory_space<vmem>> -> memref<64xf32, #tpu.memory_space<vmem>>
        %dma_wait3A_70 = arith.constant 199936 : i32
        %dma_wait3A_71 = tpu.memref_slice %arg3[%dma_wait3A_70] : memref<200000xf32, #tpu.memory_space<hbm>> -> memref<64xf32, #tpu.memory_space<hbm>>
        %dma_wait3A_72 = arith.constant 199936 : i32
        %dma_wait3A_73 = tpu.memref_slice %arg3[%dma_wait3A_72] : memref<200000xf32, #tpu.memory_space<hbm>> -> memref<64xf32, #tpu.memory_space<hbm>>
        %dma_wait3A_74 = tpu.memref_slice %arg10[%mul3A_69] : memref<6400xf32, #tpu.memory_space<vmem>> -> memref<64xf32, #tpu.memory_space<vmem>>
        tpu.wait_dma2 semaphore(%arg15 : memref<!tpu.dma_semaphore, #tpu.memory_space<semaphore_mem>>) src(%dma_wait3A_74 : memref<64xf32, #tpu.memory_space<vmem>>) dst(%dma_wait3A_73 : memref<64xf32, #tpu.memory_space<hbm>>)
        %mul3A_75 = arith.constant 256 : i32
        %mul3A_76 = arith.muli %scan3A_52, %mul3A_75 : i32
        %dma_wait3A_77 = tpu.memref_slice %arg11[%mul3A_76] : memref<6400xi32, #tpu.memory_space<vmem>> -> memref<64xi32, #tpu.memory_space<vmem>>
        %dma_wait3A_78 = arith.constant 199936 : i32
        %dma_wait3A_79 = tpu.memref_slice %arg4[%dma_wait3A_78] : memref<200000xi32, #tpu.memory_space<hbm>> -> memref<64xi32, #tpu.memory_space<hbm>>
        %dma_wait3A_80 = arith.constant 199936 : i32
        %dma_wait3A_81 = tpu.memref_slice %arg4[%dma_wait3A_80] : memref<200000xi32, #tpu.memory_space<hbm>> -> memref<64xi32, #tpu.memory_space<hbm>>
        %dma_wait3A_82 = tpu.memref_slice %arg11[%mul3A_76] : memref<6400xi32, #tpu.memory_space<vmem>> -> memref<64xi32, #tpu.memory_space<vmem>>
        tpu.wait_dma2 semaphore(%arg15 : memref<!tpu.dma_semaphore, #tpu.memory_space<semaphore_mem>>) src(%dma_wait3A_82 : memref<64xi32, #tpu.memory_space<vmem>>) dst(%dma_wait3A_81 : memref<64xi32, #tpu.memory_space<hbm>>)
      } else {
      }
      %scan3A_67 = arith.constant 0 : i32
      scf.yield %scan3A_67 : i32
    }
    %scan3A_47 = arith.constant 25 : i32
    %mul3A_48 = arith.constant 128 : i32
    %mul3A_49 = arith.muli %add3A, %mul3A_48 : i32
    %mul3A_50 = arith.constant 16 : i32
    %mul3A_51 = arith.muli %mul3A_49, %mul3A_50 : i32
    "tpu.region"() ({
      %run_scoped3A = tpu.sem_alloc : memref<!tpu.dma_semaphore, #tpu.memory_space<semaphore_mem>>
      %dma_start3A = tpu.memref_slice %arg5[%mul3A_51] : memref<65536xf32, #tpu.memory_space<hbm>> -> memref<2048xf32, #tpu.memory_space<hbm>>
      %dma_start3A_52 = tpu.memref_slice %arg5[%mul3A_51] : memref<65536xf32, #tpu.memory_space<hbm>> -> memref<2048xf32, #tpu.memory_space<hbm>>
      tpu.enqueue_dma source(%arg9 : memref<2048xf32, #tpu.memory_space<vmem>>) target(%dma_start3A_52 : memref<2048xf32, #tpu.memory_space<hbm>>) target_semaphore(%run_scoped3A : memref<!tpu.dma_semaphore, #tpu.memory_space<semaphore_mem>>)
      %dma_wait3A = tpu.memref_slice %arg5[%mul3A_51] : memref<65536xf32, #tpu.memory_space<hbm>> -> memref<2048xf32, #tpu.memory_space<hbm>>
      %dma_wait3A_53 = tpu.memref_slice %arg5[%mul3A_51] : memref<65536xf32, #tpu.memory_space<hbm>> -> memref<2048xf32, #tpu.memory_space<hbm>>
      tpu.wait_dma2 semaphore(%run_scoped3A : memref<!tpu.dma_semaphore, #tpu.memory_space<semaphore_mem>>) src(%arg9 : memref<2048xf32, #tpu.memory_space<vmem>>) dst(%dma_wait3A_53 : memref<2048xf32, #tpu.memory_space<hbm>>)
      tpu.yield
    }) : () -> ()
    return
  }
}

#map = affine_map<(d0, d1) -> (0, 0)>
#map1 = affine_map<(d0, d1) -> (0)>
module attributes {stable_mosaic.version = 14 : i64} {
  func.func @_k2(%arg0: i32, %arg1: i32, %arg2: memref<128x200000xf32, #tpu.memory_space<hbm>>, %arg3: memref<200000xi32, #tpu.memory_space<hbm>>, %arg4: memref<65536xf32, #tpu.memory_space<hbm>>, %arg5: memref<200000xi32, #tpu.memory_space<hbm>>, %arg6: memref<8192xf32, #tpu.memory_space<vmem>>, %arg7: memref<2048xf32, #tpu.memory_space<vmem>>, %arg8: memref<2048xf32, #tpu.memory_space<vmem>>, %arg9: memref<6400xi32, #tpu.memory_space<vmem>>, %arg10: memref<25x8x256xf32, #tpu.memory_space<vmem>>, %arg11: memref<25x8x256xf32, #tpu.memory_space<vmem>>, %arg12: memref<8x64xf32, #tpu.memory_space<vmem>>, %arg13: memref<8x64xf32, #tpu.memory_space<vmem>>, %arg14: memref<128xf32, #tpu.memory_space<smem>>, %arg15: memref<128xi32, #tpu.memory_space<smem>>, %arg16: memref<!tpu.dma_semaphore, #tpu.memory_space<semaphore_mem>>, %arg17: memref<!tpu.dma_semaphore, #tpu.memory_space<semaphore_mem>>, %arg18: memref<!tpu.dma_semaphore, #tpu.memory_space<semaphore_mem>>, %arg19: memref<!tpu.dma_semaphore, #tpu.memory_space<semaphore_mem>>) attributes {dimension_semantics = [#tpu.dimension_semantics<core_parallel>, #tpu.dimension_semantics<subcore_parallel>], iteration_bounds = array<i64: 2, 16>, scalar_prefetch = 0 : i64, scratch_operands = 14 : i64, tpu.core_type = #tpu.core_type<sc_vector_subcore>, window_params = [{transform_indices = #map}, {transform_indices = #map1}, {transform_indices = #map1}, {transform_indices = #map1}]} {
    %mul3A = arith.constant 2 : i32
    %mul3A_0 = arith.muli %arg1, %mul3A : i32
    %add3A = arith.addi %mul3A_0, %arg0 : i32
    %scan3A = arith.constant 0 : i32
    %scan3A_1 = arith.constant 0 : i32
    %scan3A_2 = arith.constant 25 : i32
    %scan3A_3 = arith.addi %scan3A_1, %scan3A_2 : i32
    %scan3A_4 = arith.constant 1 : i32
    %scan3A_5 = scf.for %scan3A_84 = %scan3A_1 to %scan3A_3 step %scan3A_4 iter_args(%scan3A_85 = %scan3A) -> (i32)  : i32 {
      %mul3A_86 = arith.constant 32 : i32
      %mul3A_87 = arith.muli %scan3A_84, %mul3A_86 : i32
      %add3A_88 = arith.addi %mul3A_87, %add3A : i32
      %lt3A = arith.constant 781 : i32
      %lt3A_89 = arith.cmpi slt, %add3A_88, %lt3A : i32
      %convert_element_type3A_90 = arith.extui %lt3A_89 : i1 to i32
      %cond3A_91 = arith.constant 0 : i32
      %cond3A_92 = arith.cmpi ne, %convert_element_type3A_90, %cond3A_91 : i32
      scf.if %cond3A_92 {
        %mul3A_98 = arith.constant 256 : i32
        %mul3A_99 = arith.muli %add3A_88, %mul3A_98 : i32
        %mul3A_100 = arith.constant 256 : i32
        %mul3A_101 = arith.muli %scan3A_84, %mul3A_100 : i32
        %dma_start3A = tpu.memref_slice %arg9[%mul3A_101] : memref<6400xi32, #tpu.memory_space<vmem>> -> memref<256xi32, #tpu.memory_space<vmem>>
        %dma_start3A_102 = tpu.memref_slice %arg3[%mul3A_99] : memref<200000xi32, #tpu.memory_space<hbm>> -> memref<256xi32, #tpu.memory_space<hbm>>
        %dma_start3A_103 = tpu.memref_slice %arg9[%mul3A_101] : memref<6400xi32, #tpu.memory_space<vmem>> -> memref<256xi32, #tpu.memory_space<vmem>>
        %dma_start3A_104 = tpu.memref_slice %arg3[%mul3A_99] : memref<200000xi32, #tpu.memory_space<hbm>> -> memref<256xi32, #tpu.memory_space<hbm>>
        tpu.enqueue_dma source(%dma_start3A_104 : memref<256xi32, #tpu.memory_space<hbm>>) target(%dma_start3A_103 : memref<256xi32, #tpu.memory_space<vmem>>) target_semaphore(%arg16 : memref<!tpu.dma_semaphore, #tpu.memory_space<semaphore_mem>>)
      } else {
      }
      %eq3A = arith.constant 781 : i32
      %eq3A_93 = arith.cmpi eq, %add3A_88, %eq3A : i32
      %convert_element_type3A_94 = arith.extui %eq3A_93 : i1 to i32
      %cond3A_95 = arith.constant 0 : i32
      %cond3A_96 = arith.cmpi ne, %convert_element_type3A_94, %cond3A_95 : i32
      scf.if %cond3A_96 {
        %mul3A_98 = arith.constant 256 : i32
        %mul3A_99 = arith.muli %scan3A_84, %mul3A_98 : i32
        %dma_start3A = tpu.memref_slice %arg9[%mul3A_99] : memref<6400xi32, #tpu.memory_space<vmem>> -> memref<64xi32, #tpu.memory_space<vmem>>
        %dma_start3A_100 = arith.constant 199936 : i32
        %dma_start3A_101 = tpu.memref_slice %arg3[%dma_start3A_100] : memref<200000xi32, #tpu.memory_space<hbm>> -> memref<64xi32, #tpu.memory_space<hbm>>
        %dma_start3A_102 = tpu.memref_slice %arg9[%mul3A_99] : memref<6400xi32, #tpu.memory_space<vmem>> -> memref<64xi32, #tpu.memory_space<vmem>>
        %dma_start3A_103 = arith.constant 199936 : i32
        %dma_start3A_104 = tpu.memref_slice %arg3[%dma_start3A_103] : memref<200000xi32, #tpu.memory_space<hbm>> -> memref<64xi32, #tpu.memory_space<hbm>>
        tpu.enqueue_dma source(%dma_start3A_104 : memref<64xi32, #tpu.memory_space<hbm>>) target(%dma_start3A_102 : memref<64xi32, #tpu.memory_space<vmem>>) target_semaphore(%arg16 : memref<!tpu.dma_semaphore, #tpu.memory_space<semaphore_mem>>)
      } else {
      }
      %scan3A_97 = arith.constant 0 : i32
      scf.yield %scan3A_97 : i32
    }
    %scan3A_6 = arith.constant 25 : i32
    %mul3A_7 = arith.constant 128 : i32
    %mul3A_8 = arith.muli %add3A, %mul3A_7 : i32
    %mul3A_9 = arith.constant 16 : i32
    %mul3A_10 = arith.muli %mul3A_8, %mul3A_9 : i32
    "tpu.region"() ({
      %run_scoped3A = tpu.sem_alloc : memref<!tpu.dma_semaphore, #tpu.memory_space<semaphore_mem>>
      %dma_start3A = tpu.memref_slice %arg4[%mul3A_10] : memref<65536xf32, #tpu.memory_space<hbm>> -> memref<2048xf32, #tpu.memory_space<hbm>>
      %dma_start3A_84 = tpu.memref_slice %arg4[%mul3A_10] : memref<65536xf32, #tpu.memory_space<hbm>> -> memref<2048xf32, #tpu.memory_space<hbm>>
      tpu.enqueue_dma source(%dma_start3A_84 : memref<2048xf32, #tpu.memory_space<hbm>>) target(%arg7 : memref<2048xf32, #tpu.memory_space<vmem>>) target_semaphore(%run_scoped3A : memref<!tpu.dma_semaphore, #tpu.memory_space<semaphore_mem>>)
      %dma_wait3A = tpu.memref_slice %arg4[%mul3A_10] : memref<65536xf32, #tpu.memory_space<hbm>> -> memref<2048xf32, #tpu.memory_space<hbm>>
      %dma_wait3A_85 = tpu.memref_slice %arg4[%mul3A_10] : memref<65536xf32, #tpu.memory_space<hbm>> -> memref<2048xf32, #tpu.memory_space<hbm>>
      tpu.wait_dma2 semaphore(%run_scoped3A : memref<!tpu.dma_semaphore, #tpu.memory_space<semaphore_mem>>) src(%dma_wait3A_85 : memref<2048xf32, #tpu.memory_space<hbm>>) dst(%arg7 : memref<2048xf32, #tpu.memory_space<vmem>>)
      tpu.yield
    }) : () -> ()
    %scan3A_11 = arith.constant 0 : i32
    %scan3A_12 = arith.constant 0 : i32
    %scan3A_13 = arith.constant 128 : i32
    %scan3A_14 = arith.addi %scan3A_12, %scan3A_13 : i32
    %scan3A_15 = arith.constant 1 : i32
    %scan3A_16 = scf.for %scan3A_84 = %scan3A_12 to %scan3A_14 step %scan3A_15 iter_args(%scan3A_85 = %scan3A_11) -> (i32)  : i32 {
      %broadcast_in_dim3A = arith.constant 0.000000e+00 : f32
      %broadcast_in_dim3A_86 = vector.broadcast %broadcast_in_dim3A : f32 to vector<16xf32>
      %add3A_87 = arith.constant -1.000000e+00 : f32
      %add3A_88 = vector.broadcast %add3A_87 : f32 to vector<16xf32>
      %add3A_89 = arith.addf %broadcast_in_dim3A_86, %add3A_88 : vector<16xf32>
      %mul3A_90 = arith.constant 16 : i32
      %mul3A_91 = arith.muli %scan3A_84, %mul3A_90 : i32
      %swap3A = arith.index_cast %mul3A_91 : i32 to index
      %swap3A_92 = tpu.vector_load %arg8[%swap3A] {strides = array<i32>} : memref<2048xf32, #tpu.memory_space<vmem>>, vector<16xf32>,
      tpu.vector_store %arg8[%swap3A], %add3A_89 {strides = array<i32>} : memref<2048xf32, #tpu.memory_space<vmem>>, vector<16xf32>,
      %scan3A_93 = arith.constant 0 : i32
      scf.yield %scan3A_93 : i32
    }
    %scan3A_17 = arith.constant 128 : i32
    %scan3A_18 = arith.constant 0 : i32
    %scan3A_19 = arith.constant 0 : i32
    %scan3A_20 = arith.constant 8 : i32
    %scan3A_21 = arith.addi %scan3A_19, %scan3A_20 : i32
    %scan3A_22 = arith.constant 1 : i32
    %scan3A_23 = scf.for %scan3A_84 = %scan3A_19 to %scan3A_21 step %scan3A_22 iter_args(%scan3A_85 = %scan3A_18) -> (i32)  : i32 {
      %mul3A_86 = arith.constant 4 : i32
      %mul3A_87 = arith.muli %scan3A_84, %mul3A_86 : i32
      %mul3A_88 = arith.constant 128 : i32
      %mul3A_89 = arith.muli %mul3A_87, %mul3A_88 : i32
      %mul3A_90 = arith.constant 16 : i32
      %mul3A_91 = arith.muli %mul3A_89, %mul3A_90 : i32
      "tpu.region"() ({
        %run_scoped3A = tpu.sem_alloc : memref<!tpu.dma_semaphore, #tpu.memory_space<semaphore_mem>>
        %dma_start3A = tpu.memref_slice %arg4[%mul3A_91] : memref<65536xf32, #tpu.memory_space<hbm>> -> memref<8192xf32, #tpu.memory_space<hbm>>
        %dma_start3A_100 = tpu.memref_slice %arg4[%mul3A_91] : memref<65536xf32, #tpu.memory_space<hbm>> -> memref<8192xf32, #tpu.memory_space<hbm>>
        tpu.enqueue_dma source(%dma_start3A_100 : memref<8192xf32, #tpu.memory_space<hbm>>) target(%arg6 : memref<8192xf32, #tpu.memory_space<vmem>>) target_semaphore(%run_scoped3A : memref<!tpu.dma_semaphore, #tpu.memory_space<semaphore_mem>>)
        %dma_wait3A = tpu.memref_slice %arg4[%mul3A_91] : memref<65536xf32, #tpu.memory_space<hbm>> -> memref<8192xf32, #tpu.memory_space<hbm>>
        %dma_wait3A_101 = tpu.memref_slice %arg4[%mul3A_91] : memref<65536xf32, #tpu.memory_space<hbm>> -> memref<8192xf32, #tpu.memory_space<hbm>>
        tpu.wait_dma2 semaphore(%run_scoped3A : memref<!tpu.dma_semaphore, #tpu.memory_space<semaphore_mem>>) src(%dma_wait3A_101 : memref<8192xf32, #tpu.memory_space<hbm>>) dst(%arg6 : memref<8192xf32, #tpu.memory_space<vmem>>)
        tpu.yield
      }) : () -> ()
      %scan3A_92 = arith.constant 0 : i32
      %scan3A_93 = arith.constant 0 : i32
      %scan3A_94 = arith.constant 128 : i32
      %scan3A_95 = arith.addi %scan3A_93, %scan3A_94 : i32
      %scan3A_96 = arith.constant 1 : i32
      %scan3A_97 = scf.for %scan3A_100 = %scan3A_93 to %scan3A_95 step %scan3A_96 iter_args(%scan3A_101 = %scan3A_92) -> (i32)  : i32 {
        %add3A_102 = arith.constant 0 : i32
        %add3A_103 = arith.addi %add3A_102, %scan3A_100 : i32
        %mul3A_104 = arith.constant 16 : i32
        %mul3A_105 = arith.muli %add3A_103, %mul3A_104 : i32
        %get3A = arith.index_cast %mul3A_105 : i32 to index
        %get3A_106 = tpu.vector_load %arg6[%get3A] {strides = array<i32>} : memref<8192xf32, #tpu.memory_space<vmem>>, vector<16xf32>,
        %add3A_107 = arith.constant 128 : i32
        %add3A_108 = arith.addi %add3A_107, %scan3A_100 : i32
        %mul3A_109 = arith.constant 16 : i32
        %mul3A_110 = arith.muli %add3A_108, %mul3A_109 : i32
        %get3A_111 = arith.index_cast %mul3A_110 : i32 to index
        %get3A_112 = tpu.vector_load %arg6[%get3A_111] {strides = array<i32>} : memref<8192xf32, #tpu.memory_space<vmem>>, vector<16xf32>,
        %add3A_113 = arith.constant 256 : i32
        %add3A_114 = arith.addi %add3A_113, %scan3A_100 : i32
        %mul3A_115 = arith.constant 16 : i32
        %mul3A_116 = arith.muli %add3A_114, %mul3A_115 : i32
        %get3A_117 = arith.index_cast %mul3A_116 : i32 to index
        %get3A_118 = tpu.vector_load %arg6[%get3A_117] {strides = array<i32>} : memref<8192xf32, #tpu.memory_space<vmem>>, vector<16xf32>,
        %add3A_119 = arith.constant 384 : i32
        %add3A_120 = arith.addi %add3A_119, %scan3A_100 : i32
        %mul3A_121 = arith.constant 16 : i32
        %mul3A_122 = arith.muli %add3A_120, %mul3A_121 : i32
        %get3A_123 = arith.index_cast %mul3A_122 : i32 to index
        %get3A_124 = tpu.vector_load %arg6[%get3A_123] {strides = array<i32>} : memref<8192xf32, #tpu.memory_space<vmem>>, vector<16xf32>,
        %max3A = arith.maximumf %get3A_106, %get3A_112 : vector<16xf32>
        %max3A_125 = arith.maximumf %get3A_118, %get3A_124 : vector<16xf32>
        %max3A_126 = arith.maximumf %max3A, %max3A_125 : vector<16xf32>
        %mul3A_127 = arith.constant 16 : i32
        %mul3A_128 = arith.muli %scan3A_100, %mul3A_127 : i32
        %get3A_129 = arith.index_cast %mul3A_128 : i32 to index
        %get3A_130 = tpu.vector_load %arg8[%get3A_129] {strides = array<i32>} : memref<2048xf32, #tpu.memory_space<vmem>>, vector<16xf32>,
        %max3A_131 = arith.maximumf %get3A_130, %max3A_126 : vector<16xf32>
        %swap3A = arith.index_cast %mul3A_128 : i32 to index
        %swap3A_132 = tpu.vector_load %arg8[%swap3A] {strides = array<i32>} : memref<2048xf32, #tpu.memory_space<vmem>>, vector<16xf32>,
        tpu.vector_store %arg8[%swap3A], %max3A_131 {strides = array<i32>} : memref<2048xf32, #tpu.memory_space<vmem>>, vector<16xf32>,
        %scan3A_133 = arith.constant 0 : i32
        scf.yield %scan3A_133 : i32
      }
      %scan3A_98 = arith.constant 128 : i32
      %scan3A_99 = arith.constant 0 : i32
      scf.yield %scan3A_99 : i32
    }
    %scan3A_24 = arith.constant 8 : i32
    %scan3A_25 = arith.constant 0 : i32
    %scan3A_26 = arith.constant 0 : i32
    %scan3A_27 = arith.constant 128 : i32
    %scan3A_28 = arith.addi %scan3A_26, %scan3A_27 : i32
    %scan3A_29 = arith.constant 1 : i32
    %scan3A_30 = scf.for %scan3A_84 = %scan3A_26 to %scan3A_28 step %scan3A_29 iter_args(%scan3A_85 = %scan3A_25) -> (i32)  : i32 {
      %mul3A_86 = arith.constant 16 : i32
      %mul3A_87 = arith.muli %scan3A_84, %mul3A_86 : i32
      %get3A = arith.index_cast %mul3A_87 : i32 to index
      %get3A_88 = tpu.vector_load %arg8[%get3A] {strides = array<i32>} : memref<2048xf32, #tpu.memory_space<vmem>>, vector<16xf32>,
      %reduce_max3A = arith.constant true
      %reduce_max3A_89 = vector.broadcast %reduce_max3A : i1 to vector<16xi1>
      %reduce_max3A_90 = tpu.scan <max>, %get3A_88 masked %reduce_max3A_89 : vector<16xf32>, vector<16xi1> -> vector<16xf32>
      %reduce_max3A_91 = vector.extract %reduce_max3A_90[15] : f32 from vector<16xf32>
      %broadcast_in_dim3A = arith.constant 0.000000e+00 : f32
      %broadcast_in_dim3A_92 = vector.broadcast %broadcast_in_dim3A : f32 to vector<16xf32>
      %add3A_93 = vector.broadcast %reduce_max3A_91 : f32 to vector<16xf32>
      %add3A_94 = arith.addf %broadcast_in_dim3A_92, %add3A_93 : vector<16xf32>
      %mul3A_95 = arith.constant 16 : i32
      %mul3A_96 = arith.muli %scan3A_84, %mul3A_95 : i32
      %swap3A = arith.index_cast %mul3A_96 : i32 to index
      %swap3A_97 = tpu.vector_load %arg8[%swap3A] {strides = array<i32>} : memref<2048xf32, #tpu.memory_space<vmem>>, vector<16xf32>,
      tpu.vector_store %arg8[%swap3A], %add3A_94 {strides = array<i32>} : memref<2048xf32, #tpu.memory_space<vmem>>, vector<16xf32>,
      %swap3A_98 = arith.index_cast %scan3A_84 : i32 to index
      %swap3A_99 = memref.load %arg14[%swap3A_98] : memref<128xf32, #tpu.memory_space<smem>>
      memref.store %reduce_max3A_91, %arg14[%swap3A_98] : memref<128xf32, #tpu.memory_space<smem>>
      %mul3A_100 = arith.constant 16 : i32
      %mul3A_101 = arith.muli %scan3A_84, %mul3A_100 : i32
      %get3A_102 = arith.index_cast %mul3A_101 : i32 to index
      %get3A_103 = tpu.vector_load %arg7[%get3A_102] {strides = array<i32>} : memref<2048xf32, #tpu.memory_space<vmem>>, vector<16xf32>,
      %reduce_max3A_104 = arith.constant true
      %reduce_max3A_105 = vector.broadcast %reduce_max3A_104 : i1 to vector<16xi1>
      %reduce_max3A_106 = tpu.scan <max>, %get3A_103 masked %reduce_max3A_105 : vector<16xf32>, vector<16xi1> -> vector<16xf32>
      %reduce_max3A_107 = vector.extract %reduce_max3A_106[15] : f32 from vector<16xf32>
      %eq3A = arith.cmpf oeq, %reduce_max3A_107, %reduce_max3A_91 : f32
      %convert_element_type3A_108 = arith.extui %eq3A : i1 to i32
      %cond3A_109 = arith.constant 0 : i32
      %cond3A_110 = arith.cmpi ne, %convert_element_type3A_108, %cond3A_109 : i32
      scf.if %cond3A_110 {
        %swap3A_114 = arith.index_cast %scan3A_85 : i32 to index
        %swap3A_115 = memref.load %arg15[%swap3A_114] : memref<128xi32, #tpu.memory_space<smem>>
        memref.store %scan3A_84, %arg15[%swap3A_114] : memref<128xi32, #tpu.memory_space<smem>>
      } else {
      }
      %add3A_111 = arith.constant 1 : i32
      %add3A_112 = arith.addi %scan3A_85, %add3A_111 : i32
      %select_n3A_113 = arith.select %eq3A, %add3A_112, %scan3A_85 : i32
      scf.yield %select_n3A_113 : i32
    }
    %scan3A_31 = arith.constant 128 : i32
    %scan3A_32 = arith.constant 0 : i32
    %scan3A_33 = arith.constant 0 : i32
    %scan3A_34 = arith.constant 25 : i32
    %scan3A_35 = arith.addi %scan3A_33, %scan3A_34 : i32
    %scan3A_36 = arith.constant 1 : i32
    %scan3A_37 = scf.for %scan3A_84 = %scan3A_33 to %scan3A_35 step %scan3A_36 iter_args(%scan3A_85 = %scan3A_32) -> (i32)  : i32 {
      %mul3A_86 = arith.constant 32 : i32
      %mul3A_87 = arith.muli %scan3A_84, %mul3A_86 : i32
      %add3A_88 = arith.addi %mul3A_87, %add3A : i32
      %lt3A = arith.constant 781 : i32
      %lt3A_89 = arith.cmpi slt, %add3A_88, %lt3A : i32
      %convert_element_type3A_90 = arith.extui %lt3A_89 : i1 to i32
      %cond3A_91 = arith.constant 0 : i32
      %cond3A_92 = arith.cmpi ne, %convert_element_type3A_90, %cond3A_91 : i32
      scf.if %cond3A_92 {
        %mul3A_98 = arith.constant 256 : i32
        %mul3A_99 = arith.muli %add3A_88, %mul3A_98 : i32
        %mul3A_100 = arith.constant 256 : i32
        %mul3A_101 = arith.muli %scan3A_84, %mul3A_100 : i32
        %dma_wait3A = tpu.memref_slice %arg9[%mul3A_101] : memref<6400xi32, #tpu.memory_space<vmem>> -> memref<256xi32, #tpu.memory_space<vmem>>
        %dma_wait3A_102 = tpu.memref_slice %arg3[%mul3A_99] : memref<200000xi32, #tpu.memory_space<hbm>> -> memref<256xi32, #tpu.memory_space<hbm>>
        %dma_wait3A_103 = tpu.memref_slice %arg9[%mul3A_101] : memref<6400xi32, #tpu.memory_space<vmem>> -> memref<256xi32, #tpu.memory_space<vmem>>
        %dma_wait3A_104 = tpu.memref_slice %arg3[%mul3A_99] : memref<200000xi32, #tpu.memory_space<hbm>> -> memref<256xi32, #tpu.memory_space<hbm>>
        tpu.wait_dma2 semaphore(%arg16 : memref<!tpu.dma_semaphore, #tpu.memory_space<semaphore_mem>>) src(%dma_wait3A_104 : memref<256xi32, #tpu.memory_space<hbm>>) dst(%dma_wait3A_103 : memref<256xi32, #tpu.memory_space<vmem>>)
      } else {
      }
      %eq3A = arith.constant 781 : i32
      %eq3A_93 = arith.cmpi eq, %add3A_88, %eq3A : i32
      %convert_element_type3A_94 = arith.extui %eq3A_93 : i1 to i32
      %cond3A_95 = arith.constant 0 : i32
      %cond3A_96 = arith.cmpi ne, %convert_element_type3A_94, %cond3A_95 : i32
      scf.if %cond3A_96 {
        %mul3A_98 = arith.constant 256 : i32
        %mul3A_99 = arith.muli %scan3A_84, %mul3A_98 : i32
        %dma_wait3A = tpu.memref_slice %arg9[%mul3A_99] : memref<6400xi32, #tpu.memory_space<vmem>> -> memref<64xi32, #tpu.memory_space<vmem>>
        %dma_wait3A_100 = arith.constant 199936 : i32
        %dma_wait3A_101 = tpu.memref_slice %arg3[%dma_wait3A_100] : memref<200000xi32, #tpu.memory_space<hbm>> -> memref<64xi32, #tpu.memory_space<hbm>>
        %dma_wait3A_102 = tpu.memref_slice %arg9[%mul3A_99] : memref<6400xi32, #tpu.memory_space<vmem>> -> memref<64xi32, #tpu.memory_space<vmem>>
        %dma_wait3A_103 = arith.constant 199936 : i32
        %dma_wait3A_104 = tpu.memref_slice %arg3[%dma_wait3A_103] : memref<200000xi32, #tpu.memory_space<hbm>> -> memref<64xi32, #tpu.memory_space<hbm>>
        tpu.wait_dma2 semaphore(%arg16 : memref<!tpu.dma_semaphore, #tpu.memory_space<semaphore_mem>>) src(%dma_wait3A_104 : memref<64xi32, #tpu.memory_space<hbm>>) dst(%dma_wait3A_102 : memref<64xi32, #tpu.memory_space<vmem>>)
      } else {
      }
      %scan3A_97 = arith.constant 0 : i32
      scf.yield %scan3A_97 : i32
    }
    %scan3A_38 = arith.constant 25 : i32
    %gt3A = arith.constant 0 : i32
    %gt3A_39 = arith.cmpi sgt, %scan3A_30, %gt3A : i32
    %convert_element_type3A = arith.extui %gt3A_39 : i1 to i32
    %cond3A = arith.constant 0 : i32
    %cond3A_40 = arith.cmpi ne, %convert_element_type3A, %cond3A : i32
    scf.if %cond3A_40 {
      %get3A = arith.constant 0 : i32
      %get3A_84 = arith.index_cast %get3A : i32 to index
      %get3A_85 = memref.load %arg15[%get3A_84] : memref<128xi32, #tpu.memory_space<smem>>
      %jit3A_86 = arith.constant 8 : i32
      %div3A_87 = arith.divsi %get3A_85, %jit3A_86 : i32
      %sign3A_88 = arith.constant 0 : i32
      %sign3A_89 = arith.cmpi sgt, %get3A_85, %sign3A_88 : i32
      %sign3A_90 = arith.extui %sign3A_89 : i1 to i32
      %sign3A_91 = arith.constant 0 : i32
      %sign3A_92 = arith.cmpi slt, %get3A_85, %sign3A_91 : i32
      %sign3A_93 = arith.extui %sign3A_92 : i1 to i32
      %sign3A_94 = arith.subi %sign3A_90, %sign3A_93 : i32
      %sign3A_95 = arith.constant 0 : i32
      %sign3A_96 = arith.cmpi sgt, %jit3A_86, %sign3A_95 : i32
      %sign3A_97 = arith.extui %sign3A_96 : i1 to i32
      %sign3A_98 = arith.constant 0 : i32
      %sign3A_99 = arith.cmpi slt, %jit3A_86, %sign3A_98 : i32
      %sign3A_100 = arith.extui %sign3A_99 : i1 to i32
      %sign3A_101 = arith.subi %sign3A_97, %sign3A_100 : i32
      %ne3A_102 = arith.cmpi ne, %sign3A_94, %sign3A_101 : i32
      %rem3A_103 = arith.remsi %get3A_85, %jit3A_86 : i32
      %ne3A_104 = arith.constant 0 : i32
      %ne3A_105 = arith.cmpi ne, %rem3A_103, %ne3A_104 : i32
      %and3A_106 = arith.andi %ne3A_102, %ne3A_105 : i1
      %sub3A_107 = arith.constant 1 : i32
      %sub3A_108 = arith.subi %div3A_87, %sub3A_107 : i32
      %select_n3A_109 = arith.select %and3A_106, %sub3A_108, %div3A_87 : i32
      %mul3A_110 = arith.constant 8 : i32
      %mul3A_111 = arith.muli %select_n3A_109, %mul3A_110 : i32
      %multiple_of3A = tpu.assume_multiple %mul3A_111, 8 : i32
      %scan3A_112 = arith.constant 0 : i32
      %scan3A_113 = arith.constant 0 : i32
      %scan3A_114 = arith.constant 25 : i32
      %scan3A_115 = arith.addi %scan3A_113, %scan3A_114 : i32
      %scan3A_116 = arith.constant 1 : i32
      %scan3A_117 = scf.for %scan3A_119 = %scan3A_113 to %scan3A_115 step %scan3A_116 iter_args(%scan3A_120 = %scan3A_112) -> (i32)  : i32 {
        %mul3A_121 = arith.constant 32 : i32
        %mul3A_122 = arith.muli %scan3A_119, %mul3A_121 : i32
        %add3A_123 = arith.addi %mul3A_122, %add3A : i32
        %lt3A = arith.constant 781 : i32
        %lt3A_124 = arith.cmpi slt, %add3A_123, %lt3A : i32
        %convert_element_type3A_125 = arith.extui %lt3A_124 : i1 to i32
        %cond3A_126 = arith.constant 0 : i32
        %cond3A_127 = arith.cmpi ne, %convert_element_type3A_125, %cond3A_126 : i32
        scf.if %cond3A_127 {
          %mul3A_133 = arith.constant 256 : i32
          %mul3A_134 = arith.muli %add3A_123, %mul3A_133 : i32
          %dma_start3A = arith.constant 0 : i32
          %dma_start3A_135 = arith.constant 0 : i32
          %dma_start3A_136 = tpu.memref_slice %arg10[%scan3A_119, %dma_start3A, %dma_start3A_135] : memref<25x8x256xf32, #tpu.memory_space<vmem>> -> memref<1x8x256xf32, #tpu.memory_space<vmem>>
          %dma_start3A_137 = tpu.memref_squeeze %dma_start3A_136 : memref<1x8x256xf32, #tpu.memory_space<vmem>> -> memref<8x256xf32, #tpu.memory_space<vmem>>
          %dma_start3A_138 = tpu.memref_slice %arg2[%multiple_of3A, %mul3A_134] : memref<128x200000xf32, #tpu.memory_space<hbm>> -> memref<8x256xf32, #tpu.memory_space<hbm>>
          %dma_start3A_139 = arith.constant 0 : i32
          %dma_start3A_140 = arith.constant 0 : i32
          %dma_start3A_141 = tpu.memref_slice %arg10[%scan3A_119, %dma_start3A_139, %dma_start3A_140] : memref<25x8x256xf32, #tpu.memory_space<vmem>> -> memref<1x8x256xf32, #tpu.memory_space<vmem>>
          %dma_start3A_142 = tpu.memref_squeeze %dma_start3A_141 : memref<1x8x256xf32, #tpu.memory_space<vmem>> -> memref<8x256xf32, #tpu.memory_space<vmem>>
          %dma_start3A_143 = tpu.memref_slice %arg2[%multiple_of3A, %mul3A_134] : memref<128x200000xf32, #tpu.memory_space<hbm>> -> memref<8x256xf32, #tpu.memory_space<hbm>>
          tpu.enqueue_dma source(%dma_start3A_143 : memref<8x256xf32, #tpu.memory_space<hbm>>) target(%dma_start3A_142 : memref<8x256xf32, #tpu.memory_space<vmem>>) target_semaphore(%arg17 : memref<!tpu.dma_semaphore, #tpu.memory_space<semaphore_mem>>)
        } else {
        }
        %eq3A = arith.constant 781 : i32
        %eq3A_128 = arith.cmpi eq, %add3A_123, %eq3A : i32
        %convert_element_type3A_129 = arith.extui %eq3A_128 : i1 to i32
        %cond3A_130 = arith.constant 0 : i32
        %cond3A_131 = arith.cmpi ne, %convert_element_type3A_129, %cond3A_130 : i32
        scf.if %cond3A_131 {
          %dma_start3A = arith.constant 199936 : i32
          %dma_start3A_133 = tpu.memref_slice %arg2[%multiple_of3A, %dma_start3A] : memref<128x200000xf32, #tpu.memory_space<hbm>> -> memref<8x64xf32, #tpu.memory_space<hbm>>
          %dma_start3A_134 = arith.constant 199936 : i32
          %dma_start3A_135 = tpu.memref_slice %arg2[%multiple_of3A, %dma_start3A_134] : memref<128x200000xf32, #tpu.memory_space<hbm>> -> memref<8x64xf32, #tpu.memory_space<hbm>>
          tpu.enqueue_dma source(%dma_start3A_135 : memref<8x64xf32, #tpu.memory_space<hbm>>) target(%arg12 : memref<8x64xf32, #tpu.memory_space<vmem>>) target_semaphore(%arg17 : memref<!tpu.dma_semaphore, #tpu.memory_space<semaphore_mem>>)
        } else {
        }
        %scan3A_132 = arith.constant 0 : i32
        scf.yield %scan3A_132 : i32
      }
      %scan3A_118 = arith.constant 25 : i32
    } else {
    }
    %add3A_41 = arith.constant 1 : i32
    %add3A_42 = arith.addi %scan3A_30, %add3A_41 : i32
    %jit3A = arith.constant 2 : i32
    %div3A = arith.divsi %add3A_42, %jit3A : i32
    %sign3A = arith.constant 0 : i32
    %sign3A_43 = arith.cmpi sgt, %add3A_42, %sign3A : i32
    %sign3A_44 = arith.extui %sign3A_43 : i1 to i32
    %sign3A_45 = arith.constant 0 : i32
    %sign3A_46 = arith.cmpi slt, %add3A_42, %sign3A_45 : i32
    %sign3A_47 = arith.extui %sign3A_46 : i1 to i32
    %sign3A_48 = arith.subi %sign3A_44, %sign3A_47 : i32
    %sign3A_49 = arith.constant 0 : i32
    %sign3A_50 = arith.cmpi sgt, %jit3A, %sign3A_49 : i32
    %sign3A_51 = arith.extui %sign3A_50 : i1 to i32
    %sign3A_52 = arith.constant 0 : i32
    %sign3A_53 = arith.cmpi slt, %jit3A, %sign3A_52 : i32
    %sign3A_54 = arith.extui %sign3A_53 : i1 to i32
    %sign3A_55 = arith.subi %sign3A_51, %sign3A_54 : i32
    %ne3A = arith.cmpi ne, %sign3A_48, %sign3A_55 : i32
    %rem3A = arith.remsi %add3A_42, %jit3A : i32
    %ne3A_56 = arith.constant 0 : i32
    %ne3A_57 = arith.cmpi ne, %rem3A, %ne3A_56 : i32
    %and3A = arith.andi %ne3A, %ne3A_57 : i1
    %sub3A = arith.constant 1 : i32
    %sub3A_58 = arith.subi %div3A, %sub3A : i32
    %select_n3A = arith.select %and3A, %sub3A_58, %div3A : i32
    %while3A = arith.constant 0 : i32
    %while3A_59 = arith.constant 0 : i32
    %while3A_60 = arith.subi %select_n3A, %while3A : i32
    %while3A_61 = arith.addi %while3A, %while3A_60 : i32
    %while3A_62 = arith.constant 1 : i32
    %while3A_63 = arith.divsi %while3A_60, %while3A_62 : i32
    %while3A_64 = arith.muli %while3A_63, %while3A_62 : i32
    %while3A_65 = arith.addi %while3A, %while3A_64 : i32
    %while3A_66 = arith.constant 1 : i32
    %while3A_67 = scf.for %while3A_84 = %while3A to %while3A_65 step %while3A_66 iter_args(%while3A_85 = %while3A_59) -> (i32)  : i32 {
      %mul3A_86 = arith.constant 2 : i32
      %mul3A_87 = arith.muli %mul3A_86, %while3A_84 : i32
      %add3A_88 = arith.constant 1 : i32
      %add3A_89 = arith.addi %mul3A_87, %add3A_88 : i32
      %lt3A = arith.cmpi slt, %add3A_89, %scan3A_30 : i32
      %convert_element_type3A_90 = arith.extui %lt3A : i1 to i32
      %cond3A_91 = arith.constant 0 : i32
      %cond3A_92 = arith.cmpi ne, %convert_element_type3A_90, %cond3A_91 : i32
      scf.if %cond3A_92 {
        %get3A = arith.index_cast %add3A_89 : i32 to index
        %get3A_108 = memref.load %arg15[%get3A] : memref<128xi32, #tpu.memory_space<smem>>
        %jit3A_109 = arith.constant 8 : i32
        %div3A_110 = arith.divsi %get3A_108, %jit3A_109 : i32
        %sign3A_111 = arith.constant 0 : i32
        %sign3A_112 = arith.cmpi sgt, %get3A_108, %sign3A_111 : i32
        %sign3A_113 = arith.extui %sign3A_112 : i1 to i32
        %sign3A_114 = arith.constant 0 : i32
        %sign3A_115 = arith.cmpi slt, %get3A_108, %sign3A_114 : i32
        %sign3A_116 = arith.extui %sign3A_115 : i1 to i32
        %sign3A_117 = arith.subi %sign3A_113, %sign3A_116 : i32
        %sign3A_118 = arith.constant 0 : i32
        %sign3A_119 = arith.cmpi sgt, %jit3A_109, %sign3A_118 : i32
        %sign3A_120 = arith.extui %sign3A_119 : i1 to i32
        %sign3A_121 = arith.constant 0 : i32
        %sign3A_122 = arith.cmpi slt, %jit3A_109, %sign3A_121 : i32
        %sign3A_123 = arith.extui %sign3A_122 : i1 to i32
        %sign3A_124 = arith.subi %sign3A_120, %sign3A_123 : i32
        %ne3A_125 = arith.cmpi ne, %sign3A_117, %sign3A_124 : i32
        %rem3A_126 = arith.remsi %get3A_108, %jit3A_109 : i32
        %ne3A_127 = arith.constant 0 : i32
        %ne3A_128 = arith.cmpi ne, %rem3A_126, %ne3A_127 : i32
        %and3A_129 = arith.andi %ne3A_125, %ne3A_128 : i1
        %sub3A_130 = arith.constant 1 : i32
        %sub3A_131 = arith.subi %div3A_110, %sub3A_130 : i32
        %select_n3A_132 = arith.select %and3A_129, %sub3A_131, %div3A_110 : i32
        %mul3A_133 = arith.constant 8 : i32
        %mul3A_134 = arith.muli %select_n3A_132, %mul3A_133 : i32
        %multiple_of3A = tpu.assume_multiple %mul3A_134, 8 : i32
        %scan3A_135 = arith.constant 0 : i32
        %scan3A_136 = arith.constant 0 : i32
        %scan3A_137 = arith.constant 25 : i32
        %scan3A_138 = arith.addi %scan3A_136, %scan3A_137 : i32
        %scan3A_139 = arith.constant 1 : i32
        %scan3A_140 = scf.for %scan3A_142 = %scan3A_136 to %scan3A_138 step %scan3A_139 iter_args(%scan3A_143 = %scan3A_135) -> (i32)  : i32 {
          %mul3A_144 = arith.constant 32 : i32
          %mul3A_145 = arith.muli %scan3A_142, %mul3A_144 : i32
          %add3A_146 = arith.addi %mul3A_145, %add3A : i32
          %lt3A_147 = arith.constant 781 : i32
          %lt3A_148 = arith.cmpi slt, %add3A_146, %lt3A_147 : i32
          %convert_element_type3A_149 = arith.extui %lt3A_148 : i1 to i32
          %cond3A_150 = arith.constant 0 : i32
          %cond3A_151 = arith.cmpi ne, %convert_element_type3A_149, %cond3A_150 : i32
          scf.if %cond3A_151 {
            %mul3A_157 = arith.constant 256 : i32
            %mul3A_158 = arith.muli %add3A_146, %mul3A_157 : i32
            %dma_start3A = arith.constant 0 : i32
            %dma_start3A_159 = arith.constant 0 : i32
            %dma_start3A_160 = tpu.memref_slice %arg11[%scan3A_142, %dma_start3A, %dma_start3A_159] : memref<25x8x256xf32, #tpu.memory_space<vmem>> -> memref<1x8x256xf32, #tpu.memory_space<vmem>>
            %dma_start3A_161 = tpu.memref_squeeze %dma_start3A_160 : memref<1x8x256xf32, #tpu.memory_space<vmem>> -> memref<8x256xf32, #tpu.memory_space<vmem>>
            %dma_start3A_162 = tpu.memref_slice %arg2[%multiple_of3A, %mul3A_158] : memref<128x200000xf32, #tpu.memory_space<hbm>> -> memref<8x256xf32, #tpu.memory_space<hbm>>
            %dma_start3A_163 = arith.constant 0 : i32
            %dma_start3A_164 = arith.constant 0 : i32
            %dma_start3A_165 = tpu.memref_slice %arg11[%scan3A_142, %dma_start3A_163, %dma_start3A_164] : memref<25x8x256xf32, #tpu.memory_space<vmem>> -> memref<1x8x256xf32, #tpu.memory_space<vmem>>
            %dma_start3A_166 = tpu.memref_squeeze %dma_start3A_165 : memref<1x8x256xf32, #tpu.memory_space<vmem>> -> memref<8x256xf32, #tpu.memory_space<vmem>>
            %dma_start3A_167 = tpu.memref_slice %arg2[%multiple_of3A, %mul3A_158] : memref<128x200000xf32, #tpu.memory_space<hbm>> -> memref<8x256xf32, #tpu.memory_space<hbm>>
            tpu.enqueue_dma source(%dma_start3A_167 : memref<8x256xf32, #tpu.memory_space<hbm>>) target(%dma_start3A_166 : memref<8x256xf32, #tpu.memory_space<vmem>>) target_semaphore(%arg18 : memref<!tpu.dma_semaphore, #tpu.memory_space<semaphore_mem>>)
          } else {
          }
          %eq3A = arith.constant 781 : i32
          %eq3A_152 = arith.cmpi eq, %add3A_146, %eq3A : i32
          %convert_element_type3A_153 = arith.extui %eq3A_152 : i1 to i32
          %cond3A_154 = arith.constant 0 : i32
          %cond3A_155 = arith.cmpi ne, %convert_element_type3A_153, %cond3A_154 : i32
          scf.if %cond3A_155 {
            %dma_start3A = arith.constant 199936 : i32
            %dma_start3A_157 = tpu.memref_slice %arg2[%multiple_of3A, %dma_start3A] : memref<128x200000xf32, #tpu.memory_space<hbm>> -> memref<8x64xf32, #tpu.memory_space<hbm>>
            %dma_start3A_158 = arith.constant 199936 : i32
            %dma_start3A_159 = tpu.memref_slice %arg2[%multiple_of3A, %dma_start3A_158] : memref<128x200000xf32, #tpu.memory_space<hbm>> -> memref<8x64xf32, #tpu.memory_space<hbm>>
            tpu.enqueue_dma source(%dma_start3A_159 : memref<8x64xf32, #tpu.memory_space<hbm>>) target(%arg13 : memref<8x64xf32, #tpu.memory_space<vmem>>) target_semaphore(%arg18 : memref<!tpu.dma_semaphore, #tpu.memory_space<semaphore_mem>>)
          } else {
          }
          %scan3A_156 = arith.constant 0 : i32
          scf.yield %scan3A_156 : i32
        }
        %scan3A_141 = arith.constant 25 : i32
      } else {
      }
      %lt3A_93 = arith.cmpi slt, %mul3A_87, %scan3A_30 : i32
      %convert_element_type3A_94 = arith.extui %lt3A_93 : i1 to i32
      %cond3A_95 = arith.constant 0 : i32
      %cond3A_96 = arith.cmpi ne, %convert_element_type3A_94, %cond3A_95 : i32
      scf.if %cond3A_96 {
        %get3A = arith.index_cast %mul3A_87 : i32 to index
        %get3A_108 = memref.load %arg15[%get3A] : memref<128xi32, #tpu.memory_space<smem>>
        %jit3A_109 = arith.constant 8 : i32
        %div3A_110 = arith.divsi %get3A_108, %jit3A_109 : i32
        %sign3A_111 = arith.constant 0 : i32
        %sign3A_112 = arith.cmpi sgt, %get3A_108, %sign3A_111 : i32
        %sign3A_113 = arith.extui %sign3A_112 : i1 to i32
        %sign3A_114 = arith.constant 0 : i32
        %sign3A_115 = arith.cmpi slt, %get3A_108, %sign3A_114 : i32
        %sign3A_116 = arith.extui %sign3A_115 : i1 to i32
        %sign3A_117 = arith.subi %sign3A_113, %sign3A_116 : i32
        %sign3A_118 = arith.constant 0 : i32
        %sign3A_119 = arith.cmpi sgt, %jit3A_109, %sign3A_118 : i32
        %sign3A_120 = arith.extui %sign3A_119 : i1 to i32
        %sign3A_121 = arith.constant 0 : i32
        %sign3A_122 = arith.cmpi slt, %jit3A_109, %sign3A_121 : i32
        %sign3A_123 = arith.extui %sign3A_122 : i1 to i32
        %sign3A_124 = arith.subi %sign3A_120, %sign3A_123 : i32
        %ne3A_125 = arith.cmpi ne, %sign3A_117, %sign3A_124 : i32
        %rem3A_126 = arith.remsi %get3A_108, %jit3A_109 : i32
        %ne3A_127 = arith.constant 0 : i32
        %ne3A_128 = arith.cmpi ne, %rem3A_126, %ne3A_127 : i32
        %and3A_129 = arith.andi %ne3A_125, %ne3A_128 : i1
        %sub3A_130 = arith.constant 1 : i32
        %sub3A_131 = arith.subi %div3A_110, %sub3A_130 : i32
        %select_n3A_132 = arith.select %and3A_129, %sub3A_131, %div3A_110 : i32
        %mul3A_133 = arith.constant 8 : i32
        %mul3A_134 = arith.muli %select_n3A_132, %mul3A_133 : i32
        %multiple_of3A = tpu.assume_multiple %mul3A_134, 8 : i32
        %sub3A_135 = arith.subi %get3A_108, %multiple_of3A : i32
        %add3A_136 = arith.constant 1 : i32
        %add3A_137 = arith.addi %get3A_108, %add3A_136 : i32
        %broadcast_in_dim3A = arith.constant 0 : i32
        %broadcast_in_dim3A_138 = vector.broadcast %broadcast_in_dim3A : i32 to vector<16xi32>
        %add3A_139 = vector.broadcast %add3A_137 : i32 to vector<16xi32>
        %add3A_140 = arith.addi %broadcast_in_dim3A_138, %add3A_139 : vector<16xi32>
        %mul3A_141 = arith.constant 16 : i32
        %mul3A_142 = arith.muli %get3A_108, %mul3A_141 : i32
        %get3A_143 = arith.index_cast %mul3A_142 : i32 to index
        %get3A_144 = tpu.vector_load %arg8[%get3A_143] {strides = array<i32>} : memref<2048xf32, #tpu.memory_space<vmem>>, vector<16xf32>,
        %scan3A_145 = arith.constant 0 : i32
        %scan3A_146 = arith.constant 0 : i32
        %scan3A_147 = arith.constant 25 : i32
        %scan3A_148 = arith.addi %scan3A_146, %scan3A_147 : i32
        %scan3A_149 = arith.constant 1 : i32
        %scan3A_150 = scf.for %scan3A_159 = %scan3A_146 to %scan3A_148 step %scan3A_149 iter_args(%scan3A_160 = %scan3A_145) -> (i32)  : i32 {
          %mul3A_161 = arith.constant 32 : i32
          %mul3A_162 = arith.muli %scan3A_159, %mul3A_161 : i32
          %add3A_163 = arith.addi %mul3A_162, %add3A : i32
          %lt3A_164 = arith.constant 781 : i32
          %lt3A_165 = arith.cmpi slt, %add3A_163, %lt3A_164 : i32
          %convert_element_type3A_166 = arith.extui %lt3A_165 : i1 to i32
          %cond3A_167 = arith.constant 0 : i32
          %cond3A_168 = arith.cmpi ne, %convert_element_type3A_166, %cond3A_167 : i32
          scf.if %cond3A_168 {
            %mul3A_174 = arith.constant 256 : i32
            %mul3A_175 = arith.muli %add3A_163, %mul3A_174 : i32
            %dma_wait3A = arith.constant 0 : i32
            %dma_wait3A_176 = arith.constant 0 : i32
            %dma_wait3A_177 = tpu.memref_slice %arg10[%scan3A_159, %dma_wait3A, %dma_wait3A_176] : memref<25x8x256xf32, #tpu.memory_space<vmem>> -> memref<1x8x256xf32, #tpu.memory_space<vmem>>
            %dma_wait3A_178 = tpu.memref_squeeze %dma_wait3A_177 : memref<1x8x256xf32, #tpu.memory_space<vmem>> -> memref<8x256xf32, #tpu.memory_space<vmem>>
            %dma_wait3A_179 = tpu.memref_slice %arg2[%multiple_of3A, %mul3A_175] : memref<128x200000xf32, #tpu.memory_space<hbm>> -> memref<8x256xf32, #tpu.memory_space<hbm>>
            %dma_wait3A_180 = arith.constant 0 : i32
            %dma_wait3A_181 = arith.constant 0 : i32
            %dma_wait3A_182 = tpu.memref_slice %arg10[%scan3A_159, %dma_wait3A_180, %dma_wait3A_181] : memref<25x8x256xf32, #tpu.memory_space<vmem>> -> memref<1x8x256xf32, #tpu.memory_space<vmem>>
            %dma_wait3A_183 = tpu.memref_squeeze %dma_wait3A_182 : memref<1x8x256xf32, #tpu.memory_space<vmem>> -> memref<8x256xf32, #tpu.memory_space<vmem>>
            %dma_wait3A_184 = tpu.memref_slice %arg2[%multiple_of3A, %mul3A_175] : memref<128x200000xf32, #tpu.memory_space<hbm>> -> memref<8x256xf32, #tpu.memory_space<hbm>>
            tpu.wait_dma2 semaphore(%arg17 : memref<!tpu.dma_semaphore, #tpu.memory_space<semaphore_mem>>) src(%dma_wait3A_184 : memref<8x256xf32, #tpu.memory_space<hbm>>) dst(%dma_wait3A_183 : memref<8x256xf32, #tpu.memory_space<vmem>>)
          } else {
          }
          %eq3A = arith.constant 781 : i32
          %eq3A_169 = arith.cmpi eq, %add3A_163, %eq3A : i32
          %convert_element_type3A_170 = arith.extui %eq3A_169 : i1 to i32
          %cond3A_171 = arith.constant 0 : i32
          %cond3A_172 = arith.cmpi ne, %convert_element_type3A_170, %cond3A_171 : i32
          scf.if %cond3A_172 {
            %dma_wait3A = arith.constant 199936 : i32
            %dma_wait3A_174 = tpu.memref_slice %arg2[%multiple_of3A, %dma_wait3A] : memref<128x200000xf32, #tpu.memory_space<hbm>> -> memref<8x64xf32, #tpu.memory_space<hbm>>
            %dma_wait3A_175 = arith.constant 199936 : i32
            %dma_wait3A_176 = tpu.memref_slice %arg2[%multiple_of3A, %dma_wait3A_175] : memref<128x200000xf32, #tpu.memory_space<hbm>> -> memref<8x64xf32, #tpu.memory_space<hbm>>
            tpu.wait_dma2 semaphore(%arg17 : memref<!tpu.dma_semaphore, #tpu.memory_space<semaphore_mem>>) src(%dma_wait3A_176 : memref<8x64xf32, #tpu.memory_space<hbm>>) dst(%arg12 : memref<8x64xf32, #tpu.memory_space<vmem>>)
          } else {
          }
          %scan3A_173 = arith.constant 0 : i32
          scf.yield %scan3A_173 : i32
        }
        %scan3A_151 = arith.constant 25 : i32
        %scan3A_152 = arith.constant 0 : i32
        %scan3A_153 = arith.constant 0 : i32
        %scan3A_154 = arith.constant 25 : i32
        %scan3A_155 = arith.addi %scan3A_153, %scan3A_154 : i32
        %scan3A_156 = arith.constant 1 : i32
        %scan3A_157 = scf.for %scan3A_159 = %scan3A_153 to %scan3A_155 step %scan3A_156 iter_args(%scan3A_160 = %scan3A_152) -> (i32)  : i32 {
          %mul3A_161 = arith.constant 32 : i32
          %mul3A_162 = arith.muli %scan3A_159, %mul3A_161 : i32
          %add3A_163 = arith.addi %mul3A_162, %add3A : i32
          %lt3A_164 = arith.constant 781 : i32
          %lt3A_165 = arith.cmpi slt, %add3A_163, %lt3A_164 : i32
          %convert_element_type3A_166 = arith.extui %lt3A_165 : i1 to i32
          %cond3A_167 = arith.constant 0 : i32
          %cond3A_168 = arith.cmpi ne, %convert_element_type3A_166, %cond3A_167 : i32
          scf.if %cond3A_168 {
            %scan3A_174 = arith.constant 0 : i32
            %scan3A_175 = arith.constant 0 : i32
            %scan3A_176 = arith.constant 16 : i32
            %scan3A_177 = arith.addi %scan3A_175, %scan3A_176 : i32
            %scan3A_178 = arith.constant 1 : i32
            %scan3A_179 = scf.for %scan3A_181 = %scan3A_175 to %scan3A_177 step %scan3A_178 iter_args(%scan3A_182 = %scan3A_174) -> (i32)  : i32 {
              %mul3A_183 = arith.constant 16 : i32
              %mul3A_184 = arith.muli %scan3A_181, %mul3A_183 : i32
              %get3A_185 = arith.index_cast %scan3A_159 : i32 to index
              %get3A_186 = arith.index_cast %sub3A_135 : i32 to index
              %get3A_187 = arith.index_cast %mul3A_184 : i32 to index
              %get3A_188 = tpu.vector_load %arg10[%get3A_185, %get3A_186, %get3A_187] {strides = array<i32>} : memref<25x8x256xf32, #tpu.memory_space<vmem>>, vector<16xf32>,
              %eq3A_189 = arith.cmpf oeq, %get3A_188, %get3A_144 : vector<16xf32>
              %mul3A_190 = arith.constant 256 : i32
              %mul3A_191 = arith.muli %scan3A_159, %mul3A_190 : i32
              %add3A_192 = arith.addi %mul3A_191, %mul3A_184 : i32
              %get3A_193 = arith.index_cast %add3A_192 : i32 to index
              %get3A_194 = tpu.vector_load %arg9[%get3A_193] {strides = array<i32>} : memref<6400xi32, #tpu.memory_space<vmem>>, vector<16xi32>,
              %select_n3A_195 = arith.select %eq3A_189, %add3A_140, %get3A_194 : vector<16xi1>, vector<16xi32>
              %swap3A = arith.index_cast %add3A_192 : i32 to index
              %swap3A_196 = tpu.vector_load %arg9[%swap3A] {strides = array<i32>} : memref<6400xi32, #tpu.memory_space<vmem>>, vector<16xi32>,
              tpu.vector_store %arg9[%swap3A], %select_n3A_195 {strides = array<i32>} : memref<6400xi32, #tpu.memory_space<vmem>>, vector<16xi32>,
              %scan3A_197 = arith.constant 0 : i32
              scf.yield %scan3A_197 : i32
            }
            %scan3A_180 = arith.constant 16 : i32
          } else {
          }
          %eq3A = arith.constant 781 : i32
          %eq3A_169 = arith.cmpi eq, %add3A_163, %eq3A : i32
          %convert_element_type3A_170 = arith.extui %eq3A_169 : i1 to i32
          %cond3A_171 = arith.constant 0 : i32
          %cond3A_172 = arith.cmpi ne, %convert_element_type3A_170, %cond3A_171 : i32
          scf.if %cond3A_172 {
            %scan3A_174 = arith.constant 0 : i32
            %scan3A_175 = arith.constant 0 : i32
            %scan3A_176 = arith.constant 4 : i32
            %scan3A_177 = arith.addi %scan3A_175, %scan3A_176 : i32
            %scan3A_178 = arith.constant 1 : i32
            %scan3A_179 = scf.for %scan3A_181 = %scan3A_175 to %scan3A_177 step %scan3A_178 iter_args(%scan3A_182 = %scan3A_174) -> (i32)  : i32 {
              %mul3A_183 = arith.constant 16 : i32
              %mul3A_184 = arith.muli %scan3A_181, %mul3A_183 : i32
              %get3A_185 = arith.index_cast %sub3A_135 : i32 to index
              %get3A_186 = arith.index_cast %mul3A_184 : i32 to index
              %get3A_187 = tpu.vector_load %arg12[%get3A_185, %get3A_186] {strides = array<i32>} : memref<8x64xf32, #tpu.memory_space<vmem>>, vector<16xf32>,
              %eq3A_188 = arith.cmpf oeq, %get3A_187, %get3A_144 : vector<16xf32>
              %mul3A_189 = arith.constant 256 : i32
              %mul3A_190 = arith.muli %scan3A_159, %mul3A_189 : i32
              %add3A_191 = arith.addi %mul3A_190, %mul3A_184 : i32
              %get3A_192 = arith.index_cast %add3A_191 : i32 to index
              %get3A_193 = tpu.vector_load %arg9[%get3A_192] {strides = array<i32>} : memref<6400xi32, #tpu.memory_space<vmem>>, vector<16xi32>,
              %select_n3A_194 = arith.select %eq3A_188, %add3A_140, %get3A_193 : vector<16xi1>, vector<16xi32>
              %swap3A = arith.index_cast %add3A_191 : i32 to index
              %swap3A_195 = tpu.vector_load %arg9[%swap3A] {strides = array<i32>} : memref<6400xi32, #tpu.memory_space<vmem>>, vector<16xi32>,
              tpu.vector_store %arg9[%swap3A], %select_n3A_194 {strides = array<i32>} : memref<6400xi32, #tpu.memory_space<vmem>>, vector<16xi32>,
              %scan3A_196 = arith.constant 0 : i32
              scf.yield %scan3A_196 : i32
            }
            %scan3A_180 = arith.constant 4 : i32
          } else {
          }
          %scan3A_173 = arith.constant 0 : i32
          scf.yield %scan3A_173 : i32
        }
        %scan3A_158 = arith.constant 25 : i32
      } else {
      }
      %add3A_97 = arith.constant 1 : i32
      %add3A_98 = arith.addi %add3A_89, %add3A_97 : i32
      %lt3A_99 = arith.cmpi slt, %add3A_98, %scan3A_30 : i32
      %convert_element_type3A_100 = arith.extui %lt3A_99 : i1 to i32
      %cond3A_101 = arith.constant 0 : i32
      %cond3A_102 = arith.cmpi ne, %convert_element_type3A_100, %cond3A_101 : i32
      scf.if %cond3A_102 {
        %add3A_108 = arith.constant 1 : i32
        %add3A_109 = arith.addi %add3A_89, %add3A_108 : i32
        %get3A = arith.index_cast %add3A_109 : i32 to index
        %get3A_110 = memref.load %arg15[%get3A] : memref<128xi32, #tpu.memory_space<smem>>
        %jit3A_111 = arith.constant 8 : i32
        %div3A_112 = arith.divsi %get3A_110, %jit3A_111 : i32
        %sign3A_113 = arith.constant 0 : i32
        %sign3A_114 = arith.cmpi sgt, %get3A_110, %sign3A_113 : i32
        %sign3A_115 = arith.extui %sign3A_114 : i1 to i32
        %sign3A_116 = arith.constant 0 : i32
        %sign3A_117 = arith.cmpi slt, %get3A_110, %sign3A_116 : i32
        %sign3A_118 = arith.extui %sign3A_117 : i1 to i32
        %sign3A_119 = arith.subi %sign3A_115, %sign3A_118 : i32
        %sign3A_120 = arith.constant 0 : i32
        %sign3A_121 = arith.cmpi sgt, %jit3A_111, %sign3A_120 : i32
        %sign3A_122 = arith.extui %sign3A_121 : i1 to i32
        %sign3A_123 = arith.constant 0 : i32
        %sign3A_124 = arith.cmpi slt, %jit3A_111, %sign3A_123 : i32
        %sign3A_125 = arith.extui %sign3A_124 : i1 to i32
        %sign3A_126 = arith.subi %sign3A_122, %sign3A_125 : i32
        %ne3A_127 = arith.cmpi ne, %sign3A_119, %sign3A_126 : i32
        %rem3A_128 = arith.remsi %get3A_110, %jit3A_111 : i32
        %ne3A_129 = arith.constant 0 : i32
        %ne3A_130 = arith.cmpi ne, %rem3A_128, %ne3A_129 : i32
        %and3A_131 = arith.andi %ne3A_127, %ne3A_130 : i1
        %sub3A_132 = arith.constant 1 : i32
        %sub3A_133 = arith.subi %div3A_112, %sub3A_132 : i32
        %select_n3A_134 = arith.select %and3A_131, %sub3A_133, %div3A_112 : i32
        %mul3A_135 = arith.constant 8 : i32
        %mul3A_136 = arith.muli %select_n3A_134, %mul3A_135 : i32
        %multiple_of3A = tpu.assume_multiple %mul3A_136, 8 : i32
        %scan3A_137 = arith.constant 0 : i32
        %scan3A_138 = arith.constant 0 : i32
        %scan3A_139 = arith.constant 25 : i32
        %scan3A_140 = arith.addi %scan3A_138, %scan3A_139 : i32
        %scan3A_141 = arith.constant 1 : i32
        %scan3A_142 = scf.for %scan3A_144 = %scan3A_138 to %scan3A_140 step %scan3A_141 iter_args(%scan3A_145 = %scan3A_137) -> (i32)  : i32 {
          %mul3A_146 = arith.constant 32 : i32
          %mul3A_147 = arith.muli %scan3A_144, %mul3A_146 : i32
          %add3A_148 = arith.addi %mul3A_147, %add3A : i32
          %lt3A_149 = arith.constant 781 : i32
          %lt3A_150 = arith.cmpi slt, %add3A_148, %lt3A_149 : i32
          %convert_element_type3A_151 = arith.extui %lt3A_150 : i1 to i32
          %cond3A_152 = arith.constant 0 : i32
          %cond3A_153 = arith.cmpi ne, %convert_element_type3A_151, %cond3A_152 : i32
          scf.if %cond3A_153 {
            %mul3A_159 = arith.constant 256 : i32
            %mul3A_160 = arith.muli %add3A_148, %mul3A_159 : i32
            %dma_start3A = arith.constant 0 : i32
            %dma_start3A_161 = arith.constant 0 : i32
            %dma_start3A_162 = tpu.memref_slice %arg10[%scan3A_144, %dma_start3A, %dma_start3A_161] : memref<25x8x256xf32, #tpu.memory_space<vmem>> -> memref<1x8x256xf32, #tpu.memory_space<vmem>>
            %dma_start3A_163 = tpu.memref_squeeze %dma_start3A_162 : memref<1x8x256xf32, #tpu.memory_space<vmem>> -> memref<8x256xf32, #tpu.memory_space<vmem>>
            %dma_start3A_164 = tpu.memref_slice %arg2[%multiple_of3A, %mul3A_160] : memref<128x200000xf32, #tpu.memory_space<hbm>> -> memref<8x256xf32, #tpu.memory_space<hbm>>
            %dma_start3A_165 = arith.constant 0 : i32
            %dma_start3A_166 = arith.constant 0 : i32
            %dma_start3A_167 = tpu.memref_slice %arg10[%scan3A_144, %dma_start3A_165, %dma_start3A_166] : memref<25x8x256xf32, #tpu.memory_space<vmem>> -> memref<1x8x256xf32, #tpu.memory_space<vmem>>
            %dma_start3A_168 = tpu.memref_squeeze %dma_start3A_167 : memref<1x8x256xf32, #tpu.memory_space<vmem>> -> memref<8x256xf32, #tpu.memory_space<vmem>>
            %dma_start3A_169 = tpu.memref_slice %arg2[%multiple_of3A, %mul3A_160] : memref<128x200000xf32, #tpu.memory_space<hbm>> -> memref<8x256xf32, #tpu.memory_space<hbm>>
            tpu.enqueue_dma source(%dma_start3A_169 : memref<8x256xf32, #tpu.memory_space<hbm>>) target(%dma_start3A_168 : memref<8x256xf32, #tpu.memory_space<vmem>>) target_semaphore(%arg17 : memref<!tpu.dma_semaphore, #tpu.memory_space<semaphore_mem>>)
          } else {
          }
          %eq3A = arith.constant 781 : i32
          %eq3A_154 = arith.cmpi eq, %add3A_148, %eq3A : i32
          %convert_element_type3A_155 = arith.extui %eq3A_154 : i1 to i32
          %cond3A_156 = arith.constant 0 : i32
          %cond3A_157 = arith.cmpi ne, %convert_element_type3A_155, %cond3A_156 : i32
          scf.if %cond3A_157 {
            %dma_start3A = arith.constant 199936 : i32
            %dma_start3A_159 = tpu.memref_slice %arg2[%multiple_of3A, %dma_start3A] : memref<128x200000xf32, #tpu.memory_space<hbm>> -> memref<8x64xf32, #tpu.memory_space<hbm>>
            %dma_start3A_160 = arith.constant 199936 : i32
            %dma_start3A_161 = tpu.memref_slice %arg2[%multiple_of3A, %dma_start3A_160] : memref<128x200000xf32, #tpu.memory_space<hbm>> -> memref<8x64xf32, #tpu.memory_space<hbm>>
            tpu.enqueue_dma source(%dma_start3A_161 : memref<8x64xf32, #tpu.memory_space<hbm>>) target(%arg12 : memref<8x64xf32, #tpu.memory_space<vmem>>) target_semaphore(%arg17 : memref<!tpu.dma_semaphore, #tpu.memory_space<semaphore_mem>>)
          } else {
          }
          %scan3A_158 = arith.constant 0 : i32
          scf.yield %scan3A_158 : i32
        }
        %scan3A_143 = arith.constant 25 : i32
      } else {
      }
      %lt3A_103 = arith.cmpi slt, %add3A_89, %scan3A_30 : i32
      %convert_element_type3A_104 = arith.extui %lt3A_103 : i1 to i32
      %cond3A_105 = arith.constant 0 : i32
      %cond3A_106 = arith.cmpi ne, %convert_element_type3A_104, %cond3A_105 : i32
      scf.if %cond3A_106 {
        %get3A = arith.index_cast %add3A_89 : i32 to index
        %get3A_108 = memref.load %arg15[%get3A] : memref<128xi32, #tpu.memory_space<smem>>
        %jit3A_109 = arith.constant 8 : i32
        %div3A_110 = arith.divsi %get3A_108, %jit3A_109 : i32
        %sign3A_111 = arith.constant 0 : i32
        %sign3A_112 = arith.cmpi sgt, %get3A_108, %sign3A_111 : i32
        %sign3A_113 = arith.extui %sign3A_112 : i1 to i32
        %sign3A_114 = arith.constant 0 : i32
        %sign3A_115 = arith.cmpi slt, %get3A_108, %sign3A_114 : i32
        %sign3A_116 = arith.extui %sign3A_115 : i1 to i32
        %sign3A_117 = arith.subi %sign3A_113, %sign3A_116 : i32
        %sign3A_118 = arith.constant 0 : i32
        %sign3A_119 = arith.cmpi sgt, %jit3A_109, %sign3A_118 : i32
        %sign3A_120 = arith.extui %sign3A_119 : i1 to i32
        %sign3A_121 = arith.constant 0 : i32
        %sign3A_122 = arith.cmpi slt, %jit3A_109, %sign3A_121 : i32
        %sign3A_123 = arith.extui %sign3A_122 : i1 to i32
        %sign3A_124 = arith.subi %sign3A_120, %sign3A_123 : i32
        %ne3A_125 = arith.cmpi ne, %sign3A_117, %sign3A_124 : i32
        %rem3A_126 = arith.remsi %get3A_108, %jit3A_109 : i32
        %ne3A_127 = arith.constant 0 : i32
        %ne3A_128 = arith.cmpi ne, %rem3A_126, %ne3A_127 : i32
        %and3A_129 = arith.andi %ne3A_125, %ne3A_128 : i1
        %sub3A_130 = arith.constant 1 : i32
        %sub3A_131 = arith.subi %div3A_110, %sub3A_130 : i32
        %select_n3A_132 = arith.select %and3A_129, %sub3A_131, %div3A_110 : i32
        %mul3A_133 = arith.constant 8 : i32
        %mul3A_134 = arith.muli %select_n3A_132, %mul3A_133 : i32
        %multiple_of3A = tpu.assume_multiple %mul3A_134, 8 : i32
        %sub3A_135 = arith.subi %get3A_108, %multiple_of3A : i32
        %add3A_136 = arith.constant 1 : i32
        %add3A_137 = arith.addi %get3A_108, %add3A_136 : i32
        %broadcast_in_dim3A = arith.constant 0 : i32
        %broadcast_in_dim3A_138 = vector.broadcast %broadcast_in_dim3A : i32 to vector<16xi32>
        %add3A_139 = vector.broadcast %add3A_137 : i32 to vector<16xi32>
        %add3A_140 = arith.addi %broadcast_in_dim3A_138, %add3A_139 : vector<16xi32>
        %mul3A_141 = arith.constant 16 : i32
        %mul3A_142 = arith.muli %get3A_108, %mul3A_141 : i32
        %get3A_143 = arith.index_cast %mul3A_142 : i32 to index
        %get3A_144 = tpu.vector_load %arg8[%get3A_143] {strides = array<i32>} : memref<2048xf32, #tpu.memory_space<vmem>>, vector<16xf32>,
        %scan3A_145 = arith.constant 0 : i32
        %scan3A_146 = arith.constant 0 : i32
        %scan3A_147 = arith.constant 25 : i32
        %scan3A_148 = arith.addi %scan3A_146, %scan3A_147 : i32
        %scan3A_149 = arith.constant 1 : i32
        %scan3A_150 = scf.for %scan3A_159 = %scan3A_146 to %scan3A_148 step %scan3A_149 iter_args(%scan3A_160 = %scan3A_145) -> (i32)  : i32 {
          %mul3A_161 = arith.constant 32 : i32
          %mul3A_162 = arith.muli %scan3A_159, %mul3A_161 : i32
          %add3A_163 = arith.addi %mul3A_162, %add3A : i32
          %lt3A_164 = arith.constant 781 : i32
          %lt3A_165 = arith.cmpi slt, %add3A_163, %lt3A_164 : i32
          %convert_element_type3A_166 = arith.extui %lt3A_165 : i1 to i32
          %cond3A_167 = arith.constant 0 : i32
          %cond3A_168 = arith.cmpi ne, %convert_element_type3A_166, %cond3A_167 : i32
          scf.if %cond3A_168 {
            %mul3A_174 = arith.constant 256 : i32
            %mul3A_175 = arith.muli %add3A_163, %mul3A_174 : i32
            %dma_wait3A = arith.constant 0 : i32
            %dma_wait3A_176 = arith.constant 0 : i32
            %dma_wait3A_177 = tpu.memref_slice %arg11[%scan3A_159, %dma_wait3A, %dma_wait3A_176] : memref<25x8x256xf32, #tpu.memory_space<vmem>> -> memref<1x8x256xf32, #tpu.memory_space<vmem>>
            %dma_wait3A_178 = tpu.memref_squeeze %dma_wait3A_177 : memref<1x8x256xf32, #tpu.memory_space<vmem>> -> memref<8x256xf32, #tpu.memory_space<vmem>>
            %dma_wait3A_179 = tpu.memref_slice %arg2[%multiple_of3A, %mul3A_175] : memref<128x200000xf32, #tpu.memory_space<hbm>> -> memref<8x256xf32, #tpu.memory_space<hbm>>
            %dma_wait3A_180 = arith.constant 0 : i32
            %dma_wait3A_181 = arith.constant 0 : i32
            %dma_wait3A_182 = tpu.memref_slice %arg11[%scan3A_159, %dma_wait3A_180, %dma_wait3A_181] : memref<25x8x256xf32, #tpu.memory_space<vmem>> -> memref<1x8x256xf32, #tpu.memory_space<vmem>>
            %dma_wait3A_183 = tpu.memref_squeeze %dma_wait3A_182 : memref<1x8x256xf32, #tpu.memory_space<vmem>> -> memref<8x256xf32, #tpu.memory_space<vmem>>
            %dma_wait3A_184 = tpu.memref_slice %arg2[%multiple_of3A, %mul3A_175] : memref<128x200000xf32, #tpu.memory_space<hbm>> -> memref<8x256xf32, #tpu.memory_space<hbm>>
            tpu.wait_dma2 semaphore(%arg18 : memref<!tpu.dma_semaphore, #tpu.memory_space<semaphore_mem>>) src(%dma_wait3A_184 : memref<8x256xf32, #tpu.memory_space<hbm>>) dst(%dma_wait3A_183 : memref<8x256xf32, #tpu.memory_space<vmem>>)
          } else {
          }
          %eq3A = arith.constant 781 : i32
          %eq3A_169 = arith.cmpi eq, %add3A_163, %eq3A : i32
          %convert_element_type3A_170 = arith.extui %eq3A_169 : i1 to i32
          %cond3A_171 = arith.constant 0 : i32
          %cond3A_172 = arith.cmpi ne, %convert_element_type3A_170, %cond3A_171 : i32
          scf.if %cond3A_172 {
            %dma_wait3A = arith.constant 199936 : i32
            %dma_wait3A_174 = tpu.memref_slice %arg2[%multiple_of3A, %dma_wait3A] : memref<128x200000xf32, #tpu.memory_space<hbm>> -> memref<8x64xf32, #tpu.memory_space<hbm>>
            %dma_wait3A_175 = arith.constant 199936 : i32
            %dma_wait3A_176 = tpu.memref_slice %arg2[%multiple_of3A, %dma_wait3A_175] : memref<128x200000xf32, #tpu.memory_space<hbm>> -> memref<8x64xf32, #tpu.memory_space<hbm>>
            tpu.wait_dma2 semaphore(%arg18 : memref<!tpu.dma_semaphore, #tpu.memory_space<semaphore_mem>>) src(%dma_wait3A_176 : memref<8x64xf32, #tpu.memory_space<hbm>>) dst(%arg13 : memref<8x64xf32, #tpu.memory_space<vmem>>)
          } else {
          }
          %scan3A_173 = arith.constant 0 : i32
          scf.yield %scan3A_173 : i32
        }
        %scan3A_151 = arith.constant 25 : i32
        %scan3A_152 = arith.constant 0 : i32
        %scan3A_153 = arith.constant 0 : i32
        %scan3A_154 = arith.constant 25 : i32
        %scan3A_155 = arith.addi %scan3A_153, %scan3A_154 : i32
        %scan3A_156 = arith.constant 1 : i32
        %scan3A_157 = scf.for %scan3A_159 = %scan3A_153 to %scan3A_155 step %scan3A_156 iter_args(%scan3A_160 = %scan3A_152) -> (i32)  : i32 {
          %mul3A_161 = arith.constant 32 : i32
          %mul3A_162 = arith.muli %scan3A_159, %mul3A_161 : i32
          %add3A_163 = arith.addi %mul3A_162, %add3A : i32
          %lt3A_164 = arith.constant 781 : i32
          %lt3A_165 = arith.cmpi slt, %add3A_163, %lt3A_164 : i32
          %convert_element_type3A_166 = arith.extui %lt3A_165 : i1 to i32
          %cond3A_167 = arith.constant 0 : i32
          %cond3A_168 = arith.cmpi ne, %convert_element_type3A_166, %cond3A_167 : i32
          scf.if %cond3A_168 {
            %scan3A_174 = arith.constant 0 : i32
            %scan3A_175 = arith.constant 0 : i32
            %scan3A_176 = arith.constant 16 : i32
            %scan3A_177 = arith.addi %scan3A_175, %scan3A_176 : i32
            %scan3A_178 = arith.constant 1 : i32
            %scan3A_179 = scf.for %scan3A_181 = %scan3A_175 to %scan3A_177 step %scan3A_178 iter_args(%scan3A_182 = %scan3A_174) -> (i32)  : i32 {
              %mul3A_183 = arith.constant 16 : i32
              %mul3A_184 = arith.muli %scan3A_181, %mul3A_183 : i32
              %get3A_185 = arith.index_cast %scan3A_159 : i32 to index
              %get3A_186 = arith.index_cast %sub3A_135 : i32 to index
              %get3A_187 = arith.index_cast %mul3A_184 : i32 to index
              %get3A_188 = tpu.vector_load %arg11[%get3A_185, %get3A_186, %get3A_187] {strides = array<i32>} : memref<25x8x256xf32, #tpu.memory_space<vmem>>, vector<16xf32>,
              %eq3A_189 = arith.cmpf oeq, %get3A_188, %get3A_144 : vector<16xf32>
              %mul3A_190 = arith.constant 256 : i32
              %mul3A_191 = arith.muli %scan3A_159, %mul3A_190 : i32
              %add3A_192 = arith.addi %mul3A_191, %mul3A_184 : i32
              %get3A_193 = arith.index_cast %add3A_192 : i32 to index
              %get3A_194 = tpu.vector_load %arg9[%get3A_193] {strides = array<i32>} : memref<6400xi32, #tpu.memory_space<vmem>>, vector<16xi32>,
              %select_n3A_195 = arith.select %eq3A_189, %add3A_140, %get3A_194 : vector<16xi1>, vector<16xi32>
              %swap3A = arith.index_cast %add3A_192 : i32 to index
              %swap3A_196 = tpu.vector_load %arg9[%swap3A] {strides = array<i32>} : memref<6400xi32, #tpu.memory_space<vmem>>, vector<16xi32>,
              tpu.vector_store %arg9[%swap3A], %select_n3A_195 {strides = array<i32>} : memref<6400xi32, #tpu.memory_space<vmem>>, vector<16xi32>,
              %scan3A_197 = arith.constant 0 : i32
              scf.yield %scan3A_197 : i32
            }
            %scan3A_180 = arith.constant 16 : i32
          } else {
          }
          %eq3A = arith.constant 781 : i32
          %eq3A_169 = arith.cmpi eq, %add3A_163, %eq3A : i32
          %convert_element_type3A_170 = arith.extui %eq3A_169 : i1 to i32
          %cond3A_171 = arith.constant 0 : i32
          %cond3A_172 = arith.cmpi ne, %convert_element_type3A_170, %cond3A_171 : i32
          scf.if %cond3A_172 {
            %scan3A_174 = arith.constant 0 : i32
            %scan3A_175 = arith.constant 0 : i32
            %scan3A_176 = arith.constant 4 : i32
            %scan3A_177 = arith.addi %scan3A_175, %scan3A_176 : i32
            %scan3A_178 = arith.constant 1 : i32
            %scan3A_179 = scf.for %scan3A_181 = %scan3A_175 to %scan3A_177 step %scan3A_178 iter_args(%scan3A_182 = %scan3A_174) -> (i32)  : i32 {
              %mul3A_183 = arith.constant 16 : i32
              %mul3A_184 = arith.muli %scan3A_181, %mul3A_183 : i32
              %get3A_185 = arith.index_cast %sub3A_135 : i32 to index
              %get3A_186 = arith.index_cast %mul3A_184 : i32 to index
              %get3A_187 = tpu.vector_load %arg13[%get3A_185, %get3A_186] {strides = array<i32>} : memref<8x64xf32, #tpu.memory_space<vmem>>, vector<16xf32>,
              %eq3A_188 = arith.cmpf oeq, %get3A_187, %get3A_144 : vector<16xf32>
              %mul3A_189 = arith.constant 256 : i32
              %mul3A_190 = arith.muli %scan3A_159, %mul3A_189 : i32
              %add3A_191 = arith.addi %mul3A_190, %mul3A_184 : i32
              %get3A_192 = arith.index_cast %add3A_191 : i32 to index
              %get3A_193 = tpu.vector_load %arg9[%get3A_192] {strides = array<i32>} : memref<6400xi32, #tpu.memory_space<vmem>>, vector<16xi32>,
              %select_n3A_194 = arith.select %eq3A_188, %add3A_140, %get3A_193 : vector<16xi1>, vector<16xi32>
              %swap3A = arith.index_cast %add3A_191 : i32 to index
              %swap3A_195 = tpu.vector_load %arg9[%swap3A] {strides = array<i32>} : memref<6400xi32, #tpu.memory_space<vmem>>, vector<16xi32>,
              tpu.vector_store %arg9[%swap3A], %select_n3A_194 {strides = array<i32>} : memref<6400xi32, #tpu.memory_space<vmem>>, vector<16xi32>,
              %scan3A_196 = arith.constant 0 : i32
              scf.yield %scan3A_196 : i32
            }
            %scan3A_180 = arith.constant 4 : i32
          } else {
          }
          %scan3A_173 = arith.constant 0 : i32
          scf.yield %scan3A_173 : i32
        }
        %scan3A_158 = arith.constant 25 : i32
      } else {
      }
      %while3A_107 = arith.constant 0 : i32
      scf.yield %while3A_107 : i32
    }
    %while3A_68 = arith.constant 1 : i32
    %while3A_69 = scf.for %while3A_84 = %while3A_65 to %while3A_61 step %while3A_68 iter_args(%while3A_85 = %while3A_67) -> (i32)  : i32 {
      %mul3A_86 = arith.constant 2 : i32
      %mul3A_87 = arith.muli %mul3A_86, %while3A_84 : i32
      %add3A_88 = arith.constant 1 : i32
      %add3A_89 = arith.addi %mul3A_87, %add3A_88 : i32
      %lt3A = arith.cmpi slt, %add3A_89, %scan3A_30 : i32
      %convert_element_type3A_90 = arith.extui %lt3A : i1 to i32
      %cond3A_91 = arith.constant 0 : i32
      %cond3A_92 = arith.cmpi ne, %convert_element_type3A_90, %cond3A_91 : i32
      scf.if %cond3A_92 {
        %get3A = arith.index_cast %add3A_89 : i32 to index
        %get3A_108 = memref.load %arg15[%get3A] : memref<128xi32, #tpu.memory_space<smem>>
        %jit3A_109 = arith.constant 8 : i32
        %div3A_110 = arith.divsi %get3A_108, %jit3A_109 : i32
        %sign3A_111 = arith.constant 0 : i32
        %sign3A_112 = arith.cmpi sgt, %get3A_108, %sign3A_111 : i32
        %sign3A_113 = arith.extui %sign3A_112 : i1 to i32
        %sign3A_114 = arith.constant 0 : i32
        %sign3A_115 = arith.cmpi slt, %get3A_108, %sign3A_114 : i32
        %sign3A_116 = arith.extui %sign3A_115 : i1 to i32
        %sign3A_117 = arith.subi %sign3A_113, %sign3A_116 : i32
        %sign3A_118 = arith.constant 0 : i32
        %sign3A_119 = arith.cmpi sgt, %jit3A_109, %sign3A_118 : i32
        %sign3A_120 = arith.extui %sign3A_119 : i1 to i32
        %sign3A_121 = arith.constant 0 : i32
        %sign3A_122 = arith.cmpi slt, %jit3A_109, %sign3A_121 : i32
        %sign3A_123 = arith.extui %sign3A_122 : i1 to i32
        %sign3A_124 = arith.subi %sign3A_120, %sign3A_123 : i32
        %ne3A_125 = arith.cmpi ne, %sign3A_117, %sign3A_124 : i32
        %rem3A_126 = arith.remsi %get3A_108, %jit3A_109 : i32
        %ne3A_127 = arith.constant 0 : i32
        %ne3A_128 = arith.cmpi ne, %rem3A_126, %ne3A_127 : i32
        %and3A_129 = arith.andi %ne3A_125, %ne3A_128 : i1
        %sub3A_130 = arith.constant 1 : i32
        %sub3A_131 = arith.subi %div3A_110, %sub3A_130 : i32
        %select_n3A_132 = arith.select %and3A_129, %sub3A_131, %div3A_110 : i32
        %mul3A_133 = arith.constant 8 : i32
        %mul3A_134 = arith.muli %select_n3A_132, %mul3A_133 : i32
        %multiple_of3A = tpu.assume_multiple %mul3A_134, 8 : i32
        %scan3A_135 = arith.constant 0 : i32
        %scan3A_136 = arith.constant 0 : i32
        %scan3A_137 = arith.constant 25 : i32
        %scan3A_138 = arith.addi %scan3A_136, %scan3A_137 : i32
        %scan3A_139 = arith.constant 1 : i32
        %scan3A_140 = scf.for %scan3A_142 = %scan3A_136 to %scan3A_138 step %scan3A_139 iter_args(%scan3A_143 = %scan3A_135) -> (i32)  : i32 {
          %mul3A_144 = arith.constant 32 : i32
          %mul3A_145 = arith.muli %scan3A_142, %mul3A_144 : i32
          %add3A_146 = arith.addi %mul3A_145, %add3A : i32
          %lt3A_147 = arith.constant 781 : i32
          %lt3A_148 = arith.cmpi slt, %add3A_146, %lt3A_147 : i32
          %convert_element_type3A_149 = arith.extui %lt3A_148 : i1 to i32
          %cond3A_150 = arith.constant 0 : i32
          %cond3A_151 = arith.cmpi ne, %convert_element_type3A_149, %cond3A_150 : i32
          scf.if %cond3A_151 {
            %mul3A_157 = arith.constant 256 : i32
            %mul3A_158 = arith.muli %add3A_146, %mul3A_157 : i32
            %dma_start3A = arith.constant 0 : i32
            %dma_start3A_159 = arith.constant 0 : i32
            %dma_start3A_160 = tpu.memref_slice %arg11[%scan3A_142, %dma_start3A, %dma_start3A_159] : memref<25x8x256xf32, #tpu.memory_space<vmem>> -> memref<1x8x256xf32, #tpu.memory_space<vmem>>
            %dma_start3A_161 = tpu.memref_squeeze %dma_start3A_160 : memref<1x8x256xf32, #tpu.memory_space<vmem>> -> memref<8x256xf32, #tpu.memory_space<vmem>>
            %dma_start3A_162 = tpu.memref_slice %arg2[%multiple_of3A, %mul3A_158] : memref<128x200000xf32, #tpu.memory_space<hbm>> -> memref<8x256xf32, #tpu.memory_space<hbm>>
            %dma_start3A_163 = arith.constant 0 : i32
            %dma_start3A_164 = arith.constant 0 : i32
            %dma_start3A_165 = tpu.memref_slice %arg11[%scan3A_142, %dma_start3A_163, %dma_start3A_164] : memref<25x8x256xf32, #tpu.memory_space<vmem>> -> memref<1x8x256xf32, #tpu.memory_space<vmem>>
            %dma_start3A_166 = tpu.memref_squeeze %dma_start3A_165 : memref<1x8x256xf32, #tpu.memory_space<vmem>> -> memref<8x256xf32, #tpu.memory_space<vmem>>
            %dma_start3A_167 = tpu.memref_slice %arg2[%multiple_of3A, %mul3A_158] : memref<128x200000xf32, #tpu.memory_space<hbm>> -> memref<8x256xf32, #tpu.memory_space<hbm>>
            tpu.enqueue_dma source(%dma_start3A_167 : memref<8x256xf32, #tpu.memory_space<hbm>>) target(%dma_start3A_166 : memref<8x256xf32, #tpu.memory_space<vmem>>) target_semaphore(%arg18 : memref<!tpu.dma_semaphore, #tpu.memory_space<semaphore_mem>>)
          } else {
          }
          %eq3A = arith.constant 781 : i32
          %eq3A_152 = arith.cmpi eq, %add3A_146, %eq3A : i32
          %convert_element_type3A_153 = arith.extui %eq3A_152 : i1 to i32
          %cond3A_154 = arith.constant 0 : i32
          %cond3A_155 = arith.cmpi ne, %convert_element_type3A_153, %cond3A_154 : i32
          scf.if %cond3A_155 {
            %dma_start3A = arith.constant 199936 : i32
            %dma_start3A_157 = tpu.memref_slice %arg2[%multiple_of3A, %dma_start3A] : memref<128x200000xf32, #tpu.memory_space<hbm>> -> memref<8x64xf32, #tpu.memory_space<hbm>>
            %dma_start3A_158 = arith.constant 199936 : i32
            %dma_start3A_159 = tpu.memref_slice %arg2[%multiple_of3A, %dma_start3A_158] : memref<128x200000xf32, #tpu.memory_space<hbm>> -> memref<8x64xf32, #tpu.memory_space<hbm>>
            tpu.enqueue_dma source(%dma_start3A_159 : memref<8x64xf32, #tpu.memory_space<hbm>>) target(%arg13 : memref<8x64xf32, #tpu.memory_space<vmem>>) target_semaphore(%arg18 : memref<!tpu.dma_semaphore, #tpu.memory_space<semaphore_mem>>)
          } else {
          }
          %scan3A_156 = arith.constant 0 : i32
          scf.yield %scan3A_156 : i32
        }
        %scan3A_141 = arith.constant 25 : i32
      } else {
      }
      %lt3A_93 = arith.cmpi slt, %mul3A_87, %scan3A_30 : i32
      %convert_element_type3A_94 = arith.extui %lt3A_93 : i1 to i32
      %cond3A_95 = arith.constant 0 : i32
      %cond3A_96 = arith.cmpi ne, %convert_element_type3A_94, %cond3A_95 : i32
      scf.if %cond3A_96 {
        %get3A = arith.index_cast %mul3A_87 : i32 to index
        %get3A_108 = memref.load %arg15[%get3A] : memref<128xi32, #tpu.memory_space<smem>>
        %jit3A_109 = arith.constant 8 : i32
        %div3A_110 = arith.divsi %get3A_108, %jit3A_109 : i32
        %sign3A_111 = arith.constant 0 : i32
        %sign3A_112 = arith.cmpi sgt, %get3A_108, %sign3A_111 : i32
        %sign3A_113 = arith.extui %sign3A_112 : i1 to i32
        %sign3A_114 = arith.constant 0 : i32
        %sign3A_115 = arith.cmpi slt, %get3A_108, %sign3A_114 : i32
        %sign3A_116 = arith.extui %sign3A_115 : i1 to i32
        %sign3A_117 = arith.subi %sign3A_113, %sign3A_116 : i32
        %sign3A_118 = arith.constant 0 : i32
        %sign3A_119 = arith.cmpi sgt, %jit3A_109, %sign3A_118 : i32
        %sign3A_120 = arith.extui %sign3A_119 : i1 to i32
        %sign3A_121 = arith.constant 0 : i32
        %sign3A_122 = arith.cmpi slt, %jit3A_109, %sign3A_121 : i32
        %sign3A_123 = arith.extui %sign3A_122 : i1 to i32
        %sign3A_124 = arith.subi %sign3A_120, %sign3A_123 : i32
        %ne3A_125 = arith.cmpi ne, %sign3A_117, %sign3A_124 : i32
        %rem3A_126 = arith.remsi %get3A_108, %jit3A_109 : i32
        %ne3A_127 = arith.constant 0 : i32
        %ne3A_128 = arith.cmpi ne, %rem3A_126, %ne3A_127 : i32
        %and3A_129 = arith.andi %ne3A_125, %ne3A_128 : i1
        %sub3A_130 = arith.constant 1 : i32
        %sub3A_131 = arith.subi %div3A_110, %sub3A_130 : i32
        %select_n3A_132 = arith.select %and3A_129, %sub3A_131, %div3A_110 : i32
        %mul3A_133 = arith.constant 8 : i32
        %mul3A_134 = arith.muli %select_n3A_132, %mul3A_133 : i32
        %multiple_of3A = tpu.assume_multiple %mul3A_134, 8 : i32
        %sub3A_135 = arith.subi %get3A_108, %multiple_of3A : i32
        %add3A_136 = arith.constant 1 : i32
        %add3A_137 = arith.addi %get3A_108, %add3A_136 : i32
        %broadcast_in_dim3A = arith.constant 0 : i32
        %broadcast_in_dim3A_138 = vector.broadcast %broadcast_in_dim3A : i32 to vector<16xi32>
        %add3A_139 = vector.broadcast %add3A_137 : i32 to vector<16xi32>
        %add3A_140 = arith.addi %broadcast_in_dim3A_138, %add3A_139 : vector<16xi32>
        %mul3A_141 = arith.constant 16 : i32
        %mul3A_142 = arith.muli %get3A_108, %mul3A_141 : i32
        %get3A_143 = arith.index_cast %mul3A_142 : i32 to index
        %get3A_144 = tpu.vector_load %arg8[%get3A_143] {strides = array<i32>} : memref<2048xf32, #tpu.memory_space<vmem>>, vector<16xf32>,
        %scan3A_145 = arith.constant 0 : i32
        %scan3A_146 = arith.constant 0 : i32
        %scan3A_147 = arith.constant 25 : i32
        %scan3A_148 = arith.addi %scan3A_146, %scan3A_147 : i32
        %scan3A_149 = arith.constant 1 : i32
        %scan3A_150 = scf.for %scan3A_159 = %scan3A_146 to %scan3A_148 step %scan3A_149 iter_args(%scan3A_160 = %scan3A_145) -> (i32)  : i32 {
          %mul3A_161 = arith.constant 32 : i32
          %mul3A_162 = arith.muli %scan3A_159, %mul3A_161 : i32
          %add3A_163 = arith.addi %mul3A_162, %add3A : i32
          %lt3A_164 = arith.constant 781 : i32
          %lt3A_165 = arith.cmpi slt, %add3A_163, %lt3A_164 : i32
          %convert_element_type3A_166 = arith.extui %lt3A_165 : i1 to i32
          %cond3A_167 = arith.constant 0 : i32
          %cond3A_168 = arith.cmpi ne, %convert_element_type3A_166, %cond3A_167 : i32
          scf.if %cond3A_168 {
            %mul3A_174 = arith.constant 256 : i32
            %mul3A_175 = arith.muli %add3A_163, %mul3A_174 : i32
            %dma_wait3A = arith.constant 0 : i32
            %dma_wait3A_176 = arith.constant 0 : i32
            %dma_wait3A_177 = tpu.memref_slice %arg10[%scan3A_159, %dma_wait3A, %dma_wait3A_176] : memref<25x8x256xf32, #tpu.memory_space<vmem>> -> memref<1x8x256xf32, #tpu.memory_space<vmem>>
            %dma_wait3A_178 = tpu.memref_squeeze %dma_wait3A_177 : memref<1x8x256xf32, #tpu.memory_space<vmem>> -> memref<8x256xf32, #tpu.memory_space<vmem>>
            %dma_wait3A_179 = tpu.memref_slice %arg2[%multiple_of3A, %mul3A_175] : memref<128x200000xf32, #tpu.memory_space<hbm>> -> memref<8x256xf32, #tpu.memory_space<hbm>>
            %dma_wait3A_180 = arith.constant 0 : i32
            %dma_wait3A_181 = arith.constant 0 : i32
            %dma_wait3A_182 = tpu.memref_slice %arg10[%scan3A_159, %dma_wait3A_180, %dma_wait3A_181] : memref<25x8x256xf32, #tpu.memory_space<vmem>> -> memref<1x8x256xf32, #tpu.memory_space<vmem>>
            %dma_wait3A_183 = tpu.memref_squeeze %dma_wait3A_182 : memref<1x8x256xf32, #tpu.memory_space<vmem>> -> memref<8x256xf32, #tpu.memory_space<vmem>>
            %dma_wait3A_184 = tpu.memref_slice %arg2[%multiple_of3A, %mul3A_175] : memref<128x200000xf32, #tpu.memory_space<hbm>> -> memref<8x256xf32, #tpu.memory_space<hbm>>
            tpu.wait_dma2 semaphore(%arg17 : memref<!tpu.dma_semaphore, #tpu.memory_space<semaphore_mem>>) src(%dma_wait3A_184 : memref<8x256xf32, #tpu.memory_space<hbm>>) dst(%dma_wait3A_183 : memref<8x256xf32, #tpu.memory_space<vmem>>)
          } else {
          }
          %eq3A = arith.constant 781 : i32
          %eq3A_169 = arith.cmpi eq, %add3A_163, %eq3A : i32
          %convert_element_type3A_170 = arith.extui %eq3A_169 : i1 to i32
          %cond3A_171 = arith.constant 0 : i32
          %cond3A_172 = arith.cmpi ne, %convert_element_type3A_170, %cond3A_171 : i32
          scf.if %cond3A_172 {
            %dma_wait3A = arith.constant 199936 : i32
            %dma_wait3A_174 = tpu.memref_slice %arg2[%multiple_of3A, %dma_wait3A] : memref<128x200000xf32, #tpu.memory_space<hbm>> -> memref<8x64xf32, #tpu.memory_space<hbm>>
            %dma_wait3A_175 = arith.constant 199936 : i32
            %dma_wait3A_176 = tpu.memref_slice %arg2[%multiple_of3A, %dma_wait3A_175] : memref<128x200000xf32, #tpu.memory_space<hbm>> -> memref<8x64xf32, #tpu.memory_space<hbm>>
            tpu.wait_dma2 semaphore(%arg17 : memref<!tpu.dma_semaphore, #tpu.memory_space<semaphore_mem>>) src(%dma_wait3A_176 : memref<8x64xf32, #tpu.memory_space<hbm>>) dst(%arg12 : memref<8x64xf32, #tpu.memory_space<vmem>>)
          } else {
          }
          %scan3A_173 = arith.constant 0 : i32
          scf.yield %scan3A_173 : i32
        }
        %scan3A_151 = arith.constant 25 : i32
        %scan3A_152 = arith.constant 0 : i32
        %scan3A_153 = arith.constant 0 : i32
        %scan3A_154 = arith.constant 25 : i32
        %scan3A_155 = arith.addi %scan3A_153, %scan3A_154 : i32
        %scan3A_156 = arith.constant 1 : i32
        %scan3A_157 = scf.for %scan3A_159 = %scan3A_153 to %scan3A_155 step %scan3A_156 iter_args(%scan3A_160 = %scan3A_152) -> (i32)  : i32 {
          %mul3A_161 = arith.constant 32 : i32
          %mul3A_162 = arith.muli %scan3A_159, %mul3A_161 : i32
          %add3A_163 = arith.addi %mul3A_162, %add3A : i32
          %lt3A_164 = arith.constant 781 : i32
          %lt3A_165 = arith.cmpi slt, %add3A_163, %lt3A_164 : i32
          %convert_element_type3A_166 = arith.extui %lt3A_165 : i1 to i32
          %cond3A_167 = arith.constant 0 : i32
          %cond3A_168 = arith.cmpi ne, %convert_element_type3A_166, %cond3A_167 : i32
          scf.if %cond3A_168 {
            %scan3A_174 = arith.constant 0 : i32
            %scan3A_175 = arith.constant 0 : i32
            %scan3A_176 = arith.constant 16 : i32
            %scan3A_177 = arith.addi %scan3A_175, %scan3A_176 : i32
            %scan3A_178 = arith.constant 1 : i32
            %scan3A_179 = scf.for %scan3A_181 = %scan3A_175 to %scan3A_177 step %scan3A_178 iter_args(%scan3A_182 = %scan3A_174) -> (i32)  : i32 {
              %mul3A_183 = arith.constant 16 : i32
              %mul3A_184 = arith.muli %scan3A_181, %mul3A_183 : i32
              %get3A_185 = arith.index_cast %scan3A_159 : i32 to index
              %get3A_186 = arith.index_cast %sub3A_135 : i32 to index
              %get3A_187 = arith.index_cast %mul3A_184 : i32 to index
              %get3A_188 = tpu.vector_load %arg10[%get3A_185, %get3A_186, %get3A_187] {strides = array<i32>} : memref<25x8x256xf32, #tpu.memory_space<vmem>>, vector<16xf32>,
              %eq3A_189 = arith.cmpf oeq, %get3A_188, %get3A_144 : vector<16xf32>
              %mul3A_190 = arith.constant 256 : i32
              %mul3A_191 = arith.muli %scan3A_159, %mul3A_190 : i32
              %add3A_192 = arith.addi %mul3A_191, %mul3A_184 : i32
              %get3A_193 = arith.index_cast %add3A_192 : i32 to index
              %get3A_194 = tpu.vector_load %arg9[%get3A_193] {strides = array<i32>} : memref<6400xi32, #tpu.memory_space<vmem>>, vector<16xi32>,
              %select_n3A_195 = arith.select %eq3A_189, %add3A_140, %get3A_194 : vector<16xi1>, vector<16xi32>
              %swap3A = arith.index_cast %add3A_192 : i32 to index
              %swap3A_196 = tpu.vector_load %arg9[%swap3A] {strides = array<i32>} : memref<6400xi32, #tpu.memory_space<vmem>>, vector<16xi32>,
              tpu.vector_store %arg9[%swap3A], %select_n3A_195 {strides = array<i32>} : memref<6400xi32, #tpu.memory_space<vmem>>, vector<16xi32>,
              %scan3A_197 = arith.constant 0 : i32
              scf.yield %scan3A_197 : i32
            }
            %scan3A_180 = arith.constant 16 : i32
          } else {
          }
          %eq3A = arith.constant 781 : i32
          %eq3A_169 = arith.cmpi eq, %add3A_163, %eq3A : i32
          %convert_element_type3A_170 = arith.extui %eq3A_169 : i1 to i32
          %cond3A_171 = arith.constant 0 : i32
          %cond3A_172 = arith.cmpi ne, %convert_element_type3A_170, %cond3A_171 : i32
          scf.if %cond3A_172 {
            %scan3A_174 = arith.constant 0 : i32
            %scan3A_175 = arith.constant 0 : i32
            %scan3A_176 = arith.constant 4 : i32
            %scan3A_177 = arith.addi %scan3A_175, %scan3A_176 : i32
            %scan3A_178 = arith.constant 1 : i32
            %scan3A_179 = scf.for %scan3A_181 = %scan3A_175 to %scan3A_177 step %scan3A_178 iter_args(%scan3A_182 = %scan3A_174) -> (i32)  : i32 {
              %mul3A_183 = arith.constant 16 : i32
              %mul3A_184 = arith.muli %scan3A_181, %mul3A_183 : i32
              %get3A_185 = arith.index_cast %sub3A_135 : i32 to index
              %get3A_186 = arith.index_cast %mul3A_184 : i32 to index
              %get3A_187 = tpu.vector_load %arg12[%get3A_185, %get3A_186] {strides = array<i32>} : memref<8x64xf32, #tpu.memory_space<vmem>>, vector<16xf32>,
              %eq3A_188 = arith.cmpf oeq, %get3A_187, %get3A_144 : vector<16xf32>
              %mul3A_189 = arith.constant 256 : i32
              %mul3A_190 = arith.muli %scan3A_159, %mul3A_189 : i32
              %add3A_191 = arith.addi %mul3A_190, %mul3A_184 : i32
              %get3A_192 = arith.index_cast %add3A_191 : i32 to index
              %get3A_193 = tpu.vector_load %arg9[%get3A_192] {strides = array<i32>} : memref<6400xi32, #tpu.memory_space<vmem>>, vector<16xi32>,
              %select_n3A_194 = arith.select %eq3A_188, %add3A_140, %get3A_193 : vector<16xi1>, vector<16xi32>
              %swap3A = arith.index_cast %add3A_191 : i32 to index
              %swap3A_195 = tpu.vector_load %arg9[%swap3A] {strides = array<i32>} : memref<6400xi32, #tpu.memory_space<vmem>>, vector<16xi32>,
              tpu.vector_store %arg9[%swap3A], %select_n3A_194 {strides = array<i32>} : memref<6400xi32, #tpu.memory_space<vmem>>, vector<16xi32>,
              %scan3A_196 = arith.constant 0 : i32
              scf.yield %scan3A_196 : i32
            }
            %scan3A_180 = arith.constant 4 : i32
          } else {
          }
          %scan3A_173 = arith.constant 0 : i32
          scf.yield %scan3A_173 : i32
        }
        %scan3A_158 = arith.constant 25 : i32
      } else {
      }
      %add3A_97 = arith.constant 1 : i32
      %add3A_98 = arith.addi %add3A_89, %add3A_97 : i32
      %lt3A_99 = arith.cmpi slt, %add3A_98, %scan3A_30 : i32
      %convert_element_type3A_100 = arith.extui %lt3A_99 : i1 to i32
      %cond3A_101 = arith.constant 0 : i32
      %cond3A_102 = arith.cmpi ne, %convert_element_type3A_100, %cond3A_101 : i32
      scf.if %cond3A_102 {
        %add3A_108 = arith.constant 1 : i32
        %add3A_109 = arith.addi %add3A_89, %add3A_108 : i32
        %get3A = arith.index_cast %add3A_109 : i32 to index
        %get3A_110 = memref.load %arg15[%get3A] : memref<128xi32, #tpu.memory_space<smem>>
        %jit3A_111 = arith.constant 8 : i32
        %div3A_112 = arith.divsi %get3A_110, %jit3A_111 : i32
        %sign3A_113 = arith.constant 0 : i32
        %sign3A_114 = arith.cmpi sgt, %get3A_110, %sign3A_113 : i32
        %sign3A_115 = arith.extui %sign3A_114 : i1 to i32
        %sign3A_116 = arith.constant 0 : i32
        %sign3A_117 = arith.cmpi slt, %get3A_110, %sign3A_116 : i32
        %sign3A_118 = arith.extui %sign3A_117 : i1 to i32
        %sign3A_119 = arith.subi %sign3A_115, %sign3A_118 : i32
        %sign3A_120 = arith.constant 0 : i32
        %sign3A_121 = arith.cmpi sgt, %jit3A_111, %sign3A_120 : i32
        %sign3A_122 = arith.extui %sign3A_121 : i1 to i32
        %sign3A_123 = arith.constant 0 : i32
        %sign3A_124 = arith.cmpi slt, %jit3A_111, %sign3A_123 : i32
        %sign3A_125 = arith.extui %sign3A_124 : i1 to i32
        %sign3A_126 = arith.subi %sign3A_122, %sign3A_125 : i32
        %ne3A_127 = arith.cmpi ne, %sign3A_119, %sign3A_126 : i32
        %rem3A_128 = arith.remsi %get3A_110, %jit3A_111 : i32
        %ne3A_129 = arith.constant 0 : i32
        %ne3A_130 = arith.cmpi ne, %rem3A_128, %ne3A_129 : i32
        %and3A_131 = arith.andi %ne3A_127, %ne3A_130 : i1
        %sub3A_132 = arith.constant 1 : i32
        %sub3A_133 = arith.subi %div3A_112, %sub3A_132 : i32
        %select_n3A_134 = arith.select %and3A_131, %sub3A_133, %div3A_112 : i32
        %mul3A_135 = arith.constant 8 : i32
        %mul3A_136 = arith.muli %select_n3A_134, %mul3A_135 : i32
        %multiple_of3A = tpu.assume_multiple %mul3A_136, 8 : i32
        %scan3A_137 = arith.constant 0 : i32
        %scan3A_138 = arith.constant 0 : i32
        %scan3A_139 = arith.constant 25 : i32
        %scan3A_140 = arith.addi %scan3A_138, %scan3A_139 : i32
        %scan3A_141 = arith.constant 1 : i32
        %scan3A_142 = scf.for %scan3A_144 = %scan3A_138 to %scan3A_140 step %scan3A_141 iter_args(%scan3A_145 = %scan3A_137) -> (i32)  : i32 {
          %mul3A_146 = arith.constant 32 : i32
          %mul3A_147 = arith.muli %scan3A_144, %mul3A_146 : i32
          %add3A_148 = arith.addi %mul3A_147, %add3A : i32
          %lt3A_149 = arith.constant 781 : i32
          %lt3A_150 = arith.cmpi slt, %add3A_148, %lt3A_149 : i32
          %convert_element_type3A_151 = arith.extui %lt3A_150 : i1 to i32
          %cond3A_152 = arith.constant 0 : i32
          %cond3A_153 = arith.cmpi ne, %convert_element_type3A_151, %cond3A_152 : i32
          scf.if %cond3A_153 {
            %mul3A_159 = arith.constant 256 : i32
            %mul3A_160 = arith.muli %add3A_148, %mul3A_159 : i32
            %dma_start3A = arith.constant 0 : i32
            %dma_start3A_161 = arith.constant 0 : i32
            %dma_start3A_162 = tpu.memref_slice %arg10[%scan3A_144, %dma_start3A, %dma_start3A_161] : memref<25x8x256xf32, #tpu.memory_space<vmem>> -> memref<1x8x256xf32, #tpu.memory_space<vmem>>
            %dma_start3A_163 = tpu.memref_squeeze %dma_start3A_162 : memref<1x8x256xf32, #tpu.memory_space<vmem>> -> memref<8x256xf32, #tpu.memory_space<vmem>>
            %dma_start3A_164 = tpu.memref_slice %arg2[%multiple_of3A, %mul3A_160] : memref<128x200000xf32, #tpu.memory_space<hbm>> -> memref<8x256xf32, #tpu.memory_space<hbm>>
            %dma_start3A_165 = arith.constant 0 : i32
            %dma_start3A_166 = arith.constant 0 : i32
            %dma_start3A_167 = tpu.memref_slice %arg10[%scan3A_144, %dma_start3A_165, %dma_start3A_166] : memref<25x8x256xf32, #tpu.memory_space<vmem>> -> memref<1x8x256xf32, #tpu.memory_space<vmem>>
            %dma_start3A_168 = tpu.memref_squeeze %dma_start3A_167 : memref<1x8x256xf32, #tpu.memory_space<vmem>> -> memref<8x256xf32, #tpu.memory_space<vmem>>
            %dma_start3A_169 = tpu.memref_slice %arg2[%multiple_of3A, %mul3A_160] : memref<128x200000xf32, #tpu.memory_space<hbm>> -> memref<8x256xf32, #tpu.memory_space<hbm>>
            tpu.enqueue_dma source(%dma_start3A_169 : memref<8x256xf32, #tpu.memory_space<hbm>>) target(%dma_start3A_168 : memref<8x256xf32, #tpu.memory_space<vmem>>) target_semaphore(%arg17 : memref<!tpu.dma_semaphore, #tpu.memory_space<semaphore_mem>>)
          } else {
          }
          %eq3A = arith.constant 781 : i32
          %eq3A_154 = arith.cmpi eq, %add3A_148, %eq3A : i32
          %convert_element_type3A_155 = arith.extui %eq3A_154 : i1 to i32
          %cond3A_156 = arith.constant 0 : i32
          %cond3A_157 = arith.cmpi ne, %convert_element_type3A_155, %cond3A_156 : i32
          scf.if %cond3A_157 {
            %dma_start3A = arith.constant 199936 : i32
            %dma_start3A_159 = tpu.memref_slice %arg2[%multiple_of3A, %dma_start3A] : memref<128x200000xf32, #tpu.memory_space<hbm>> -> memref<8x64xf32, #tpu.memory_space<hbm>>
            %dma_start3A_160 = arith.constant 199936 : i32
            %dma_start3A_161 = tpu.memref_slice %arg2[%multiple_of3A, %dma_start3A_160] : memref<128x200000xf32, #tpu.memory_space<hbm>> -> memref<8x64xf32, #tpu.memory_space<hbm>>
            tpu.enqueue_dma source(%dma_start3A_161 : memref<8x64xf32, #tpu.memory_space<hbm>>) target(%arg12 : memref<8x64xf32, #tpu.memory_space<vmem>>) target_semaphore(%arg17 : memref<!tpu.dma_semaphore, #tpu.memory_space<semaphore_mem>>)
          } else {
          }
          %scan3A_158 = arith.constant 0 : i32
          scf.yield %scan3A_158 : i32
        }
        %scan3A_143 = arith.constant 25 : i32
      } else {
      }
      %lt3A_103 = arith.cmpi slt, %add3A_89, %scan3A_30 : i32
      %convert_element_type3A_104 = arith.extui %lt3A_103 : i1 to i32
      %cond3A_105 = arith.constant 0 : i32
      %cond3A_106 = arith.cmpi ne, %convert_element_type3A_104, %cond3A_105 : i32
      scf.if %cond3A_106 {
        %get3A = arith.index_cast %add3A_89 : i32 to index
        %get3A_108 = memref.load %arg15[%get3A] : memref<128xi32, #tpu.memory_space<smem>>
        %jit3A_109 = arith.constant 8 : i32
        %div3A_110 = arith.divsi %get3A_108, %jit3A_109 : i32
        %sign3A_111 = arith.constant 0 : i32
        %sign3A_112 = arith.cmpi sgt, %get3A_108, %sign3A_111 : i32
        %sign3A_113 = arith.extui %sign3A_112 : i1 to i32
        %sign3A_114 = arith.constant 0 : i32
        %sign3A_115 = arith.cmpi slt, %get3A_108, %sign3A_114 : i32
        %sign3A_116 = arith.extui %sign3A_115 : i1 to i32
        %sign3A_117 = arith.subi %sign3A_113, %sign3A_116 : i32
        %sign3A_118 = arith.constant 0 : i32
        %sign3A_119 = arith.cmpi sgt, %jit3A_109, %sign3A_118 : i32
        %sign3A_120 = arith.extui %sign3A_119 : i1 to i32
        %sign3A_121 = arith.constant 0 : i32
        %sign3A_122 = arith.cmpi slt, %jit3A_109, %sign3A_121 : i32
        %sign3A_123 = arith.extui %sign3A_122 : i1 to i32
        %sign3A_124 = arith.subi %sign3A_120, %sign3A_123 : i32
        %ne3A_125 = arith.cmpi ne, %sign3A_117, %sign3A_124 : i32
        %rem3A_126 = arith.remsi %get3A_108, %jit3A_109 : i32
        %ne3A_127 = arith.constant 0 : i32
        %ne3A_128 = arith.cmpi ne, %rem3A_126, %ne3A_127 : i32
        %and3A_129 = arith.andi %ne3A_125, %ne3A_128 : i1
        %sub3A_130 = arith.constant 1 : i32
        %sub3A_131 = arith.subi %div3A_110, %sub3A_130 : i32
        %select_n3A_132 = arith.select %and3A_129, %sub3A_131, %div3A_110 : i32
        %mul3A_133 = arith.constant 8 : i32
        %mul3A_134 = arith.muli %select_n3A_132, %mul3A_133 : i32
        %multiple_of3A = tpu.assume_multiple %mul3A_134, 8 : i32
        %sub3A_135 = arith.subi %get3A_108, %multiple_of3A : i32
        %add3A_136 = arith.constant 1 : i32
        %add3A_137 = arith.addi %get3A_108, %add3A_136 : i32
        %broadcast_in_dim3A = arith.constant 0 : i32
        %broadcast_in_dim3A_138 = vector.broadcast %broadcast_in_dim3A : i32 to vector<16xi32>
        %add3A_139 = vector.broadcast %add3A_137 : i32 to vector<16xi32>
        %add3A_140 = arith.addi %broadcast_in_dim3A_138, %add3A_139 : vector<16xi32>
        %mul3A_141 = arith.constant 16 : i32
        %mul3A_142 = arith.muli %get3A_108, %mul3A_141 : i32
        %get3A_143 = arith.index_cast %mul3A_142 : i32 to index
        %get3A_144 = tpu.vector_load %arg8[%get3A_143] {strides = array<i32>} : memref<2048xf32, #tpu.memory_space<vmem>>, vector<16xf32>,
        %scan3A_145 = arith.constant 0 : i32
        %scan3A_146 = arith.constant 0 : i32
        %scan3A_147 = arith.constant 25 : i32
        %scan3A_148 = arith.addi %scan3A_146, %scan3A_147 : i32
        %scan3A_149 = arith.constant 1 : i32
        %scan3A_150 = scf.for %scan3A_159 = %scan3A_146 to %scan3A_148 step %scan3A_149 iter_args(%scan3A_160 = %scan3A_145) -> (i32)  : i32 {
          %mul3A_161 = arith.constant 32 : i32
          %mul3A_162 = arith.muli %scan3A_159, %mul3A_161 : i32
          %add3A_163 = arith.addi %mul3A_162, %add3A : i32
          %lt3A_164 = arith.constant 781 : i32
          %lt3A_165 = arith.cmpi slt, %add3A_163, %lt3A_164 : i32
          %convert_element_type3A_166 = arith.extui %lt3A_165 : i1 to i32
          %cond3A_167 = arith.constant 0 : i32
          %cond3A_168 = arith.cmpi ne, %convert_element_type3A_166, %cond3A_167 : i32
          scf.if %cond3A_168 {
            %mul3A_174 = arith.constant 256 : i32
            %mul3A_175 = arith.muli %add3A_163, %mul3A_174 : i32
            %dma_wait3A = arith.constant 0 : i32
            %dma_wait3A_176 = arith.constant 0 : i32
            %dma_wait3A_177 = tpu.memref_slice %arg11[%scan3A_159, %dma_wait3A, %dma_wait3A_176] : memref<25x8x256xf32, #tpu.memory_space<vmem>> -> memref<1x8x256xf32, #tpu.memory_space<vmem>>
            %dma_wait3A_178 = tpu.memref_squeeze %dma_wait3A_177 : memref<1x8x256xf32, #tpu.memory_space<vmem>> -> memref<8x256xf32, #tpu.memory_space<vmem>>
            %dma_wait3A_179 = tpu.memref_slice %arg2[%multiple_of3A, %mul3A_175] : memref<128x200000xf32, #tpu.memory_space<hbm>> -> memref<8x256xf32, #tpu.memory_space<hbm>>
            %dma_wait3A_180 = arith.constant 0 : i32
            %dma_wait3A_181 = arith.constant 0 : i32
            %dma_wait3A_182 = tpu.memref_slice %arg11[%scan3A_159, %dma_wait3A_180, %dma_wait3A_181] : memref<25x8x256xf32, #tpu.memory_space<vmem>> -> memref<1x8x256xf32, #tpu.memory_space<vmem>>
            %dma_wait3A_183 = tpu.memref_squeeze %dma_wait3A_182 : memref<1x8x256xf32, #tpu.memory_space<vmem>> -> memref<8x256xf32, #tpu.memory_space<vmem>>
            %dma_wait3A_184 = tpu.memref_slice %arg2[%multiple_of3A, %mul3A_175] : memref<128x200000xf32, #tpu.memory_space<hbm>> -> memref<8x256xf32, #tpu.memory_space<hbm>>
            tpu.wait_dma2 semaphore(%arg18 : memref<!tpu.dma_semaphore, #tpu.memory_space<semaphore_mem>>) src(%dma_wait3A_184 : memref<8x256xf32, #tpu.memory_space<hbm>>) dst(%dma_wait3A_183 : memref<8x256xf32, #tpu.memory_space<vmem>>)
          } else {
          }
          %eq3A = arith.constant 781 : i32
          %eq3A_169 = arith.cmpi eq, %add3A_163, %eq3A : i32
          %convert_element_type3A_170 = arith.extui %eq3A_169 : i1 to i32
          %cond3A_171 = arith.constant 0 : i32
          %cond3A_172 = arith.cmpi ne, %convert_element_type3A_170, %cond3A_171 : i32
          scf.if %cond3A_172 {
            %dma_wait3A = arith.constant 199936 : i32
            %dma_wait3A_174 = tpu.memref_slice %arg2[%multiple_of3A, %dma_wait3A] : memref<128x200000xf32, #tpu.memory_space<hbm>> -> memref<8x64xf32, #tpu.memory_space<hbm>>
            %dma_wait3A_175 = arith.constant 199936 : i32
            %dma_wait3A_176 = tpu.memref_slice %arg2[%multiple_of3A, %dma_wait3A_175] : memref<128x200000xf32, #tpu.memory_space<hbm>> -> memref<8x64xf32, #tpu.memory_space<hbm>>
            tpu.wait_dma2 semaphore(%arg18 : memref<!tpu.dma_semaphore, #tpu.memory_space<semaphore_mem>>) src(%dma_wait3A_176 : memref<8x64xf32, #tpu.memory_space<hbm>>) dst(%arg13 : memref<8x64xf32, #tpu.memory_space<vmem>>)
          } else {
          }
          %scan3A_173 = arith.constant 0 : i32
          scf.yield %scan3A_173 : i32
        }
        %scan3A_151 = arith.constant 25 : i32
        %scan3A_152 = arith.constant 0 : i32
        %scan3A_153 = arith.constant 0 : i32
        %scan3A_154 = arith.constant 25 : i32
        %scan3A_155 = arith.addi %scan3A_153, %scan3A_154 : i32
        %scan3A_156 = arith.constant 1 : i32
        %scan3A_157 = scf.for %scan3A_159 = %scan3A_153 to %scan3A_155 step %scan3A_156 iter_args(%scan3A_160 = %scan3A_152) -> (i32)  : i32 {
          %mul3A_161 = arith.constant 32 : i32
          %mul3A_162 = arith.muli %scan3A_159, %mul3A_161 : i32
          %add3A_163 = arith.addi %mul3A_162, %add3A : i32
          %lt3A_164 = arith.constant 781 : i32
          %lt3A_165 = arith.cmpi slt, %add3A_163, %lt3A_164 : i32
          %convert_element_type3A_166 = arith.extui %lt3A_165 : i1 to i32
          %cond3A_167 = arith.constant 0 : i32
          %cond3A_168 = arith.cmpi ne, %convert_element_type3A_166, %cond3A_167 : i32
          scf.if %cond3A_168 {
            %scan3A_174 = arith.constant 0 : i32
            %scan3A_175 = arith.constant 0 : i32
            %scan3A_176 = arith.constant 16 : i32
            %scan3A_177 = arith.addi %scan3A_175, %scan3A_176 : i32
            %scan3A_178 = arith.constant 1 : i32
            %scan3A_179 = scf.for %scan3A_181 = %scan3A_175 to %scan3A_177 step %scan3A_178 iter_args(%scan3A_182 = %scan3A_174) -> (i32)  : i32 {
              %mul3A_183 = arith.constant 16 : i32
              %mul3A_184 = arith.muli %scan3A_181, %mul3A_183 : i32
              %get3A_185 = arith.index_cast %scan3A_159 : i32 to index
              %get3A_186 = arith.index_cast %sub3A_135 : i32 to index
              %get3A_187 = arith.index_cast %mul3A_184 : i32 to index
              %get3A_188 = tpu.vector_load %arg11[%get3A_185, %get3A_186, %get3A_187] {strides = array<i32>} : memref<25x8x256xf32, #tpu.memory_space<vmem>>, vector<16xf32>,
              %eq3A_189 = arith.cmpf oeq, %get3A_188, %get3A_144 : vector<16xf32>
              %mul3A_190 = arith.constant 256 : i32
              %mul3A_191 = arith.muli %scan3A_159, %mul3A_190 : i32
              %add3A_192 = arith.addi %mul3A_191, %mul3A_184 : i32
              %get3A_193 = arith.index_cast %add3A_192 : i32 to index
              %get3A_194 = tpu.vector_load %arg9[%get3A_193] {strides = array<i32>} : memref<6400xi32, #tpu.memory_space<vmem>>, vector<16xi32>,
              %select_n3A_195 = arith.select %eq3A_189, %add3A_140, %get3A_194 : vector<16xi1>, vector<16xi32>
              %swap3A = arith.index_cast %add3A_192 : i32 to index
              %swap3A_196 = tpu.vector_load %arg9[%swap3A] {strides = array<i32>} : memref<6400xi32, #tpu.memory_space<vmem>>, vector<16xi32>,
              tpu.vector_store %arg9[%swap3A], %select_n3A_195 {strides = array<i32>} : memref<6400xi32, #tpu.memory_space<vmem>>, vector<16xi32>,
              %scan3A_197 = arith.constant 0 : i32
              scf.yield %scan3A_197 : i32
            }
            %scan3A_180 = arith.constant 16 : i32
          } else {
          }
          %eq3A = arith.constant 781 : i32
          %eq3A_169 = arith.cmpi eq, %add3A_163, %eq3A : i32
          %convert_element_type3A_170 = arith.extui %eq3A_169 : i1 to i32
          %cond3A_171 = arith.constant 0 : i32
          %cond3A_172 = arith.cmpi ne, %convert_element_type3A_170, %cond3A_171 : i32
          scf.if %cond3A_172 {
            %scan3A_174 = arith.constant 0 : i32
            %scan3A_175 = arith.constant 0 : i32
            %scan3A_176 = arith.constant 4 : i32
            %scan3A_177 = arith.addi %scan3A_175, %scan3A_176 : i32
            %scan3A_178 = arith.constant 1 : i32
            %scan3A_179 = scf.for %scan3A_181 = %scan3A_175 to %scan3A_177 step %scan3A_178 iter_args(%scan3A_182 = %scan3A_174) -> (i32)  : i32 {
              %mul3A_183 = arith.constant 16 : i32
              %mul3A_184 = arith.muli %scan3A_181, %mul3A_183 : i32
              %get3A_185 = arith.index_cast %sub3A_135 : i32 to index
              %get3A_186 = arith.index_cast %mul3A_184 : i32 to index
              %get3A_187 = tpu.vector_load %arg13[%get3A_185, %get3A_186] {strides = array<i32>} : memref<8x64xf32, #tpu.memory_space<vmem>>, vector<16xf32>,
              %eq3A_188 = arith.cmpf oeq, %get3A_187, %get3A_144 : vector<16xf32>
              %mul3A_189 = arith.constant 256 : i32
              %mul3A_190 = arith.muli %scan3A_159, %mul3A_189 : i32
              %add3A_191 = arith.addi %mul3A_190, %mul3A_184 : i32
              %get3A_192 = arith.index_cast %add3A_191 : i32 to index
              %get3A_193 = tpu.vector_load %arg9[%get3A_192] {strides = array<i32>} : memref<6400xi32, #tpu.memory_space<vmem>>, vector<16xi32>,
              %select_n3A_194 = arith.select %eq3A_188, %add3A_140, %get3A_193 : vector<16xi1>, vector<16xi32>
              %swap3A = arith.index_cast %add3A_191 : i32 to index
              %swap3A_195 = tpu.vector_load %arg9[%swap3A] {strides = array<i32>} : memref<6400xi32, #tpu.memory_space<vmem>>, vector<16xi32>,
              tpu.vector_store %arg9[%swap3A], %select_n3A_194 {strides = array<i32>} : memref<6400xi32, #tpu.memory_space<vmem>>, vector<16xi32>,
              %scan3A_196 = arith.constant 0 : i32
              scf.yield %scan3A_196 : i32
            }
            %scan3A_180 = arith.constant 4 : i32
          } else {
          }
          %scan3A_173 = arith.constant 0 : i32
          scf.yield %scan3A_173 : i32
        }
        %scan3A_158 = arith.constant 25 : i32
      } else {
      }
      %while3A_107 = arith.constant 0 : i32
      scf.yield %while3A_107 : i32
    }
    %scan3A_70 = arith.constant 0 : i32
    %scan3A_71 = arith.constant 0 : i32
    %scan3A_72 = arith.constant 25 : i32
    %scan3A_73 = arith.addi %scan3A_71, %scan3A_72 : i32
    %scan3A_74 = arith.constant 1 : i32
    %scan3A_75 = scf.for %scan3A_84 = %scan3A_71 to %scan3A_73 step %scan3A_74 iter_args(%scan3A_85 = %scan3A_70) -> (i32)  : i32 {
      %mul3A_86 = arith.constant 32 : i32
      %mul3A_87 = arith.muli %scan3A_84, %mul3A_86 : i32
      %add3A_88 = arith.addi %mul3A_87, %add3A : i32
      %lt3A = arith.constant 781 : i32
      %lt3A_89 = arith.cmpi slt, %add3A_88, %lt3A : i32
      %convert_element_type3A_90 = arith.extui %lt3A_89 : i1 to i32
      %cond3A_91 = arith.constant 0 : i32
      %cond3A_92 = arith.cmpi ne, %convert_element_type3A_90, %cond3A_91 : i32
      scf.if %cond3A_92 {
        %mul3A_98 = arith.constant 256 : i32
        %mul3A_99 = arith.muli %scan3A_84, %mul3A_98 : i32
        %mul3A_100 = arith.constant 256 : i32
        %mul3A_101 = arith.muli %add3A_88, %mul3A_100 : i32
        %dma_start3A = tpu.memref_slice %arg9[%mul3A_99] : memref<6400xi32, #tpu.memory_space<vmem>> -> memref<256xi32, #tpu.memory_space<vmem>>
        %dma_start3A_102 = tpu.memref_slice %arg5[%mul3A_101] : memref<200000xi32, #tpu.memory_space<hbm>> -> memref<256xi32, #tpu.memory_space<hbm>>
        %dma_start3A_103 = tpu.memref_slice %arg5[%mul3A_101] : memref<200000xi32, #tpu.memory_space<hbm>> -> memref<256xi32, #tpu.memory_space<hbm>>
        %dma_start3A_104 = tpu.memref_slice %arg9[%mul3A_99] : memref<6400xi32, #tpu.memory_space<vmem>> -> memref<256xi32, #tpu.memory_space<vmem>>
        tpu.enqueue_dma source(%dma_start3A_104 : memref<256xi32, #tpu.memory_space<vmem>>) target(%dma_start3A_103 : memref<256xi32, #tpu.memory_space<hbm>>) target_semaphore(%arg19 : memref<!tpu.dma_semaphore, #tpu.memory_space<semaphore_mem>>)
      } else {
      }
      %eq3A = arith.constant 781 : i32
      %eq3A_93 = arith.cmpi eq, %add3A_88, %eq3A : i32
      %convert_element_type3A_94 = arith.extui %eq3A_93 : i1 to i32
      %cond3A_95 = arith.constant 0 : i32
      %cond3A_96 = arith.cmpi ne, %convert_element_type3A_94, %cond3A_95 : i32
      scf.if %cond3A_96 {
        %mul3A_98 = arith.constant 256 : i32
        %mul3A_99 = arith.muli %scan3A_84, %mul3A_98 : i32
        %dma_start3A = tpu.memref_slice %arg9[%mul3A_99] : memref<6400xi32, #tpu.memory_space<vmem>> -> memref<64xi32, #tpu.memory_space<vmem>>
        %dma_start3A_100 = arith.constant 199936 : i32
        %dma_start3A_101 = tpu.memref_slice %arg5[%dma_start3A_100] : memref<200000xi32, #tpu.memory_space<hbm>> -> memref<64xi32, #tpu.memory_space<hbm>>
        %dma_start3A_102 = arith.constant 199936 : i32
        %dma_start3A_103 = tpu.memref_slice %arg5[%dma_start3A_102] : memref<200000xi32, #tpu.memory_space<hbm>> -> memref<64xi32, #tpu.memory_space<hbm>>
        %dma_start3A_104 = tpu.memref_slice %arg9[%mul3A_99] : memref<6400xi32, #tpu.memory_space<vmem>> -> memref<64xi32, #tpu.memory_space<vmem>>
        tpu.enqueue_dma source(%dma_start3A_104 : memref<64xi32, #tpu.memory_space<vmem>>) target(%dma_start3A_103 : memref<64xi32, #tpu.memory_space<hbm>>) target_semaphore(%arg19 : memref<!tpu.dma_semaphore, #tpu.memory_space<semaphore_mem>>)
      } else {
      }
      %scan3A_97 = arith.constant 0 : i32
      scf.yield %scan3A_97 : i32
    }
    %scan3A_76 = arith.constant 25 : i32
    %scan3A_77 = arith.constant 0 : i32
    %scan3A_78 = arith.constant 0 : i32
    %scan3A_79 = arith.constant 25 : i32
    %scan3A_80 = arith.addi %scan3A_78, %scan3A_79 : i32
    %scan3A_81 = arith.constant 1 : i32
    %scan3A_82 = scf.for %scan3A_84 = %scan3A_78 to %scan3A_80 step %scan3A_81 iter_args(%scan3A_85 = %scan3A_77) -> (i32)  : i32 {
      %mul3A_86 = arith.constant 32 : i32
      %mul3A_87 = arith.muli %scan3A_84, %mul3A_86 : i32
      %add3A_88 = arith.addi %mul3A_87, %add3A : i32
      %lt3A = arith.constant 781 : i32
      %lt3A_89 = arith.cmpi slt, %add3A_88, %lt3A : i32
      %convert_element_type3A_90 = arith.extui %lt3A_89 : i1 to i32
      %cond3A_91 = arith.constant 0 : i32
      %cond3A_92 = arith.cmpi ne, %convert_element_type3A_90, %cond3A_91 : i32
      scf.if %cond3A_92 {
        %mul3A_98 = arith.constant 256 : i32
        %mul3A_99 = arith.muli %scan3A_84, %mul3A_98 : i32
        %mul3A_100 = arith.constant 256 : i32
        %mul3A_101 = arith.muli %add3A_88, %mul3A_100 : i32
        %dma_wait3A = tpu.memref_slice %arg9[%mul3A_99] : memref<6400xi32, #tpu.memory_space<vmem>> -> memref<256xi32, #tpu.memory_space<vmem>>
        %dma_wait3A_102 = tpu.memref_slice %arg5[%mul3A_101] : memref<200000xi32, #tpu.memory_space<hbm>> -> memref<256xi32, #tpu.memory_space<hbm>>
        %dma_wait3A_103 = tpu.memref_slice %arg5[%mul3A_101] : memref<200000xi32, #tpu.memory_space<hbm>> -> memref<256xi32, #tpu.memory_space<hbm>>
        %dma_wait3A_104 = tpu.memref_slice %arg9[%mul3A_99] : memref<6400xi32, #tpu.memory_space<vmem>> -> memref<256xi32, #tpu.memory_space<vmem>>
        tpu.wait_dma2 semaphore(%arg19 : memref<!tpu.dma_semaphore, #tpu.memory_space<semaphore_mem>>) src(%dma_wait3A_104 : memref<256xi32, #tpu.memory_space<vmem>>) dst(%dma_wait3A_103 : memref<256xi32, #tpu.memory_space<hbm>>)
      } else {
      }
      %eq3A = arith.constant 781 : i32
      %eq3A_93 = arith.cmpi eq, %add3A_88, %eq3A : i32
      %convert_element_type3A_94 = arith.extui %eq3A_93 : i1 to i32
      %cond3A_95 = arith.constant 0 : i32
      %cond3A_96 = arith.cmpi ne, %convert_element_type3A_94, %cond3A_95 : i32
      scf.if %cond3A_96 {
        %mul3A_98 = arith.constant 256 : i32
        %mul3A_99 = arith.muli %scan3A_84, %mul3A_98 : i32
        %dma_wait3A = tpu.memref_slice %arg9[%mul3A_99] : memref<6400xi32, #tpu.memory_space<vmem>> -> memref<64xi32, #tpu.memory_space<vmem>>
        %dma_wait3A_100 = arith.constant 199936 : i32
        %dma_wait3A_101 = tpu.memref_slice %arg5[%dma_wait3A_100] : memref<200000xi32, #tpu.memory_space<hbm>> -> memref<64xi32, #tpu.memory_space<hbm>>
        %dma_wait3A_102 = arith.constant 199936 : i32
        %dma_wait3A_103 = tpu.memref_slice %arg5[%dma_wait3A_102] : memref<200000xi32, #tpu.memory_space<hbm>> -> memref<64xi32, #tpu.memory_space<hbm>>
        %dma_wait3A_104 = tpu.memref_slice %arg9[%mul3A_99] : memref<6400xi32, #tpu.memory_space<vmem>> -> memref<64xi32, #tpu.memory_space<vmem>>
        tpu.wait_dma2 semaphore(%arg19 : memref<!tpu.dma_semaphore, #tpu.memory_space<semaphore_mem>>) src(%dma_wait3A_104 : memref<64xi32, #tpu.memory_space<vmem>>) dst(%dma_wait3A_103 : memref<64xi32, #tpu.memory_space<hbm>>)
      } else {
      }
      %scan3A_97 = arith.constant 0 : i32
      scf.yield %scan3A_97 : i32
    }
    %scan3A_83 = arith.constant 25 : i32
    return
  }
}

</mosaic_0001>

<sc_bundles>
// kernel: kernel.4.cloned.1.call-start
scs
__scs_entry_jumppad:
0x0: {  	(pc) =	sbr.rel $0x88, $3  }
0x1: {  	(tag) =	ssettag $0x0;
	lr =	simm.s32 $0x1  }
0x2: {  	[smem:$0x3FA0] =	sst lr;
	_ =	strace $0xD0000000  }
0x3: {  	_ = 	snop  }
0x4: {  	_ = 	snop  }
0x5: {  	_ = 	snop  }
0x6: {  	_ = 	snop  }
0x7: {  	_ = 	snop  }
__scs_overlays_trampoline_lowered:
0x8: {  	[smem:$0x3FAF] =	sst s0  }
0x9: {  	[smem:$0x3FB0] =	sst s1  }
0xa: {  	[smem:$0x3FB1] =	sst s2  }
0xb: {  	[smem:$0x3FB2] =	sst s3  }
0xc: {  	[smem:$0x3FB3] =	sst s4  }
0xd: {  	[smem:$0x3FB4] =	sst s5  }
0xe: {  	[smem:$0x3FB5] =	sst s6  }
0xf: {  	[smem:$0x3FB6] =	sst s7  }
0x10: {  	[smem:$0x3FB7] =	sst s8  }
0x11: {  	[smem:$0x3FB8] =	sst s9;
	s0 =	simm.s32 @!p0 $0x0  }
0x12: {  	s1 =	sld [smem:$0x3F9E];
	s0 =	simm.s32 @p0 $0x1  }
0x13: {  	[smem:$0x3FB9] =	sst s0;
	s0 =	simm.s32 @!p1 $0x0  }
0x14: {  	s2 =	sld [smem:$0x3F9D];
	s0 =	simm.s32 @p1 $0x1  }
0x15: {  	[smem:$0x3FBA] =	sst s0;
	s0 =	simm.s32 @!p2 $0x0  }
0x16: {  	s3 =	sld [smem:$0x3FDB];
	s0 =	simm.s32 @p2 $0x1  }
0x17: {  	s4 =	simm.s32 $0x1BF5;
	[smem:$0x3FBC] =	sst s0  }
0x18: {  	s0 =	sld [smem:$0x3F9F];
	_ =	swait.ge [sflag:s4], $0x0  }
0x19: {  	s7 =	sld [smem:$0x3FA0]  }
0x1a: {  	s8 =	sadd.s32 $0xFFFFE003, lr  }
0x1b: {  	s9 =	sadd.s32 $0xFFFFFEF7, lr;
	s5 =	simm.s32 $0xFFFFFFFF;
	p2 =	slt.u32 s8, $0xFFFFF086  }
0x1c: {  	p1 =	slt.u32 s9, $0xF7A;
	s5 =	simm.s32 @!p2 $0x0  }
0x1d: {  	s5 =	simm.s32 @p1 $0x1;
	p0 =	seq.s32 s7, s2  }
0x1e: {  	s7 =	smul.u32 @!p0 $0xF7A, s2;
	p2 =	seq.s32 @!p0 s5, $0x0  }
0x1f: {  	s9 =	smul.u32 $0xF7A, s1;
	s8 =	simm.s32 @!p0 $0x1BF5;
	p2 =	por !p2, p0  }
0x20: {  	[sflag:s8] =	ssyncset.s32 @!p0 $0xFFFFF086;
	s6 =	sadd.s32 @!p0 s3, s7;
	s7 =	simm.s32 @!p0 $0x108  }
0x21: {  	s3 =	sadd.s32 s3, s9;
	s6 =	sadd.s32 @!p0 $0x88, s6;
	s7 =	simm.s32 @p2 $0x1082  }
0x22: {  	[simem:s7], [sflag:s8] =	dma.local @!p0 [hbm:s6], $0xF7A  }
0x23: {  	s9 =	sor.u32 $0xD0000000, s2;
	s6 =	simm.s32 $0x108;
	_ =	swait.ge @!p0 [sflag:s8], $0x0  }
0x24: {  	s3 =	sadd.s32 $0x88, s3;
	s6 =	simm.s32 @!p1 $0x1082;
	[sflag:s4] =	ssyncset.s32 $0xFFFFF086  }
0x25: {  	[simem:s6], [sflag:s4] =	dma.local [hbm:s3], $0xF7A  }
0x26: {  	[smem:$0x3FA0] =	sst s1;
	(tag) =	ssettag s2;
	_ =	strace s9  }
0x27: {  	s1 =	sld [smem:$0x3FB0]  }
0x28: {  	s2 =	sld [smem:$0x3FB1]  }
0x29: {  	s4 =	sld [smem:$0x3FB3]  }
0x2a: {  	p0 =	seq.s32 s5, $0x0;
	s5 =	sld [smem:$0x3FB4]  }
0x2b: {  	s6 =	sld [smem:$0x3FB5]  }
0x2c: {  	s7 =	sld [smem:$0x3FB6]  }
0x2d: {  	s3 =	simm.s32 $0x108;
	s8 =	sld [smem:$0x3FB7]  }
0x2e: {  	s3 =	simm.s32 @!p0 $0x1082;
	s9 =	sld [smem:$0x3FB8]  }
0x2f: {  	lr =	sadd.s32 s0, s3;
	s0 =	sld [smem:$0x3FAF]  }
0x30: {  	s3 =	sld [smem:$0x3FB2]  }
0x31: {  	[smem:$0x3FBB] =	sst s10  }
0x32: {  	s10 =	sld [smem:$0x3FB9];
	_ =	sdelay $0x3  }
0x33: {  	p0 =	seq.s32 s10, $0x1;
	s10 =	sld [smem:$0x3FBB];
	_ =	sdelay $0x3  }
0x34: {  	[smem:$0x3FBB] =	sst s10  }
0x35: {  	s10 =	sld [smem:$0x3FBA];
	_ =	sdelay $0x3  }
0x36: {  	p1 =	seq.s32 s10, $0x1;
	s10 =	sld [smem:$0x3FBB];
	_ =	sdelay $0x3  }
0x37: {  	[smem:$0x3FBB] =	sst s10  }
0x38: {  	s10 =	sld [smem:$0x3FBC]  }
0x39: {  	_ = 	snop;
	(pc) =	sbr.ind lr, $3  }
0x3a: {  	_ = 	snop  }
0x3b: {  	_ = 	snop  }
0x3c: {  	p2 =	seq.s32 s10, $0x1;
	s10 =	sld [smem:$0x3FBB]  }
0x3d: {  	_ =	shalt  }
0x3e: {  	_ =	shalt  }
0x3f: {  	_ =	shalt  }
0x40: {  	_ =	shalt  }
0x41: {  	_ =	shalt  }
0x42: {  	_ =	shalt  }
0x43: {  	_ =	shalt  }
0x44: {  	_ =	shalt  }
0x45: {  	_ =	shalt  }
0x46: {  	_ =	shalt  }
0x47: {  	_ =	shalt  }
0x48: {  	_ =	shalt  }
0x49: {  	_ =	shalt  }
0x4a: {  	_ =	shalt  }
0x4b: {  	_ =	shalt  }
0x4c: {  	_ =	shalt  }
0x4d: {  	_ =	shalt  }
0x4e: {  	_ =	shalt  }
0x4f: {  	_ =	shalt  }
0x50: {  	_ =	shalt  }
0x51: {  	_ =	shalt  }
0x52: {  	_ =	shalt  }
0x53: {  	_ =	shalt  }
0x54: {  	_ =	shalt  }
0x55: {  	_ =	shalt  }
0x56: {  	_ =	shalt  }
0x57: {  	_ =	shalt  }
0x58: {  	_ =	shalt  }
0x59: {  	_ =	shalt  }
0x5a: {  	_ =	shalt  }
0x5b: {  	_ =	shalt  }
0x5c: {  	_ =	shalt  }
0x5d: {  	_ =	shalt  }
0x5e: {  	_ =	shalt  }
0x5f: {  	_ =	shalt  }
0x60: {  	_ =	shalt  }
0x61: {  	_ =	shalt  }
0x62: {  	_ =	shalt  }
0x63: {  	_ =	shalt  }
0x64: {  	_ =	shalt  }
0x65: {  	_ =	shalt  }
0x66: {  	_ =	shalt  }
0x67: {  	_ =	shalt  }
0x68: {  	_ =	shalt  }
0x69: {  	_ =	shalt  }
0x6a: {  	_ =	shalt  }
0x6b: {  	_ =	shalt  }
0x6c: {  	_ =	shalt  }
0x6d: {  	_ =	shalt  }
0x6e: {  	_ =	shalt  }
0x6f: {  	_ =	shalt  }
0x70: {  	_ =	shalt  }
0x71: {  	_ =	shalt  }
0x72: {  	_ =	shalt  }
0x73: {  	_ =	shalt  }
0x74: {  	_ =	shalt  }
0x75: {  	_ =	shalt  }
0x76: {  	_ =	shalt  }
0x77: {  	_ =	shalt  }
0x78: {  	_ =	shalt  }
0x79: {  	_ =	shalt  }
0x7a: {  	_ =	shalt  }
0x7b: {  	_ =	shalt  }
0x7c: {  	_ =	shalt  }
0x7d: {  	_ =	shalt  }
0x7e: {  	_ =	shalt  }
0x7f: {  	_ =	shalt  }
0x80: {  	_ =	shalt  }
0x81: {  	_ =	shalt  }
0x82: {  	_ =	shalt  }
0x83: {  	_ =	shalt  }
0x84: {  	_ =	shalt  }
0x85: {  	_ =	shalt  }
0x86: {  	_ =	shalt  }
0x87: {  	_ =	shalt  }
.Lfunc_end0:
.L_simem_size_0:
called_computation_lowered:
.L_overlay_start_0:
0x88: {  	s2 =	sld [smem:$0x3FD9]  }
0x89: {  	s3 =	sld [smem:$0x3FFE];
	_ =	sdelay $0x1  }
0x8a: {  	s1 =	srdreg.scid  }
0x8b: {  	s0 =	sand.u32 $0x1, s1  }
0x8c: {  	s14 =	sshll.u32 s0, $0xA;
	s2 =	sadd.s32 s3, s2  }
0x8d: {  	s2 =	sadd.s32 s2, s14  }
0x8e: {  	[smem:$0x3FC7] =	sst s2  }
0x8f: {  	_ = 	snop  }
0x90: {  	s2 =	sld [smem:$0x3FD0];
	_ =	sdelay $0x2  }
0x91: {  	s15 =	simm.s32 $0xA;
	s4 =	simm.s32 $0x10  }
0x92: {  	[smem:s4], [sflag:s15] =	dma.local [hbm:s2], $0x1  }
0x93: {  	_ =	swait.eq [sflag:s15], $0x1  }
0x94: {  	[sflag:s15] =	ssyncset.done $0x0  }
0x95: {  	[sflag:s15] =	ssyncadd.s32 $0xFFFFFFFF  }
0x96: {  	s16 =	sld [smem:$0x11];
	(tm) =	ssettm $0x1  }
0x97: {  	s17 =	sld [smem:$0x3FFB];
	_ =	sdelay $0x3  }
0x98: {  	_ =	strace s17  }
0x99: {  	s3 =	sld [smem:$0x3FFC];
	_ =	sdelay $0x3  }
0x9a: {  	_ =	strace s3  }
0x9b: {  	s3 =	sld [smem:$0x3FFD];
	_ =	sdelay $0x3  }
0x9c: {  	_ =	strace s3  }
0x9d: {  	_ =	strace $0x8FFFFFFF  }
0x9e: {  	s18 =	sld [smem:$0x3FDB];
	_ =	sdelay $0x1  }
0x9f: {  	s19 =	simm.s32 $_scs_section_size  }
0xa0: {  	s5 =	simm.s32 $_size__tile_overlayer_lowered;
	s6 =	simm.s32 $_tile_overlayer_lowered  }
0xa1: {  	s22 =	simm.s32 $0x1BFF;
	s21 =	sshll.u32 s6, $0x1;
	s3 =	sadd.s32 s19, s18  }
0xa2: {  	s7 =	simm.s32 $0x0;
	s20 =	sshll.u32 s5, $0x1;
	s5 =	sadd.s32 s21, s3  }
0xa3: {  	[timem:s7], [sflag:s22] =	dma.local [hbm:s5], s20  }
0xa4: {  	_ =	swait.ge [sflag:s22], s20  }
0xa5: {  	s4 =	ssub.s32 $0x0, s20;
	[sflag:s22] =	ssyncset.done $0x0  }
0xa6: {  	[sflag:s22] =	ssyncadd.s32 s4;
	_ =	sdelay $0x1  }
0xa7: {  	s23 =	simm.s32 $0x1B8B  }
0xa8: {  	_ =	swait.ge [sflag:s23], $0x1  }
0xa9: {  	[sflag:s23] =	ssyncset.done $0x0  }
0xaa: {  	s25 =	simm.s32 $0x1B8E;
	s24 =	sld [smem:$0x3FFE];
	[sflag:s23] =	ssyncadd.s32 $0xFFFFFFFF  }
0xab: {  	s26 =	simm.s32 $execute0_lowered;
	[smem:$0x3FD2] =	sst s25  }
0xac: {  	s5 =	sshll.u32 s26, $0x1;
	_ =	strace $0x80000046;
	[dreg:$0x1] =	wrdreg $0xFFFFFFFF  }
0xad: {  	s28 =	simm.s32 $_size_execute0_lowered;
	s3 =	sadd.s32 s3, s5;
	[dreg:$0x0] =	wrdreg $0x0  }
0xae: {  	s5 =	sshll.u32 s28, $0x1;
	[dreg:$0x2] =	wrdreg s3  }
0xaf: {  	[dreg:$0x3] =	wrdreg s5  }
0xb0: {  	[dreg:$0x4] =	wrdreg $0xC0  }
0xb1: {  	_ =	task [dreg:s7], $0x5FFFF  }
0xb2: {  	[dreg:$0x1] =	wrdreg $0xFFFFFFFF  }
0xb3: {  	[dreg:$0x0] =	wrdreg $0x60  }
0xb4: {  	[dreg:$0x2] =	wrdreg s24  }
0xb5: {  	[dreg:$0x3] =	wrdreg s16  }
0xb6: {  	[dreg:$0x4] =	wrdreg $0x9  }
0xb7: {  	_ =	task.clear_ibuf [dreg:s7], $0x5FFFF;
	_ =	strace $0x90000046  }
0xb8: {  	s29 =	simm.s32 $0x9;
	_ =	strace $0x80000048  }
0xb9: {  	_ =	swait.ge [sflag:s29], $0x1  }
0xba: {  	[sflag:s29] =	ssyncadd.s32 $0xFFFFFFFF  }
0xbb: {  	_ =	strace $0x90000048  }
0xbc: {  	_ =	sfence  }
0xbd: {  	s30 =	sld [smem:$0x0];
	_ =	sdelay $0x2  }
0xbe: {  	s31 =	sshll.u32 s1, $0xD;
	s1 =	sshrl.u32 s1, $0x2  }
0xbf: {  	s3 =	sand.u32 $0x4000, s31;
	s1 =	sadd.s32 s1, s30  }
0xc0: {  	s0 =	sor.u32 s3, s0;
	s1 =	sshll.u32 s1, $0x11  }
0xc1: {  	s0 =	sor.u32 s1, s0  }
0xc2: {  	s0 =	sadd.s32 $0x8F2B, s0  }
0xc3: {  	[sflag:s0] =	ssyncadd.remote.s32 $0x1  }
0xc4: {  	_ =	sfence.sel $0xFFFF  }
0xc5: {  	[dreg:$0x0] =	wrdreg $0xFFFFFFFF;
	(pc) =	sbr.abs _section_cstart, $3  }
0xc6: {  	[dreg:$0x1] =	wrdreg $0xFFFFFFFF  }
0xc7: {  	_ =	task.clear_ibuf [dreg:s7], $0x2FFFF;
	_ =	strace $0x9FFFFFFF  }
0xc8: {  	(tm) =	ssettm $0x7FFFFFFF  }
0xc9: {  	_ =	shalt  }
tec
execute0_lowered:
.L_overlay_start_1:
0x0: {  	(tag) =	ssettag $0x1  }
0x1: {  	s0 =	rddreg [dreg:$0x0]  }
0x2: {  	s1 =	rddreg [dreg:$0x1];
	s2 =	simm.s32 $0x0  }
0x3: {  	s5 =	stileid.u32;
	s23 =	srdreg.scid;
	s19 =	simm.s32 $0x1  }
0x4: {  	s20 =	simm.s32 $0x2;
	[smem:$0x7FF] =	sst s2;
	s2 =	sand.u32 $0x1, s23  }
0x5: {  	s4 =	sshll.u32 s5, $0x1;
	s3 =	sadd.s32 $0xC00, s0;
	s11 =	sshll.u32 s5, $0x6  }
0x6: {  	s8 =	sadd.s32 $0x31900, s0;
	s9 =	sadd.s32 $0x61A0, s1;
	s10 =	sadd.s32 $0x3145A0, s0  }
0x7: {  	_ =	strace $0x80000047;
	s4 =	sor.u32 s2, s4;
	s6 =	ssub.s32 $0x2, s2  }
0x8: {  	s12 =	sadd.s32 s11, s0;
	s26 =	sshll.u32 s2, $0x5;
	s1 =	sadd.s32 s11, s1  }
0x9: {  	s2 =	simm.s32 $0x0;
	s24 =	sshll.u32 s4, $0x8;
	s7 =	sshrl.u32 s6, $0x1  }
0xa: {  	s25 =	sor.u32 $0x40, s4;
	s30 =	sor.u32 s11, s26;
	s31 =	sadd.s32 s26, s12  }
0xb: {  	s15 =	sadd.s32 s26, s1;
	p0 =	sgt.u32 s4, $0xC;
	p1 =	sne.s32 s4, $0xD  }
0xc: {  	s13 =	sadd.s32 s24, s0;
	s5 =	sadd.s32 s3, s24;
	[dreg:$0x4] =	wrdreg s25  }
0xd: {  	s6 =	ssub.s32 s6, s7;
	[dreg:$0x3] =	wrdreg s5;
	s28 =	sadd.s32 $0x314600, s13  }
0xe: {  	s7 =	smov.u32 s24;
	s29 =	smax.u32 s6, $0x1;
	[dreg:$0x5] =	wrdreg s28  }
0xf: {  	v0 =	vimm.f32 $-1.000000000e+00;
	v1 =	vimm.s32 $0x0;
	v2 =	vimm.s32 $0x2;
	s14 =	sadd.s32 $0x30E400, s31;
	s13 =	sadd.s32 $0xFFFF9E60, s30;
	[dreg:$0x6] =	wrdreg s29  }
.LBB2_1:
0x10: {  	[dreg:$0x7] =	wrdreg s2;
	s0 =	simm.s32 $0x40;
	s1 =	simm.s32 $0x0  }
.LBB2_2:
0x11: {  	p2 =	sne.s32 s0, $0x1FC0;
	[tilespmem:s1+$0x14000] =	vst v0;
	s1 =	smov.u32 s0;
	s0 =	sadd.s32 $0x40, s0  }
.Ltmp0:
0x12: {  	(pc) =	sbr.rel @p2 .LBB2_2-.Ltmp0, $2  }
0x13: {  	_ =	sdelay $0x2  }
0x14: {  	s1 =	sshra.s32 s1, $0x2  }
0x15: {  	s24 =	simm.s32 $0x0;
	s0 =	rddreg [dreg:$0x3]  }
0x16: {  	s31 =	simm.s32 $0x800;
	s2 =	simm.s32 $0x186C00;
	s25 =	simm.s32 $0x14800  }
0x17: {  	[tilespmem:s1+$0x14000] =	vst v0;
	s26 =	simm.s32 $0x16100;
	s28 =	simm.s32 $0x14900;
	s29 =	simm.s32 $0x16200  }
0x18: {  	[tilespmem:s24], [sflag:$0x1] =	stream.strided.gather [hbm4b:s0+s31], $0x8000, s2, s31, $0x38;
	[tilespmem:$0x17B00] =	vst v63  }
.LBB2_4:
0x19: {  	s30 =	sshllo.u32 s24, $0x1  }
0x1a: {  	s0 =	sshll.u32 s30, $0xD  }
0x1b: {  	s1 =	simm.s32 $0x800;
	s0 =	sor.u32 s7, s0  }
0x1c: {  	s2 =	simm.s32 $0x186C00;
	s5 =	simm.s32 $0x8000;
	s0 =	sadd.s32 s3, s0  }
0x1d: {  	[tilespmem:s5], [sflag:$0x2] =	stream.strided.gather [hbm4b:s0+s1], $0x8000, s2, s1, $0x38;
	[tilespmem:$0x17B00] =	vst v63  }
0x1e: {  	_ =	swait.ge [sflag:s19], $0x8000  }
0x1f: {  	s23 =	sshll.u32 s24, $0x9;
	[sflag:s19] =	ssyncset.done $0x0  }
0x20: {  	s0 =	sand.u32 $0x3FFFFE00, s23;
	[sflag:s19] =	ssyncadd.s32 $0xFFFF8000  }
0x21: {  	[tilespmem:s0+$0x14800] =	vst v0  }
0x22: {  	[tilespmem:$0x17A00] =	vst v1  }
0x23: {  	[tilespmem:s0+$0x14810] =	vst v0  }
0x24: {  	[tilespmem:$0x17A10] =	vst v1  }
0x25: {  	[tilespmem:s0+$0x14820] =	vst v0  }
0x26: {  	[tilespmem:$0x17A20] =	vst v1  }
0x27: {  	[tilespmem:s0+$0x14830] =	vst v0  }
0x28: {  	[tilespmem:$0x17A30] =	vst v1  }
0x29: {  	[tilespmem:s0+$0x14840] =	vst v0  }
0x2a: {  	[tilespmem:$0x17A40] =	vst v1  }
0x2b: {  	[tilespmem:s0+$0x14850] =	vst v0  }
0x2c: {  	[tilespmem:$0x17A50] =	vst v1  }
0x2d: {  	[tilespmem:s0+$0x14860] =	vst v0  }
0x2e: {  	[tilespmem:$0x17A60] =	vst v1  }
0x2f: {  	[tilespmem:s0+$0x14870] =	vst v0  }
0x30: {  	[tilespmem:$0x17A70] =	vst v1  }
0x31: {  	[tilespmem:s0+$0x14880] =	vst v0  }
0x32: {  	[tilespmem:$0x17A80] =	vst v1  }
0x33: {  	[tilespmem:s0+$0x14890] =	vst v0  }
0x34: {  	[tilespmem:$0x17A90] =	vst v1  }
0x35: {  	[tilespmem:s0+$0x148A0] =	vst v0  }
0x36: {  	[tilespmem:$0x17AA0] =	vst v1  }
0x37: {  	[tilespmem:s0+$0x148B0] =	vst v0  }
0x38: {  	[tilespmem:$0x17AB0] =	vst v1  }
0x39: {  	[tilespmem:s0+$0x148C0] =	vst v0  }
0x3a: {  	[tilespmem:$0x17AC0] =	vst v1  }
0x3b: {  	[tilespmem:s0+$0x148D0] =	vst v0  }
0x3c: {  	[tilespmem:$0x17AD0] =	vst v1  }
0x3d: {  	[tilespmem:s0+$0x148E0] =	vst v0  }
0x3e: {  	[tilespmem:$0x17AE0] =	vst v1  }
0x3f: {  	[tilespmem:s0+$0x148F0] =	vst v0  }
0x40: {  	s31 =	sshll.u32 s24, $0x6;
	s1 =	simm.s32 $0x0;
	s0 =	sadd.s32 $0x14800, s0;
	[tilespmem:$0x17AF0] =	vst v1  }
.LBB2_5:
0x41: {  	s6 =	sshll.u32 s1, $0xB;
	s2 =	simm.s32 $0x0  }
0x42: {  	s6 =	sand.u32 $0x3FFFF800, s6;
	s11 =	sand.u32 $0x400, s2  }
0x43: {  	s12 =	sand.u32 $0x60, s2;
	s16 =	sadd.s32 s11, s6  }
0x44: {  	s11 =	sadd.s32 s12, s16  }
0x45: {  	v8 =	vld [tilespmem:s11+$0x180]  }
0x46: {  	v16 =	vld [tilespmem:s11+$0x80]  }
0x47: {  	v14 =	vld [tilespmem:s11+$0x100]  }
0x48: {  	v11 =	vld [tilespmem:s11+$0x200]  }
0x49: {  	v20 =	vld [tilespmem:s11+$0x0]  }
0x4a: {  	v13 =	vld [tilespmem:s11+$0x380]  }
0x4b: {  	v10 =	vld [tilespmem:s11+$0x300]  }
0x4c: {  	v15 =	vld [tilespmem:s11+$0x280]  }
0x4d: {  	s17 =	sshll.u32 s1, $0x7  }
0x4e: {  	s21 =	sand.u32 $0x3FFFFF80, s17  }
0x4f: {  	s17 =	sand.u32 $0x80, s2;
	v22 =	vld [tilespmem:s21+$0x14000];
	vm0 =	vgt.f32 v8, v14;
	v5 =	vmax.f32 v14, v8  }
0x50: {  	v12 =	vld [tilespmem:s21+$0x14010];
	s23 =	sadd.s32 s17, s0;
	vm1 =	vgt.f32 v16, v20;
	v6 =	vmax.f32 v20, v16;
	vm10 =	vgt.f32 v13, v10  }
0x51: {  	v4 =	vld [tilespmem:s21+$0x14020];
	s12 =	sadd.s32 s12, s23;
	v18 =	vmax.f32 v10, v13;
	vm11 =	vgt.f32 v15, v11;
	v21 =	vmax.f32 v11, v15  }
0x52: {  	s11 =	simm.s32 $0x17A10;
	v19 =	vld [tilespmem:s12+$0x0];
	v9 =	vsel vm0, $0x3, v2;
	v17 =	vsel vm1, $0x1, v1;
	v23 =	vsel vm10, $0x3, v2  }
0x53: {  	v24 =	vld [tilespmem:s11+$0xFFFFFFF0];
	vm12 =	vgt.f32 v5, v6;
	v25 =	vsel vm11, $0x1, v1;
	vm13 =	vgt.f32 v18, v21  }
0x54: {  	v3 =	vld [tilespmem:s21+$0x14030];
	v26 =	vmax.f32 v6, v5;
	v18 =	vmax.f32 v21, v18;
	v6 =	vsel vm13, v23, v25  }
0x55: {  	s18 =	sshll.u32 s1, $0x3;
	v7 =	vld [tilespmem:s21+$0x14040];
	v17 =	vsel vm12, v9, v17;
	vm14 =	vgt.f32 v18, v26;
	v21 =	vor.u32 $0x4, v6  }
0x56: {  	v5 =	vld [tilespmem:s21+$0x14050];
	v9 =	vmov s18;
	v18 =	vmax.f32 v26, v18;
	v21 =	vsel vm14, v21, v17  }
0x57: {  	s22 =	simm.s32 $0x10;
	v6 =	vld [tilespmem:s21+$0x14060];
	v23 =	vmax.f32 v19, v18;
	vm15 =	vgt.f32 v18, v19;
	v18 =	vor.u32 v9, v21  }
0x58: {  	s17 =	sand.u32 $0x70, s22;
	v17 =	vld [tilespmem:s21+$0x14070];
	[tilespmem:s12+$0x0] =	vst v23;
	v18 =	vsel vm15, v18, v24  }
0x59: {  	s16 =	sadd.s32 s17, s16;
	[tilespmem:s11+$0xFFFFFFF0] =	vst v18  }
0x5a: {  	v19 =	vld [tilespmem:s16+$0x180]  }
0x5b: {  	v21 =	vld [tilespmem:s16+$0x0]  }
0x5c: {  	v23 =	vld [tilespmem:s16+$0x100]  }
0x5d: {  	v18 =	vld [tilespmem:s16+$0x280]  }
0x5e: {  	s22 =	simm.s32 $0x20;
	v22 =	vmax.f32 v22, v20;
	s12 =	simm.s32 $0x17A10;
	v20 =	vld [tilespmem:s16+$0x200]  }
.LBB2_6:
0x5f: {  	p2 =	sne.s32 s22, $0xE0;
	v12 =	vmax.f32 v12, v16;
	v13 =	vmax.f32 v17, v13;
	v16 =	vld [tilespmem:s16+$0x300];
	s2 =	sadd.s32 $0x100, s2;
	s11 =	sadd.s32 $0x20, s11  }
0x60: {  	v4 =	vmax.f32 v4, v14;
	v7 =	vmax.f32 v7, v11;
	s18 =	smov.u32 s22;
	s22 =	sadd.s32 $0x20, s22;
	v11 =	vld [tilespmem:s16+$0x80];
	v22 =	vmax.f32 v22, v21  }
0x61: {  	v5 =	vmax.f32 v5, v15;
	v14 =	vld [tilespmem:s16+$0x380];
	vm0 =	vgt.f32 v19, v23;
	v4 =	vmax.f32 v4, v23  }
0x62: {  	v15 =	vmax.f32 v23, v19;
	v17 =	vsel vm0, $0x3, v2;
	v5 =	vmax.f32 v5, v18  }
0x63: {  	v3 =	vmax.f32 v3, v8;
	v6 =	vmax.f32 v6, v10;
	v7 =	vmax.f32 v7, v20  }
0x64: {  	v3 =	vmax.f32 v3, v19;
	s16 =	sadd.s32 s17, s23;
	v8 =	vmax.f32 v20, v18;
	v6 =	vmax.f32 v6, v16  }
0x65: {  	vm1 =	vgt.f32 v18, v20;
	v10 =	vld [tilespmem:s16+$0x0];
	vm0 =	vgt.f32 v11, v21;
	v19 =	vmax.f32 v21, v11  }
0x66: {  	v18 =	vsel vm0, $0x1, v1;
	vm0 =	vgt.f32 v14, v16;
	v16 =	vmax.f32 v16, v14  }
0x67: {  	v20 =	vsel vm1, $0x1, v1;
	v21 =	vmax.f32 v19, v15;
	vm1 =	vgt.f32 v16, v8  }
0x68: {  	vm2 =	vgt.f32 v15, v19;
	v8 =	vmax.f32 v8, v16;
	v15 =	vsel vm0, $0x3, v2;
	v23 =	vld [tilespmem:s12+$0x0]  }
0x69: {  	v16 =	vsel vm2, v17, v18;
	v15 =	vsel vm1, v15, v20;
	v18 =	vmax.f32 v21, v8  }
0x6a: {  	vm0 =	vgt.f32 v8, v21;
	v8 =	vor.u32 $0x4, v15;
	v15 =	vmax.f32 v10, v18  }
0x6b: {  	v12 =	vmax.f32 v12, v11;
	v17 =	vmax.f32 v13, v14;
	v8 =	vsel vm0, v8, v16;
	[tilespmem:s16+$0x0] =	vst v15  }
0x6c: {  	vm0 =	vgt.f32 v18, v10;
	s16 =	sand.u32 $0x400, s2;
	v8 =	vor.u32 v9, v8  }
0x6d: {  	s17 =	sand.u32 $0x60, s18;
	s16 =	sadd.s32 s16, s6;
	v8 =	vsel vm0, v8, v23  }
0x6e: {  	s23 =	sadd.s32 s17, s16;
	[tilespmem:s12+$0x0] =	vst v8;
	s12 =	smov.u32 s11  }
0x6f: {  	v8 =	vld [tilespmem:s23+$0x180]  }
0x70: {  	v16 =	vld [tilespmem:s23+$0x80]  }
0x71: {  	v14 =	vld [tilespmem:s23+$0x100]  }
0x72: {  	v11 =	vld [tilespmem:s23+$0x200]  }
0x73: {  	v18 =	vld [tilespmem:s23+$0x0]  }
0x74: {  	v13 =	vld [tilespmem:s23+$0x380]  }
0x75: {  	v10 =	vld [tilespmem:s23+$0x300]  }
0x76: {  	s5 =	sand.u32 $0x80, s18;
	v15 =	vld [tilespmem:s23+$0x280];
	vm0 =	vgt.f32 v8, v14;
	v19 =	vmax.f32 v14, v8  }
0x77: {  	s23 =	sadd.s32 s5, s0  }
0x78: {  	s5 =	sadd.s32 s17, s23;
	v21 =	vsel vm0, $0x3, v2;
	vm1 =	vgt.f32 v16, v18;
	v20 =	vmax.f32 v18, v16  }
0x79: {  	v23 =	vld [tilespmem:s5+$0x0];
	v24 =	vsel vm1, $0x1, v1;
	vm0 =	vgt.f32 v19, v20;
	v19 =	vmax.f32 v20, v19  }
0x7a: {  	vm1 =	vgt.f32 v13, v10;
	v20 =	vmax.f32 v10, v13;
	v21 =	vsel vm0, v21, v24  }
0x7b: {  	vm0 =	vgt.f32 v15, v11;
	v24 =	vmax.f32 v11, v15;
	v25 =	vsel vm1, $0x3, v2  }
0x7c: {  	v26 =	vld [tilespmem:s11+$0xFFFFFFF0];
	v27 =	vsel vm0, $0x1, v1;
	vm0 =	vgt.f32 v20, v24;
	v20 =	vmax.f32 v24, v20  }
0x7d: {  	v24 =	vsel vm0, v25, v27;
	vm0 =	vgt.f32 v20, v19;
	v19 =	vmax.f32 v19, v20  }
0x7e: {  	v22 =	vmax.f32 v22, v18;
	v20 =	vor.u32 $0x4, v24;
	v24 =	vmax.f32 v23, v19  }
0x7f: {  	v18 =	vsel vm0, v20, v21;
	[tilespmem:s5+$0x0] =	vst v24  }
0x80: {  	vm0 =	vgt.f32 v19, v23;
	s5 =	sadd.s32 $0x10, s18;
	v18 =	vor.u32 v9, v18  }
0x81: {  	s17 =	sand.u32 $0x70, s5;
	v18 =	vsel vm0, v18, v26  }
0x82: {  	s16 =	sadd.s32 s17, s16;
	[tilespmem:s11+$0xFFFFFFF0] =	vst v18  }
.Ltmp1:
0x83: {  	v19 =	vld [tilespmem:s16+$0x180];
	(pc) =	sbr.rel @p2 .LBB2_6-.Ltmp1, $4  }
0x84: {  	v21 =	vld [tilespmem:s16+$0x0]  }
0x85: {  	v23 =	vld [tilespmem:s16+$0x100]  }
0x86: {  	v18 =	vld [tilespmem:s16+$0x280]  }
0x87: {  	v20 =	vld [tilespmem:s16+$0x200]  }
0x88: {  	v24 =	vld [tilespmem:s16+$0x300]  }
0x89: {  	v25 =	vld [tilespmem:s16+$0x380]  }
0x8a: {  	v26 =	vld [tilespmem:s16+$0x80];
	_ =	sdelay $0x1  }
0x8b: {  	vm0 =	vgt.f32 v19, v23;
	v31 =	vmax.f32 v23, v19  }
0x8c: {  	v56 =	vsel vm0, $0x3, v2;
	v27 =	vmax.f32 v20, v18;
	vm1 =	vgt.f32 v18, v20  }
0x8d: {  	s2 =	sadd.s32 s17, s23;
	vm2 =	vgt.f32 v25, v24;
	v28 =	vmax.f32 v24, v25;
	v29 =	vsel vm1, $0x1, v1  }
0x8e: {  	v32 =	vld [tilespmem:s2+$0x0];
	v33 =	vmax.f32 v21, v26;
	vm12 =	vgt.f32 v26, v21;
	vm11 =	vgt.f32 v28, v27  }
0x8f: {  	v55 =	vld [tilespmem:s12+$0x0];
	v30 =	vsel vm2, $0x3, v2;
	v54 =	vmax.f32 v33, v31;
	vm13 =	vgt.f32 v31, v33  }
0x90: {  	v27 =	vmax.f32 v27, v28;
	v57 =	vsel vm12, $0x1, v1;
	v29 =	vsel vm11, v30, v29  }
0x91: {  	v28 =	vsel vm13, v56, v57;
	vm14 =	vgt.f32 v27, v54;
	v29 =	vor.u32 $0x4, v29  }
0x92: {  	v27 =	vmax.f32 v54, v27;
	v28 =	vsel vm14, v29, v28  }
0x93: {  	vm15 =	vgt.f32 v27, v32;
	v27 =	vmax.f32 v32, v27;
	v9 =	vor.u32 v9, v28  }
0x94: {  	[tilespmem:s2+$0x0] =	vst v27;
	v9 =	vsel vm15, v9, v55  }
0x95: {  	v12 =	vmax.f32 v12, v16;
	v58 =	vmax.f32 v22, v21;
	[tilespmem:s12+$0x0] =	vst v9  }
0x96: {  	v4 =	vmax.f32 v4, v14;
	v59 =	vmax.f32 v12, v26;
	[tilespmem:s21+$0x14000] =	vst v58  }
0x97: {  	v3 =	vmax.f32 v3, v8;
	s1 =	sadd.s32 $0x1, s1;
	v4 =	vmax.f32 v4, v23;
	[tilespmem:s21+$0x14010] =	vst v59  }
0x98: {  	v7 =	vmax.f32 v7, v11;
	v3 =	vmax.f32 v3, v19;
	p2 =	sne.s32 s1, $0x10;
	[tilespmem:s21+$0x14020] =	vst v4  }
.Ltmp2:
0x99: {  	v60 =	vmax.f32 v5, v15;
	v61 =	vmax.f32 v7, v20;
	[tilespmem:s21+$0x14030] =	vst v3;
	(pc) =	sbr.rel @p2 .LBB2_5-.Ltmp2, $4  }
0x9a: {  	v62 =	vmax.f32 v6, v10;
	v3 =	vmax.f32 v60, v18;
	[tilespmem:s21+$0x14040] =	vst v61  }
0x9b: {  	v63 =	vmax.f32 v17, v13;
	v4 =	vmax.f32 v62, v24;
	[tilespmem:s21+$0x14050] =	vst v3  }
0x9c: {  	v3 =	vmax.f32 v63, v25;
	[tilespmem:s21+$0x14060] =	vst v4  }
0x9d: {  	[tilespmem:s21+$0x14070] =	vst v3  }
0x9e: {  	v4 =	vmov s25;
	_ =	sdelay $0x3  }
0x9f: {  	v3 =	vmov s26;
	s0 =	simm.s32 $0x0;
	s1 =	simm.s32 $0x40  }
.LBB2_9:
0xa0: {  	p2 =	sne.s32 s1, $0x3C0;
	v5 =	vld.idx.msk [tilespmem:v4+s0+$0x0 ss:$0x1], $0xffff;
	_ =	sdelay $0x2  }
0xa1: {  	v6 =	vld [tilespmem:s0+$0x17A00];
	_ =	sdelay $0x2  }
.Ltmp3:
0xa2: {  	vm0 =	vlt.f32 v5, $4.000000060e-01;
	(pc) =	sbr.rel @p2 .LBB2_9-.Ltmp3, $4  }
0xa3: {  	vm1 =	vgt.f32 v5, $5.000000000e-01;
	vm2 =	vlt.f32 v5, $8.000000110e-01;
	vm0 =	vmneg vm0  }
0xa4: {  	vm1 =	vmand vm1, vm2;
	v5 =	vsel vm0, $0xFFFFFFFF, v1;
	v6 =	vadd.s32 $0x1, v6  }
0xa5: {  	v5 =	vsel vm1, v6, v5  }
0xa6: {  	[tilespmem:v3+s0+$0x0 ss:$0x1] =	vst.idx.msk $0xffff, v5;
	s0 =	sshra.s32 s1, $0x2;
	s1 =	sadd.s32 $0x40, s1  }
0xa7: {  	_ =	sdelay $0x3  }
0xa8: {  	v4 =	vld.idx.msk [tilespmem:v4+s0+$0x0 ss:$0x1], $0xffff;
	_ =	sdelay $0x1  }
0xa9: {  	v5 =	vld [tilespmem:s0+$0x17A00];
	_ =	sdelay $0x1  }
0xaa: {  	s1 =	rddreg [dreg:$0x4]  }
0xab: {  	s1 =	sadd.s32 s1, s31;
	vm0 =	vlt.f32 v4, $4.000000060e-01  }
0xac: {  	p2 =	sgt.u32 s1, $0x30C;
	vm1 =	vgt.f32 v4, $5.000000000e-01;
	vm2 =	vlt.f32 v4, $8.000000110e-01;
	vm0 =	vmneg vm0  }
0xad: {  	p3 =	sne.s32 @p2 s1, $0x30D;
	v5 =	vadd.s32 $0x1, v5;
	vm1 =	vmand vm1, vm2;
	v63 =	vsel vm0, $0xFFFFFFFF, v1  }
0xae: {  	p3 =	por p3, !p2;
	v4 =	vsel vm1, v5, v63  }
0xaf: {  	s2 =	simm.s32 @!p3 $0x186C00;
	s5 =	simm.s32 @!p3 $0x10000;
	[tilespmem:v3+s0+$0x0 ss:$0x1] =	vst.idx.msk $0xffff, v4;
	s0 =	simm.s32 @!p3 $0x400  }
0xb0: {  	[tilespmem:s5], [sflag:$0x1] =	stream.strided.gather @!p3 [hbm4b:s8+s0], $0x4000, s2, s0, $0x38;
	[tilespmem:$0x17B00] =	vst v63  }
0xb1: {  	s0 =	sshll.u32 @!p2 s1, $0x8;
	s1 =	simm.s32 @!p2 $0x800  }
0xb2: {  	s2 =	simm.s32 @!p2 $0x186C00;
	s5 =	simm.s32 @!p2 $0x0;
	s0 =	sadd.s32 @!p2 s3, s0  }
0xb3: {  	[tilespmem:s5], [sflag:$0x1] =	stream.strided.gather @!p2 [hbm4b:s0+s1], $0x8000, s2, s1, $0x38;
	[tilespmem:$0x17B00] =	vst v63  }
0xb4: {  	_ =	swait.ge [sflag:s20], $0x8000  }
0xb5: {  	s23 =	sshll.u32 s30, $0x8;
	[sflag:s20] =	ssyncset.done $0x0  }
0xb6: {  	s0 =	sand.u32 $0x3FFFFF00, s23;
	[sflag:s20] =	ssyncadd.s32 $0xFFFF8000  }
0xb7: {  	[tilespmem:s0+$0x14800] =	vst v0  }
0xb8: {  	[tilespmem:$0x17A00] =	vst v1  }
0xb9: {  	[tilespmem:s0+$0x14810] =	vst v0  }
0xba: {  	[tilespmem:$0x17A10] =	vst v1  }
0xbb: {  	[tilespmem:s0+$0x14820] =	vst v0  }
0xbc: {  	[tilespmem:$0x17A20] =	vst v1  }
0xbd: {  	[tilespmem:s0+$0x14830] =	vst v0  }
0xbe: {  	[tilespmem:$0x17A30] =	vst v1  }
0xbf: {  	[tilespmem:s0+$0x14840] =	vst v0  }
0xc0: {  	[tilespmem:$0x17A40] =	vst v1  }
0xc1: {  	[tilespmem:s0+$0x14850] =	vst v0  }
0xc2: {  	[tilespmem:$0x17A50] =	vst v1  }
0xc3: {  	[tilespmem:s0+$0x14860] =	vst v0  }
0xc4: {  	[tilespmem:$0x17A60] =	vst v1  }
0xc5: {  	[tilespmem:s0+$0x14870] =	vst v0  }
0xc6: {  	[tilespmem:$0x17A70] =	vst v1  }
0xc7: {  	[tilespmem:s0+$0x14880] =	vst v0  }
0xc8: {  	[tilespmem:$0x17A80] =	vst v1  }
0xc9: {  	[tilespmem:s0+$0x14890] =	vst v0  }
0xca: {  	[tilespmem:$0x17A90] =	vst v1  }
0xcb: {  	[tilespmem:s0+$0x148A0] =	vst v0  }
0xcc: {  	[tilespmem:$0x17AA0] =	vst v1  }
0xcd: {  	[tilespmem:s0+$0x148B0] =	vst v0  }
0xce: {  	[tilespmem:$0x17AB0] =	vst v1  }
0xcf: {  	[tilespmem:s0+$0x148C0] =	vst v0  }
0xd0: {  	[tilespmem:$0x17AC0] =	vst v1  }
0xd1: {  	[tilespmem:s0+$0x148D0] =	vst v0  }
0xd2: {  	[tilespmem:$0x17AD0] =	vst v1  }
0xd3: {  	[tilespmem:s0+$0x148E0] =	vst v0  }
0xd4: {  	[tilespmem:$0x17AE0] =	vst v1  }
0xd5: {  	[tilespmem:s0+$0x148F0] =	vst v0  }
0xd6: {  	s31 =	simm.s32 $0x0;
	s30 =	sadd.s32 $0x14800, s0;
	s0 =	simm.s32 $0x0;
	[tilespmem:$0x17AF0] =	vst v1  }
.LBB2_11:
0xd7: {  	s1 =	sshll.u32 s31, $0xB  }
0xd8: {  	s1 =	sand.u32 $0x3FFFF800, s1  }
0xd9: {  	s17 =	sand.u32 $0x400, s0;
	s21 =	sadd.s32 $0x8000, s1  }
0xda: {  	s2 =	sand.u32 $0x60, s0;
	s5 =	sadd.s32 s17, s21  }
0xdb: {  	s6 =	sadd.s32 s2, s5  }
0xdc: {  	v8 =	vld [tilespmem:s6+$0x180]  }
0xdd: {  	v16 =	vld [tilespmem:s6+$0x80]  }
0xde: {  	v14 =	vld [tilespmem:s6+$0x100]  }
0xdf: {  	v11 =	vld [tilespmem:s6+$0x200]  }
0xe0: {  	v20 =	vld [tilespmem:s6+$0x0]  }
0xe1: {  	v13 =	vld [tilespmem:s6+$0x380]  }
0xe2: {  	v10 =	vld [tilespmem:s6+$0x300]  }
0xe3: {  	v15 =	vld [tilespmem:s6+$0x280]  }
0xe4: {  	s18 =	sshll.u32 s31, $0x7  }
0xe5: {  	s1 =	sand.u32 $0x3FFFFF80, s18  }
0xe6: {  	s22 =	sand.u32 $0x80, s0;
	v22 =	vld [tilespmem:s1+$0x14000];
	vm0 =	vgt.f32 v8, v14;
	v5 =	vmax.f32 v14, v8  }
0xe7: {  	s22 =	sadd.s32 s22, s30;
	v12 =	vld [tilespmem:s1+$0x14010];
	vm1 =	vgt.f32 v16, v20;
	v6 =	vmax.f32 v20, v16;
	vm10 =	vgt.f32 v13, v10  }
0xe8: {  	v4 =	vld [tilespmem:s1+$0x14020];
	s6 =	sadd.s32 s2, s22;
	v18 =	vmax.f32 v10, v13;
	vm11 =	vgt.f32 v15, v11;
	v21 =	vmax.f32 v11, v15  }
0xe9: {  	s2 =	simm.s32 $0x17A10;
	v19 =	vld [tilespmem:s6+$0x0];
	v9 =	vsel vm0, $0x3, v2;
	v17 =	vsel vm1, $0x1, v1;
	v23 =	vsel vm10, $0x3, v2  }
0xea: {  	v24 =	vld [tilespmem:s2+$0xFFFFFFF0];
	vm12 =	vgt.f32 v5, v6;
	v25 =	vsel vm11, $0x1, v1;
	vm13 =	vgt.f32 v18, v21  }
0xeb: {  	v3 =	vld [tilespmem:s1+$0x14030];
	v26 =	vmax.f32 v6, v5;
	v18 =	vmax.f32 v21, v18;
	v6 =	vsel vm13, v23, v25  }
0xec: {  	s11 =	sshll.u32 s31, $0x3;
	v7 =	vld [tilespmem:s1+$0x14040];
	v17 =	vsel vm12, v9, v17;
	vm14 =	vgt.f32 v18, v26;
	v21 =	vor.u32 $0x4, v6  }
0xed: {  	v5 =	vld [tilespmem:s1+$0x14050];
	v9 =	vmov s11;
	v18 =	vmax.f32 v26, v18;
	v21 =	vsel vm14, v21, v17  }
0xee: {  	s23 =	simm.s32 $0x10;
	v6 =	vld [tilespmem:s1+$0x14060];
	v23 =	vmax.f32 v19, v18;
	vm15 =	vgt.f32 v18, v19;
	v18 =	vor.u32 v9, v21  }
0xef: {  	s23 =	sand.u32 $0x70, s23;
	v17 =	vld [tilespmem:s1+$0x14070];
	[tilespmem:s6+$0x0] =	vst v23;
	v18 =	vsel vm15, v18, v24  }
0xf0: {  	s16 =	sadd.s32 s23, s5;
	[tilespmem:s2+$0xFFFFFFF0] =	vst v18  }
0xf1: {  	v19 =	vld [tilespmem:s16+$0x180]  }
0xf2: {  	v21 =	vld [tilespmem:s16+$0x0]  }
0xf3: {  	v23 =	vld [tilespmem:s16+$0x100]  }
0xf4: {  	v18 =	vld [tilespmem:s16+$0x280]  }
0xf5: {  	s12 =	simm.s32 $0x0;
	v22 =	vmax.f32 v22, v20;
	s11 =	simm.s32 $0x20;
	s6 =	simm.s32 $0x17A10;
	v20 =	vld [tilespmem:s16+$0x200]  }
.LBB2_12:
0xf6: {  	p2 =	sne.s32 s11, $0xE0;
	v12 =	vmax.f32 v12, v16;
	v13 =	vmax.f32 v17, v13;
	v16 =	vld [tilespmem:s16+$0x300];
	s12 =	sadd.s32 $0x100, s12;
	s2 =	sadd.s32 $0x20, s2  }
0xf7: {  	v4 =	vmax.f32 v4, v14;
	v7 =	vmax.f32 v7, v11;
	s18 =	smov.u32 s11;
	s11 =	sadd.s32 $0x20, s11;
	v11 =	vld [tilespmem:s16+$0x80];
	v22 =	vmax.f32 v22, v21  }
0xf8: {  	v5 =	vmax.f32 v5, v15;
	v14 =	vld [tilespmem:s16+$0x380];
	vm0 =	vgt.f32 v19, v23;
	v4 =	vmax.f32 v4, v23  }
0xf9: {  	v15 =	vmax.f32 v23, v19;
	v17 =	vsel vm0, $0x3, v2;
	v5 =	vmax.f32 v5, v18  }
0xfa: {  	v3 =	vmax.f32 v3, v8;
	v6 =	vmax.f32 v6, v10;
	v7 =	vmax.f32 v7, v20  }
0xfb: {  	s5 =	sadd.s32 s23, s22;
	v3 =	vmax.f32 v3, v19;
	v8 =	vmax.f32 v20, v18;
	v6 =	vmax.f32 v6, v16  }
0xfc: {  	vm1 =	vgt.f32 v18, v20;
	v10 =	vld [tilespmem:s5+$0x0];
	vm0 =	vgt.f32 v11, v21;
	v19 =	vmax.f32 v21, v11  }
0xfd: {  	v18 =	vsel vm0, $0x1, v1;
	vm0 =	vgt.f32 v14, v16;
	v16 =	vmax.f32 v16, v14  }
0xfe: {  	v20 =	vsel vm1, $0x1, v1;
	v21 =	vmax.f32 v19, v15;
	vm1 =	vgt.f32 v16, v8  }
0xff: {  	vm2 =	vgt.f32 v15, v19;
	v8 =	vmax.f32 v8, v16;
	v15 =	vsel vm0, $0x3, v2;
	v23 =	vld [tilespmem:s6+$0x0]  }
0x100: {  	v16 =	vsel vm2, v17, v18;
	v15 =	vsel vm1, v15, v20;
	v18 =	vmax.f32 v21, v8  }
0x101: {  	vm0 =	vgt.f32 v8, v21;
	v8 =	vor.u32 $0x4, v15;
	v15 =	vmax.f32 v10, v18  }
0x102: {  	v12 =	vmax.f32 v12, v11;
	v17 =	vmax.f32 v13, v14;
	v8 =	vsel vm0, v8, v16;
	[tilespmem:s5+$0x0] =	vst v15  }
0x103: {  	vm0 =	vgt.f32 v18, v10;
	s5 =	sand.u32 $0x400, s12;
	v8 =	vor.u32 v9, v8  }
0x104: {  	s17 =	sand.u32 $0x60, s18;
	s16 =	sadd.s32 s5, s21;
	v8 =	vsel vm0, v8, v23  }
0x105: {  	s5 =	sadd.s32 s17, s16;
	[tilespmem:s6+$0x0] =	vst v8;
	s6 =	smov.u32 s2  }
0x106: {  	v8 =	vld [tilespmem:s5+$0x180]  }
0x107: {  	v16 =	vld [tilespmem:s5+$0x80]  }
0x108: {  	v14 =	vld [tilespmem:s5+$0x100]  }
0x109: {  	v11 =	vld [tilespmem:s5+$0x200]  }
0x10a: {  	v18 =	vld [tilespmem:s5+$0x0]  }
0x10b: {  	v13 =	vld [tilespmem:s5+$0x380]  }
0x10c: {  	v10 =	vld [tilespmem:s5+$0x300]  }
0x10d: {  	s22 =	sand.u32 $0x80, s18;
	v15 =	vld [tilespmem:s5+$0x280];
	vm0 =	vgt.f32 v8, v14;
	v19 =	vmax.f32 v14, v8  }
0x10e: {  	s22 =	sadd.s32 s22, s30  }
0x10f: {  	s5 =	sadd.s32 s17, s22;
	v21 =	vsel vm0, $0x3, v2;
	vm1 =	vgt.f32 v16, v18;
	v20 =	vmax.f32 v18, v16  }
0x110: {  	v23 =	vld [tilespmem:s5+$0x0];
	v24 =	vsel vm1, $0x1, v1;
	vm0 =	vgt.f32 v19, v20;
	v19 =	vmax.f32 v20, v19  }
0x111: {  	vm1 =	vgt.f32 v13, v10;
	v20 =	vmax.f32 v10, v13;
	v21 =	vsel vm0, v21, v24  }
0x112: {  	vm0 =	vgt.f32 v15, v11;
	v24 =	vmax.f32 v11, v15;
	v25 =	vsel vm1, $0x3, v2  }
0x113: {  	v26 =	vld [tilespmem:s2+$0xFFFFFFF0];
	v27 =	vsel vm0, $0x1, v1;
	vm0 =	vgt.f32 v20, v24;
	v20 =	vmax.f32 v24, v20  }
0x114: {  	v24 =	vsel vm0, v25, v27;
	vm0 =	vgt.f32 v20, v19;
	v19 =	vmax.f32 v19, v20  }
0x115: {  	v22 =	vmax.f32 v22, v18;
	v20 =	vor.u32 $0x4, v24;
	v24 =	vmax.f32 v23, v19  }
0x116: {  	v18 =	vsel vm0, v20, v21;
	[tilespmem:s5+$0x0] =	vst v24  }
0x117: {  	vm0 =	vgt.f32 v19, v23;
	s5 =	sadd.s32 $0x10, s18;
	v18 =	vor.u32 v9, v18  }
0x118: {  	s23 =	sand.u32 $0x70, s5;
	v18 =	vsel vm0, v18, v26  }
0x119: {  	s16 =	sadd.s32 s23, s16;
	[tilespmem:s2+$0xFFFFFFF0] =	vst v18  }
.Ltmp4:
0x11a: {  	v19 =	vld [tilespmem:s16+$0x180];
	(pc) =	sbr.rel @p2 .LBB2_12-.Ltmp4, $4  }
0x11b: {  	v21 =	vld [tilespmem:s16+$0x0]  }
0x11c: {  	v23 =	vld [tilespmem:s16+$0x100]  }
0x11d: {  	v18 =	vld [tilespmem:s16+$0x280]  }
0x11e: {  	v20 =	vld [tilespmem:s16+$0x200]  }
0x11f: {  	v24 =	vld [tilespmem:s16+$0x300]  }
0x120: {  	v25 =	vld [tilespmem:s16+$0x380]  }
0x121: {  	v26 =	vld [tilespmem:s16+$0x80];
	_ =	sdelay $0x1  }
0x122: {  	vm0 =	vgt.f32 v19, v23;
	v31 =	vmax.f32 v23, v19  }
0x123: {  	v56 =	vsel vm0, $0x3, v2;
	v27 =	vmax.f32 v20, v18;
	vm1 =	vgt.f32 v18, v20  }
0x124: {  	s2 =	sadd.s32 s23, s22;
	vm2 =	vgt.f32 v25, v24;
	v28 =	vmax.f32 v24, v25;
	v29 =	vsel vm1, $0x1, v1  }
0x125: {  	v32 =	vld [tilespmem:s2+$0x0];
	v33 =	vmax.f32 v21, v26;
	vm12 =	vgt.f32 v26, v21;
	vm11 =	vgt.f32 v28, v27  }
0x126: {  	v55 =	vld [tilespmem:s6+$0x0];
	v30 =	vsel vm2, $0x3, v2;
	v54 =	vmax.f32 v33, v31;
	vm13 =	vgt.f32 v31, v33  }
0x127: {  	v27 =	vmax.f32 v27, v28;
	v57 =	vsel vm12, $0x1, v1;
	v29 =	vsel vm11, v30, v29  }
0x128: {  	v28 =	vsel vm13, v56, v57;
	vm14 =	vgt.f32 v27, v54;
	v29 =	vor.u32 $0x4, v29  }
0x129: {  	v27 =	vmax.f32 v54, v27;
	v28 =	vsel vm14, v29, v28  }
0x12a: {  	vm15 =	vgt.f32 v27, v32;
	v27 =	vmax.f32 v32, v27;
	v9 =	vor.u32 v9, v28  }
0x12b: {  	[tilespmem:s2+$0x0] =	vst v27;
	v9 =	vsel vm15, v9, v55  }
0x12c: {  	v12 =	vmax.f32 v12, v16;
	v58 =	vmax.f32 v22, v21;
	[tilespmem:s6+$0x0] =	vst v9  }
0x12d: {  	v4 =	vmax.f32 v4, v14;
	v59 =	vmax.f32 v12, v26;
	[tilespmem:s1+$0x14000] =	vst v58  }
0x12e: {  	v3 =	vmax.f32 v3, v8;
	s31 =	sadd.s32 $0x1, s31;
	v4 =	vmax.f32 v4, v23;
	[tilespmem:s1+$0x14010] =	vst v59  }
0x12f: {  	v7 =	vmax.f32 v7, v11;
	v3 =	vmax.f32 v3, v19;
	p2 =	sne.s32 s31, $0x10;
	[tilespmem:s1+$0x14020] =	vst v4  }
.Ltmp5:
0x130: {  	v60 =	vmax.f32 v5, v15;
	v61 =	vmax.f32 v7, v20;
	[tilespmem:s1+$0x14030] =	vst v3;
	(pc) =	sbr.rel @p2 .LBB2_11-.Ltmp5, $4  }
0x131: {  	v62 =	vmax.f32 v6, v10;
	v3 =	vmax.f32 v60, v18;
	[tilespmem:s1+$0x14040] =	vst v61  }
0x132: {  	v63 =	vmax.f32 v17, v13;
	v4 =	vmax.f32 v62, v24;
	[tilespmem:s1+$0x14050] =	vst v3  }
0x133: {  	v3 =	vmax.f32 v63, v25;
	[tilespmem:s1+$0x14060] =	vst v4  }
0x134: {  	[tilespmem:s1+$0x14070] =	vst v3  }
0x135: {  	v4 =	vmov s28;
	_ =	sdelay $0x3  }
0x136: {  	v3 =	vmov s29;
	s0 =	simm.s32 $0x0;
	s1 =	simm.s32 $0x40  }
.LBB2_15:
0x137: {  	p2 =	sne.s32 s1, $0x3C0;
	v5 =	vld.idx.msk [tilespmem:v4+s0+$0x0 ss:$0x1], $0xffff;
	_ =	sdelay $0x2  }
0x138: {  	v6 =	vld [tilespmem:s0+$0x17A00];
	_ =	sdelay $0x2  }
.Ltmp6:
0x139: {  	vm0 =	vlt.f32 v5, $4.000000060e-01;
	(pc) =	sbr.rel @p2 .LBB2_15-.Ltmp6, $4  }
0x13a: {  	vm1 =	vgt.f32 v5, $5.000000000e-01;
	vm2 =	vlt.f32 v5, $8.000000110e-01;
	vm0 =	vmneg vm0  }
0x13b: {  	vm1 =	vmand vm1, vm2;
	v5 =	vsel vm0, $0xFFFFFFFF, v1;
	v6 =	vadd.s32 $0x1, v6  }
0x13c: {  	v5 =	vsel vm1, v6, v5  }
0x13d: {  	[tilespmem:v3+s0+$0x0 ss:$0x1] =	vst.idx.msk $0xffff, v5;
	s0 =	sshra.s32 s1, $0x2;
	s1 =	sadd.s32 $0x40, s1  }
0x13e: {  	_ =	sdelay $0x3  }
0x13f: {  	v4 =	vld.idx.msk [tilespmem:v4+s0+$0x0 ss:$0x1], $0xffff;
	_ =	sdelay $0x1  }
0x140: {  	v5 =	vld [tilespmem:s0+$0x17A00]  }
0x141: {  	s24 =	sadd.s32 $0x1, s24  }
0x142: {  	p2 =	sne.s32 s24, $0xC  }
.Ltmp7:
0x143: {  	vm0 =	vlt.f32 v4, $4.000000060e-01;
	(pc) =	sbr.rel @p2 .LBB2_4-.Ltmp7, $4  }
0x144: {  	vm1 =	vgt.f32 v4, $5.000000000e-01;
	vm2 =	vlt.f32 v4, $8.000000110e-01;
	vm0 =	vmneg vm0  }
0x145: {  	v5 =	vadd.s32 $0x1, v5;
	vm1 =	vmand vm1, vm2;
	v63 =	vsel vm0, $0xFFFFFFFF, v1  }
0x146: {  	s25 =	sadd.s32 $0x200, s25;
	v4 =	vsel vm1, v5, v63  }
0x147: {  	s26 =	sadd.s32 $0x200, s26;
	s28 =	sadd.s32 $0x200, s28;
	s29 =	sadd.s32 $0x200, s29;
	[tilespmem:v3+s0+$0x0 ss:$0x1] =	vst.idx.msk $0xffff, v4  }
.Ltmp8:
0x148: {  	(pc) =	sbr.rel @p0 .LBB2_25-.Ltmp8, $1  }
0x149: {  	_ =	sdelay $0x3  }
0x14a: {  	_ =	swait.ge [sflag:s19], $0x8000  }
0x14b: {  	[sflag:s19] =	ssyncset.done $0x0  }
0x14c: {  	[sflag:s19] =	ssyncadd.s32 $0xFFFF8000  }
0x14d: {  	[tilespmem:$0x16000] =	vst v0  }
0x14e: {  	[tilespmem:$0x17A00] =	vst v1  }
0x14f: {  	[tilespmem:$0x16010] =	vst v0  }
0x150: {  	[tilespmem:$0x17A10] =	vst v1  }
0x151: {  	[tilespmem:$0x16020] =	vst v0  }
0x152: {  	[tilespmem:$0x17A20] =	vst v1  }
0x153: {  	[tilespmem:$0x16030] =	vst v0  }
0x154: {  	[tilespmem:$0x17A30] =	vst v1  }
0x155: {  	[tilespmem:$0x16040] =	vst v0  }
0x156: {  	[tilespmem:$0x17A40] =	vst v1  }
0x157: {  	[tilespmem:$0x16050] =	vst v0  }
0x158: {  	[tilespmem:$0x17A50] =	vst v1  }
0x159: {  	[tilespmem:$0x16060] =	vst v0  }
0x15a: {  	[tilespmem:$0x17A60] =	vst v1  }
0x15b: {  	[tilespmem:$0x16070] =	vst v0  }
0x15c: {  	[tilespmem:$0x17A70] =	vst v1  }
0x15d: {  	[tilespmem:$0x16080] =	vst v0  }
0x15e: {  	[tilespmem:$0x17A80] =	vst v1  }
0x15f: {  	[tilespmem:$0x16090] =	vst v0  }
0x160: {  	[tilespmem:$0x17A90] =	vst v1  }
0x161: {  	[tilespmem:$0x160A0] =	vst v0  }
0x162: {  	[tilespmem:$0x17AA0] =	vst v1  }
0x163: {  	[tilespmem:$0x160B0] =	vst v0  }
0x164: {  	[tilespmem:$0x17AB0] =	vst v1  }
0x165: {  	[tilespmem:$0x160C0] =	vst v0  }
0x166: {  	[tilespmem:$0x17AC0] =	vst v1  }
0x167: {  	[tilespmem:$0x160D0] =	vst v0  }
0x168: {  	[tilespmem:$0x17AD0] =	vst v1  }
0x169: {  	[tilespmem:$0x160E0] =	vst v0  }
0x16a: {  	[tilespmem:$0x17AE0] =	vst v1  }
0x16b: {  	[tilespmem:$0x160F0] =	vst v0  }
0x16c: {  	s0 =	simm.s32 $0x0;
	s24 =	simm.s32 $0x0;
	[tilespmem:$0x17AF0] =	vst v1  }
.LBB2_19:
0x16d: {  	s2 =	sshll.u32 s24, $0xB  }
0x16e: {  	s5 =	sand.u32 $0x400, s0;
	s2 =	sand.u32 $0x3FFFF800, s2  }
0x16f: {  	s6 =	sand.u32 $0x60, s0;
	s12 =	sadd.s32 s5, s2  }
0x170: {  	s5 =	sadd.s32 s6, s12  }
0x171: {  	v15 =	vld [tilespmem:s5+$0x80]  }
0x172: {  	v17 =	vld [tilespmem:s5+$0x0]  }
0x173: {  	v14 =	vld [tilespmem:s5+$0x280]  }
0x174: {  	v12 =	vld [tilespmem:s5+$0x200]  }
0x175: {  	v13 =	vld [tilespmem:s5+$0x380]  }
0x176: {  	v11 =	vld [tilespmem:s5+$0x300]  }
0x177: {  	v16 =	vld [tilespmem:s5+$0x100]  }
0x178: {  	s1 =	sshll.u32 s24, $0x7;
	v18 =	vld [tilespmem:s5+$0x180]  }
0x179: {  	s1 =	sand.u32 $0x3FFFFF80, s1  }
0x17a: {  	v3 =	vld [tilespmem:s1+$0x14000]  }
0x17b: {  	v9 =	vld [tilespmem:s1+$0x14010];
	vm0 =	vgt.f32 v15, v17  }
0x17c: {  	s25 =	sand.u32 $0x80, s0;
	v8 =	vld [tilespmem:s1+$0x14020];
	vm1 =	vgt.f32 v14, v12;
	v7 =	vmax.f32 v17, v15;
	v6 =	vmax.f32 v12, v14  }
0x17d: {  	s23 =	sor.u32 s6, s25;
	v5 =	vld [tilespmem:s1+$0x14030];
	v19 =	vmax.f32 v11, v13;
	v25 =	vmax.f32 v16, v18;
	v23 =	vsel vm0, $0x1, v1  }
0x17e: {  	v20 =	vld [tilespmem:s23+$0x16000];
	v21 =	vsel vm1, $0x1, v1;
	vm0 =	vgt.f32 v13, v11;
	vm1 =	vgt.f32 v19, v6  }
0x17f: {  	v10 =	vld [tilespmem:s1+$0x14040];
	v22 =	vmax.f32 v6, v19;
	v24 =	vsel vm0, $0x3, v2;
	vm0 =	vgt.f32 v18, v16  }
0x180: {  	s26 =	simm.s32 $0x17A00;
	v19 =	vld [tilespmem:s1+$0x14050];
	v24 =	vsel vm1, v24, v21;
	vm1 =	vgt.f32 v25, v7;
	v21 =	vmax.f32 v7, v25  }
0x181: {  	s11 =	sshll.u32 s24, $0x3;
	v25 =	vsel vm0, $0x3, v2;
	vm0 =	vgt.f32 v22, v21;
	v22 =	vmax.f32 v21, v22;
	v21 =	vld [tilespmem:s26+$0x0]  }
0x182: {  	s21 =	simm.s32 $0x16010;
	s28 =	simm.s32 $0x20;
	s22 =	simm.s32 $0x0;
	v4 =	vmov s11;
	v6 =	vld [tilespmem:s1+$0x14060]  }
0x183: {  	s29 =	simm.s32 $0x17A00;
	s11 =	sor.u32 $0x10, s6;
	s6 =	simm.s32 $0x16010;
	v7 =	vld [tilespmem:s1+$0x14070];
	v24 =	vor.u32 $0x4, v24;
	v25 =	vsel vm1, v25, v23;
	v23 =	vmax.f32 v20, v22  }
.LBB2_20:
0x184: {  	v24 =	vsel vm0, v24, v25;
	s22 =	sadd.s32 $0x100, s22;
	s21 =	sadd.s32 $0x20, s21;
	s26 =	sadd.s32 $0x20, s26  }
0x185: {  	p2 =	sne.s32 s28, $0xE0;
	vm0 =	vgt.f32 v22, v20;
	s18 =	smov.u32 s28;
	s28 =	sadd.s32 $0x20, s28;
	v20 =	vor.u32 v4, v24  }
0x186: {  	[tilespmem:s23+$0x16000] =	vst v23;
	v20 =	vsel vm0, v20, v21  }
0x187: {  	s5 =	sadd.s32 s11, s12;
	[tilespmem:s29+$0x0] =	vst v20;
	s29 =	smov.u32 s26  }
0x188: {  	v20 =	vld [tilespmem:s5+$0x380]  }
0x189: {  	v21 =	vld [tilespmem:s5+$0x0]  }
0x18a: {  	v22 =	vld [tilespmem:s5+$0x300]  }
0x18b: {  	v23 =	vld [tilespmem:s5+$0x180]  }
0x18c: {  	v14 =	vmax.f32 v19, v14;
	v7 =	vmax.f32 v7, v13;
	v13 =	vld [tilespmem:s5+$0x100]  }
0x18d: {  	v3 =	vmax.f32 v3, v17;
	v9 =	vmax.f32 v9, v15;
	v15 =	vld [tilespmem:s5+$0x80];
	v7 =	vmax.f32 v7, v20  }
0x18e: {  	v10 =	vmax.f32 v10, v12;
	v6 =	vmax.f32 v6, v11;
	v11 =	vld [tilespmem:s6+$0x0];
	v3 =	vmax.f32 v3, v21  }
0x18f: {  	v5 =	vmax.f32 v5, v18;
	v12 =	vld [tilespmem:s5+$0x280];
	vm0 =	vgt.f32 v20, v22;
	v6 =	vmax.f32 v6, v22  }
0x190: {  	v8 =	vmax.f32 v8, v16;
	v16 =	vld [tilespmem:s5+$0x200];
	v17 =	vsel vm0, $0x3, v2;
	v5 =	vmax.f32 v5, v23  }
0x191: {  	v19 =	vmax.f32 v22, v20;
	s5 =	sand.u32 $0x400, s22;
	vm0 =	vgt.f32 v23, v13;
	v18 =	vmax.f32 v13, v23  }
0x192: {  	s16 =	sand.u32 $0x60, s18;
	s12 =	sadd.s32 s5, s2;
	vm1 =	vgt.f32 v15, v21;
	v20 =	vmax.f32 v21, v15;
	v21 =	vsel vm0, $0x3, v2  }
0x193: {  	s17 =	sor.u32 $0x10, s16;
	s5 =	sadd.s32 s16, s12;
	v22 =	vsel vm1, $0x1, v1;
	vm0 =	vgt.f32 v18, v20;
	v18 =	vmax.f32 v20, v18  }
0x194: {  	v8 =	vmax.f32 v8, v13;
	v9 =	vmax.f32 v9, v15;
	v20 =	vsel vm0, v21, v22  }
0x195: {  	s23 =	sor.u32 s11, s25;
	s11 =	smov.u32 s17;
	vm0 =	vgt.f32 v12, v16;
	v13 =	vmax.f32 v16, v12;
	v10 =	vmax.f32 v10, v16  }
0x196: {  	v15 =	vld [tilespmem:s23+$0x17A00];
	v16 =	vsel vm0, $0x1, v1;
	vm0 =	vgt.f32 v19, v13;
	v13 =	vmax.f32 v13, v19  }
0x197: {  	v16 =	vsel vm0, v17, v16;
	vm0 =	vgt.f32 v13, v18;
	v13 =	vmax.f32 v18, v13  }
0x198: {  	v16 =	vor.u32 $0x4, v16;
	vm1 =	vgt.f32 v13, v11;
	v11 =	vmax.f32 v11, v13  }
0x199: {  	v19 =	vmax.f32 v14, v12;
	v13 =	vsel vm0, v16, v20;
	[tilespmem:s6+$0x0] =	vst v11;
	s6 =	smov.u32 s21  }
0x19a: {  	v11 =	vor.u32 v4, v13  }
0x19b: {  	v11 =	vsel vm1, v11, v15  }
0x19c: {  	[tilespmem:s23+$0x17A00] =	vst v11  }
0x19d: {  	v15 =	vld [tilespmem:s5+$0x80]  }
0x19e: {  	v17 =	vld [tilespmem:s5+$0x0]  }
0x19f: {  	v14 =	vld [tilespmem:s5+$0x280]  }
0x1a0: {  	v12 =	vld [tilespmem:s5+$0x200]  }
0x1a1: {  	v13 =	vld [tilespmem:s5+$0x380]  }
0x1a2: {  	v11 =	vld [tilespmem:s5+$0x300]  }
0x1a3: {  	v16 =	vld [tilespmem:s5+$0x100];
	vm0 =	vgt.f32 v15, v17  }
0x1a4: {  	v18 =	vld [tilespmem:s5+$0x180]  }
0x1a5: {  	s25 =	sand.u32 $0x80, s18;
	vm1 =	vgt.f32 v14, v12  }
0x1a6: {  	s23 =	sor.u32 s16, s25;
	v22 =	vmax.f32 v17, v15;
	v23 =	vsel vm0, $0x1, v1;
	v21 =	vsel vm1, $0x1, v1  }
0x1a7: {  	v24 =	vmax.f32 v12, v14;
	v20 =	vld [tilespmem:s23+$0x16000];
	vm0 =	vgt.f32 v13, v11;
	v25 =	vmax.f32 v11, v13  }
.Ltmp9:
0x1a8: {  	vm1 =	vgt.f32 v25, v24;
	v25 =	vmax.f32 v24, v25;
	v24 =	vsel vm0, $0x3, v2;
	(pc) =	sbr.rel @p2 .LBB2_20-.Ltmp9, $4  }
0x1a9: {  	vm0 =	vgt.f32 v18, v16;
	v26 =	vmax.f32 v16, v18;
	v24 =	vsel vm1, v24, v21  }
0x1aa: {  	v21 =	vld [tilespmem:s26+$0x0];
	vm1 =	vgt.f32 v26, v22;
	v22 =	vmax.f32 v22, v26;
	v24 =	vor.u32 $0x4, v24  }
0x1ab: {  	v26 =	vsel vm0, $0x3, v2;
	vm0 =	vgt.f32 v25, v22;
	v22 =	vmax.f32 v22, v25  }
0x1ac: {  	v25 =	vsel vm1, v26, v23;
	v23 =	vmax.f32 v20, v22  }
0x1ad: {  	v24 =	vsel vm0, v24, v25  }
0x1ae: {  	vm8 =	vgt.f32 v22, v20;
	v50 =	vor.u32 v4, v24  }
0x1af: {  	[tilespmem:s23+$0x16000] =	vst v23;
	v20 =	vsel vm8, v50, v21  }
0x1b0: {  	s2 =	sadd.s32 s11, s12;
	[tilespmem:s29+$0x0] =	vst v20  }
0x1b1: {  	v20 =	vld [tilespmem:s2+$0x380]  }
0x1b2: {  	v51 =	vld [tilespmem:s2+$0x0]  }
0x1b3: {  	v52 =	vld [tilespmem:s2+$0x300]  }
0x1b4: {  	v23 =	vld [tilespmem:s2+$0x180]  }
0x1b5: {  	v53 =	vld [tilespmem:s2+$0x100]  }
0x1b6: {  	v54 =	vld [tilespmem:s2+$0x80]  }
0x1b7: {  	v26 =	vld [tilespmem:s2+$0x280]  }
0x1b8: {  	v27 =	vld [tilespmem:s2+$0x200];
	_ =	sdelay $0x2  }
0x1b9: {  	vm9 =	vgt.f32 v20, v52;
	vm10 =	vgt.f32 v23, v53  }
0x1ba: {  	v29 =	vmax.f32 v53, v23;
	v30 =	vmax.f32 v52, v20;
	v31 =	vmax.f32 v51, v54  }
0x1bb: {  	vm1 =	vgt.f32 v26, v27;
	v32 =	vmax.f32 v27, v26;
	vm12 =	vgt.f32 v54, v51  }
0x1bc: {  	s31 =	sor.u32 s11, s25;
	v33 =	vld [tilespmem:s6+$0x0];
	v28 =	vsel vm9, $0x3, v2;
	v34 =	vsel vm10, $0x3, v2;
	v35 =	vsel vm1, $0x1, v1  }
0x1bd: {  	v55 =	vld [tilespmem:s31+$0x17A00];
	vm11 =	vgt.f32 v30, v32;
	vm13 =	vgt.f32 v29, v31;
	v29 =	vmax.f32 v31, v29  }
0x1be: {  	v30 =	vmax.f32 v32, v30;
	v56 =	vsel vm12, $0x1, v1;
	v28 =	vsel vm11, v28, v35  }
0x1bf: {  	v31 =	vsel vm13, v34, v56;
	vm14 =	vgt.f32 v30, v29;
	v28 =	vor.u32 $0x4, v28  }
0x1c0: {  	v29 =	vmax.f32 v29, v30;
	v28 =	vsel vm14, v28, v31  }
0x1c1: {  	vm15 =	vgt.f32 v29, v33;
	v29 =	vmax.f32 v33, v29;
	v57 =	vor.u32 v4, v28  }
0x1c2: {  	v3 =	vmax.f32 v3, v17;
	[tilespmem:s6+$0x0] =	vst v29;
	v4 =	vsel vm15, v57, v55  }
0x1c3: {  	v9 =	vmax.f32 v9, v15;
	v3 =	vmax.f32 v3, v51;
	[tilespmem:s31+$0x17A00] =	vst v4  }
0x1c4: {  	v58 =	vmax.f32 v8, v16;
	v59 =	vmax.f32 v9, v54;
	[tilespmem:s1+$0x14000] =	vst v3  }
0x1c5: {  	v62 =	vmax.f32 v7, v13;
	s24 =	sadd.s32 $0x1, s24;
	v4 =	vmax.f32 v58, v53;
	[tilespmem:s1+$0x14010] =	vst v59  }
0x1c6: {  	v60 =	vmax.f32 v10, v12;
	p2 =	sne.s32 s24, $0x10;
	v63 =	vmax.f32 v62, v20;
	[tilespmem:s1+$0x14020] =	vst v4  }
.Ltmp10:
0x1c7: {  	v3 =	vmax.f32 v5, v18;
	v5 =	vmax.f32 v60, v27;
	[tilespmem:s1+$0x14070] =	vst v63;
	(pc) =	sbr.rel @p2 .LBB2_19-.Ltmp10, $4  }
0x1c8: {  	v61 =	vmax.f32 v19, v14;
	v3 =	vmax.f32 v3, v23;
	[tilespmem:s1+$0x14040] =	vst v5  }
0x1c9: {  	v4 =	vmax.f32 v61, v26;
	[tilespmem:s1+$0x14030] =	vst v3;
	v3 =	vmax.f32 v6, v11  }
0x1ca: {  	[tilespmem:s1+$0x14050] =	vst v4;
	v3 =	vmax.f32 v3, v52  }
0x1cb: {  	[tilespmem:s1+$0x14060] =	vst v3  }
0x1cc: {  	s0 =	simm.s32 $0x0  }
0x1cd: {  	v3 =	vld [tilespmem:s0+$0x16000];
	_ =	sdelay $0x1  }
0x1ce: {  	v4 =	vld [tilespmem:s0+$0x17A00]  }
0x1cf: {  	s1 =	simm.s32 $0x40  }
.LBB2_23:
0x1d0: {  	p2 =	sne.s32 s1, $0x3C0  }
.Ltmp11:
0x1d1: {  	s2 =	sshra.s32 s1, $0x2;
	s1 =	sadd.s32 $0x40, s1;
	vm0 =	vlt.f32 v3, $4.000000060e-01;
	(pc) =	sbr.rel @p2 .LBB2_23-.Ltmp11, $4  }
0x1d2: {  	vm1 =	vgt.f32 v3, $5.000000000e-01;
	vm2 =	vlt.f32 v3, $8.000000110e-01;
	vm0 =	vmneg vm0;
	v3 =	vld [tilespmem:s2+$0x16000]  }
0x1d3: {  	vm1 =	vmand vm1, vm2;
	v5 =	vsel vm0, $0xFFFFFFFF, v1;
	v6 =	vadd.s32 $0x1, v4  }
0x1d4: {  	v4 =	vld [tilespmem:s2+$0x17A00];
	v5 =	vsel vm1, v6, v5  }
0x1d5: {  	[tilespmem:s0+$0x17900] =	vst v5;
	s0 =	smov.u32 s2  }
0x1d6: {  	_ = 	snop  }
0x1d7: {  	vm0 =	vlt.f32 v3, $4.000000060e-01  }
0x1d8: {  	vm1 =	vgt.f32 v3, $5.000000000e-01;
	vm2 =	vlt.f32 v3, $8.000000110e-01;
	vm0 =	vmneg vm0  }
0x1d9: {  	vm1 =	vmand vm1, vm2;
	v3 =	vsel vm0, $0xFFFFFFFF, v1;
	v4 =	vadd.s32 $0x1, v4  }
0x1da: {  	v3 =	vsel vm1, v4, v3  }
0x1db: {  	[tilespmem:s0+$0x17900] =	vst v3  }
.LBB2_25:
.Ltmp12:
0x1dc: {  	(pc) =	sbr.rel @p1 .LBB2_29-.Ltmp12, $1  }
0x1dd: {  	_ =	sdelay $0x3  }
0x1de: {  	_ =	swait.ge [sflag:s19], $0x4000  }
0x1df: {  	[sflag:s19] =	ssyncset.done $0x0  }
0x1e0: {  	[sflag:s19] =	ssyncadd.s32 $0xFFFFC000  }
0x1e1: {  	[tilespmem:$0x16000] =	vst v0  }
0x1e2: {  	[tilespmem:$0x17A00] =	vst v1  }
0x1e3: {  	[tilespmem:$0x16010] =	vst v0  }
0x1e4: {  	[tilespmem:$0x17A10] =	vst v1  }
0x1e5: {  	[tilespmem:$0x16020] =	vst v0  }
0x1e6: {  	[tilespmem:$0x17A20] =	vst v1  }
0x1e7: {  	[tilespmem:$0x16030] =	vst v0  }
0x1e8: {  	s0 =	simm.s32 $0x0;
	s1 =	simm.s32 $0x14040;
	s2 =	simm.s32 $0x10200;
	[tilespmem:$0x17A30] =	vst v1  }
.LBB2_27:
0x1e9: {  	v13 =	vld [tilespmem:s2+$0xFFFFFE00]  }
0x1ea: {  	v10 =	vld [tilespmem:s2+$0xFFFFFE80]  }
0x1eb: {  	v11 =	vld [tilespmem:s2+$0xFFFFFF00]  }
0x1ec: {  	v12 =	vld [tilespmem:s2+$0xFFFFFF80]  }
0x1ed: {  	v6 =	vld [tilespmem:s2+$0x0]  }
0x1ee: {  	v7 =	vld [tilespmem:s2+$0x80]  }
0x1ef: {  	v8 =	vld [tilespmem:s2+$0x100]  }
0x1f0: {  	v9 =	vld [tilespmem:s2+$0x180];
	_ =	sdelay $0x2  }
0x1f1: {  	v14 =	vld [tilespmem:s1+$0xFFFFFFC0];
	vm0 =	vgt.f32 v10, v13;
	v3 =	vmax.f32 v13, v10  }
0x1f2: {  	v15 =	vld [tilespmem:s1+$0xFFFFFFD0];
	vm11 =	vgt.f32 v12, v11;
	vm1 =	vgt.f32 v7, v6;
	v5 =	vmax.f32 v11, v12  }
0x1f3: {  	v16 =	vld [tilespmem:s1+$0xFFFFFFE0];
	v18 =	vmax.f32 v6, v7;
	vm12 =	vgt.f32 v9, v8;
	v21 =	vmax.f32 v8, v9  }
0x1f4: {  	v20 =	vld [tilespmem:$0x16000];
	v4 =	vsel vm0, $0x1, v1;
	v19 =	vsel vm1, $0x1, v1;
	vm2 =	vgt.f32 v5, v3  }
0x1f5: {  	v22 =	vld [tilespmem:$0x17A00];
	v3 =	vmax.f32 v3, v5;
	v55 =	vsel vm12, $0x3, v2;
	vm13 =	vgt.f32 v21, v18  }
0x1f6: {  	v17 =	vld [tilespmem:s1+$0xFFFFFFF0];
	v24 =	vsel vm11, $0x3, v2;
	v18 =	vmax.f32 v18, v21;
	v5 =	vsel vm13, v55, v19  }
0x1f7: {  	v23 =	vld [tilespmem:s1+$0x0];
	v4 =	vsel vm2, v24, v4;
	vm14 =	vgt.f32 v18, v3;
	v5 =	vor.u32 $0x4, v5  }
0x1f8: {  	v56 =	vld [tilespmem:s1+$0x10];
	v3 =	vmax.f32 v3, v18;
	v4 =	vsel vm14, v5, v4  }
0x1f9: {  	v57 =	vld [tilespmem:s1+$0x20];
	vm15 =	vgt.f32 v3, v20;
	v3 =	vmax.f32 v20, v3;
	v4 =	vor.u32 s0, v4  }
0x1fa: {  	v58 =	vld [tilespmem:s1+$0x30];
	[tilespmem:$0x16000] =	vst v3;
	v3 =	vsel vm15, v4, v22  }
0x1fb: {  	[tilespmem:$0x17A00] =	vst v3  }
0x1fc: {  	v20 =	vld [tilespmem:s2+$0xFFFFFE10]  }
0x1fd: {  	v22 =	vld [tilespmem:s2+$0xFFFFFE90]  }
0x1fe: {  	v24 =	vld [tilespmem:s2+$0xFFFFFF10]  }
0x1ff: {  	v25 =	vld [tilespmem:s2+$0xFFFFFF90]  }
0x200: {  	v26 =	vld [tilespmem:s2+$0x10]  }
0x201: {  	v5 =	vld [tilespmem:s2+$0x90]  }
0x202: {  	v4 =	vld [tilespmem:s2+$0x110]  }
0x203: {  	v3 =	vld [tilespmem:s2+$0x190];
	_ =	sdelay $0x2  }
0x204: {  	vm4 =	vgt.f32 v22, v20;
	v27 =	vmax.f32 v20, v22  }
0x205: {  	vm5 =	vgt.f32 v25, v24;
	vm6 =	vgt.f32 v5, v26;
	v29 =	vmax.f32 v24, v25  }
0x206: {  	v30 =	vmax.f32 v26, v5;
	vm7 =	vgt.f32 v3, v4;
	v33 =	vmax.f32 v4, v3  }
0x207: {  	v32 =	vld [tilespmem:$0x16010];
	v28 =	vsel vm4, $0x1, v1;
	v31 =	vsel vm6, $0x1, v1;
	vm8 =	vgt.f32 v29, v27  }
0x208: {  	v34 =	vld [tilespmem:$0x17A10];
	v27 =	vmax.f32 v27, v29;
	v59 =	vsel vm7, $0x3, v2;
	vm9 =	vgt.f32 v33, v30  }
0x209: {  	v35 =	vsel vm5, $0x3, v2;
	v30 =	vmax.f32 v30, v33;
	v29 =	vsel vm9, v59, v31  }
0x20a: {  	v28 =	vsel vm8, v35, v28;
	vm10 =	vgt.f32 v30, v27;
	v29 =	vor.u32 $0x4, v29  }
0x20b: {  	v27 =	vmax.f32 v27, v30;
	v28 =	vsel vm10, v29, v28  }
0x20c: {  	vm11 =	vgt.f32 v27, v32;
	v27 =	vmax.f32 v32, v27;
	v28 =	vor.u32 s0, v28  }
0x20d: {  	[tilespmem:$0x16010] =	vst v27;
	v60 =	vsel vm11, v28, v34  }
0x20e: {  	[tilespmem:$0x17A10] =	vst v60  }
0x20f: {  	v27 =	vld [tilespmem:s2+$0xFFFFFE20]  }
0x210: {  	v28 =	vld [tilespmem:s2+$0xFFFFFEA0]  }
0x211: {  	v29 =	vld [tilespmem:s2+$0x20]  }
0x212: {  	v30 =	vld [tilespmem:s2+$0xA0]  }
0x213: {  	v31 =	vld [tilespmem:s2+$0x120]  }
0x214: {  	v32 =	vld [tilespmem:s2+$0x1A0]  }
0x215: {  	v33 =	vld [tilespmem:s2+$0xFFFFFF20]  }
0x216: {  	v34 =	vld [tilespmem:s2+$0xFFFFFFA0];
	_ =	sdelay $0x2  }
0x217: {  	vm12 =	vgt.f32 v28, v27;
	vm13 =	vgt.f32 v30, v29  }
0x218: {  	v61 =	vmax.f32 v29, v30;
	vm14 =	vgt.f32 v32, v31;
	v36 =	vmax.f32 v31, v32  }
0x219: {  	v40 =	vmax.f32 v27, v28;
	v41 =	vmax.f32 v33, v34;
	vm5 =	vgt.f32 v34, v33  }
0x21a: {  	v39 =	vld [tilespmem:$0x16020];
	v37 =	vsel vm13, $0x1, v1;
	vm15 =	vgt.f32 v36, v61;
	v38 =	vsel vm14, $0x3, v2  }
0x21b: {  	v62 =	vld [tilespmem:$0x17A20];
	vm4 =	vgt.f32 v41, v40;
	v40 =	vmax.f32 v40, v41;
	v63 =	vsel vm12, $0x1, v1  }
0x21c: {  	v35 =	vmax.f32 v61, v36;
	v43 =	vsel vm5, $0x3, v2;
	v37 =	vsel vm15, v38, v37  }
0x21d: {  	v36 =	vsel vm4, v43, v63;
	vm6 =	vgt.f32 v35, v40;
	v37 =	vor.u32 $0x4, v37  }
0x21e: {  	v35 =	vmax.f32 v40, v35;
	v36 =	vsel vm6, v37, v36  }
0x21f: {  	vm7 =	vgt.f32 v35, v39;
	v35 =	vmax.f32 v39, v35;
	v36 =	vor.u32 s0, v36  }
0x220: {  	[tilespmem:$0x16020] =	vst v35;
	v44 =	vsel vm7, v36, v62  }
0x221: {  	[tilespmem:$0x17A20] =	vst v44  }
0x222: {  	v35 =	vld [tilespmem:s2+$0xFFFFFE30]  }
0x223: {  	v45 =	vld [tilespmem:s2+$0xFFFFFEB0]  }
0x224: {  	v46 =	vld [tilespmem:s2+$0x30]  }
0x225: {  	v47 =	vld [tilespmem:s2+$0xB0]  }
0x226: {  	v48 =	vld [tilespmem:s2+$0x130]  }
0x227: {  	v49 =	vld [tilespmem:s2+$0x1B0]  }
0x228: {  	v50 =	vld [tilespmem:s2+$0xFFFFFF30]  }
0x229: {  	v13 =	vmax.f32 v14, v13;
	v51 =	vld [tilespmem:s2+$0xFFFFFFB0]  }
0x22a: {  	v10 =	vmax.f32 v15, v10;
	v11 =	vmax.f32 v16, v11;
	v12 =	vmax.f32 v17, v12  }
0x22b: {  	v6 =	vmax.f32 v23, v6;
	v7 =	vmax.f32 v56, v7;
	v8 =	vmax.f32 v57, v8  }
0x22c: {  	v9 =	vmax.f32 v58, v9;
	vm8 =	vgt.f32 v45, v35;
	vm9 =	vgt.f32 v47, v46  }
0x22d: {  	v52 =	vmax.f32 v46, v47;
	vm10 =	vgt.f32 v49, v48;
	v53 =	vmax.f32 v48, v49  }
0x22e: {  	v57 =	vmax.f32 v35, v45;
	v58 =	vmax.f32 v50, v51;
	vm13 =	vgt.f32 v51, v50  }
0x22f: {  	v56 =	vld [tilespmem:$0x16030];
	v54 =	vsel vm9, $0x1, v1;
	vm11 =	vgt.f32 v53, v52;
	v55 =	vsel vm10, $0x3, v2  }
0x230: {  	v59 =	vld [tilespmem:$0x17A30];
	vm12 =	vgt.f32 v58, v57;
	v23 =	vmax.f32 v57, v58;
	v16 =	vmax.f32 v52, v53  }
0x231: {  	v60 =	vsel vm8, $0x1, v1;
	v61 =	vsel vm13, $0x3, v2;
	v18 =	vsel vm11, v55, v54  }
0x232: {  	v17 =	vsel vm12, v61, v60;
	vm14 =	vgt.f32 v16, v23;
	v18 =	vor.u32 $0x4, v18  }
0x233: {  	v13 =	vmax.f32 v13, v20;
	v16 =	vmax.f32 v23, v16;
	v17 =	vsel vm14, v18, v17  }
0x234: {  	vm15 =	vgt.f32 v16, v56;
	v16 =	vmax.f32 v56, v16;
	v17 =	vor.u32 s0, v17  }
0x235: {  	v10 =	vmax.f32 v10, v22;
	v13 =	vmax.f32 v13, v27;
	[tilespmem:$0x16030] =	vst v16;
	v62 =	vsel vm15, v17, v59  }
0x236: {  	v11 =	vmax.f32 v11, v24;
	v10 =	vmax.f32 v10, v28;
	v13 =	vmax.f32 v13, v35;
	[tilespmem:$0x17A30] =	vst v62  }
0x237: {  	v12 =	vmax.f32 v12, v25;
	v11 =	vmax.f32 v11, v33;
	v10 =	vmax.f32 v10, v45;
	[tilespmem:s1+$0xFFFFFFC0] =	vst v13  }
0x238: {  	v6 =	vmax.f32 v6, v26;
	v12 =	vmax.f32 v12, v34;
	v11 =	vmax.f32 v11, v50;
	[tilespmem:s1+$0xFFFFFFD0] =	vst v10  }
0x239: {  	p2 =	sne.s32 s0, $0x78;
	v5 =	vmax.f32 v7, v5;
	v6 =	vmax.f32 v6, v29;
	v63 =	vmax.f32 v12, v51;
	[tilespmem:s1+$0xFFFFFFE0] =	vst v11  }
.Ltmp13:
0x23a: {  	v4 =	vmax.f32 v8, v4;
	v5 =	vmax.f32 v5, v30;
	v6 =	vmax.f32 v6, v46;
	[tilespmem:s1+$0xFFFFFFF0] =	vst v63;
	(pc) =	sbr.rel @p2 .LBB2_27-.Ltmp13, $4  }
0x23b: {  	v3 =	vmax.f32 v9, v3;
	v4 =	vmax.f32 v4, v31;
	v5 =	vmax.f32 v5, v47;
	[tilespmem:s1+$0x0] =	vst v6  }
0x23c: {  	v3 =	vmax.f32 v3, v32;
	v4 =	vmax.f32 v4, v48;
	[tilespmem:s1+$0x10] =	vst v5  }
0x23d: {  	v3 =	vmax.f32 v3, v49;
	[tilespmem:s1+$0x20] =	vst v4  }
0x23e: {  	s2 =	sadd.s32 $0x400, s2;
	s0 =	sadd.s32 $0x8, s0;
	[tilespmem:s1+$0x30] =	vst v3;
	s1 =	sadd.s32 $0x80, s1  }
0x23f: {  	v3 =	vld [tilespmem:$0x16000]  }
0x240: {  	v4 =	vld [tilespmem:$0x17A00]  }
0x241: {  	v5 =	vld [tilespmem:$0x16010]  }
0x242: {  	v6 =	vld [tilespmem:$0x16020]  }
0x243: {  	v8 =	vld [tilespmem:$0x17A20]  }
0x244: {  	v59 =	vld [tilespmem:$0x16030]  }
0x245: {  	v60 =	vld [tilespmem:$0x17A30];
	vm0 =	vlt.f32 v3, $4.000000060e-01  }
0x246: {  	vm1 =	vgt.f32 v3, $5.000000000e-01;
	vm2 =	vlt.f32 v3, $8.000000110e-01;
	v4 =	vadd.s32 $0x1, v4  }
0x247: {  	vm7 =	vlt.f32 v5, $4.000000060e-01;
	vm8 =	vgt.f32 v5, $5.000000000e-01;
	vm3 =	vlt.f32 v5, $8.000000110e-01  }
0x248: {  	v3 =	vld [tilespmem:$0x17A10];
	vm10 =	vlt.f32 v6, $4.000000060e-01;
	vm11 =	vgt.f32 v6, $5.000000000e-01;
	vm4 =	vlt.f32 v6, $8.000000110e-01  }
0x249: {  	v8 =	vadd.s32 $0x1, v8;
	vm13 =	vlt.f32 v59, $4.000000060e-01;
	vm14 =	vgt.f32 v59, $5.000000000e-01  }
0x24a: {  	vm15 =	vlt.f32 v59, $8.000000110e-01;
	v63 =	vadd.s32 $0x1, v60;
	vm0 =	vmneg vm0  }
0x24b: {  	vm1 =	vmand vm1, vm2;
	vm9 =	vmand vm8, vm3;
	vm12 =	vmand vm11, vm4  }
0x24c: {  	vm2 =	vmneg vm10;
	v7 =	vsel vm0, $0xFFFFFFFF, v1;
	vm0 =	vmneg vm7  }
0x24d: {  	v4 =	vsel vm1, v4, v7;
	v61 =	vsel vm0, $0xFFFFFFFF, v1;
	v3 =	vadd.s32 $0x1, v3  }
0x24e: {  	v9 =	vsel vm2, $0xFFFFFFFF, v1;
	vm0 =	vmneg vm13;
	[tilespmem:$0x17900] =	vst v4;
	v3 =	vsel vm9, v3, v61  }
0x24f: {  	v62 =	vsel vm12, v8, v9;
	vm1 =	vmand vm14, vm15;
	[tilespmem:$0x17910] =	vst v3;
	v3 =	vsel vm0, $0xFFFFFFFF, v1  }
0x250: {  	[tilespmem:$0x17920] =	vst v62;
	v3 =	vsel vm1, v63, v3  }
0x251: {  	[tilespmem:$0x17930] =	vst v3  }
.LBB2_29:
0x252: {  	s0 =	sadd.s32 $0x0, s13;
	p2 =	sgt.u32 s4, $0x30C  }
0x253: {  	p3 =	sne.s32 @p2 s0, $0x0  }
0x254: {  	p3 =	por p3, !p2  }
0x255: {  	s1 =	simm.s32 $0x400;
	s0 =	simm.s32 @!p3 $0x14800;
	s6 =	simm.s32 @!p3 $0x0  }
0x256: {  	[hbm4b:s9+s6] =	stream.linear.scatter @!p3 [tilespmem:s0], [sflag:$0x3], $0x40, $0x38;
	[tilespmem:$0x17B00] =	vst v63  }
0x257: {  	s2 =	sadd.s32 $0x20, s4;
	s11 =	simm.s32 @!p3 $0x0;
	s0 =	simm.s32 $0x0  }
.LBB2_30:
0x258: {  	s5 =	sadd.s32 s1, s13;
	s12 =	smov.u32 s0;
	s0 =	smov.u32 s1  }
0x259: {  	p4 =	por p2, p2;
	p2 =	sgt.u32 s2, $0x30C;
	s11 =	sadd.s32 @!p3 $0x16100, s11  }
0x25a: {  	s1 =	sadd.s32 $0x400, s1;
	s16 =	sadd.s32 @!p4 s12, s15;
	s17 =	sshra.s32 @!p4 s12, $0x2  }
0x25b: {  	[hbm4b:s10+s6] =	stream.linear.scatter @!p3 [tilespmem:s11], [sflag:$0x3], $0x40, $0x38;
	[tilespmem:$0x17B00] =	vst v63  }
0x25c: {  	p3 =	sne.s32 @p2 s5, $0x0;
	s5 =	sadd.s32 @!p4 $0x14800, s17;
	s6 =	simm.s32 @!p4 $0x0  }
0x25d: {  	[hbm4b:s16+s6] =	stream.linear.scatter @!p4 [tilespmem:s5], [sflag:$0x3], $0x100, $0x38;
	[tilespmem:$0x17B00] =	vst v63  }
0x25e: {  	s11 =	sadd.s32 @!p4 $0x16100, s17;
	p3 =	por p3, !p2;
	s5 =	sadd.s32 @!p4 s12, s14  }
0x25f: {  	[hbm4b:s5+s6] =	stream.linear.scatter @!p4 [tilespmem:s11], [sflag:$0x3], $0x100, $0x38;
	[tilespmem:$0x17B00] =	vst v63  }
0x260: {  	p4 =	sne.s32 s1, $0x6400  }
.Ltmp14:
0x261: {  	_ = 	snop;
	(pc) =	sbr.rel @p4 .LBB2_30-.Ltmp14, $4  }
0x262: {  	_ = 	snop  }
0x263: {  	s2 =	sadd.s32 $0x20, s2;
	s11 =	sshra.s32 @!p3 s0, $0x2  }
0x264: {  	s6 =	simm.s32 @!p3 $0x0;
	s5 =	sadd.s32 @!p3 $0x14800, s11  }
0x265: {  	[hbm4b:s9+s6] =	stream.linear.scatter @!p3 [tilespmem:s5], [sflag:$0x3], $0x40, $0x38;
	[tilespmem:$0x17B00] =	vst v63  }
0x266: {  	p2 =	por p2, p2  }
0x267: {  	s1 =	sadd.s32 @!p3 $0x16100, s11;
	s2 =	sshra.s32 @!p2 s0, $0x2  }
0x268: {  	[hbm4b:s10+s6] =	stream.linear.scatter @!p3 [tilespmem:s1], [sflag:$0x3], $0x40, $0x38;
	[tilespmem:$0x17B00] =	vst v63  }
0x269: {  	s1 =	sadd.s32 @!p2 s0, s15;
	s6 =	simm.s32 @!p2 $0x0;
	s5 =	sadd.s32 @!p2 $0x14800, s2  }
0x26a: {  	[hbm4b:s1+s6] =	stream.linear.scatter @!p2 [tilespmem:s5], [sflag:$0x3], $0x100, $0x38;
	[tilespmem:$0x17B00] =	vst v63  }
0x26b: {  	s0 =	sadd.s32 @!p2 s0, s14;
	s1 =	sadd.s32 @!p2 $0x16100, s2  }
0x26c: {  	[hbm4b:s0+s6] =	stream.linear.scatter @!p2 [tilespmem:s1], [sflag:$0x3], $0x100, $0x38;
	[tilespmem:$0x17B00] =	vst v63  }
0x26d: {  	s0 =	sadd.s32 $0xFFFFFCE0, s4  }
0x26e: {  	s30 =	sadd.s32 $0x320, s0  }
0x26f: {  	p2 =	sgt.u32 s30, $0x30C  }
0x270: {  	p3 =	sne.s32 @p2 s0, $0xFFFFFFED  }
0x271: {  	p3 =	por p3, !p2  }
0x272: {  	s0 =	simm.s32 @!p3 $0x3  }
0x273: {  	_ =	swait.ge @!p3 [sflag:s0], $0x40  }
0x274: {  	[sflag:s0] =	ssyncset.done @!p3 $0x0  }
0x275: {  	[sflag:s0] =	ssyncadd.s32 @!p3 $0xFFFFFFC0  }
0x276: {  	_ =	swait.ge @!p3 [sflag:s0], $0x40  }
0x277: {  	p2 =	por p2, p2;
	[sflag:s0] =	ssyncset.done @!p3 $0x0  }
0x278: {  	s1 =	simm.s32 @!p2 $0x3;
	[sflag:s0] =	ssyncadd.s32 @!p3 $0xFFFFFFC0  }
0x279: {  	s0 =	sadd.s32 $0xFFFFFD00, s4;
	_ =	swait.ge @!p2 [sflag:s1], $0x100  }
0x27a: {  	s31 =	sadd.s32 $0x320, s0;
	[sflag:s1] =	ssyncset.done @!p2 $0x0  }
0x27b: {  	p4 =	sgt.u32 s31, $0x30C;
	[sflag:s1] =	ssyncadd.s32 @!p2 $0xFFFFFF00  }
0x27c: {  	p3 =	sne.s32 @p4 s0, $0xFFFFFFED;
	_ =	swait.ge @!p2 [sflag:s1], $0x100  }
0x27d: {  	s0 =	simm.s32 $0xFFFFFD20;
	p3 =	por p3, !p4;
	[sflag:s1] =	ssyncset.done @!p2 $0x0  }
.LBB2_32:
0x27e: {  	s2 =	simm.s32 @!p3 $0x3;
	[sflag:s1] =	ssyncadd.s32 @!p2 $0xFFFFFF00  }
0x27f: {  	s5 =	smov.u32 s0;
	s0 =	sadd.s32 $0x20, s0;
	p2 =	por p4, p4  }
0x280: {  	p5 =	sne.s32 s0, $0x0;
	_ =	swait.ge @!p3 [sflag:s2], $0x40  }
0x281: {  	[sflag:s2] =	ssyncset.done @!p3 $0x0  }
0x282: {  	[sflag:s2] =	ssyncadd.s32 @!p3 $0xFFFFFFC0  }
0x283: {  	_ =	swait.ge @!p3 [sflag:s2], $0x40  }
0x284: {  	[sflag:s2] =	ssyncset.done @!p3 $0x0  }
0x285: {  	s1 =	simm.s32 @!p2 $0x3;
	[sflag:s2] =	ssyncadd.s32 @!p3 $0xFFFFFFC0  }
.Ltmp15:
0x286: {  	s2 =	sadd.s32 s5, s4;
	_ =	swait.ge @!p2 [sflag:s1], $0x100;
	(pc) =	sbr.rel @p5 .LBB2_32-.Ltmp15, $4  }
0x287: {  	s5 =	sadd.s32 $0x320, s2;
	[sflag:s1] =	ssyncset.done @!p2 $0x0  }
0x288: {  	p4 =	sgt.u32 s5, $0x30C;
	[sflag:s1] =	ssyncadd.s32 @!p2 $0xFFFFFF00  }
0x289: {  	p3 =	sne.s32 @p4 s2, $0xFFFFFFED;
	_ =	swait.ge @!p2 [sflag:s1], $0x100  }
0x28a: {  	p3 =	por p3, !p4;
	[sflag:s1] =	ssyncset.done @!p2 $0x0  }
0x28b: {  	s0 =	simm.s32 @!p3 $0x3;
	[sflag:s1] =	ssyncadd.s32 @!p2 $0xFFFFFF00  }
0x28c: {  	_ =	swait.ge @!p3 [sflag:s0], $0x40  }
0x28d: {  	[sflag:s0] =	ssyncset.done @!p3 $0x0  }
0x28e: {  	[sflag:s0] =	ssyncadd.s32 @!p3 $0xFFFFFFC0  }
0x28f: {  	_ =	swait.ge @!p3 [sflag:s0], $0x40  }
0x290: {  	p2 =	por p4, p4;
	[sflag:s0] =	ssyncset.done @!p3 $0x0  }
0x291: {  	[sflag:s0] =	ssyncadd.s32 @!p3 $0xFFFFFFC0;
	s0 =	simm.s32 @!p2 $0x3  }
0x292: {  	_ =	swait.ge @!p2 [sflag:s0], $0x100  }
0x293: {  	[sflag:s0] =	ssyncset.done @!p2 $0x0  }
0x294: {  	[sflag:s0] =	ssyncadd.s32 @!p2 $0xFFFFFF00  }
0x295: {  	_ =	swait.ge @!p2 [sflag:s0], $0x100  }
0x296: {  	s26 =	simm.s32 $0x0;
	s2 =	simm.s32 $0x14000;
	[sflag:s0] =	ssyncset.done @!p2 $0x0  }
0x297: {  	s29 =	simm.s32 $0x4;
	s28 =	rddreg [dreg:$0x5];
	[sflag:s0] =	ssyncadd.s32 @!p2 $0xFFFFFF00  }
0x298: {  	[hbm4b:s28+s26] =	stream.linear.scatter [tilespmem:s2], [sflag:$0x4], $0x800, $0x38;
	[tilespmem:$0x17B00] =	vst v63  }
0x299: {  	_ =	swait.ge [sflag:s29], $0x800  }
0x29a: {  	s30 =	rddreg [dreg:$0x7]  }
0x29b: {  	s31 =	rddreg [dreg:$0x6];
	s2 =	sadd.s32 $0x1, s30  }
0x29c: {  	p2 =	sne.s32 s2, s31  }
.Ltmp16:
0x29d: {  	_ = 	snop;
	(pc) =	sbr.rel @p2 .LBB2_1-.Ltmp16, $3  }
0x29e: {  	_ =	sdelay $0x1  }
0x29f: {  	[sflag:s29] =	ssyncset.done $0x0  }
0x2a0: {  	[sflag:s29] =	ssyncadd.s32 $0xFFFFF800  }
0x2a1: {  	_ =	sfence.sel $0x180000  }
0x2a2: {  	[bflag:$0x0] =	sbarrier.arrive $0xFFFF  }
0x2a3: {  	_ =	strace $0x90000047  }
0x2a4: {  	s0 =	stileid.u32;
	[bflag:$0x2] =	sbarrier.arrive $0xFFFF  }
0x2a5: {  	p0 =	sne.s32 s0, $0x0;
	s0 =	rddreg [dreg:$0x2]  }
0x2a6: {  	s0 =	sadd.s32 @!p0 $0x100000, s0  }
0x2a7: {  	[sflag:s0] =	ssyncadd.tile.s32 @!p0 $0x1;
	_ =	shalt  }
.Lfunc_end2:
_tile_overlayer_lowered:
.L_overlay_start_2:
0x2a8: {  	(tag) =	ssettag $0x2  }
0x2a9: {  	s0 =	rddreg [dreg:$0x0];
	s2 =	stileid.u32  }
0x2aa: {  	s1 =	rddreg [dreg:$0x1];
	p0 =	sne.s32 s2, $0x0  }
0x2ab: {  	s3 =	rddreg [dreg:$0x2];
	[bflag:$0x3] =	sbarrier.arrive $0xFFFF;
	s2 =	simm.s32 @!p0 $0x1C04  }
0x2ac: {  	[timem:s3], [sflag:s2] =	dma.local @!p0 [hbm:s0], s1  }
0x2ad: {  	s0 =	simm.s32 @!p0 $0x4  }
0x2ae: {  	_ =	swait.ge @!p0 [sflag:s0], s1  }
0x2af: {  	s1 =	ssub.s32 @!p0 $0x0, s1;
	[sflag:s0] =	ssyncset.done @!p0 $0x0  }
0x2b0: {  	[sflag:s0] =	ssyncadd.s32 @!p0 s1  }
0x2b1: {  	[bflag:$0x3] =	sbarrier.arrive $0xFFFF  }
0x2b2: {  	_ =	shalt  }

// kernel: kernel.7.cloned.1.call-start
scs
__scs_entry_jumppad:
0x0: {  	(pc) =	sbr.rel $0x88, $3  }
0x1: {  	(tag) =	ssettag $0x0;
	lr =	simm.s32 $0x1  }
0x2: {  	[smem:$0x3FA0] =	sst lr;
	_ =	strace $0xD0000000  }
0x3: {  	_ = 	snop  }
0x4: {  	_ = 	snop  }
0x5: {  	_ = 	snop  }
0x6: {  	_ = 	snop  }
0x7: {  	_ = 	snop  }
__scs_overlays_trampoline_lowered:
0x8: {  	[smem:$0x3FAF] =	sst s0  }
0x9: {  	[smem:$0x3FB0] =	sst s1  }
0xa: {  	[smem:$0x3FB1] =	sst s2  }
0xb: {  	[smem:$0x3FB2] =	sst s3  }
0xc: {  	[smem:$0x3FB3] =	sst s4  }
0xd: {  	[smem:$0x3FB4] =	sst s5  }
0xe: {  	[smem:$0x3FB5] =	sst s6  }
0xf: {  	[smem:$0x3FB6] =	sst s7  }
0x10: {  	[smem:$0x3FB7] =	sst s8  }
0x11: {  	[smem:$0x3FB8] =	sst s9;
	s0 =	simm.s32 @!p0 $0x0  }
0x12: {  	s1 =	sld [smem:$0x3F9E];
	s0 =	simm.s32 @p0 $0x1  }
0x13: {  	[smem:$0x3FB9] =	sst s0;
	s0 =	simm.s32 @!p1 $0x0  }
0x14: {  	s2 =	sld [smem:$0x3F9D];
	s0 =	simm.s32 @p1 $0x1  }
0x15: {  	[smem:$0x3FBA] =	sst s0;
	s0 =	simm.s32 @!p2 $0x0  }
0x16: {  	s3 =	sld [smem:$0x3FDB];
	s0 =	simm.s32 @p2 $0x1  }
0x17: {  	s4 =	simm.s32 $0x1BF5;
	[smem:$0x3FBC] =	sst s0  }
0x18: {  	s0 =	sld [smem:$0x3F9F];
	_ =	swait.ge [sflag:s4], $0x0  }
0x19: {  	s7 =	sld [smem:$0x3FA0]  }
0x1a: {  	s8 =	sadd.s32 $0xFFFFE003, lr  }
0x1b: {  	s9 =	sadd.s32 $0xFFFFFEF7, lr;
	s5 =	simm.s32 $0xFFFFFFFF;
	p2 =	slt.u32 s8, $0xFFFFF086  }
0x1c: {  	p1 =	slt.u32 s9, $0xF7A;
	s5 =	simm.s32 @!p2 $0x0  }
0x1d: {  	s5 =	simm.s32 @p1 $0x1;
	p0 =	seq.s32 s7, s2  }
0x1e: {  	s7 =	smul.u32 @!p0 $0xF7A, s2;
	p2 =	seq.s32 @!p0 s5, $0x0  }
0x1f: {  	s9 =	smul.u32 $0xF7A, s1;
	s8 =	simm.s32 @!p0 $0x1BF5;
	p2 =	por !p2, p0  }
0x20: {  	[sflag:s8] =	ssyncset.s32 @!p0 $0xFFFFF086;
	s6 =	sadd.s32 @!p0 s3, s7;
	s7 =	simm.s32 @!p0 $0x108  }
0x21: {  	s3 =	sadd.s32 s3, s9;
	s6 =	sadd.s32 @!p0 $0x88, s6;
	s7 =	simm.s32 @p2 $0x1082  }
0x22: {  	[simem:s7], [sflag:s8] =	dma.local @!p0 [hbm:s6], $0xF7A  }
0x23: {  	s9 =	sor.u32 $0xD0000000, s2;
	s6 =	simm.s32 $0x108;
	_ =	swait.ge @!p0 [sflag:s8], $0x0  }
0x24: {  	s3 =	sadd.s32 $0x88, s3;
	s6 =	simm.s32 @!p1 $0x1082;
	[sflag:s4] =	ssyncset.s32 $0xFFFFF086  }
0x25: {  	[simem:s6], [sflag:s4] =	dma.local [hbm:s3], $0xF7A  }
0x26: {  	[smem:$0x3FA0] =	sst s1;
	(tag) =	ssettag s2;
	_ =	strace s9  }
0x27: {  	s1 =	sld [smem:$0x3FB0]  }
0x28: {  	s2 =	sld [smem:$0x3FB1]  }
0x29: {  	s4 =	sld [smem:$0x3FB3]  }
0x2a: {  	p0 =	seq.s32 s5, $0x0;
	s5 =	sld [smem:$0x3FB4]  }
0x2b: {  	s6 =	sld [smem:$0x3FB5]  }
0x2c: {  	s7 =	sld [smem:$0x3FB6]  }
0x2d: {  	s3 =	simm.s32 $0x108;
	s8 =	sld [smem:$0x3FB7]  }
0x2e: {  	s3 =	simm.s32 @!p0 $0x1082;
	s9 =	sld [smem:$0x3FB8]  }
0x2f: {  	lr =	sadd.s32 s0, s3;
	s0 =	sld [smem:$0x3FAF]  }
0x30: {  	s3 =	sld [smem:$0x3FB2]  }
0x31: {  	[smem:$0x3FBB] =	sst s10  }
0x32: {  	s10 =	sld [smem:$0x3FB9];
	_ =	sdelay $0x3  }
0x33: {  	p0 =	seq.s32 s10, $0x1;
	s10 =	sld [smem:$0x3FBB];
	_ =	sdelay $0x3  }
0x34: {  	[smem:$0x3FBB] =	sst s10  }
0x35: {  	s10 =	sld [smem:$0x3FBA];
	_ =	sdelay $0x3  }
0x36: {  	p1 =	seq.s32 s10, $0x1;
	s10 =	sld [smem:$0x3FBB];
	_ =	sdelay $0x3  }
0x37: {  	[smem:$0x3FBB] =	sst s10  }
0x38: {  	s10 =	sld [smem:$0x3FBC]  }
0x39: {  	_ = 	snop;
	(pc) =	sbr.ind lr, $3  }
0x3a: {  	_ = 	snop  }
0x3b: {  	_ = 	snop  }
0x3c: {  	p2 =	seq.s32 s10, $0x1;
	s10 =	sld [smem:$0x3FBB]  }
0x3d: {  	_ =	shalt  }
0x3e: {  	_ =	shalt  }
0x3f: {  	_ =	shalt  }
0x40: {  	_ =	shalt  }
0x41: {  	_ =	shalt  }
0x42: {  	_ =	shalt  }
0x43: {  	_ =	shalt  }
0x44: {  	_ =	shalt  }
0x45: {  	_ =	shalt  }
0x46: {  	_ =	shalt  }
0x47: {  	_ =	shalt  }
0x48: {  	_ =	shalt  }
0x49: {  	_ =	shalt  }
0x4a: {  	_ =	shalt  }
0x4b: {  	_ =	shalt  }
0x4c: {  	_ =	shalt  }
0x4d: {  	_ =	shalt  }
0x4e: {  	_ =	shalt  }
0x4f: {  	_ =	shalt  }
0x50: {  	_ =	shalt  }
0x51: {  	_ =	shalt  }
0x52: {  	_ =	shalt  }
0x53: {  	_ =	shalt  }
0x54: {  	_ =	shalt  }
0x55: {  	_ =	shalt  }
0x56: {  	_ =	shalt  }
0x57: {  	_ =	shalt  }
0x58: {  	_ =	shalt  }
0x59: {  	_ =	shalt  }
0x5a: {  	_ =	shalt  }
0x5b: {  	_ =	shalt  }
0x5c: {  	_ =	shalt  }
0x5d: {  	_ =	shalt  }
0x5e: {  	_ =	shalt  }
0x5f: {  	_ =	shalt  }
0x60: {  	_ =	shalt  }
0x61: {  	_ =	shalt  }
0x62: {  	_ =	shalt  }
0x63: {  	_ =	shalt  }
0x64: {  	_ =	shalt  }
0x65: {  	_ =	shalt  }
0x66: {  	_ =	shalt  }
0x67: {  	_ =	shalt  }
0x68: {  	_ =	shalt  }
0x69: {  	_ =	shalt  }
0x6a: {  	_ =	shalt  }
0x6b: {  	_ =	shalt  }
0x6c: {  	_ =	shalt  }
0x6d: {  	_ =	shalt  }
0x6e: {  	_ =	shalt  }
0x6f: {  	_ =	shalt  }
0x70: {  	_ =	shalt  }
0x71: {  	_ =	shalt  }
0x72: {  	_ =	shalt  }
0x73: {  	_ =	shalt  }
0x74: {  	_ =	shalt  }
0x75: {  	_ =	shalt  }
0x76: {  	_ =	shalt  }
0x77: {  	_ =	shalt  }
0x78: {  	_ =	shalt  }
0x79: {  	_ =	shalt  }
0x7a: {  	_ =	shalt  }
0x7b: {  	_ =	shalt  }
0x7c: {  	_ =	shalt  }
0x7d: {  	_ =	shalt  }
0x7e: {  	_ =	shalt  }
0x7f: {  	_ =	shalt  }
0x80: {  	_ =	shalt  }
0x81: {  	_ =	shalt  }
0x82: {  	_ =	shalt  }
0x83: {  	_ =	shalt  }
0x84: {  	_ =	shalt  }
0x85: {  	_ =	shalt  }
0x86: {  	_ =	shalt  }
0x87: {  	_ =	shalt  }
.Lfunc_end0:
.L_simem_size_0:
called_computation.1_lowered:
.L_overlay_start_0:
0x88: {  	s2 =	sld [smem:$0x3FD9]  }
0x89: {  	s3 =	sld [smem:$0x3FFE];
	_ =	sdelay $0x1  }
0x8a: {  	s1 =	srdreg.scid  }
0x8b: {  	s0 =	sand.u32 $0x1, s1  }
0x8c: {  	s14 =	sshll.u32 s0, $0xA;
	s2 =	sadd.s32 s3, s2  }
0x8d: {  	s2 =	sadd.s32 s2, s14  }
0x8e: {  	[smem:$0x3FC7] =	sst s2  }
0x8f: {  	_ = 	snop  }
0x90: {  	s2 =	sld [smem:$0x3FD0];
	_ =	sdelay $0x2  }
0x91: {  	s15 =	simm.s32 $0xA;
	s4 =	simm.s32 $0x10  }
0x92: {  	[smem:s4], [sflag:s15] =	dma.local [hbm:s2], $0x1  }
0x93: {  	_ =	swait.eq [sflag:s15], $0x1  }
0x94: {  	[sflag:s15] =	ssyncset.done $0x0  }
0x95: {  	[sflag:s15] =	ssyncadd.s32 $0xFFFFFFFF  }
0x96: {  	s16 =	sld [smem:$0x10];
	(tm) =	ssettm $0x1  }
0x97: {  	s17 =	sld [smem:$0x3FFB];
	_ =	sdelay $0x3  }
0x98: {  	_ =	strace s17  }
0x99: {  	s3 =	sld [smem:$0x3FFC];
	_ =	sdelay $0x3  }
0x9a: {  	_ =	strace s3  }
0x9b: {  	s3 =	sld [smem:$0x3FFD];
	_ =	sdelay $0x3  }
0x9c: {  	_ =	strace s3  }
0x9d: {  	_ =	strace $0x8FFFFFFF  }
0x9e: {  	s18 =	sld [smem:$0x3FDB];
	_ =	sdelay $0x1  }
0x9f: {  	s19 =	simm.s32 $_scs_section_size  }
0xa0: {  	s5 =	simm.s32 $_size__tile_overlayer_lowered;
	s6 =	simm.s32 $_tile_overlayer_lowered  }
0xa1: {  	s22 =	simm.s32 $0x1BFF;
	s21 =	sshll.u32 s6, $0x1;
	s3 =	sadd.s32 s19, s18  }
0xa2: {  	s7 =	simm.s32 $0x0;
	s20 =	sshll.u32 s5, $0x1;
	s5 =	sadd.s32 s21, s3  }
0xa3: {  	[timem:s7], [sflag:s22] =	dma.local [hbm:s5], s20  }
0xa4: {  	_ =	swait.ge [sflag:s22], s20  }
0xa5: {  	s4 =	ssub.s32 $0x0, s20;
	[sflag:s22] =	ssyncset.done $0x0  }
0xa6: {  	[sflag:s22] =	ssyncadd.s32 s4;
	_ =	sdelay $0x1  }
0xa7: {  	s23 =	simm.s32 $0x1B8B  }
0xa8: {  	_ =	swait.ge [sflag:s23], $0x1  }
0xa9: {  	[sflag:s23] =	ssyncset.done $0x0  }
0xaa: {  	s25 =	simm.s32 $0x1B8E;
	s24 =	sld [smem:$0x3FFE];
	[sflag:s23] =	ssyncadd.s32 $0xFFFFFFFF  }
0xab: {  	s26 =	simm.s32 $execute0_lowered;
	[smem:$0x3FD2] =	sst s25  }
0xac: {  	s5 =	sshll.u32 s26, $0x1;
	_ =	strace $0x80000049;
	[dreg:$0x1] =	wrdreg $0xFFFFFFFF  }
0xad: {  	s28 =	simm.s32 $_size_execute0_lowered;
	s3 =	sadd.s32 s3, s5;
	[dreg:$0x0] =	wrdreg $0x0  }
0xae: {  	s5 =	sshll.u32 s28, $0x1;
	[dreg:$0x2] =	wrdreg s3  }
0xaf: {  	[dreg:$0x3] =	wrdreg s5  }
0xb0: {  	[dreg:$0x4] =	wrdreg $0xC0  }
0xb1: {  	_ =	task [dreg:s7], $0x5FFFF  }
0xb2: {  	[dreg:$0x1] =	wrdreg $0xFFFFFFFF  }
0xb3: {  	[dreg:$0x0] =	wrdreg $0x60  }
0xb4: {  	[dreg:$0x2] =	wrdreg s24  }
0xb5: {  	[dreg:$0x3] =	wrdreg s16  }
0xb6: {  	[dreg:$0x4] =	wrdreg $0x9  }
0xb7: {  	_ =	task.clear_ibuf [dreg:s7], $0x5FFFF;
	_ =	strace $0x90000049  }
0xb8: {  	s29 =	simm.s32 $0x9;
	_ =	strace $0x8000004B  }
0xb9: {  	_ =	swait.ge [sflag:s29], $0x1  }
0xba: {  	[sflag:s29] =	ssyncadd.s32 $0xFFFFFFFF  }
0xbb: {  	_ =	strace $0x9000004B  }
0xbc: {  	_ =	sfence  }
0xbd: {  	s30 =	sld [smem:$0x0];
	_ =	sdelay $0x2  }
0xbe: {  	s31 =	sshll.u32 s1, $0xD;
	s1 =	sshrl.u32 s1, $0x2  }
0xbf: {  	s3 =	sand.u32 $0x4000, s31;
	s1 =	sadd.s32 s1, s30  }
0xc0: {  	s0 =	sor.u32 s3, s0;
	s1 =	sshll.u32 s1, $0x11  }
0xc1: {  	s0 =	sor.u32 s1, s0  }
0xc2: {  	s0 =	sadd.s32 $0x8F2B, s0  }
0xc3: {  	[sflag:s0] =	ssyncadd.remote.s32 $0x1  }
0xc4: {  	_ =	sfence.sel $0xFFFF  }
0xc5: {  	[dreg:$0x0] =	wrdreg $0xFFFFFFFF;
	(pc) =	sbr.abs _section_cstart, $3  }
0xc6: {  	[dreg:$0x1] =	wrdreg $0xFFFFFFFF  }
0xc7: {  	_ =	task.clear_ibuf [dreg:s7], $0x2FFFF;
	_ =	strace $0x9FFFFFFF  }
0xc8: {  	(tm) =	ssettm $0x7FFFFFFF  }
0xc9: {  	_ =	shalt  }
tec
execute0_lowered:
.L_overlay_start_1:
0x0: {  	(tag) =	ssettag $0x1  }
0x1: {  	s6 =	rddreg [dreg:$0x0]  }
0x2: {  	s13 =	rddreg [dreg:$0x1];
	s1 =	simm.s32 $0x0;
	s4 =	srdreg.scid  }
0x3: {  	s2 =	stileid.u32;
	[smem:$0x7FF] =	sst s1  }
0x4: {  	s3 =	sadd.s32 $0xC00, s6;
	s11 =	sand.u32 $0x1, s4;
	s14 =	sshll.u32 s2, $0x6  }
0x5: {  	s29 =	sshll.u32 s2, $0x1;
	s5 =	sadd.s32 $0x314600, s6;
	s12 =	sshll.u32 s2, $0x9  }
0x6: {  	s31 =	sshll.u32 s2, $0xC;
	_ =	strace $0x8000004A;
	s7 =	ssub.s32 $0x2, s11  }
0x7: {  	s10 =	sadd.s32 s14, s6;
	s4 =	sor.u32 s11, s29;
	s6 =	sadd.s32 $0x3145A0, s6  }
0x8: {  	s15 =	sshll.u32 s11, $0x5;
	s16 =	sshll.u32 s11, $0x8;
	s17 =	sshll.u32 s11, $0xB  }
0x9: {  	s8 =	sshrl.u32 s7, $0x1;
	s30 =	sshll.u32 s4, $0x8;
	s10 =	sadd.s32 s15, s10  }
0xa: {  	s12 =	sor.u32 s12, s16;
	s9 =	ssub.s32 s7, s8;
	s7 =	sadd.s32 s5, s30  }
0xb: {  	s8 =	sadd.s32 $0x61A0, s13;
	s10 =	sadd.s32 $0x30E400, s10;
	s11 =	sadd.s32 $0xFFFCF300, s12  }
0xc: {  	s12 =	sor.u32 s17, s31;
	s13 =	sadd.s32 s14, s13;
	s14 =	simm.s32 $0x2000  }
0xd: {  	v0 =	vimm.f32 $-1.000000000e+00;
	s9 =	smax.u32 s9, $0x1;
	s13 =	sadd.s32 s15, s13;
	s15 =	simm.s32 $0x5  }
.LBB2_1:
0xe: {  	s16 =	sadd.s32 $0xFFFFFCE0, s4  }
0xf: {  	s17 =	sadd.s32 $0x320, s16  }
0x10: {  	p0 =	sgt.u32 s17, $0x30C  }
0x11: {  	p1 =	sne.s32 @p0 s16, $0xFFFFFFED  }
0x12: {  	p1 =	por p1, !p0  }
0x13: {  	s17 =	sadd.s32 $0xFFFFFD00, s4;
	s16 =	simm.s32 $0x3000;
	s18 =	simm.s32 @!p1 $0x0  }
0x14: {  	[tilespmem:s16], [sflag:$0x1] =	stream.linear.gather @!p1 [hbm4b:s6+s18], $0x40, $0x38;
	[tilespmem:$0x1E100] =	vst v63  }
0x15: {  	s31 =	sadd.s32 $0x320, s17;
	s19 =	simm.s32 @!p0 $0x0  }
0x16: {  	[tilespmem:s16], [sflag:$0x1] =	stream.linear.gather @!p0 [hbm4b:s10+s19], $0x100, $0x38;
	[tilespmem:$0x1E100] =	vst v63  }
0x17: {  	p0 =	sgt.u32 s31, $0x30C  }
0x18: {  	p1 =	sne.s32 @p0 s17, $0xFFFFFFED  }
0x19: {  	s18 =	simm.s32 $0xFFFFFD20;
	s17 =	smov.u32 s10;
	p1 =	por p1, !p0  }
.LBB2_2:
0x1a: {  	s19 =	sadd.s32 s18, s4  }
0x1b: {  	s20 =	simm.s32 @!p1 $0x0;
	s16 =	sadd.s32 $0x100, s16;
	s18 =	sadd.s32 $0x20, s18  }
0x1c: {  	[tilespmem:s16], [sflag:$0x1] =	stream.linear.gather @!p1 [hbm4b:s6+s20], $0x40, $0x38;
	[tilespmem:$0x1E100] =	vst v63  }
0x1d: {  	s21 =	simm.s32 @!p0 $0x0;
	p2 =	sne.s32 s18, $0x0  }
.Ltmp0:
0x1e: {  	s17 =	sadd.s32 $0x400, s17;
	s20 =	sadd.s32 $0x320, s19;
	(pc) =	sbr.rel @p2 .LBB2_2-.Ltmp0, $4  }
0x1f: {  	[tilespmem:s16], [sflag:$0x1] =	stream.linear.gather @!p0 [hbm4b:s17+s21], $0x100, $0x38;
	[tilespmem:$0x1E100] =	vst v63  }
0x20: {  	p0 =	sgt.u32 s20, $0x30C  }
0x21: {  	p1 =	sne.s32 @p0 s19, $0xFFFFFFED  }
0x22: {  	p1 =	por p1, !p0  }
0x23: {  	s18 =	simm.s32 @!p1 $0x0;
	s16 =	sadd.s32 $0x100, s16  }
0x24: {  	[tilespmem:s16], [sflag:$0x1] =	stream.linear.gather @!p1 [hbm4b:s6+s18], $0x40, $0x38;
	[tilespmem:$0x1E100] =	vst v63  }
0x25: {  	s17 =	sadd.s32 $0x400, s17;
	s18 =	simm.s32 @!p0 $0x0  }
0x26: {  	[tilespmem:s16], [sflag:$0x1] =	stream.linear.gather @!p0 [hbm4b:s17+s18], $0x100, $0x38;
	[tilespmem:$0x1E100] =	vst v63  }
0x27: {  	s16 =	simm.s32 $0x0  }
0x28: {  	[tilespmem:s14], [sflag:$0x5] =	stream.linear.gather [hbm4b:s7+s16], $0x800, $0x38;
	[tilespmem:$0x1E100] =	vst v63  }
0x29: {  	_ =	swait.ge [sflag:s15], $0x800  }
0x2a: {  	[sflag:s15] =	ssyncset.done $0x0  }
0x2b: {  	s17 =	simm.s32 $0x40;
	s18 =	simm.s32 $0x0;
	[sflag:s15] =	ssyncadd.s32 $0xFFFFF800  }
.LBB2_4:
0x2c: {  	p0 =	sne.s32 s17, $0x1FC0;
	[tilespmem:s18+$0x2800] =	vst v0;
	s18 =	smov.u32 s17;
	s17 =	sadd.s32 $0x40, s17  }
.Ltmp1:
0x2d: {  	(pc) =	sbr.rel @p0 .LBB2_4-.Ltmp1, $2  }
0x2e: {  	_ =	sdelay $0x2  }
0x2f: {  	s18 =	sshra.s32 s18, $0x2  }
0x30: {  	[tilespmem:s18+$0x2800] =	vst v0  }
.LBB2_6:
0x31: {  	s17 =	sshll.u32 s16, $0xA  }
0x32: {  	s18 =	simm.s32 $0x0;
	s17 =	sadd.s32 s5, s17  }
0x33: {  	[tilespmem:s18], [sflag:$0x5] =	stream.linear.gather [hbm4b:s17+s18], $0x2000, $0x38;
	[tilespmem:$0x1E100] =	vst v63  }
0x34: {  	_ =	swait.ge [sflag:s15], $0x2000  }
0x35: {  	[sflag:s15] =	ssyncset.done $0x0  }
0x36: {  	s31 =	sand.u32 $0x7F0, s18;
	[sflag:s15] =	ssyncadd.s32 $0xFFFFE000  }
0x37: {  	v1 =	vld [tilespmem:s31+$0x800]  }
0x38: {  	v2 =	vld [tilespmem:s18+$0x0]  }
0x39: {  	v3 =	vld [tilespmem:s31+$0x1000]  }
0x3a: {  	v4 =	vld [tilespmem:s31+$0x1800]  }
0x3b: {  	s17 =	simm.s32 $0x2800  }
0x3c: {  	v5 =	vld [tilespmem:s17+$0x0];
	_ =	sdelay $0x2  }
0x3d: {  	v1 =	vmax.f32 v2, v1;
	v2 =	vmax.f32 v3, v4  }
0x3e: {  	v1 =	vmax.f32 v1, v2  }
0x3f: {  	s18 =	simm.s32 $0x10;
	v1 =	vmax.f32 v5, v1  }
0x40: {  	s20 =	sand.u32 $0x7F0, s18;
	[tilespmem:s17+$0x0] =	vst v1  }
0x41: {  	v1 =	vld [tilespmem:s20+$0x800]  }
0x42: {  	v2 =	vld [tilespmem:s18+$0x0]  }
0x43: {  	s19 =	simm.s32 $0x20;
	v3 =	vld [tilespmem:s20+$0x1000]  }
.LBB2_7:
0x44: {  	p0 =	sne.s32 s19, $0x7F0;
	v4 =	vld [tilespmem:s20+$0x1800]  }
0x45: {  	s17 =	sadd.s32 $0x10, s17  }
0x46: {  	v5 =	vld [tilespmem:s17+$0x0];
	_ =	sdelay $0x2  }
0x47: {  	v1 =	vmax.f32 v2, v1;
	v2 =	vmax.f32 v3, v4  }
0x48: {  	v1 =	vmax.f32 v1, v2  }
.Ltmp2:
0x49: {  	v1 =	vmax.f32 v5, v1;
	(pc) =	sbr.rel @p0 .LBB2_7-.Ltmp2, $4  }
0x4a: {  	s20 =	sand.u32 $0x7F0, s19;
	[tilespmem:s17+$0x0] =	vst v1  }
0x4b: {  	s18 =	sadd.s32 $0x10, s18;
	v1 =	vld [tilespmem:s20+$0x800]  }
0x4c: {  	v2 =	vld [tilespmem:s18+$0x0]  }
0x4d: {  	s19 =	sadd.s32 $0x10, s19;
	v3 =	vld [tilespmem:s20+$0x1000]  }
0x4e: {  	v4 =	vld [tilespmem:s20+$0x1800]  }
0x4f: {  	s17 =	sadd.s32 $0x10, s17  }
0x50: {  	s16 =	sadd.s32 $0x1, s16;
	v5 =	vld [tilespmem:s17+$0x0]  }
0x51: {  	p0 =	sne.s32 s16, $0x8  }
.Ltmp3:
0x52: {  	_ = 	snop;
	(pc) =	sbr.rel @p0 .LBB2_6-.Ltmp3, $4  }
0x53: {  	v1 =	vmax.f32 v2, v1;
	v2 =	vmax.f32 v3, v4  }
0x54: {  	v1 =	vmax.f32 v1, v2  }
0x55: {  	v1 =	vmax.f32 v5, v1  }
0x56: {  	[tilespmem:s17+$0x0] =	vst v1  }
0x57: {  	s16 =	simm.s32 $0x2800  }
0x58: {  	v1 =	vld [tilespmem:s16+$0x0];
	_ =	sdelay $0x4  }
0x59: {  	(xrf0) =	vmax.scan.msk.f32 $0xffff, v1;
	_ =	sdelay $0x5  }
0x5a: {  	v1, _, _ =	vpop (xrf0)  }
0x5b: {  	v2 =	vadd.f32 $0.0e+00, v1;
	_ =	sdelay $0x1  }
0x5c: {  	v2 =	vbroadcast v2, $0xF  }
0x5d: {  	(v2sf) =	vpush v1, $0xF  }
0x5e: {  	s17 =	simm.s32 $0x2810;
	[tilespmem:s16+$0x0] =	vst v2  }
0x5f: {  	s19 =	simm.s32 $0x2000;
	v2 =	vld [tilespmem:s17+$0x0]  }
0x60: {  	v1 =	vld [tilespmem:s19+$0x0];
	_ =	sdelay $0x3  }
0x61: {  	(xrf0) =	vmax.scan.msk.f32 $0xffff, v2  }
0x62: {  	(xrf0) =	vmax.scan.msk.f32 $0xffff, v1;
	_ =	sdelay $0x4  }
0x63: {  	v1, _, _ =	vpop (xrf0)  }
0x64: {  	v2 =	vadd.f32 $0.0e+00, v1;
	(v2sf) =	vpush v1, $0xF;
	v1, _, _ =	vpop (xrf0)  }
0x65: {  	s20 =	spop (v2sf);
	(v2sf) =	vpush v1, $0xF  }
0x66: {  	v2 =	vbroadcast v2, $0xF  }
0x67: {  	s18 =	simm.s32 $0x0;
	s21 =	simm.s32 $0x2  }
0x68: {  	s22 =	simm.s32 $0x2820;
	s16 =	simm.s32 $0x1;
	[tilespmem:s17+$0x0] =	vst v2;
	s17 =	simm.s32 $0x0  }
.LBB2_10:
0x69: {  	v1 =	vld [tilespmem:s22+$0x0];
	s19 =	sadd.s32 $0x10, s19;
	s23 =	smov.u32 s21;
	s21 =	sadd.s32 $0x1, s21  }
0x6a: {  	p0 =	sne.s32 s21, $0x80;
	v2 =	vld [tilespmem:s19+$0x0];
	_ =	sdelay $0x3  }
0x6b: {  	(xrf0) =	vmax.scan.msk.f32 $0xffff, v1  }
0x6c: {  	(xrf0) =	vmax.scan.msk.f32 $0xffff, v2;
	_ =	sdelay $0x3  }
0x6d: {  	s24 =	spop (v2sf)  }
0x6e: {  	s25 =	spop (v2sf)  }
0x6f: {  	v1, _, _ =	vpop (xrf0);
	p1 =	sne.f32 s25, s20  }
.Ltmp4:
0x70: {  	v2 =	vadd.f32 $0.0e+00, v1;
	(v2sf) =	vpush v1, $0xF;
	v1, _, _ =	vpop (xrf0);
	p2 =	seq.f32 s25, s20;
	(pc) =	sbr.rel @p0 .LBB2_10-.Ltmp4, $4  }
0x71: {  	s20 =	smov.u32 s24;
	s24 =	simm.s32 $0x1;
	(v2sf) =	vpush v1, $0xF  }
0x72: {  	v1 =	vbroadcast v2, $0xF;
	[smem:s17] =	sst @!p1 s18;
	s24 =	simm.s32 @!p2 $0x0;
	s18 =	smov.u32 s16  }
0x73: {  	s16 =	smov.u32 s23;
	s17 =	sadd.s32 s24, s17  }
0x74: {  	[tilespmem:s22+$0x0] =	vst v1;
	s22 =	sadd.s32 $0x10, s22  }
0x75: {  	s19 =	sadd.s32 $0x10, s19  }
0x76: {  	v1 =	vld [tilespmem:s19+$0x0];
	_ =	sdelay $0x4  }
0x77: {  	(xrf0) =	vmax.scan.msk.f32 $0xffff, v1;
	_ =	sdelay $0x5  }
0x78: {  	v1, _, _ =	vpop (xrf0)  }
0x79: {  	(v2sf) =	vpush v1, $0xF;
	_ =	sdelay $0xa  }
0x7a: {  	s28 =	spop (v2sf)  }
0x7b: {  	s21 =	spop (v2sf)  }
0x7c: {  	s22 =	sadd.s32 $0xFFFFFCE0, s4;
	p0 =	sne.f32 s21, s20  }
0x7d: {  	s29 =	sadd.s32 $0x320, s22;
	p1 =	seq.f32 s21, s20;
	s20 =	simm.s32 $0x1  }
0x7e: {  	[smem:s17] =	sst @!p0 s18;
	p0 =	sgt.u32 s29, $0x30C;
	s30 =	spop (v2sf)  }
0x7f: {  	s20 =	simm.s32 @!p1 $0x0;
	p2 =	sne.s32 @p0 s22, $0xFFFFFFED;
	p1 =	sne.f32 s30, s28  }
0x80: {  	s19 =	sadd.s32 $0xFFFFFD00, s4;
	s17 =	sadd.s32 s20, s17;
	p2 =	por p2, !p0  }
0x81: {  	s31 =	sadd.s32 $0x320, s19;
	s18 =	simm.s32 @!p2 $0x1;
	[smem:s17] =	sst @!p1 s16  }
0x82: {  	p0 =	por p0, p0;
	p3 =	seq.f32 s30, s28;
	_ =	swait.ge @!p2 [sflag:s18], $0x40  }
0x83: {  	s16 =	simm.s32 $0x1;
	p1 =	sgt.u32 s31, $0x30C;
	[sflag:s18] =	ssyncset.done @!p2 $0x0  }
0x84: {  	s16 =	simm.s32 @!p3 $0x0;
	[sflag:s18] =	ssyncadd.s32 @!p2 $0xFFFFFFC0;
	s18 =	simm.s32 @!p0 $0x1  }
0x85: {  	s16 =	sadd.s32 s16, s17;
	p2 =	sne.s32 @p1 s19, $0xFFFFFFED;
	_ =	swait.ge @!p0 [sflag:s18], $0x100  }
0x86: {  	s17 =	simm.s32 $0xFFFFFD20;
	p2 =	por p2, !p1;
	[sflag:s18] =	ssyncset.done @!p0 $0x0  }
.LBB2_12:
0x87: {  	[sflag:s18] =	ssyncadd.s32 @!p0 $0xFFFFFF00;
	s18 =	smov.u32 s17;
	s17 =	sadd.s32 $0x20, s17  }
0x88: {  	s19 =	simm.s32 @!p2 $0x1;
	p0 =	por p1, p1;
	p3 =	sne.s32 s17, $0x0  }
.Ltmp5:
0x89: {  	s20 =	sadd.s32 s18, s4;
	_ =	swait.ge @!p2 [sflag:s19], $0x40;
	(pc) =	sbr.rel @p3 .LBB2_12-.Ltmp5, $4  }
0x8a: {  	s18 =	sadd.s32 $0x320, s20;
	[sflag:s19] =	ssyncset.done @!p2 $0x0  }
0x8b: {  	p1 =	sgt.u32 s18, $0x30C;
	[sflag:s19] =	ssyncadd.s32 @!p2 $0xFFFFFFC0;
	s18 =	simm.s32 @!p0 $0x1  }
0x8c: {  	p2 =	sne.s32 @p1 s20, $0xFFFFFFED;
	_ =	swait.ge @!p0 [sflag:s18], $0x100  }
0x8d: {  	p2 =	por p2, !p1;
	[sflag:s18] =	ssyncset.done @!p0 $0x0  }
0x8e: {  	s17 =	simm.s32 @!p2 $0x1;
	[sflag:s18] =	ssyncadd.s32 @!p0 $0xFFFFFF00  }
0x8f: {  	p0 =	por p1, p1;
	p1 =	slt.s32 s16, $0x1;
	_ =	swait.ge @!p2 [sflag:s17], $0x40  }
.Ltmp6:
0x90: {  	[sflag:s17] =	ssyncset.done @!p2 $0x0;
	(pc) =	sbr.rel @p1 .LBB2_16-.Ltmp6, $4  }
0x91: {  	[sflag:s17] =	ssyncadd.s32 @!p2 $0xFFFFFFC0;
	s17 =	simm.s32 @!p0 $0x1  }
0x92: {  	_ =	swait.ge @!p0 [sflag:s17], $0x100  }
0x93: {  	[sflag:s17] =	ssyncset.done @!p0 $0x0  }
0x94: {  	[sflag:s17] =	ssyncadd.s32 @!p0 $0xFFFFFF00  }
0x95: {  	s17 =	sld [smem:$0x0];
	_ =	sdelay $0x2  }
0x96: {  	s18 =	sand.u32 $0x7, s17  }
0x97: {  	s19 =	sshra.s32 s17, $0x1F;
	p0 =	slt.s32 s17, $0x1;
	p1 =	sne.s32 s18, $0x0  }
0x98: {  	s31 =	sshrl.u32 s19, $0x1D;
	p0 =	por !p0, !p1  }
0x99: {  	s18 =	simm.s32 $0x1;
	s17 =	sadd.s32 s31, s17;
	p0 =	por !p0, !p0  }
0x9a: {  	s17 =	sshrl.u32 s17, $0x3;
	s18 =	simm.s32 @!p0 $0x0  }
0x9b: {  	s17 =	ssub.s32 s17, s18  }
0x9c: {  	s19 =	sadd.s32 $0x0, s11;
	p0 =	sgt.u32 s4, $0x30C;
	s18 =	smul.u32 $0x186C00, s17  }
0x9d: {  	p1 =	sne.s32 @p0 s19, $0x0  }
0x9e: {  	p1 =	por p1, !p0;
	s17 =	sadd.s32 $0x186800, s18  }
0x9f: {  	s19 =	simm.s32 @!p1 $0x0;
	s18 =	sadd.s32 s18, s12;
	s17 =	sshrl.u32 s17, $0x3  }
0xa0: {  	s20 =	simm.s32 @!p1 $0x1D900;
	s21 =	sshrl.u32 @!p0 s18, $0x3;
	s17 =	sadd.s32 s3, s17  }
0xa1: {  	[tilespmem:s20], [sflag:$0x2] =	stream.linear.gather @!p1 [hbm4b:s17+s19], $0x400, $0x38;
	[tilespmem:$0x1E100] =	vst v63  }
0xa2: {  	s19 =	simm.s32 @!p0 $0x4900;
	s20 =	sadd.s32 @!p0 s3, s21;
	s21 =	simm.s32 @!p0 $0x0  }
0xa3: {  	[tilespmem:s19], [sflag:$0x2] =	stream.linear.gather @!p0 [hbm4b:s20+s21], $0x800, $0x38;
	[tilespmem:$0x1E100] =	vst v63  }
0xa4: {  	s19 =	simm.s32 $0x2000;
	s20 =	sadd.s32 $0x20, s4  }
.LBB2_15:
0xa5: {  	s21 =	sadd.s32 s19, s11  }
0xa6: {  	p0 =	sgt.u32 s20, $0x30C;
	s22 =	smov.u32 s19;
	s19 =	sadd.s32 $0x2000, s19  }
0xa7: {  	s18 =	sadd.s32 $0x10000, s18;
	p2 =	sne.s32 @p0 s21, $0x0;
	p1 =	sne.s32 s19, $0x32000  }
0xa8: {  	s21 =	sshra.s32 @!p0 s22, $0x2;
	s24 =	sshrl.u32 @!p0 s18, $0x3;
	p2 =	por p2, !p0  }
.Ltmp7:
0xa9: {  	s22 =	simm.s32 @!p2 $0x0;
	s23 =	simm.s32 @!p2 $0x1D900;
	(pc) =	sbr.rel @p1 .LBB2_15-.Ltmp7, $4  }
0xaa: {  	[tilespmem:s23], [sflag:$0x2] =	stream.linear.gather @!p2 [hbm4b:s17+s22], $0x400, $0x38;
	[tilespmem:$0x1E100] =	vst v63  }
0xab: {  	s21 =	sadd.s32 @!p0 $0x4900, s21;
	s22 =	sadd.s32 @!p0 s3, s24;
	s23 =	simm.s32 @!p0 $0x0  }
0xac: {  	[tilespmem:s21], [sflag:$0x2] =	stream.linear.gather @!p0 [hbm4b:s22+s23], $0x800, $0x38;
	[tilespmem:$0x1E100] =	vst v63  }
0xad: {  	s20 =	sadd.s32 $0x20, s20  }
.LBB2_16:
0xae: {  	s17 =	sadd.s32 $0x1, s16;
	p0 =	slt.u32 s16, $0x7FFFFFFF;
	s18 =	simm.s32 $0x1  }
0xaf: {  	s18 =	simm.s32 @!p0 $0x0;
	s19 =	sshra.s32 s17, $0x1F  }
0xb0: {  	s30 =	sand.u32 $0x1, s17;
	s18 =	sadd.s32 s18, s19  }
0xb1: {  	p1 =	seq.s32 s30, $0x1;
	p6 =	sne.s32 s18, $0x1  }
0xb2: {  	s31 =	sshrl.u32 s17, $0x1F;
	p0 =	por !p6, !p1  }
0xb3: {  	s17 =	sadd.s32 s31, s17;
	s18 =	simm.s32 $0x1;
	p0 =	por !p0, !p0  }
0xb4: {  	s17 =	sshra.s32 s17, $0x1;
	s18 =	simm.s32 @!p0 $0x0  }
0xb5: {  	s17 =	ssub.s32 s17, s18  }
0xb6: {  	p0 =	slt.s32 s17, $0x1  }
.Ltmp8:
0xb7: {  	_ = 	snop;
	(pc) =	sbr.rel @!p0 .LBB2_17-.Ltmp8, $2  }
0xb8: {  	_ =	sdelay $0x2  }
0xb9: {  	s18 =	simm.s32 $0x0  }
.LBB2_44:
0xba: {  	s0 =	sadd.s32 $0xFFFFFCE0, s4  }
0xbb: {  	s16 =	sadd.s32 $0x320, s0  }
0xbc: {  	p0 =	sgt.u32 s16, $0x30C  }
0xbd: {  	p1 =	sne.s32 @p0 s0, $0xFFFFFFED  }
0xbe: {  	p1 =	por p1, !p0  }
0xbf: {  	s16 =	simm.s32 $0x3000;
	s0 =	sadd.s32 $0xFFFFFD00, s4;
	s17 =	simm.s32 @!p1 $0x0  }
0xc0: {  	[hbm4b:s8+s17] =	stream.linear.scatter @!p1 [tilespmem:s16], [sflag:$0x4], $0x40, $0x38;
	[tilespmem:$0x1E100] =	vst v63  }
0xc1: {  	s18 =	simm.s32 @!p0 $0x0;
	s31 =	sadd.s32 $0x320, s0  }
0xc2: {  	[hbm4b:s13+s18] =	stream.linear.scatter @!p0 [tilespmem:s16], [sflag:$0x4], $0x100, $0x38;
	[tilespmem:$0x1E100] =	vst v63  }
0xc3: {  	p0 =	sgt.u32 s31, $0x30C  }
0xc4: {  	p1 =	sne.s32 @p0 s0, $0xFFFFFFED  }
0xc5: {  	s17 =	smov.u32 s13;
	s18 =	simm.s32 $0xFFFFFD20;
	p1 =	por p1, !p0  }
.LBB2_45:
0xc6: {  	s0 =	sadd.s32 s18, s4  }
0xc7: {  	s19 =	simm.s32 @!p1 $0x0;
	s16 =	sadd.s32 $0x100, s16;
	s18 =	sadd.s32 $0x20, s18  }
0xc8: {  	[hbm4b:s8+s19] =	stream.linear.scatter @!p1 [tilespmem:s16], [sflag:$0x4], $0x40, $0x38;
	[tilespmem:$0x1E100] =	vst v63  }
0xc9: {  	s20 =	simm.s32 @!p0 $0x0;
	p2 =	sne.s32 s18, $0x0  }
.Ltmp9:
0xca: {  	s17 =	sadd.s32 $0x400, s17;
	s19 =	sadd.s32 $0x320, s0;
	(pc) =	sbr.rel @p2 .LBB2_45-.Ltmp9, $4  }
0xcb: {  	[hbm4b:s17+s20] =	stream.linear.scatter @!p0 [tilespmem:s16], [sflag:$0x4], $0x100, $0x38;
	[tilespmem:$0x1E100] =	vst v63  }
0xcc: {  	p0 =	sgt.u32 s19, $0x30C  }
0xcd: {  	p1 =	sne.s32 @p0 s0, $0xFFFFFFED  }
0xce: {  	p1 =	por p1, !p0  }
0xcf: {  	s0 =	simm.s32 @!p1 $0x0;
	s16 =	sadd.s32 $0x100, s16  }
0xd0: {  	[hbm4b:s8+s0] =	stream.linear.scatter @!p1 [tilespmem:s16], [sflag:$0x4], $0x40, $0x38;
	[tilespmem:$0x1E100] =	vst v63  }
0xd1: {  	s17 =	sadd.s32 $0x400, s17;
	s0 =	simm.s32 @!p0 $0x0  }
0xd2: {  	[hbm4b:s17+s0] =	stream.linear.scatter @!p0 [tilespmem:s16], [sflag:$0x4], $0x100, $0x38;
	[tilespmem:$0x1E100] =	vst v63  }
0xd3: {  	s0 =	sadd.s32 $0xFFFFFCE0, s4  }
0xd4: {  	s30 =	sadd.s32 $0x320, s0  }
0xd5: {  	p0 =	sgt.u32 s30, $0x30C  }
0xd6: {  	p1 =	sne.s32 @p0 s0, $0xFFFFFFED  }
0xd7: {  	p2 =	por p1, !p0  }
0xd8: {  	s0 =	simm.s32 @!p2 $0x4  }
0xd9: {  	s16 =	sadd.s32 $0xFFFFFD00, s4;
	_ =	swait.ge @!p2 [sflag:s0], $0x40  }
0xda: {  	s31 =	sadd.s32 $0x320, s16;
	p0 =	por p0, p0;
	[sflag:s0] =	ssyncset.done @!p2 $0x0  }
0xdb: {  	p1 =	sgt.u32 s31, $0x30C;
	s17 =	simm.s32 @!p0 $0x4;
	[sflag:s0] =	ssyncadd.s32 @!p2 $0xFFFFFFC0  }
0xdc: {  	p2 =	sne.s32 @p1 s16, $0xFFFFFFED;
	_ =	swait.ge @!p0 [sflag:s17], $0x100  }
0xdd: {  	s16 =	simm.s32 $0xFFFFFD20;
	p2 =	por p2, !p1;
	[sflag:s17] =	ssyncset.done @!p0 $0x0  }
.LBB2_47:
0xde: {  	[sflag:s17] =	ssyncadd.s32 @!p0 $0xFFFFFF00;
	s17 =	smov.u32 s16;
	s16 =	sadd.s32 $0x20, s16  }
0xdf: {  	s0 =	simm.s32 @!p2 $0x4;
	p0 =	por p1, p1;
	p3 =	sne.s32 s16, $0x0  }
.Ltmp10:
0xe0: {  	s18 =	sadd.s32 s17, s4;
	_ =	swait.ge @!p2 [sflag:s0], $0x40;
	(pc) =	sbr.rel @p3 .LBB2_47-.Ltmp10, $4  }
0xe1: {  	s17 =	sadd.s32 $0x320, s18;
	[sflag:s0] =	ssyncset.done @!p2 $0x0  }
0xe2: {  	p1 =	sgt.u32 s17, $0x30C;
	[sflag:s0] =	ssyncadd.s32 @!p2 $0xFFFFFFC0;
	s17 =	simm.s32 @!p0 $0x4  }
0xe3: {  	p2 =	sne.s32 @p1 s18, $0xFFFFFFED;
	_ =	swait.ge @!p0 [sflag:s17], $0x100  }
0xe4: {  	p2 =	por p2, !p1;
	[sflag:s17] =	ssyncset.done @!p0 $0x0  }
0xe5: {  	s0 =	simm.s32 @!p2 $0x4;
	[sflag:s17] =	ssyncadd.s32 @!p0 $0xFFFFFF00;
	s1 =	sadd.s32 $0x1, s1  }
0xe6: {  	p0 =	por p1, p1;
	_ =	swait.ge @!p2 [sflag:s0], $0x40;
	p1 =	sne.s32 s1, s9  }
.Ltmp11:
0xe7: {  	[sflag:s0] =	ssyncset.done @!p2 $0x0;
	(pc) =	sbr.rel @p1 .LBB2_1-.Ltmp11, $4  }
.Ltmp12:
0xe8: {  	[sflag:s0] =	ssyncadd.s32 @!p2 $0xFFFFFFC0;
	s0 =	simm.s32 @!p0 $0x4;
	(pc) =	sbr.rel @!p1 .LBB2_49-.Ltmp12, $4  }
0xe9: {  	_ =	swait.ge @!p0 [sflag:s0], $0x100  }
0xea: {  	[sflag:s0] =	ssyncset.done @!p0 $0x0  }
0xeb: {  	[sflag:s0] =	ssyncadd.s32 @!p0 $0xFFFFFF00  }
0xec: {  	_ = 	snop  }
.LBB2_43:
0xed: {  	s18 =	sadd.s32 $0x1, s18  }
0xee: {  	p0 =	sne.s32 s18, s17  }
.Ltmp13:
0xef: {  	_ = 	snop;
	(pc) =	sbr.rel @!p0 .LBB2_44-.Ltmp13, $1  }
0xf0: {  	_ =	sdelay $0x3  }
.LBB2_17:
0xf1: {  	s19 =	sshllo.u32 s18, $0x1  }
0xf2: {  	p0 =	sge.s32 s19, s16  }
.Ltmp14:
0xf3: {  	_ = 	snop;
	(pc) =	sbr.rel @p0 .LBB2_20-.Ltmp14, $2  }
0xf4: {  	_ =	sdelay $0x2  }
0xf5: {  	s19 =	sshll.u32 s18, $0x1  }
0xf6: {  	s20 =	sld [smem:s19+$0x1];
	_ =	sdelay $0x2  }
0xf7: {  	s21 =	sand.u32 $0x7, s20  }
0xf8: {  	s22 =	sshra.s32 s20, $0x1F;
	p1 =	slt.s32 s20, $0x1;
	p2 =	sne.s32 s21, $0x0  }
0xf9: {  	s31 =	sshrl.u32 s22, $0x1D;
	p1 =	por !p1, !p2  }
0xfa: {  	s21 =	simm.s32 $0x1;
	s20 =	sadd.s32 s31, s20;
	p1 =	por !p1, !p1  }
0xfb: {  	s20 =	sshrl.u32 s20, $0x3;
	s21 =	simm.s32 @!p1 $0x0  }
0xfc: {  	s20 =	ssub.s32 s20, s21  }
0xfd: {  	s22 =	sadd.s32 $0x0, s11;
	p1 =	sgt.u32 s4, $0x30C;
	s21 =	smul.u32 $0x186C00, s20  }
0xfe: {  	p2 =	sne.s32 @p1 s22, $0x0  }
0xff: {  	p2 =	por p2, !p1;
	s20 =	sadd.s32 $0x186800, s21  }
0x100: {  	s22 =	simm.s32 @!p2 $0x0;
	s21 =	sadd.s32 s21, s12;
	s20 =	sshrl.u32 s20, $0x3  }
0x101: {  	s23 =	simm.s32 @!p2 $0x1DD00;
	s24 =	sshrl.u32 @!p1 s21, $0x3;
	s20 =	sadd.s32 s3, s20  }
0x102: {  	[tilespmem:s23], [sflag:$0x3] =	stream.linear.gather @!p2 [hbm4b:s20+s22], $0x400, $0x38;
	[tilespmem:$0x1E100] =	vst v63  }
0x103: {  	s22 =	simm.s32 @!p1 $0x11100;
	s23 =	sadd.s32 @!p1 s3, s24;
	s24 =	simm.s32 @!p1 $0x0  }
0x104: {  	[tilespmem:s22], [sflag:$0x3] =	stream.linear.gather @!p1 [hbm4b:s23+s24], $0x800, $0x38;
	[tilespmem:$0x1E100] =	vst v63  }
0x105: {  	s22 =	simm.s32 $0x2000;
	s23 =	sadd.s32 $0x20, s4  }
.LBB2_19:
0x106: {  	s24 =	sadd.s32 s22, s11  }
0x107: {  	p1 =	sgt.u32 s23, $0x30C;
	s25 =	smov.u32 s22;
	s22 =	sadd.s32 $0x2000, s22  }
0x108: {  	s21 =	sadd.s32 $0x10000, s21;
	p3 =	sne.s32 @p1 s24, $0x0;
	p2 =	sne.s32 s22, $0x32000  }
0x109: {  	s24 =	sshra.s32 @!p1 s25, $0x2;
	s28 =	sshrl.u32 @!p1 s21, $0x3;
	p3 =	por p3, !p1  }
.Ltmp15:
0x10a: {  	s25 =	simm.s32 @!p3 $0x0;
	s26 =	simm.s32 @!p3 $0x1DD00;
	(pc) =	sbr.rel @p2 .LBB2_19-.Ltmp15, $4  }
0x10b: {  	[tilespmem:s26], [sflag:$0x3] =	stream.linear.gather @!p3 [hbm4b:s20+s25], $0x400, $0x38;
	[tilespmem:$0x1E100] =	vst v63  }
0x10c: {  	s24 =	sadd.s32 @!p1 $0x11100, s24;
	s25 =	sadd.s32 @!p1 s3, s28;
	s26 =	simm.s32 @!p1 $0x0  }
0x10d: {  	[tilespmem:s24], [sflag:$0x3] =	stream.linear.gather @!p1 [hbm4b:s25+s26], $0x800, $0x38;
	[tilespmem:$0x1E100] =	vst v63  }
0x10e: {  	s23 =	sadd.s32 $0x20, s23  }
.LBB2_20:
0x10f: {  	p1 =	sge.s32 s19, s16  }
.Ltmp16:
0x110: {  	_ = 	snop;
	(pc) =	sbr.rel @p1 .LBB2_30-.Ltmp16, $1  }
0x111: {  	_ =	sdelay $0x3  }
0x112: {  	s20 =	sld [smem:s19+$0x0];
	_ =	sdelay $0x2  }
0x113: {  	s21 =	sshll.u32 s20, $0x6  }
0x114: {  	s21 =	sshra.s32 s21, $0x2  }
0x115: {  	v1 =	vld [tilespmem:s21+$0x2800];
	s21 =	sadd.s32 $0xFFFFFCE0, s4  }
0x116: {  	s22 =	sadd.s32 $0x320, s21  }
0x117: {  	p1 =	sgt.u32 s22, $0x30C  }
0x118: {  	p2 =	sne.s32 @p1 s21, $0xFFFFFFED  }
0x119: {  	p3 =	por p2, !p1  }
0x11a: {  	s21 =	simm.s32 @!p3 $0x2  }
0x11b: {  	s23 =	sadd.s32 $0xFFFFFD00, s4;
	_ =	swait.ge @!p3 [sflag:s21], $0x400  }
0x11c: {  	s31 =	sadd.s32 $0x320, s23;
	p1 =	por p1, p1;
	[sflag:s21] =	ssyncset.done @!p3 $0x0  }
0x11d: {  	p2 =	sgt.u32 s31, $0x30C;
	s22 =	simm.s32 @!p1 $0x2;
	[sflag:s21] =	ssyncadd.s32 @!p3 $0xFFFFFC00  }
0x11e: {  	p3 =	sne.s32 @p2 s23, $0xFFFFFFED;
	_ =	swait.ge @!p1 [sflag:s22], $0x800  }
0x11f: {  	s21 =	simm.s32 $0xFFFFFD20;
	p3 =	por p3, !p2;
	[sflag:s22] =	ssyncset.done @!p1 $0x0  }
.LBB2_22:
0x120: {  	[sflag:s22] =	ssyncadd.s32 @!p1 $0xFFFFF800;
	s22 =	smov.u32 s21;
	s21 =	sadd.s32 $0x20, s21  }
0x121: {  	s23 =	simm.s32 @!p3 $0x2;
	p1 =	por p2, p2;
	p4 =	seq.s32 s21, $0x0  }
.Ltmp17:
0x122: {  	s24 =	sadd.s32 s22, s4;
	_ =	swait.ge @!p3 [sflag:s23], $0x400;
	(pc) =	sbr.rel @!p4 .LBB2_22-.Ltmp17, $4  }
0x123: {  	s22 =	sadd.s32 $0x320, s24;
	[sflag:s23] =	ssyncset.done @!p3 $0x0  }
0x124: {  	p2 =	sgt.u32 s22, $0x30C;
	[sflag:s23] =	ssyncadd.s32 @!p3 $0xFFFFFC00;
	s22 =	simm.s32 @!p1 $0x2  }
0x125: {  	p3 =	sne.s32 @p2 s24, $0xFFFFFFED;
	_ =	swait.ge @!p1 [sflag:s22], $0x800  }
0x126: {  	p3 =	por p3, !p2;
	[sflag:s22] =	ssyncset.done @!p1 $0x0  }
0x127: {  	s21 =	simm.s32 @!p3 $0x2;
	[sflag:s22] =	ssyncadd.s32 @!p1 $0xFFFFF800  }
0x128: {  	_ =	swait.ge @!p3 [sflag:s21], $0x400  }
0x129: {  	p1 =	por p2, p2;
	[sflag:s21] =	ssyncset.done @!p3 $0x0  }
0x12a: {  	[sflag:s21] =	ssyncadd.s32 @!p3 $0xFFFFFC00;
	s21 =	simm.s32 @!p1 $0x2  }
0x12b: {  	s26 =	sand.u32 $0x7, s20;
	s28 =	sshra.s32 s20, $0x1F;
	_ =	swait.ge @!p1 [sflag:s21], $0x800  }
0x12c: {  	p5 =	slt.s32 s20, $0x1;
	p6 =	sne.s32 s26, $0x0;
	[sflag:s21] =	ssyncset.done @!p1 $0x0  }
0x12d: {  	s29 =	sshrl.u32 s28, $0x1D;
	[sflag:s21] =	ssyncadd.s32 @!p1 $0xFFFFF800;
	p1 =	por !p5, !p6  }
0x12e: {  	s22 =	simm.s32 $0x1;
	s21 =	sadd.s32 s29, s20;
	p1 =	por !p1, !p1  }
0x12f: {  	s21 =	sshrl.u32 s21, $0x3;
	s22 =	simm.s32 @!p1 $0x0  }
0x130: {  	s21 =	ssub.s32 s22, s21  }
0x131: {  	s21 =	sshll.u32 s21, $0x3  }
.Ltmp18:
0x132: {  	s21 =	sadd.s32 s20, s21;
	(pc) =	sbr.rel .LBB2_24-.Ltmp18, $4  }
0x133: {  	s23 =	sshll.u32 s20, $0x7;
	s30 =	sshll.u32 s21, $0x8  }
0x134: {  	s23 =	sand.u32 $0x380, s23;
	s22 =	sand.u32 $0xFFFFF800, s30  }
0x135: {  	s31 =	sadd.s32 $0x1, s20;
	s21 =	sshll.u32 s21, $0x9;
	s22 =	sor.u32 s23, s22  }
0x136: {  	v2 =	vmov s31;
	s21 =	sshra.s32 s21, $0x2;
	s20 =	sadd.s32 $0x4900, s22;
	s22 =	simm.s32 $0x0  }
.LBB2_28:
0x137: {  	p1 =	sne.s32 s23, $0x30D  }
0x138: {  	s0 =	sshll.u32 @!p1 s22, $0x8  }
0x139: {  	v3 =	vld @!p1 [tilespmem:s21+$0x1D900];
	s0 =	sand.u32 @!p1 $0x3FFFFF00, s0  }
0x13a: {  	v4 =	vld @!p1 [tilespmem:s0+$0x3000];
	_ =	sdelay $0x3  }
0x13b: {  	vm0 =	veq.f32 @!p1 v3, v1  }
0x13c: {  	v3 =	vsel @!p1 vm0, v2, v4  }
0x13d: {  	[tilespmem:s0+$0x3000] =	vst @!p1 v3  }
0x13e: {  	v3 =	vld @!p1 [tilespmem:s21+$0x1D910]  }
0x13f: {  	v4 =	vld @!p1 [tilespmem:s0+$0x3010];
	_ =	sdelay $0x3  }
0x140: {  	vm0 =	veq.f32 @!p1 v3, v1  }
0x141: {  	v3 =	vsel @!p1 vm0, v2, v4  }
0x142: {  	[tilespmem:s0+$0x3010] =	vst @!p1 v3  }
0x143: {  	v3 =	vld @!p1 [tilespmem:s21+$0x1D920]  }
0x144: {  	v4 =	vld @!p1 [tilespmem:s0+$0x3020];
	_ =	sdelay $0x3  }
0x145: {  	vm0 =	veq.f32 @!p1 v3, v1  }
0x146: {  	v3 =	vsel @!p1 vm0, v2, v4  }
0x147: {  	[tilespmem:s0+$0x3020] =	vst @!p1 v3  }
0x148: {  	v3 =	vld @!p1 [tilespmem:s21+$0x1D930]  }
0x149: {  	v4 =	vld @!p1 [tilespmem:s0+$0x3030];
	_ =	sdelay $0x3  }
0x14a: {  	vm0 =	veq.f32 @!p1 v3, v1  }
0x14b: {  	v3 =	vsel @!p1 vm0, v2, v4  }
0x14c: {  	[tilespmem:s0+$0x3030] =	vst @!p1 v3  }
.LBB2_29:
0x14d: {  	s22 =	sadd.s32 $0x1, s22  }
0x14e: {  	p1 =	sne.s32 s22, $0x19  }
.Ltmp19:
0x14f: {  	_ = 	snop;
	(pc) =	sbr.rel @!p1 .LBB2_30-.Ltmp19, $1  }
0x150: {  	_ =	sdelay $0x3  }
.LBB2_24:
0x151: {  	s23 =	sshll.u32 s22, $0x5  }
0x152: {  	s23 =	sor.u32 s4, s23  }
0x153: {  	p1 =	sgt.u32 s23, $0x30C  }
.Ltmp20:
0x154: {  	_ = 	snop;
	(pc) =	sbr.rel @p1 .LBB2_28-.Ltmp20, $1  }
0x155: {  	_ =	sdelay $0x3  }
0x156: {  	s23 =	sshll.u32 s22, $0xB  }
0x157: {  	s25 =	simm.s32 $0x0;
	s23 =	sand.u32 $0x3FFFF800, s23  }
0x158: {  	s24 =	sand.u32 $0x400, s25;
	s23 =	sadd.s32 s23, s20  }
0x159: {  	s28 =	sshll.u32 s22, $0x8;
	s26 =	sand.u32 $0x70, s25;
	s24 =	sadd.s32 s24, s23  }
0x15a: {  	s0 =	sand.u32 $0x3FFFFF00, s28;
	s24 =	sadd.s32 s26, s24  }
0x15b: {  	s25 =	sand.u32 $0x80, s25;
	v4 =	vld [tilespmem:s24+$0x0];
	s24 =	sadd.s32 $0x3000, s0  }
0x15c: {  	s25 =	sadd.s32 s25, s24  }
0x15d: {  	s25 =	sadd.s32 s26, s25  }
0x15e: {  	v3 =	vld [tilespmem:s25+$0x0];
	_ =	sdelay $0x2  }
0x15f: {  	s28 =	simm.s32 $0x10;
	s26 =	simm.s32 $0x80  }
0x160: {  	s30 =	simm.s32 $0x20;
	s29 =	sand.u32 $0x70, s28;
	s31 =	sand.u32 $0x400, s26;
	vm0 =	veq.f32 v4, v1  }
.LBB2_26:
0x161: {  	p1 =	seq.s32 s30, $0xF0;
	s31 =	sadd.s32 s31, s23;
	s28 =	sand.u32 $0x80, s28;
	v3 =	vsel vm0, v2, v3  }
0x162: {  	s31 =	sadd.s32 s29, s31;
	s0 =	sadd.s32 s28, s24;
	[tilespmem:s25+$0x0] =	vst v3;
	s28 =	smov.u32 s30  }
0x163: {  	v4 =	vld [tilespmem:s31+$0x0];
	s25 =	sadd.s32 s29, s0  }
.Ltmp21:
0x164: {  	v3 =	vld [tilespmem:s25+$0x0];
	(pc) =	sbr.rel @!p1 .LBB2_26-.Ltmp21, $3  }
0x165: {  	_ =	sdelay $0x1  }
0x166: {  	s26 =	sadd.s32 $0x80, s26  }
0x167: {  	s30 =	sadd.s32 $0x10, s30;
	s29 =	sand.u32 $0x70, s28;
	s31 =	sand.u32 $0x400, s26;
	vm0 =	veq.f32 v4, v1  }
0x168: {  	s0 =	sadd.s32 s31, s23;
	s30 =	sand.u32 $0x80, s28;
	v3 =	vsel vm0, v2, v3  }
0x169: {  	s0 =	sadd.s32 s29, s0;
	s23 =	sadd.s32 s30, s24;
	[tilespmem:s25+$0x0] =	vst v3  }
0x16a: {  	v3 =	vld [tilespmem:s0+$0x0];
	s31 =	sadd.s32 s29, s23  }
0x16b: {  	v4 =	vld [tilespmem:s31+$0x0];
	_ =	sdelay $0x1  }
.Ltmp22:
0x16c: {  	_ = 	snop;
	(pc) =	sbr.rel .LBB2_29-.Ltmp22, $4  }
0x16d: {  	_ = 	snop  }
0x16e: {  	vm15 =	veq.f32 v3, v1  }
0x16f: {  	v3 =	vsel vm15, v2, v4  }
0x170: {  	[tilespmem:s31+$0x0] =	vst v3  }
.LBB2_30:
0x171: {  	s20 =	sadd.s32 $0x2, s19  }
0x172: {  	p1 =	sge.s32 s20, s16  }
.Ltmp23:
0x173: {  	_ = 	snop;
	(pc) =	sbr.rel @p1 .LBB2_33-.Ltmp23, $1  }
0x174: {  	_ =	sdelay $0x3  }
0x175: {  	s0 =	sld [smem:s20+$0x0];
	_ =	sdelay $0x2  }
0x176: {  	s20 =	sand.u32 $0x7, s0  }
0x177: {  	s21 =	sshra.s32 s0, $0x1F;
	p1 =	slt.s32 s0, $0x1;
	p2 =	sne.s32 s20, $0x0  }
0x178: {  	s30 =	sshrl.u32 s21, $0x1D;
	p1 =	por !p1, !p2  }
0x179: {  	s20 =	simm.s32 $0x1;
	s0 =	sadd.s32 s30, s0;
	p1 =	por !p1, !p1  }
0x17a: {  	s0 =	sshrl.u32 s0, $0x3;
	s20 =	simm.s32 @!p1 $0x0  }
0x17b: {  	s0 =	ssub.s32 s0, s20  }
0x17c: {  	s21 =	sadd.s32 $0x0, s11;
	p1 =	sgt.u32 s4, $0x30C;
	s0 =	smul.u32 $0x186C00, s0  }
0x17d: {  	p2 =	sne.s32 @p1 s21, $0x0  }
0x17e: {  	p2 =	por p2, !p1;
	s31 =	sadd.s32 $0x186800, s0  }
0x17f: {  	s22 =	simm.s32 @!p2 $0x1D900;
	s21 =	sadd.s32 s0, s12;
	s20 =	sshrl.u32 s31, $0x3  }
0x180: {  	s0 =	simm.s32 @!p2 $0x0;
	s23 =	sshrl.u32 @!p1 s21, $0x3;
	s20 =	sadd.s32 s3, s20  }
0x181: {  	[tilespmem:s22], [sflag:$0x2] =	stream.linear.gather @!p2 [hbm4b:s20+s0], $0x400, $0x38;
	[tilespmem:$0x1E100] =	vst v63  }
0x182: {  	s0 =	simm.s32 @!p1 $0x4900;
	s22 =	sadd.s32 @!p1 s3, s23;
	s23 =	simm.s32 @!p1 $0x0  }
0x183: {  	[tilespmem:s0], [sflag:$0x2] =	stream.linear.gather @!p1 [hbm4b:s22+s23], $0x800, $0x38;
	[tilespmem:$0x1E100] =	vst v63  }
0x184: {  	s22 =	simm.s32 $0x2000;
	s23 =	sadd.s32 $0x20, s4  }
.LBB2_32:
0x185: {  	s0 =	sadd.s32 s22, s11  }
0x186: {  	p1 =	sgt.u32 s23, $0x30C;
	s24 =	smov.u32 s22;
	s22 =	sadd.s32 $0x2000, s22  }
0x187: {  	s21 =	sadd.s32 $0x10000, s21;
	p3 =	sne.s32 @p1 s0, $0x0;
	p2 =	sne.s32 s22, $0x32000  }
0x188: {  	s0 =	sshra.s32 @!p1 s24, $0x2;
	s26 =	sshrl.u32 @!p1 s21, $0x3;
	p3 =	por p3, !p1  }
.Ltmp24:
0x189: {  	s24 =	simm.s32 @!p3 $0x0;
	s25 =	simm.s32 @!p3 $0x1D900;
	(pc) =	sbr.rel @p2 .LBB2_32-.Ltmp24, $4  }
0x18a: {  	[tilespmem:s25], [sflag:$0x2] =	stream.linear.gather @!p3 [hbm4b:s20+s24], $0x400, $0x38;
	[tilespmem:$0x1E100] =	vst v63  }
0x18b: {  	s0 =	sadd.s32 @!p1 $0x4900, s0;
	s24 =	sadd.s32 @!p1 s3, s26;
	s25 =	simm.s32 @!p1 $0x0  }
0x18c: {  	[tilespmem:s0], [sflag:$0x2] =	stream.linear.gather @!p1 [hbm4b:s24+s25], $0x800, $0x38;
	[tilespmem:$0x1E100] =	vst v63  }
0x18d: {  	s23 =	sadd.s32 $0x20, s23  }
.LBB2_33:
.Ltmp25:
0x18e: {  	(pc) =	sbr.rel @p0 .LBB2_43-.Ltmp25, $1  }
0x18f: {  	_ =	sdelay $0x3  }
0x190: {  	s19 =	sld [smem:s19+$0x1];
	_ =	sdelay $0x2  }
0x191: {  	s0 =	sshll.u32 s19, $0x6  }
0x192: {  	s0 =	sshra.s32 s0, $0x2  }
0x193: {  	v1 =	vld [tilespmem:s0+$0x2800];
	s0 =	sadd.s32 $0xFFFFFCE0, s4  }
0x194: {  	s20 =	sadd.s32 $0x320, s0  }
0x195: {  	p0 =	sgt.u32 s20, $0x30C  }
0x196: {  	p1 =	sne.s32 @p0 s0, $0xFFFFFFED  }
0x197: {  	p2 =	por p1, !p0  }
0x198: {  	s0 =	simm.s32 @!p2 $0x3  }
0x199: {  	s20 =	sadd.s32 $0xFFFFFD00, s4;
	_ =	swait.ge @!p2 [sflag:s0], $0x400  }
0x19a: {  	s21 =	sadd.s32 $0x320, s20;
	p0 =	por p0, p0;
	[sflag:s0] =	ssyncset.done @!p2 $0x0  }
0x19b: {  	p1 =	sgt.u32 s21, $0x30C;
	s21 =	simm.s32 @!p0 $0x3;
	[sflag:s0] =	ssyncadd.s32 @!p2 $0xFFFFFC00  }
0x19c: {  	p2 =	sne.s32 @p1 s20, $0xFFFFFFED;
	_ =	swait.ge @!p0 [sflag:s21], $0x800  }
0x19d: {  	s20 =	simm.s32 $0xFFFFFD20;
	p2 =	por p2, !p1;
	[sflag:s21] =	ssyncset.done @!p0 $0x0  }
.LBB2_35:
0x19e: {  	[sflag:s21] =	ssyncadd.s32 @!p0 $0xFFFFF800;
	s21 =	smov.u32 s20;
	s20 =	sadd.s32 $0x20, s20  }
0x19f: {  	s0 =	simm.s32 @!p2 $0x3;
	p0 =	por p1, p1;
	p3 =	seq.s32 s20, $0x0  }
.Ltmp26:
0x1a0: {  	s22 =	sadd.s32 s21, s4;
	_ =	swait.ge @!p2 [sflag:s0], $0x400;
	(pc) =	sbr.rel @!p3 .LBB2_35-.Ltmp26, $4  }
0x1a1: {  	s21 =	sadd.s32 $0x320, s22;
	[sflag:s0] =	ssyncset.done @!p2 $0x0  }
0x1a2: {  	p1 =	sgt.u32 s21, $0x30C;
	[sflag:s0] =	ssyncadd.s32 @!p2 $0xFFFFFC00;
	s21 =	simm.s32 @!p0 $0x3  }
0x1a3: {  	p2 =	sne.s32 @p1 s22, $0xFFFFFFED;
	_ =	swait.ge @!p0 [sflag:s21], $0x800  }
0x1a4: {  	p2 =	por p2, !p1;
	[sflag:s21] =	ssyncset.done @!p0 $0x0  }
0x1a5: {  	s0 =	simm.s32 @!p2 $0x3;
	[sflag:s21] =	ssyncadd.s32 @!p0 $0xFFFFF800  }
0x1a6: {  	_ =	swait.ge @!p2 [sflag:s0], $0x400  }
0x1a7: {  	p0 =	por p1, p1;
	[sflag:s0] =	ssyncset.done @!p2 $0x0  }
0x1a8: {  	[sflag:s0] =	ssyncadd.s32 @!p2 $0xFFFFFC00;
	s0 =	simm.s32 @!p0 $0x3  }
0x1a9: {  	s26 =	sand.u32 $0x7, s19;
	s20 =	sshra.s32 s19, $0x1F;
	_ =	swait.ge @!p0 [sflag:s0], $0x800  }
0x1aa: {  	p5 =	slt.s32 s19, $0x1;
	p6 =	sne.s32 s26, $0x0;
	[sflag:s0] =	ssyncset.done @!p0 $0x0  }
0x1ab: {  	s28 =	sshrl.u32 s20, $0x1D;
	[sflag:s0] =	ssyncadd.s32 @!p0 $0xFFFFF800;
	p0 =	por !p5, !p6  }
0x1ac: {  	s20 =	simm.s32 $0x1;
	s0 =	sadd.s32 s28, s19;
	p0 =	por !p0, !p0  }
0x1ad: {  	s0 =	sshrl.u32 s0, $0x3;
	s20 =	simm.s32 @!p0 $0x0  }
0x1ae: {  	s0 =	ssub.s32 s20, s0  }
0x1af: {  	s0 =	sshll.u32 s0, $0x3  }
.Ltmp27:
0x1b0: {  	s0 =	sadd.s32 s19, s0;
	(pc) =	sbr.rel .LBB2_37-.Ltmp27, $4  }
0x1b1: {  	s30 =	sshll.u32 s19, $0x7;
	s29 =	sshll.u32 s0, $0x8  }
0x1b2: {  	s21 =	sand.u32 $0x380, s30;
	s20 =	sand.u32 $0xFFFFF800, s29  }
0x1b3: {  	s31 =	sadd.s32 $0x1, s19;
	s0 =	sshll.u32 s0, $0x9;
	s20 =	sor.u32 s21, s20  }
0x1b4: {  	v2 =	vmov s31;
	s21 =	simm.s32 $0x0;
	s19 =	sadd.s32 $0x11100, s20;
	s20 =	sshra.s32 s0, $0x2  }
.LBB2_41:
0x1b5: {  	p0 =	sne.s32 s22, $0x30D  }
0x1b6: {  	s0 =	sshll.u32 @!p0 s21, $0x8  }
0x1b7: {  	v3 =	vld @!p0 [tilespmem:s20+$0x1DD00];
	s0 =	sand.u32 @!p0 $0x3FFFFF00, s0  }
0x1b8: {  	v4 =	vld @!p0 [tilespmem:s0+$0x3000];
	_ =	sdelay $0x3  }
0x1b9: {  	vm0 =	veq.f32 @!p0 v3, v1  }
0x1ba: {  	v3 =	vsel @!p0 vm0, v2, v4  }
0x1bb: {  	[tilespmem:s0+$0x3000] =	vst @!p0 v3  }
0x1bc: {  	v3 =	vld @!p0 [tilespmem:s20+$0x1DD10]  }
0x1bd: {  	v4 =	vld @!p0 [tilespmem:s0+$0x3010];
	_ =	sdelay $0x3  }
0x1be: {  	vm0 =	veq.f32 @!p0 v3, v1  }
0x1bf: {  	v3 =	vsel @!p0 vm0, v2, v4  }
0x1c0: {  	[tilespmem:s0+$0x3010] =	vst @!p0 v3  }
0x1c1: {  	v3 =	vld @!p0 [tilespmem:s20+$0x1DD20]  }
0x1c2: {  	v4 =	vld @!p0 [tilespmem:s0+$0x3020];
	_ =	sdelay $0x3  }
0x1c3: {  	vm0 =	veq.f32 @!p0 v3, v1  }
0x1c4: {  	v3 =	vsel @!p0 vm0, v2, v4  }
0x1c5: {  	[tilespmem:s0+$0x3020] =	vst @!p0 v3  }
0x1c6: {  	v3 =	vld @!p0 [tilespmem:s20+$0x1DD30]  }
0x1c7: {  	v4 =	vld @!p0 [tilespmem:s0+$0x3030];
	_ =	sdelay $0x3  }
0x1c8: {  	vm0 =	veq.f32 @!p0 v3, v1  }
0x1c9: {  	v3 =	vsel @!p0 vm0, v2, v4  }
0x1ca: {  	[tilespmem:s0+$0x3030] =	vst @!p0 v3  }
.LBB2_42:
0x1cb: {  	s21 =	sadd.s32 $0x1, s21  }
0x1cc: {  	p0 =	sne.s32 s21, $0x19  }
.Ltmp28:
0x1cd: {  	_ = 	snop;
	(pc) =	sbr.rel @!p0 .LBB2_43-.Ltmp28, $1  }
0x1ce: {  	_ =	sdelay $0x3  }
.LBB2_37:
0x1cf: {  	s0 =	sshll.u32 s21, $0x5  }
0x1d0: {  	s22 =	sor.u32 s4, s0  }
0x1d1: {  	p0 =	sgt.u32 s22, $0x30C  }
.Ltmp29:
0x1d2: {  	_ = 	snop;
	(pc) =	sbr.rel @p0 .LBB2_41-.Ltmp29, $1  }
0x1d3: {  	_ =	sdelay $0x3  }
0x1d4: {  	s0 =	sshll.u32 s21, $0xB  }
0x1d5: {  	s24 =	simm.s32 $0x0;
	s0 =	sand.u32 $0x3FFFF800, s0  }
0x1d6: {  	s23 =	sand.u32 $0x400, s24;
	s22 =	sadd.s32 s0, s19  }
0x1d7: {  	s0 =	sadd.s32 s23, s22;
	s23 =	sshll.u32 s21, $0x8  }
0x1d8: {  	s25 =	sand.u32 $0x70, s24;
	s26 =	sand.u32 $0x3FFFFF00, s23  }
0x1d9: {  	s31 =	sand.u32 $0x80, s24;
	s0 =	sadd.s32 s25, s0;
	s23 =	sadd.s32 $0x3000, s26  }
0x1da: {  	v4 =	vld [tilespmem:s0+$0x0];
	s0 =	sadd.s32 s31, s23  }
0x1db: {  	s24 =	sadd.s32 s25, s0  }
0x1dc: {  	v3 =	vld [tilespmem:s24+$0x0];
	_ =	sdelay $0x2  }
0x1dd: {  	s26 =	simm.s32 $0x10;
	s25 =	simm.s32 $0x80  }
0x1de: {  	s29 =	simm.s32 $0x20;
	s28 =	sand.u32 $0x70, s26;
	s30 =	sand.u32 $0x400, s25;
	vm0 =	veq.f32 v4, v1  }
.LBB2_39:
0x1df: {  	p0 =	seq.s32 s29, $0xF0;
	s0 =	sadd.s32 s30, s22;
	s26 =	sand.u32 $0x80, s26;
	v3 =	vsel vm0, v2, v3  }
0x1e0: {  	s0 =	sadd.s32 s28, s0;
	s30 =	sadd.s32 s26, s23;
	[tilespmem:s24+$0x0] =	vst v3;
	s26 =	smov.u32 s29  }
0x1e1: {  	v4 =	vld [tilespmem:s0+$0x0];
	s24 =	sadd.s32 s28, s30  }
.Ltmp30:
0x1e2: {  	v3 =	vld [tilespmem:s24+$0x0];
	(pc) =	sbr.rel @!p0 .LBB2_39-.Ltmp30, $3  }
0x1e3: {  	_ =	sdelay $0x1  }
0x1e4: {  	s25 =	sadd.s32 $0x80, s25  }
0x1e5: {  	s29 =	sadd.s32 $0x10, s29;
	s28 =	sand.u32 $0x70, s26;
	s30 =	sand.u32 $0x400, s25;
	vm0 =	veq.f32 v4, v1  }
0x1e6: {  	s0 =	sadd.s32 s30, s22;
	s30 =	sand.u32 $0x80, s26;
	v3 =	vsel vm0, v2, v3  }
0x1e7: {  	s0 =	sadd.s32 s28, s0;
	s22 =	sadd.s32 s30, s23;
	[tilespmem:s24+$0x0] =	vst v3  }
0x1e8: {  	v3 =	vld [tilespmem:s0+$0x0];
	s31 =	sadd.s32 s28, s22  }
0x1e9: {  	v4 =	vld [tilespmem:s31+$0x0];
	_ =	sdelay $0x1  }
.Ltmp31:
0x1ea: {  	_ = 	snop;
	(pc) =	sbr.rel .LBB2_42-.Ltmp31, $4  }
0x1eb: {  	_ = 	snop  }
0x1ec: {  	vm15 =	veq.f32 v3, v1  }
0x1ed: {  	v3 =	vsel vm15, v2, v4  }
0x1ee: {  	[tilespmem:s31+$0x0] =	vst v3  }
.LBB2_49:
0x1ef: {  	_ =	sfence.sel $0x180000  }
0x1f0: {  	[bflag:$0x0] =	sbarrier.arrive $0xFFFF  }
0x1f1: {  	_ =	strace $0x9000004A  }
0x1f2: {  	[bflag:$0x2] =	sbarrier.arrive $0xFFFF  }
0x1f3: {  	p0 =	sne.s32 s2, $0x0;
	s0 =	rddreg [dreg:$0x2]  }
0x1f4: {  	s0 =	sadd.s32 @!p0 $0x100000, s0  }
0x1f5: {  	[sflag:s0] =	ssyncadd.tile.s32 @!p0 $0x1;
	_ =	shalt  }
.Lfunc_end2:
_tile_overlayer_lowered:
.L_overlay_start_2:
0x1f6: {  	(tag) =	ssettag $0x2  }
0x1f7: {  	s0 =	rddreg [dreg:$0x0];
	s2 =	stileid.u32  }
0x1f8: {  	s1 =	rddreg [dreg:$0x1];
	p0 =	sne.s32 s2, $0x0  }
0x1f9: {  	s3 =	rddreg [dreg:$0x2];
	[bflag:$0x3] =	sbarrier.arrive $0xFFFF;
	s2 =	simm.s32 @!p0 $0x1C05  }
0x1fa: {  	[timem:s3], [sflag:s2] =	dma.local @!p0 [hbm:s0], s1  }
0x1fb: {  	s0 =	simm.s32 @!p0 $0x5  }
0x1fc: {  	_ =	swait.ge @!p0 [sflag:s0], s1  }
0x1fd: {  	s1 =	ssub.s32 @!p0 $0x0, s1;
	[sflag:s0] =	ssyncset.done @!p0 $0x0  }
0x1fe: {  	[sflag:s0] =	ssyncadd.s32 @!p0 s1  }
0x1ff: {  	[bflag:$0x3] =	sbarrier.arrive $0xFFFF  }
0x200: {  	_ =	shalt  }

</sc_bundles>
